<compile_context>
chip_gen: v7x
topology: tpu7x:2x2x1
jax: 0.10.2.dev20260603
libtpu: 0.0.44.dev20260713+nightly
codegen_flags: <defaults>
</compile_context>

<pallas_src>
import functools

import jax
import jax.numpy as jnp
from jax import lax
from jax.experimental import pallas as pl
from jax.experimental.pallas import tpu as pltpu
from jax.experimental.pallas import tpu_sc as plsc

_N = 83968
_E = 2686976
_B = 1024
_NN = 82
_SEQ = 20
_EMB = 20
_HID = 300
_NCLS = 22

_EMBP = 24
_NC = 2
_NS = 16
_NW = _NC * _NS
_EPW = _E // _NW
_K = 128
_ITERS = _EPW // _K
_RPS = _N // _NS
_ZW = 1312

_NSET = 4
_mesh = plsc.VectorSubcoreMesh(core_axis_name="c", subcore_axis_name="s")


_DCB = 8
_DCH = _ITERS // _DCB


def _sc_degree(dst2d):

    @functools.partial(
        pl.kernel,
        mesh=_mesh,
        out_type=jax.ShapeDtypeStruct((2 * _N,), jnp.float32),
        scratch_types=[
            [pltpu.VMEM((_DCB, _K), jnp.int32)] * 2,
            pltpu.VMEM((_K,), jnp.float32),
            pltpu.VMEM((_ZW,), jnp.float32),
            pltpu.VMEM_SHARED((_N,), jnp.float32),
            [pltpu.SemaphoreType.DMA] * 2,
            [pltpu.SemaphoreType.DMA] * 2,
        ],
    )
    def k(dst_hbm, out_hbm, db, ones_v, zer_v, deg_sh, isem, ssem):
        c = lax.axis_index("c")
        s = lax.axis_index("s")
        wid = s * _NC + c
        for j in range(_ZW // 16):
            zer_v[pl.ds(j * 16, 16)] = jnp.zeros((16,), jnp.float32)
        for j in range(_K // 16):
            ones_v[pl.ds(j * 16, 16)] = jnp.ones((16,), jnp.float32)
        row0 = pl.multiple_of(s * _RPS, 8)
        for j in range(_RPS // _ZW):
            pltpu.sync_copy(zer_v, deg_sh.at[pl.ds(row0 + j * _ZW, _ZW)])
        plsc.subcore_barrier()
        r0 = wid * _ITERS

        def issue_chunk(cc, p):
            b = pl.multiple_of(r0 + cc * _DCB, 8)
            pltpu.async_copy(dst_hbm.at[pl.ds(b, _DCB)], db[p], isem[p])

        def wait_chunk(p):
            pltpu.make_async_copy(
                dst_hbm.at[pl.ds(0, _DCB)], db[p], isem[p]).wait()

        def wait_scatter(h):
            pltpu.make_async_copy(
                dst_hbm.at[0], db[0].at[0], ssem[h]).wait()

        issue_chunk(0, 0)
        issue_chunk(1, 1)

        def do_chunk(cc, p, may_issue):
            wait_chunk(p)
            for j in range(_DCB):
                if j >= 2:
                    wait_scatter(j % 2)
                pltpu.async_copy(ones_v, deg_sh.at[db[p].at[j]],
                                 ssem[j % 2], add=True)
            wait_scatter(0)
            wait_scatter(1)

            @pl.when(may_issue)
            def _():
                issue_chunk(cc + 2, p)

        def body(q, carry):
            do_chunk(2 * q, 0, q * 2 + 2 < _DCH)
            do_chunk(2 * q + 1, 1, q * 2 + 3 < _DCH)
            return carry

        lax.fori_loop(0, _DCH // 2, body, 0)
        plsc.subcore_barrier()
        dump0 = pl.multiple_of(c * _N + row0, 8)
        pltpu.sync_copy(deg_sh.at[pl.ds(row0, _RPS)],
                        out_hbm.at[pl.ds(dump0, _RPS)])

    return k(dst2d)


_KH = _K // 2


def _sc_scatter(g, src, dst2h, zrows):

    @functools.partial(
        pl.kernel,
        mesh=_mesh,
        compiler_params=pltpu.CompilerParams(use_tc_tiling_on_sc=False),
        out_type=jax.ShapeDtypeStruct((2 * _N, _EMBP), jnp.float32),
        scratch_types=[
            [pltpu.VMEM((4, _K), jnp.int32)] * 2,
            [pltpu.VMEM((8, _KH), jnp.int32)] * 2,
            [pltpu.VMEM((_KH, _EMBP), jnp.float32)] * 2,
            pltpu.VMEM_SHARED((_N, _EMBP), jnp.float32),
            [pltpu.SemaphoreType.DMA] * 2,
            [pltpu.SemaphoreType.DMA] * 2,
            [pltpu.SemaphoreType.DMA] * 2,
            [pltpu.SemaphoreType.DMA] * 2,
        ],
    )
    def k(g_hbm, src_hbm, dst_hbm, z_hbm, out_hbm,
          si, di, rows, acc_sh, csem, dsem, gsem, ssem):
        c = lax.axis_index("c")
        s = lax.axis_index("s")
        wid = s * _NC + c
        row0 = pl.multiple_of(s * _RPS, 8)

        @pl.when(c == 0)
        def _():
            pltpu.sync_copy(g_hbm.at[pl.ds(row0, _RPS)],
                            acc_sh.at[pl.ds(row0, _RPS)])

        @pl.when(c != 0)
        def _():
            pltpu.sync_copy(z_hbm.at[pl.ds(row0, _RPS)],
                            acc_sh.at[pl.ds(row0, _RPS)])

        plsc.subcore_barrier()
        e0 = wid * _EPW
        b0 = wid * _ITERS

        def issue_chunk(cc, p):
            b = pl.multiple_of(b0 + cc * 4, 4)
            pltpu.async_copy(src_hbm.at[pl.ds(b, 4)], si[p], csem[p])
            bd = pl.multiple_of((e0 // _KH) + cc * 8, 8)
            pltpu.async_copy(dst_hbm.at[pl.ds(bd, 8)], di[p], dsem[p])

        def wait_chunk(p):
            pltpu.make_async_copy(
                src_hbm.at[pl.ds(0, 4)], si[p], csem[p]).wait()
            pltpu.make_async_copy(
                dst_hbm.at[pl.ds(0, 8)], di[p], dsem[p]).wait()

        def wait_scatter(h):
            pltpu.make_async_copy(
                g_hbm.at[pl.ds(0, _KH)], rows[h], ssem[h]).wait()

        def wait_gather(h):
            pltpu.make_async_copy(
                g_hbm.at[pl.ds(0, _KH)], rows[h], gsem[h]).wait()

        issue_chunk(0, 0)

        def body(u, carry):
            for r in range(8):
                i = u * 8 + r
                sp = (r // 4) % 2

                if r == 0:
                    @pl.when(i >= 1)
                    def _():
                        wait_scatter(0)
                        wait_scatter(1)

                    wait_chunk(0)
                    issue_chunk(u * 2 + 1, 1)
                    pltpu.async_copy(
                        g_hbm.at[si[sp].at[r % 4, pl.ds(0, _KH)]],
                        rows[0], gsem[0])
                elif r == 4:
                    wait_scatter(0)
                    wait_scatter(1)
                    wait_chunk(1)

                    @pl.when(u < (_ITERS // 8) - 1)
                    def _():
                        issue_chunk(u * 2 + 2, 0)

                    pltpu.async_copy(
                        g_hbm.at[si[sp].at[r % 4, pl.ds(0, _KH)]],
                        rows[0], gsem[0])
                else:
                    wait_scatter(0)
                    pltpu.async_copy(
                        g_hbm.at[si[sp].at[r % 4, pl.ds(0, _KH)]],
                        rows[0], gsem[0])
                    wait_scatter(1)

                pltpu.async_copy(
                    g_hbm.at[si[sp].at[r % 4, pl.ds(_KH, _KH)]],
                    rows[1], gsem[1])
                wait_gather(0)
                pltpu.async_copy(
                    rows[0], acc_sh.at[di[sp].at[2 * (r % 4)]],
                    ssem[0], add=True)
                wait_gather(1)
                pltpu.async_copy(
                    rows[1], acc_sh.at[di[sp].at[2 * (r % 4) + 1]],
                    ssem[1], add=True)

            return carry

        lax.fori_loop(0, _ITERS // 8, body, 0)
        wait_scatter(0)
        wait_scatter(1)
        plsc.subcore_barrier()
        dump0 = pl.multiple_of(c * _N + row0, 8)
        pltpu.sync_copy(acc_sh.at[pl.ds(row0, _RPS)],
                        out_hbm.at[pl.ds(dump0, _RPS)])

    return k(g, src, dst2h, zrows)


_R = 5248


def _prep1_body(deg_ref, x_ref, w_ref, dinv_ref, g_ref):
    deg = deg_ref[0, :] + deg_ref[1, :] + 1.0
    dinv = lax.rsqrt(deg)
    dinv_ref[...] = dinv[:, None]
    h = jnp.dot(x_ref[...], w_ref[...], preferred_element_type=jnp.float32)
    g_ref[...] = jnp.concatenate(
        [h * dinv[:, None], jnp.zeros((_R, _EMBP - _EMB), jnp.float32)], axis=1)


def _tc_prep1(deg2, x, W1c):
    return pl.pallas_call(
        _prep1_body,
        grid=(_N // _R,),
        in_specs=[
            pl.BlockSpec((2, _R), lambda i: (0, i)),
            pl.BlockSpec((_R, _SEQ), lambda i: (i, 0)),
            pl.BlockSpec((_SEQ, _EMB), lambda i: (0, 0)),
        ],
        out_specs=[
            pl.BlockSpec((_R, 1), lambda i: (i, 0)),
            pl.BlockSpec((_R, _EMBP), lambda i: (i, 0)),
        ],
        out_shape=[
            jax.ShapeDtypeStruct((_N, 1), jnp.float32),
            jax.ShapeDtypeStruct((_N, _EMBP), jnp.float32),
        ],
    )(deg2, x, W1c)


def _mid_body(accp_ref, dinv_ref, b1_ref, w2_ref, g2_ref):
    acc = accp_ref[0, :, :_EMB] + accp_ref[1, :, :_EMB]
    dinv = dinv_ref[...]
    z1 = jnp.maximum(dinv * acc + b1_ref[...], 0.0)
    g2 = jnp.dot(z1, w2_ref[...], preferred_element_type=jnp.float32) * dinv
    g2_ref[...] = jnp.concatenate(
        [g2, jnp.zeros((_R, _EMBP - _EMB), jnp.float32)], axis=1)


def _tc_mid(accp, dinv, b1, W2c):
    return pl.pallas_call(
        _mid_body,
        grid=(_N // _R,),
        in_specs=[
            pl.BlockSpec((2, _R, _EMBP), lambda i: (0, i, 0)),
            pl.BlockSpec((_R, 1), lambda i: (i, 0)),
            pl.BlockSpec((1, _EMB), lambda i: (0, 0)),
            pl.BlockSpec((_EMB, _EMB), lambda i: (0, 0)),
        ],
        out_specs=pl.BlockSpec((_R, _EMBP), lambda i: (i, 0)),
        out_shape=jax.ShapeDtypeStruct((_N, _EMBP), jnp.float32),
    )(accp, dinv, b1, W2c)


def _fin_body(accp_ref, dinv_ref, b2_ref, z2_ref):
    acc = accp_ref[0, :, :_EMB] + accp_ref[1, :, :_EMB]
    z2_ref[...] = jnp.maximum(
        dinv_ref[...] * acc + b2_ref[...], 0.0)


def _tc_fin(accp, dinv, b2):
    return pl.pallas_call(
        _fin_body,
        grid=(_N // _R,),
        in_specs=[
            pl.BlockSpec((2, _R, _EMBP), lambda i: (0, i, 0)),
            pl.BlockSpec((_R, 1), lambda i: (i, 0)),
            pl.BlockSpec((1, _EMB), lambda i: (0, 0)),
        ],
        out_specs=pl.BlockSpec((_R, _EMB), lambda i: (i, 0)),
        out_shape=jax.ShapeDtypeStruct((_N, _EMB), jnp.float32),
    )(accp, dinv, b2)


_GB = 256


def _head_body(lat_ref, wfc_ref, bfc_ref, wout_ref, bout_ref, o_ref):
    h = jnp.maximum(
        jnp.dot(lat_ref[...], wfc_ref[...],
                preferred_element_type=jnp.float32) + bfc_ref[...], 0.0)
    o_ref[...] = jnp.dot(h, wout_ref[...],
                         preferred_element_type=jnp.float32) + bout_ref[...]


def _tc_head(lat, Wfc, bfc, Wout, bout):
    return pl.pallas_call(
        _head_body,
        grid=(_B // _GB,),
        in_specs=[
            pl.BlockSpec((_GB, _NN * _EMB), lambda i: (i, 0)),
            pl.BlockSpec((_NN * _EMB, _HID), lambda i: (0, 0)),
            pl.BlockSpec((1, _HID), lambda i: (0, 0)),
            pl.BlockSpec((_HID, _NCLS), lambda i: (0, 0)),
            pl.BlockSpec((1, _NCLS), lambda i: (0, 0)),
        ],
        out_specs=pl.BlockSpec((_GB, _NCLS), lambda i: (i, 0)),
        out_shape=jax.ShapeDtypeStruct((_B, _NCLS), jnp.float32),
    )(lat, Wfc, bfc, Wout, bout)


def kernel(x, edge_index, batch_index, W1c, b1c, W2c, b2c, Wfc, bfc, Wout, bout):
    src = edge_index[0]
    dst = edge_index[1]
    src4 = src.reshape(_E // _K, _K)
    dst2h = dst.reshape(_E // _KH, _KH)
    dst2 = dst.reshape(_E // _K, _K)
    zrows = jnp.zeros((_N, _EMBP), jnp.float32)

    degp = _sc_degree(dst2)
    deg2 = degp.reshape(2, _N)
    dinv, g1 = _tc_prep1(deg2, x, W1c)

    acc1p = _sc_scatter(g1, src4, dst2h, zrows).reshape(2, _N, _EMBP)
    g2 = _tc_mid(acc1p, dinv, b1c.reshape(1, _EMB), W2c)

    acc2p = _sc_scatter(g2, src4, dst2h, zrows).reshape(2, _N, _EMBP)
    z2 = _tc_fin(acc2p, dinv, b2c.reshape(1, _EMB))

    lat = z2.reshape(_B, _NN * _EMB)
    return _tc_head(lat, Wfc, bfc.reshape(1, _HID), Wout, bout.reshape(1, _NCLS))

# --- scband reference (transcript-rebuilt; emitter-appended) ---
"""Pipeline reference for scband-gcn-54786602828281 (READ-ONLY COPY).

The authoritative reference and input builder live on the scoring server;
editing this copy changes nothing except your own understanding.
"""

import jax, jax.numpy as jnp
import numpy as np

N = 83968
E = 2686976
B = 1024
NUM_NODES = 82
EMB = 20
SEQ = 20
HID = 300
NCLS = 22


def setup_inputs(seed: int = 0) -> dict:
    key = jax.random.key(seed)
    ks = jax.random.split(key, 12)
    x = jax.random.normal(ks[0], (N, SEQ), dtype=jnp.float32)
    edge_index = jax.random.randint(ks[1], (2, E), 0, N, dtype=jnp.int32)
    batch_index = jnp.sort(jax.random.randint(ks[2], (N,), 0, B, dtype=jnp.int32))
    W1c = jax.random.normal(ks[3], (SEQ, EMB), dtype=jnp.float32) * (1.0 / np.sqrt(SEQ))
    b1c = jnp.zeros((EMB,), dtype=jnp.float32)
    W2c = jax.random.normal(ks[4], (EMB, EMB), dtype=jnp.float32) * (1.0 / np.sqrt(EMB))
    b2c = jnp.zeros((EMB,), dtype=jnp.float32)
    Wfc = jax.random.normal(ks[5], (NUM_NODES * EMB, HID), dtype=jnp.float32) * (1.0 / np.sqrt(NUM_NODES * EMB))
    bfc = jnp.zeros((HID,), dtype=jnp.float32)
    Wout = jax.random.normal(ks[6], (HID, NCLS), dtype=jnp.float32) * (1.0 / np.sqrt(HID))
    bout = jnp.zeros((NCLS,), dtype=jnp.float32)
    return {"x": x, "edge_index": edge_index, "batch_index": batch_index,
            "W1c": W1c, "b1c": b1c, "W2c": W2c, "b2c": b2c,
            "Wfc": Wfc, "bfc": bfc, "Wout": Wout, "bout": bout}


def _gcn_conv(x, src, dst, W, b):
    # PyG GCNConv: x' = D^{-1/2} (A + I) D^{-1/2} (x W) + b
    n = x.shape[0]
    loop = jnp.arange(n, dtype=src.dtype)
    s = jnp.concatenate([src, loop])
    d = jnp.concatenate([dst, loop])
    h = x @ W
    deg = jnp.zeros((n,), dtype=x.dtype).at[d].add(1.0)
    dinv = jnp.where(deg > 0, deg ** -0.5, 0.0)
    norm = dinv[s] * dinv[d]
    msg = h[s] * norm[:, None]
    out = jnp.zeros_like(h).at[d].add(msg)
    return out + b


def reference(x, edge_index, batch_index, W1c, b1c, W2c, b2c, Wfc, bfc, Wout, bout):
    src = edge_index[0]
    dst = edge_index[1]
    h = jax.nn.relu(_gcn_conv(x, src, dst, W1c, b1c))
    h = jax.nn.relu(_gcn_conv(h, src, dst, W2c, b2c))
    lat = h.reshape(-1, NUM_NODES * EMB)
    lat = jax.nn.relu(lat @ Wfc + bfc)
    # dropout is identity at inference
    out = lat @ Wout + bout
    return out

if __name__ == "__main__":
    import jax
    _d = setup_inputs()
    print(jax.jit(kernel)(*tuple(_d.values())))

</pallas_src>

<mosaic_0001>
#map = affine_map<(d0, d1) -> (0, 0)>
module attributes {stable_mosaic.version = 14 : i64} {
  func.func @k(%arg0: i32, %arg1: i32, %arg2: memref<83968x24xf32, #tpu.memory_space<hbm>>, %arg3: memref<20992x128xi32, #tpu.memory_space<hbm>>, %arg4: memref<41984x64xi32, #tpu.memory_space<hbm>>, %arg5: memref<83968x24xf32, #tpu.memory_space<hbm>>, %arg6: memref<167936x24xf32, #tpu.memory_space<hbm>>, %arg7: memref<4x128xi32, #tpu.memory_space<vmem>>, %arg8: memref<4x128xi32, #tpu.memory_space<vmem>>, %arg9: memref<8x64xi32, #tpu.memory_space<vmem>>, %arg10: memref<8x64xi32, #tpu.memory_space<vmem>>, %arg11: memref<64x24xf32, #tpu.memory_space<vmem>>, %arg12: memref<64x24xf32, #tpu.memory_space<vmem>>, %arg13: memref<83968x24xf32, #tpu.memory_space<vmem_shared>>, %arg14: memref<!tpu.dma_semaphore, #tpu.memory_space<semaphore_mem>>, %arg15: memref<!tpu.dma_semaphore, #tpu.memory_space<semaphore_mem>>, %arg16: memref<!tpu.dma_semaphore, #tpu.memory_space<semaphore_mem>>, %arg17: memref<!tpu.dma_semaphore, #tpu.memory_space<semaphore_mem>>, %arg18: memref<!tpu.dma_semaphore, #tpu.memory_space<semaphore_mem>>, %arg19: memref<!tpu.dma_semaphore, #tpu.memory_space<semaphore_mem>>, %arg20: memref<!tpu.dma_semaphore, #tpu.memory_space<semaphore_mem>>, %arg21: memref<!tpu.dma_semaphore, #tpu.memory_space<semaphore_mem>>) attributes {dimension_semantics = [#tpu.dimension_semantics<core_parallel>, #tpu.dimension_semantics<subcore_parallel>], iteration_bounds = array<i64: 2, 16>, scalar_prefetch = 0 : i64, scratch_operands = 15 : i64, tpu.core_type = #tpu.core_type<sc_vector_subcore>, window_params = [{transform_indices = #map}, {transform_indices = #map}, {transform_indices = #map}, {transform_indices = #map}, {transform_indices = #map}]} {
    %mul3A = arith.constant 2 : i32
    %mul3A_0 = arith.muli %arg1, %mul3A : i32
    %add3A = arith.addi %mul3A_0, %arg0 : i32
    %mul3A_1 = arith.constant 5248 : i32
    %mul3A_2 = arith.muli %arg1, %mul3A_1 : i32
    %multiple_of3A = tpu.assume_multiple %mul3A_2, 8 : i32
    %eq3A = arith.constant 0 : i32
    %eq3A_3 = arith.cmpi eq, %arg0, %eq3A : i32
    %convert_element_type3A = arith.extui %eq3A_3 : i1 to i32
    %cond3A = arith.constant 0 : i32
    %cond3A_4 = arith.cmpi ne, %convert_element_type3A, %cond3A : i32
    scf.if %cond3A_4 {
      "tpu.region"() ({
        %run_scoped3A = tpu.sem_alloc : memref<!tpu.dma_semaphore, #tpu.memory_space<semaphore_mem>>
        %dma_start3A_64 = arith.constant 0 : i32
        %dma_start3A_65 = tpu.memref_slice %arg13[%multiple_of3A, %dma_start3A_64] : memref<83968x24xf32, #tpu.memory_space<vmem_shared>> -> memref<5248x24xf32, #tpu.memory_space<vmem_shared>>
        %dma_start3A_66 = arith.constant 0 : i32
        %dma_start3A_67 = tpu.memref_slice %arg2[%multiple_of3A, %dma_start3A_66] : memref<83968x24xf32, #tpu.memory_space<hbm>> -> memref<5248x24xf32, #tpu.memory_space<hbm>>
        tpu.enqueue_dma source(%dma_start3A_67 : memref<5248x24xf32, #tpu.memory_space<hbm>>) target(%dma_start3A_65 : memref<5248x24xf32, #tpu.memory_space<vmem_shared>>) target_semaphore(%run_scoped3A : memref<!tpu.dma_semaphore, #tpu.memory_space<semaphore_mem>>)
        %dma_wait3A_68 = arith.constant 0 : i32
        %dma_wait3A_69 = tpu.memref_slice %arg13[%multiple_of3A, %dma_wait3A_68] : memref<83968x24xf32, #tpu.memory_space<vmem_shared>> -> memref<5248x24xf32, #tpu.memory_space<vmem_shared>>
        %dma_wait3A_70 = arith.constant 0 : i32
        %dma_wait3A_71 = tpu.memref_slice %arg2[%multiple_of3A, %dma_wait3A_70] : memref<83968x24xf32, #tpu.memory_space<hbm>> -> memref<5248x24xf32, #tpu.memory_space<hbm>>
        tpu.wait_dma2 semaphore(%run_scoped3A : memref<!tpu.dma_semaphore, #tpu.memory_space<semaphore_mem>>) src(%dma_wait3A_71 : memref<5248x24xf32, #tpu.memory_space<hbm>>) dst(%dma_wait3A_69 : memref<5248x24xf32, #tpu.memory_space<vmem_shared>>)
        tpu.yield
      }) : () -> ()
    } else {
    }
    %ne3A = arith.constant 0 : i32
    %ne3A_5 = arith.cmpi ne, %arg0, %ne3A : i32
    %convert_element_type3A_6 = arith.extui %ne3A_5 : i1 to i32
    %cond3A_7 = arith.constant 0 : i32
    %cond3A_8 = arith.cmpi ne, %convert_element_type3A_6, %cond3A_7 : i32
    scf.if %cond3A_8 {
      "tpu.region"() ({
        %run_scoped3A = tpu.sem_alloc : memref<!tpu.dma_semaphore, #tpu.memory_space<semaphore_mem>>
        %dma_start3A_64 = arith.constant 0 : i32
        %dma_start3A_65 = tpu.memref_slice %arg13[%multiple_of3A, %dma_start3A_64] : memref<83968x24xf32, #tpu.memory_space<vmem_shared>> -> memref<5248x24xf32, #tpu.memory_space<vmem_shared>>
        %dma_start3A_66 = arith.constant 0 : i32
        %dma_start3A_67 = tpu.memref_slice %arg5[%multiple_of3A, %dma_start3A_66] : memref<83968x24xf32, #tpu.memory_space<hbm>> -> memref<5248x24xf32, #tpu.memory_space<hbm>>
        tpu.enqueue_dma source(%dma_start3A_67 : memref<5248x24xf32, #tpu.memory_space<hbm>>) target(%dma_start3A_65 : memref<5248x24xf32, #tpu.memory_space<vmem_shared>>) target_semaphore(%run_scoped3A : memref<!tpu.dma_semaphore, #tpu.memory_space<semaphore_mem>>)
        %dma_wait3A_68 = arith.constant 0 : i32
        %dma_wait3A_69 = tpu.memref_slice %arg13[%multiple_of3A, %dma_wait3A_68] : memref<83968x24xf32, #tpu.memory_space<vmem_shared>> -> memref<5248x24xf32, #tpu.memory_space<vmem_shared>>
        %dma_wait3A_70 = arith.constant 0 : i32
        %dma_wait3A_71 = tpu.memref_slice %arg5[%multiple_of3A, %dma_wait3A_70] : memref<83968x24xf32, #tpu.memory_space<hbm>> -> memref<5248x24xf32, #tpu.memory_space<hbm>>
        tpu.wait_dma2 semaphore(%run_scoped3A : memref<!tpu.dma_semaphore, #tpu.memory_space<semaphore_mem>>) src(%dma_wait3A_71 : memref<5248x24xf32, #tpu.memory_space<hbm>>) dst(%dma_wait3A_69 : memref<5248x24xf32, #tpu.memory_space<vmem_shared>>)
        tpu.yield
      }) : () -> ()
    } else {
    }
    %barrier3A = arith.constant 0 : index
    tpu.barrier barrier_id(%barrier3A)
    %mul3A_9 = arith.constant 83968 : i32
    %mul3A_10 = arith.muli %add3A, %mul3A_9 : i32
    %mul3A_11 = arith.constant 656 : i32
    %mul3A_12 = arith.muli %add3A, %mul3A_11 : i32
    %add3A_13 = arith.constant 0 : i32
    %add3A_14 = arith.addi %mul3A_12, %add3A_13 : i32
    %multiple_of3A_15 = tpu.assume_multiple %add3A_14, 4 : i32
    %dma_start3A = arith.constant 0 : i32
    %dma_start3A_16 = tpu.memref_slice %arg3[%multiple_of3A_15, %dma_start3A] : memref<20992x128xi32, #tpu.memory_space<hbm>> -> memref<4x128xi32, #tpu.memory_space<hbm>>
    %dma_start3A_17 = arith.constant 0 : i32
    %dma_start3A_18 = tpu.memref_slice %arg3[%multiple_of3A_15, %dma_start3A_17] : memref<20992x128xi32, #tpu.memory_space<hbm>> -> memref<4x128xi32, #tpu.memory_space<hbm>>
    tpu.enqueue_dma source(%dma_start3A_18 : memref<4x128xi32, #tpu.memory_space<hbm>>) target(%arg7 : memref<4x128xi32, #tpu.memory_space<vmem>>) target_semaphore(%arg14 : memref<!tpu.dma_semaphore, #tpu.memory_space<semaphore_mem>>)
    %jit3A = arith.constant 64 : i32
    %div3A = arith.divsi %mul3A_10, %jit3A : i32
    %sign3A = arith.constant 0 : i32
    %sign3A_19 = arith.cmpi sgt, %mul3A_10, %sign3A : i32
    %sign3A_20 = arith.extui %sign3A_19 : i1 to i32
    %sign3A_21 = arith.constant 0 : i32
    %sign3A_22 = arith.cmpi slt, %mul3A_10, %sign3A_21 : i32
    %sign3A_23 = arith.extui %sign3A_22 : i1 to i32
    %sign3A_24 = arith.subi %sign3A_20, %sign3A_23 : i32
    %sign3A_25 = arith.constant 0 : i32
    %sign3A_26 = arith.cmpi sgt, %jit3A, %sign3A_25 : i32
    %sign3A_27 = arith.extui %sign3A_26 : i1 to i32
    %sign3A_28 = arith.constant 0 : i32
    %sign3A_29 = arith.cmpi slt, %jit3A, %sign3A_28 : i32
    %sign3A_30 = arith.extui %sign3A_29 : i1 to i32
    %sign3A_31 = arith.subi %sign3A_27, %sign3A_30 : i32
    %ne3A_32 = arith.cmpi ne, %sign3A_24, %sign3A_31 : i32
    %rem3A = arith.remsi %mul3A_10, %jit3A : i32
    %ne3A_33 = arith.constant 0 : i32
    %ne3A_34 = arith.cmpi ne, %rem3A, %ne3A_33 : i32
    %and3A = arith.andi %ne3A_32, %ne3A_34 : i1
    %sub3A = arith.constant 1 : i32
    %sub3A_35 = arith.subi %div3A, %sub3A : i32
    %select_n3A = arith.select %and3A, %sub3A_35, %div3A : i32
    %add3A_36 = arith.constant 0 : i32
    %add3A_37 = arith.addi %select_n3A, %add3A_36 : i32
    %multiple_of3A_38 = tpu.assume_multiple %add3A_37, 8 : i32
    %dma_start3A_39 = arith.constant 0 : i32
    %dma_start3A_40 = tpu.memref_slice %arg4[%multiple_of3A_38, %dma_start3A_39] : memref<41984x64xi32, #tpu.memory_space<hbm>> -> memref<8x64xi32, #tpu.memory_space<hbm>>
    %dma_start3A_41 = arith.constant 0 : i32
    %dma_start3A_42 = tpu.memref_slice %arg4[%multiple_of3A_38, %dma_start3A_41] : memref<41984x64xi32, #tpu.memory_space<hbm>> -> memref<8x64xi32, #tpu.memory_space<hbm>>
    tpu.enqueue_dma source(%dma_start3A_42 : memref<8x64xi32, #tpu.memory_space<hbm>>) target(%arg9 : memref<8x64xi32, #tpu.memory_space<vmem>>) target_semaphore(%arg16 : memref<!tpu.dma_semaphore, #tpu.memory_space<semaphore_mem>>)
    %scan3A = arith.constant 0 : i32
    %scan3A_43 = arith.constant 0 : i32
    %scan3A_44 = arith.constant 82 : i32
    %scan3A_45 = arith.addi %scan3A_43, %scan3A_44 : i32
    %scan3A_46 = arith.constant 1 : i32
    scf.for %scan3A_64 = %scan3A_43 to %scan3A_45 step %scan3A_46  : i32 {
      %mul3A_65 = arith.constant 8 : i32
      %mul3A_66 = arith.muli %scan3A_64, %mul3A_65 : i32
      %add3A_67 = arith.constant 0 : i32
      %add3A_68 = arith.addi %mul3A_66, %add3A_67 : i32
      %ge3A = arith.constant 1 : i32
      %ge3A_69 = arith.cmpi sge, %add3A_68, %ge3A : i32
      %convert_element_type3A_70 = arith.extui %ge3A_69 : i1 to i32
      %cond3A_71 = arith.constant 0 : i32
      %cond3A_72 = arith.cmpi ne, %convert_element_type3A_70, %cond3A_71 : i32
      scf.if %cond3A_72 {
        %dma_wait3A_577 = arith.constant 0 : i32
        %dma_wait3A_578 = arith.constant 0 : i32
        %dma_wait3A_579 = tpu.memref_slice %arg2[%dma_wait3A_577, %dma_wait3A_578] : memref<83968x24xf32, #tpu.memory_space<hbm>> -> memref<64x24xf32, #tpu.memory_space<hbm>>
        %dma_wait3A_580 = arith.constant 0 : i32
        %dma_wait3A_581 = arith.constant 0 : i32
        %dma_wait3A_582 = tpu.memref_slice %arg2[%dma_wait3A_580, %dma_wait3A_581] : memref<83968x24xf32, #tpu.memory_space<hbm>> -> memref<64x24xf32, #tpu.memory_space<hbm>>
        tpu.wait_dma2 semaphore(%arg20 : memref<!tpu.dma_semaphore, #tpu.memory_space<semaphore_mem>>) src(%dma_wait3A_582 : memref<64x24xf32, #tpu.memory_space<hbm>>) dst(%arg11 : memref<64x24xf32, #tpu.memory_space<vmem>>)
        %dma_wait3A_583 = arith.constant 0 : i32
        %dma_wait3A_584 = arith.constant 0 : i32
        %dma_wait3A_585 = tpu.memref_slice %arg2[%dma_wait3A_583, %dma_wait3A_584] : memref<83968x24xf32, #tpu.memory_space<hbm>> -> memref<64x24xf32, #tpu.memory_space<hbm>>
        %dma_wait3A_586 = arith.constant 0 : i32
        %dma_wait3A_587 = arith.constant 0 : i32
        %dma_wait3A_588 = tpu.memref_slice %arg2[%dma_wait3A_586, %dma_wait3A_587] : memref<83968x24xf32, #tpu.memory_space<hbm>> -> memref<64x24xf32, #tpu.memory_space<hbm>>
        tpu.wait_dma2 semaphore(%arg21 : memref<!tpu.dma_semaphore, #tpu.memory_space<semaphore_mem>>) src(%dma_wait3A_588 : memref<64x24xf32, #tpu.memory_space<hbm>>) dst(%arg12 : memref<64x24xf32, #tpu.memory_space<vmem>>)
      } else {
      }
      %dma_wait3A_73 = arith.constant 0 : i32
      %dma_wait3A_74 = arith.constant 0 : i32
      %dma_wait3A_75 = tpu.memref_slice %arg3[%dma_wait3A_73, %dma_wait3A_74] : memref<20992x128xi32, #tpu.memory_space<hbm>> -> memref<4x128xi32, #tpu.memory_space<hbm>>
      %dma_wait3A_76 = arith.constant 0 : i32
      %dma_wait3A_77 = arith.constant 0 : i32
      %dma_wait3A_78 = tpu.memref_slice %arg3[%dma_wait3A_76, %dma_wait3A_77] : memref<20992x128xi32, #tpu.memory_space<hbm>> -> memref<4x128xi32, #tpu.memory_space<hbm>>
      tpu.wait_dma2 semaphore(%arg14 : memref<!tpu.dma_semaphore, #tpu.memory_space<semaphore_mem>>) src(%dma_wait3A_78 : memref<4x128xi32, #tpu.memory_space<hbm>>) dst(%arg7 : memref<4x128xi32, #tpu.memory_space<vmem>>)
      %dma_wait3A_79 = arith.constant 0 : i32
      %dma_wait3A_80 = arith.constant 0 : i32
      %dma_wait3A_81 = tpu.memref_slice %arg4[%dma_wait3A_79, %dma_wait3A_80] : memref<41984x64xi32, #tpu.memory_space<hbm>> -> memref<8x64xi32, #tpu.memory_space<hbm>>
      %dma_wait3A_82 = arith.constant 0 : i32
      %dma_wait3A_83 = arith.constant 0 : i32
      %dma_wait3A_84 = tpu.memref_slice %arg4[%dma_wait3A_82, %dma_wait3A_83] : memref<41984x64xi32, #tpu.memory_space<hbm>> -> memref<8x64xi32, #tpu.memory_space<hbm>>
      tpu.wait_dma2 semaphore(%arg16 : memref<!tpu.dma_semaphore, #tpu.memory_space<semaphore_mem>>) src(%dma_wait3A_84 : memref<8x64xi32, #tpu.memory_space<hbm>>) dst(%arg9 : memref<8x64xi32, #tpu.memory_space<vmem>>)
      %mul3A_85 = arith.constant 2 : i32
      %mul3A_86 = arith.muli %scan3A_64, %mul3A_85 : i32
      %add3A_87 = arith.constant 1 : i32
      %add3A_88 = arith.addi %mul3A_86, %add3A_87 : i32
      %mul3A_89 = arith.constant 4 : i32
      %mul3A_90 = arith.muli %add3A_88, %mul3A_89 : i32
      %add3A_91 = arith.addi %mul3A_12, %mul3A_90 : i32
      %multiple_of3A_92 = tpu.assume_multiple %add3A_91, 4 : i32
      %dma_start3A_93 = arith.constant 0 : i32
      %dma_start3A_94 = tpu.memref_slice %arg3[%multiple_of3A_92, %dma_start3A_93] : memref<20992x128xi32, #tpu.memory_space<hbm>> -> memref<4x128xi32, #tpu.memory_space<hbm>>
      %dma_start3A_95 = arith.constant 0 : i32
      %dma_start3A_96 = tpu.memref_slice %arg3[%multiple_of3A_92, %dma_start3A_95] : memref<20992x128xi32, #tpu.memory_space<hbm>> -> memref<4x128xi32, #tpu.memory_space<hbm>>
      tpu.enqueue_dma source(%dma_start3A_96 : memref<4x128xi32, #tpu.memory_space<hbm>>) target(%arg8 : memref<4x128xi32, #tpu.memory_space<vmem>>) target_semaphore(%arg15 : memref<!tpu.dma_semaphore, #tpu.memory_space<semaphore_mem>>)
      %jit3A_97 = arith.constant 64 : i32
      %div3A_98 = arith.divsi %mul3A_10, %jit3A_97 : i32
      %sign3A_99 = arith.constant 0 : i32
      %sign3A_100 = arith.cmpi sgt, %mul3A_10, %sign3A_99 : i32
      %sign3A_101 = arith.extui %sign3A_100 : i1 to i32
      %sign3A_102 = arith.constant 0 : i32
      %sign3A_103 = arith.cmpi slt, %mul3A_10, %sign3A_102 : i32
      %sign3A_104 = arith.extui %sign3A_103 : i1 to i32
      %sign3A_105 = arith.subi %sign3A_101, %sign3A_104 : i32
      %sign3A_106 = arith.constant 0 : i32
      %sign3A_107 = arith.cmpi sgt, %jit3A_97, %sign3A_106 : i32
      %sign3A_108 = arith.extui %sign3A_107 : i1 to i32
      %sign3A_109 = arith.constant 0 : i32
      %sign3A_110 = arith.cmpi slt, %jit3A_97, %sign3A_109 : i32
      %sign3A_111 = arith.extui %sign3A_110 : i1 to i32
      %sign3A_112 = arith.subi %sign3A_108, %sign3A_111 : i32
      %ne3A_113 = arith.cmpi ne, %sign3A_105, %sign3A_112 : i32
      %rem3A_114 = arith.remsi %mul3A_10, %jit3A_97 : i32
      %ne3A_115 = arith.constant 0 : i32
      %ne3A_116 = arith.cmpi ne, %rem3A_114, %ne3A_115 : i32
      %and3A_117 = arith.andi %ne3A_113, %ne3A_116 : i1
      %sub3A_118 = arith.constant 1 : i32
      %sub3A_119 = arith.subi %div3A_98, %sub3A_118 : i32
      %select_n3A_120 = arith.select %and3A_117, %sub3A_119, %div3A_98 : i32
      %mul3A_121 = arith.constant 8 : i32
      %mul3A_122 = arith.muli %add3A_88, %mul3A_121 : i32
      %add3A_123 = arith.addi %select_n3A_120, %mul3A_122 : i32
      %multiple_of3A_124 = tpu.assume_multiple %add3A_123, 8 : i32
      %dma_start3A_125 = arith.constant 0 : i32
      %dma_start3A_126 = tpu.memref_slice %arg4[%multiple_of3A_124, %dma_start3A_125] : memref<41984x64xi32, #tpu.memory_space<hbm>> -> memref<8x64xi32, #tpu.memory_space<hbm>>
      %dma_start3A_127 = arith.constant 0 : i32
      %dma_start3A_128 = tpu.memref_slice %arg4[%multiple_of3A_124, %dma_start3A_127] : memref<41984x64xi32, #tpu.memory_space<hbm>> -> memref<8x64xi32, #tpu.memory_space<hbm>>
      tpu.enqueue_dma source(%dma_start3A_128 : memref<8x64xi32, #tpu.memory_space<hbm>>) target(%arg10 : memref<8x64xi32, #tpu.memory_space<vmem>>) target_semaphore(%arg17 : memref<!tpu.dma_semaphore, #tpu.memory_space<semaphore_mem>>)
      %dma_start3A_129 = arith.constant 0 : i32
      %dma_start3A_130 = arith.constant 0 : i32
      %dma_start3A_131 = tpu.memref_slice %arg7[%dma_start3A_129, %dma_start3A_130] : memref<4x128xi32, #tpu.memory_space<vmem>> -> memref<1x64xi32, #tpu.memory_space<vmem>>
      %dma_start3A_132 = tpu.memref_squeeze %dma_start3A_131 : memref<1x64xi32, #tpu.memory_space<vmem>> -> memref<64xi32, #tpu.memory_space<vmem>>
      %dma_start3A_133 = arith.constant 0 : i32
      %dma_start3A_134 = arith.constant 0 : i32
      %dma_start3A_135 = tpu.memref_slice %arg2[%dma_start3A_133, %dma_start3A_134] : memref<83968x24xf32, #tpu.memory_space<hbm>> -> memref<83968x24xf32, #tpu.memory_space<hbm>>
      tpu.enqueue_indirect_dma source(%dma_start3A_135 : memref<83968x24xf32, #tpu.memory_space<hbm>>) target(%arg11 : memref<64x24xf32, #tpu.memory_space<vmem>>) offsets(%dma_start3A_132 : memref<64xi32, #tpu.memory_space<vmem>>) semaphore(%arg18 : memref<!tpu.dma_semaphore, #tpu.memory_space<semaphore_mem>>)
      %dma_start3A_136 = arith.constant 0 : i32
      %dma_start3A_137 = arith.constant 64 : i32
      %dma_start3A_138 = tpu.memref_slice %arg7[%dma_start3A_136, %dma_start3A_137] : memref<4x128xi32, #tpu.memory_space<vmem>> -> memref<1x64xi32, #tpu.memory_space<vmem>>
      %dma_start3A_139 = tpu.memref_squeeze %dma_start3A_138 : memref<1x64xi32, #tpu.memory_space<vmem>> -> memref<64xi32, #tpu.memory_space<vmem>>
      %dma_start3A_140 = arith.constant 0 : i32
      %dma_start3A_141 = arith.constant 0 : i32
      %dma_start3A_142 = tpu.memref_slice %arg2[%dma_start3A_140, %dma_start3A_141] : memref<83968x24xf32, #tpu.memory_space<hbm>> -> memref<83968x24xf32, #tpu.memory_space<hbm>>
      tpu.enqueue_indirect_dma source(%dma_start3A_142 : memref<83968x24xf32, #tpu.memory_space<hbm>>) target(%arg12 : memref<64x24xf32, #tpu.memory_space<vmem>>) offsets(%dma_start3A_139 : memref<64xi32, #tpu.memory_space<vmem>>) semaphore(%arg19 : memref<!tpu.dma_semaphore, #tpu.memory_space<semaphore_mem>>)
      %dma_wait3A_143 = arith.constant 0 : i32
      %dma_wait3A_144 = arith.constant 0 : i32
      %dma_wait3A_145 = tpu.memref_slice %arg2[%dma_wait3A_143, %dma_wait3A_144] : memref<83968x24xf32, #tpu.memory_space<hbm>> -> memref<64x24xf32, #tpu.memory_space<hbm>>
      %dma_wait3A_146 = arith.constant 0 : i32
      %dma_wait3A_147 = arith.constant 0 : i32
      %dma_wait3A_148 = tpu.memref_slice %arg2[%dma_wait3A_146, %dma_wait3A_147] : memref<83968x24xf32, #tpu.memory_space<hbm>> -> memref<64x24xf32, #tpu.memory_space<hbm>>
      tpu.wait_dma2 semaphore(%arg18 : memref<!tpu.dma_semaphore, #tpu.memory_space<semaphore_mem>>) src(%dma_wait3A_148 : memref<64x24xf32, #tpu.memory_space<hbm>>) dst(%arg11 : memref<64x24xf32, #tpu.memory_space<vmem>>)
      %dma_start3A_149 = arith.constant 0 : i32
      %dma_start3A_150 = arith.constant 0 : i32
      %dma_start3A_151 = tpu.memref_slice %arg9[%dma_start3A_149, %dma_start3A_150] : memref<8x64xi32, #tpu.memory_space<vmem>> -> memref<1x64xi32, #tpu.memory_space<vmem>>
      %dma_start3A_152 = tpu.memref_squeeze %dma_start3A_151 : memref<1x64xi32, #tpu.memory_space<vmem>> -> memref<64xi32, #tpu.memory_space<vmem>>
      %dma_start3A_153 = arith.constant 0 : i32
      %dma_start3A_154 = arith.constant 0 : i32
      %dma_start3A_155 = tpu.memref_slice %arg13[%dma_start3A_153, %dma_start3A_154] : memref<83968x24xf32, #tpu.memory_space<vmem_shared>> -> memref<83968x24xf32, #tpu.memory_space<vmem_shared>>
      tpu.enqueue_indirect_dma source(%arg11 : memref<64x24xf32, #tpu.memory_space<vmem>>) target(%dma_start3A_155 : memref<83968x24xf32, #tpu.memory_space<vmem_shared>>) offsets(%dma_start3A_152 : memref<64xi32, #tpu.memory_space<vmem>>) semaphore(%arg20 : memref<!tpu.dma_semaphore, #tpu.memory_space<semaphore_mem>>) {add = true}
      %dma_wait3A_156 = arith.constant 0 : i32
      %dma_wait3A_157 = arith.constant 0 : i32
      %dma_wait3A_158 = tpu.memref_slice %arg2[%dma_wait3A_156, %dma_wait3A_157] : memref<83968x24xf32, #tpu.memory_space<hbm>> -> memref<64x24xf32, #tpu.memory_space<hbm>>
      %dma_wait3A_159 = arith.constant 0 : i32
      %dma_wait3A_160 = arith.constant 0 : i32
      %dma_wait3A_161 = tpu.memref_slice %arg2[%dma_wait3A_159, %dma_wait3A_160] : memref<83968x24xf32, #tpu.memory_space<hbm>> -> memref<64x24xf32, #tpu.memory_space<hbm>>
      tpu.wait_dma2 semaphore(%arg19 : memref<!tpu.dma_semaphore, #tpu.memory_space<semaphore_mem>>) src(%dma_wait3A_161 : memref<64x24xf32, #tpu.memory_space<hbm>>) dst(%arg12 : memref<64x24xf32, #tpu.memory_space<vmem>>)
      %dma_start3A_162 = arith.constant 1 : i32
      %dma_start3A_163 = arith.constant 0 : i32
      %dma_start3A_164 = tpu.memref_slice %arg9[%dma_start3A_162, %dma_start3A_163] : memref<8x64xi32, #tpu.memory_space<vmem>> -> memref<1x64xi32, #tpu.memory_space<vmem>>
      %dma_start3A_165 = tpu.memref_squeeze %dma_start3A_164 : memref<1x64xi32, #tpu.memory_space<vmem>> -> memref<64xi32, #tpu.memory_space<vmem>>
      %dma_start3A_166 = arith.constant 0 : i32
      %dma_start3A_167 = arith.constant 0 : i32
      %dma_start3A_168 = tpu.memref_slice %arg13[%dma_start3A_166, %dma_start3A_167] : memref<83968x24xf32, #tpu.memory_space<vmem_shared>> -> memref<83968x24xf32, #tpu.memory_space<vmem_shared>>
      tpu.enqueue_indirect_dma source(%arg12 : memref<64x24xf32, #tpu.memory_space<vmem>>) target(%dma_start3A_168 : memref<83968x24xf32, #tpu.memory_space<vmem_shared>>) offsets(%dma_start3A_165 : memref<64xi32, #tpu.memory_space<vmem>>) semaphore(%arg21 : memref<!tpu.dma_semaphore, #tpu.memory_space<semaphore_mem>>) {add = true}
      %mul3A_169 = arith.constant 8 : i32
      %mul3A_170 = arith.muli %scan3A_64, %mul3A_169 : i32
      %add3A_171 = arith.constant 1 : i32
      %add3A_172 = arith.addi %mul3A_170, %add3A_171 : i32
      %dma_wait3A_173 = arith.constant 0 : i32
      %dma_wait3A_174 = arith.constant 0 : i32
      %dma_wait3A_175 = tpu.memref_slice %arg2[%dma_wait3A_173, %dma_wait3A_174] : memref<83968x24xf32, #tpu.memory_space<hbm>> -> memref<64x24xf32, #tpu.memory_space<hbm>>
      %dma_wait3A_176 = arith.constant 0 : i32
      %dma_wait3A_177 = arith.constant 0 : i32
      %dma_wait3A_178 = tpu.memref_slice %arg2[%dma_wait3A_176, %dma_wait3A_177] : memref<83968x24xf32, #tpu.memory_space<hbm>> -> memref<64x24xf32, #tpu.memory_space<hbm>>
      tpu.wait_dma2 semaphore(%arg20 : memref<!tpu.dma_semaphore, #tpu.memory_space<semaphore_mem>>) src(%dma_wait3A_178 : memref<64x24xf32, #tpu.memory_space<hbm>>) dst(%arg11 : memref<64x24xf32, #tpu.memory_space<vmem>>)
      %dma_start3A_179 = arith.constant 1 : i32
      %dma_start3A_180 = arith.constant 0 : i32
      %dma_start3A_181 = tpu.memref_slice %arg7[%dma_start3A_179, %dma_start3A_180] : memref<4x128xi32, #tpu.memory_space<vmem>> -> memref<1x64xi32, #tpu.memory_space<vmem>>
      %dma_start3A_182 = tpu.memref_squeeze %dma_start3A_181 : memref<1x64xi32, #tpu.memory_space<vmem>> -> memref<64xi32, #tpu.memory_space<vmem>>
      %dma_start3A_183 = arith.constant 0 : i32
      %dma_start3A_184 = arith.constant 0 : i32
      %dma_start3A_185 = tpu.memref_slice %arg2[%dma_start3A_183, %dma_start3A_184] : memref<83968x24xf32, #tpu.memory_space<hbm>> -> memref<83968x24xf32, #tpu.memory_space<hbm>>
      tpu.enqueue_indirect_dma source(%dma_start3A_185 : memref<83968x24xf32, #tpu.memory_space<hbm>>) target(%arg11 : memref<64x24xf32, #tpu.memory_space<vmem>>) offsets(%dma_start3A_182 : memref<64xi32, #tpu.memory_space<vmem>>) semaphore(%arg18 : memref<!tpu.dma_semaphore, #tpu.memory_space<semaphore_mem>>)
      %dma_wait3A_186 = arith.constant 0 : i32
      %dma_wait3A_187 = arith.constant 0 : i32
      %dma_wait3A_188 = tpu.memref_slice %arg2[%dma_wait3A_186, %dma_wait3A_187] : memref<83968x24xf32, #tpu.memory_space<hbm>> -> memref<64x24xf32, #tpu.memory_space<hbm>>
      %dma_wait3A_189 = arith.constant 0 : i32
      %dma_wait3A_190 = arith.constant 0 : i32
      %dma_wait3A_191 = tpu.memref_slice %arg2[%dma_wait3A_189, %dma_wait3A_190] : memref<83968x24xf32, #tpu.memory_space<hbm>> -> memref<64x24xf32, #tpu.memory_space<hbm>>
      tpu.wait_dma2 semaphore(%arg21 : memref<!tpu.dma_semaphore, #tpu.memory_space<semaphore_mem>>) src(%dma_wait3A_191 : memref<64x24xf32, #tpu.memory_space<hbm>>) dst(%arg12 : memref<64x24xf32, #tpu.memory_space<vmem>>)
      %dma_start3A_192 = arith.constant 1 : i32
      %dma_start3A_193 = arith.constant 64 : i32
      %dma_start3A_194 = tpu.memref_slice %arg7[%dma_start3A_192, %dma_start3A_193] : memref<4x128xi32, #tpu.memory_space<vmem>> -> memref<1x64xi32, #tpu.memory_space<vmem>>
      %dma_start3A_195 = tpu.memref_squeeze %dma_start3A_194 : memref<1x64xi32, #tpu.memory_space<vmem>> -> memref<64xi32, #tpu.memory_space<vmem>>
      %dma_start3A_196 = arith.constant 0 : i32
      %dma_start3A_197 = arith.constant 0 : i32
      %dma_start3A_198 = tpu.memref_slice %arg2[%dma_start3A_196, %dma_start3A_197] : memref<83968x24xf32, #tpu.memory_space<hbm>> -> memref<83968x24xf32, #tpu.memory_space<hbm>>
      tpu.enqueue_indirect_dma source(%dma_start3A_198 : memref<83968x24xf32, #tpu.memory_space<hbm>>) target(%arg12 : memref<64x24xf32, #tpu.memory_space<vmem>>) offsets(%dma_start3A_195 : memref<64xi32, #tpu.memory_space<vmem>>) semaphore(%arg19 : memref<!tpu.dma_semaphore, #tpu.memory_space<semaphore_mem>>)
      %dma_wait3A_199 = arith.constant 0 : i32
      %dma_wait3A_200 = arith.constant 0 : i32
      %dma_wait3A_201 = tpu.memref_slice %arg2[%dma_wait3A_199, %dma_wait3A_200] : memref<83968x24xf32, #tpu.memory_space<hbm>> -> memref<64x24xf32, #tpu.memory_space<hbm>>
      %dma_wait3A_202 = arith.constant 0 : i32
      %dma_wait3A_203 = arith.constant 0 : i32
      %dma_wait3A_204 = tpu.memref_slice %arg2[%dma_wait3A_202, %dma_wait3A_203] : memref<83968x24xf32, #tpu.memory_space<hbm>> -> memref<64x24xf32, #tpu.memory_space<hbm>>
      tpu.wait_dma2 semaphore(%arg18 : memref<!tpu.dma_semaphore, #tpu.memory_space<semaphore_mem>>) src(%dma_wait3A_204 : memref<64x24xf32, #tpu.memory_space<hbm>>) dst(%arg11 : memref<64x24xf32, #tpu.memory_space<vmem>>)
      %dma_start3A_205 = arith.constant 2 : i32
      %dma_start3A_206 = arith.constant 0 : i32
      %dma_start3A_207 = tpu.memref_slice %arg9[%dma_start3A_205, %dma_start3A_206] : memref<8x64xi32, #tpu.memory_space<vmem>> -> memref<1x64xi32, #tpu.memory_space<vmem>>
      %dma_start3A_208 = tpu.memref_squeeze %dma_start3A_207 : memref<1x64xi32, #tpu.memory_space<vmem>> -> memref<64xi32, #tpu.memory_space<vmem>>
      %dma_start3A_209 = arith.constant 0 : i32
      %dma_start3A_210 = arith.constant 0 : i32
      %dma_start3A_211 = tpu.memref_slice %arg13[%dma_start3A_209, %dma_start3A_210] : memref<83968x24xf32, #tpu.memory_space<vmem_shared>> -> memref<83968x24xf32, #tpu.memory_space<vmem_shared>>
      tpu.enqueue_indirect_dma source(%arg11 : memref<64x24xf32, #tpu.memory_space<vmem>>) target(%dma_start3A_211 : memref<83968x24xf32, #tpu.memory_space<vmem_shared>>) offsets(%dma_start3A_208 : memref<64xi32, #tpu.memory_space<vmem>>) semaphore(%arg20 : memref<!tpu.dma_semaphore, #tpu.memory_space<semaphore_mem>>) {add = true}
      %dma_wait3A_212 = arith.constant 0 : i32
      %dma_wait3A_213 = arith.constant 0 : i32
      %dma_wait3A_214 = tpu.memref_slice %arg2[%dma_wait3A_212, %dma_wait3A_213] : memref<83968x24xf32, #tpu.memory_space<hbm>> -> memref<64x24xf32, #tpu.memory_space<hbm>>
      %dma_wait3A_215 = arith.constant 0 : i32
      %dma_wait3A_216 = arith.constant 0 : i32
      %dma_wait3A_217 = tpu.memref_slice %arg2[%dma_wait3A_215, %dma_wait3A_216] : memref<83968x24xf32, #tpu.memory_space<hbm>> -> memref<64x24xf32, #tpu.memory_space<hbm>>
      tpu.wait_dma2 semaphore(%arg19 : memref<!tpu.dma_semaphore, #tpu.memory_space<semaphore_mem>>) src(%dma_wait3A_217 : memref<64x24xf32, #tpu.memory_space<hbm>>) dst(%arg12 : memref<64x24xf32, #tpu.memory_space<vmem>>)
      %dma_start3A_218 = arith.constant 3 : i32
      %dma_start3A_219 = arith.constant 0 : i32
      %dma_start3A_220 = tpu.memref_slice %arg9[%dma_start3A_218, %dma_start3A_219] : memref<8x64xi32, #tpu.memory_space<vmem>> -> memref<1x64xi32, #tpu.memory_space<vmem>>
      %dma_start3A_221 = tpu.memref_squeeze %dma_start3A_220 : memref<1x64xi32, #tpu.memory_space<vmem>> -> memref<64xi32, #tpu.memory_space<vmem>>
      %dma_start3A_222 = arith.constant 0 : i32
      %dma_start3A_223 = arith.constant 0 : i32
      %dma_start3A_224 = tpu.memref_slice %arg13[%dma_start3A_222, %dma_start3A_223] : memref<83968x24xf32, #tpu.memory_space<vmem_shared>> -> memref<83968x24xf32, #tpu.memory_space<vmem_shared>>
      tpu.enqueue_indirect_dma source(%arg12 : memref<64x24xf32, #tpu.memory_space<vmem>>) target(%dma_start3A_224 : memref<83968x24xf32, #tpu.memory_space<vmem_shared>>) offsets(%dma_start3A_221 : memref<64xi32, #tpu.memory_space<vmem>>) semaphore(%arg21 : memref<!tpu.dma_semaphore, #tpu.memory_space<semaphore_mem>>) {add = true}
      %mul3A_225 = arith.constant 8 : i32
      %mul3A_226 = arith.muli %scan3A_64, %mul3A_225 : i32
      %add3A_227 = arith.constant 2 : i32
      %add3A_228 = arith.addi %mul3A_226, %add3A_227 : i32
      %dma_wait3A_229 = arith.constant 0 : i32
      %dma_wait3A_230 = arith.constant 0 : i32
      %dma_wait3A_231 = tpu.memref_slice %arg2[%dma_wait3A_229, %dma_wait3A_230] : memref<83968x24xf32, #tpu.memory_space<hbm>> -> memref<64x24xf32, #tpu.memory_space<hbm>>
      %dma_wait3A_232 = arith.constant 0 : i32
      %dma_wait3A_233 = arith.constant 0 : i32
      %dma_wait3A_234 = tpu.memref_slice %arg2[%dma_wait3A_232, %dma_wait3A_233] : memref<83968x24xf32, #tpu.memory_space<hbm>> -> memref<64x24xf32, #tpu.memory_space<hbm>>
      tpu.wait_dma2 semaphore(%arg20 : memref<!tpu.dma_semaphore, #tpu.memory_space<semaphore_mem>>) src(%dma_wait3A_234 : memref<64x24xf32, #tpu.memory_space<hbm>>) dst(%arg11 : memref<64x24xf32, #tpu.memory_space<vmem>>)
      %dma_start3A_235 = arith.constant 2 : i32
      %dma_start3A_236 = arith.constant 0 : i32
      %dma_start3A_237 = tpu.memref_slice %arg7[%dma_start3A_235, %dma_start3A_236] : memref<4x128xi32, #tpu.memory_space<vmem>> -> memref<1x64xi32, #tpu.memory_space<vmem>>
      %dma_start3A_238 = tpu.memref_squeeze %dma_start3A_237 : memref<1x64xi32, #tpu.memory_space<vmem>> -> memref<64xi32, #tpu.memory_space<vmem>>
      %dma_start3A_239 = arith.constant 0 : i32
      %dma_start3A_240 = arith.constant 0 : i32
      %dma_start3A_241 = tpu.memref_slice %arg2[%dma_start3A_239, %dma_start3A_240] : memref<83968x24xf32, #tpu.memory_space<hbm>> -> memref<83968x24xf32, #tpu.memory_space<hbm>>
      tpu.enqueue_indirect_dma source(%dma_start3A_241 : memref<83968x24xf32, #tpu.memory_space<hbm>>) target(%arg11 : memref<64x24xf32, #tpu.memory_space<vmem>>) offsets(%dma_start3A_238 : memref<64xi32, #tpu.memory_space<vmem>>) semaphore(%arg18 : memref<!tpu.dma_semaphore, #tpu.memory_space<semaphore_mem>>)
      %dma_wait3A_242 = arith.constant 0 : i32
      %dma_wait3A_243 = arith.constant 0 : i32
      %dma_wait3A_244 = tpu.memref_slice %arg2[%dma_wait3A_242, %dma_wait3A_243] : memref<83968x24xf32, #tpu.memory_space<hbm>> -> memref<64x24xf32, #tpu.memory_space<hbm>>
      %dma_wait3A_245 = arith.constant 0 : i32
      %dma_wait3A_246 = arith.constant 0 : i32
      %dma_wait3A_247 = tpu.memref_slice %arg2[%dma_wait3A_245, %dma_wait3A_246] : memref<83968x24xf32, #tpu.memory_space<hbm>> -> memref<64x24xf32, #tpu.memory_space<hbm>>
      tpu.wait_dma2 semaphore(%arg21 : memref<!tpu.dma_semaphore, #tpu.memory_space<semaphore_mem>>) src(%dma_wait3A_247 : memref<64x24xf32, #tpu.memory_space<hbm>>) dst(%arg12 : memref<64x24xf32, #tpu.memory_space<vmem>>)
      %dma_start3A_248 = arith.constant 2 : i32
      %dma_start3A_249 = arith.constant 64 : i32
      %dma_start3A_250 = tpu.memref_slice %arg7[%dma_start3A_248, %dma_start3A_249] : memref<4x128xi32, #tpu.memory_space<vmem>> -> memref<1x64xi32, #tpu.memory_space<vmem>>
      %dma_start3A_251 = tpu.memref_squeeze %dma_start3A_250 : memref<1x64xi32, #tpu.memory_space<vmem>> -> memref<64xi32, #tpu.memory_space<vmem>>
      %dma_start3A_252 = arith.constant 0 : i32
      %dma_start3A_253 = arith.constant 0 : i32
      %dma_start3A_254 = tpu.memref_slice %arg2[%dma_start3A_252, %dma_start3A_253] : memref<83968x24xf32, #tpu.memory_space<hbm>> -> memref<83968x24xf32, #tpu.memory_space<hbm>>
      tpu.enqueue_indirect_dma source(%dma_start3A_254 : memref<83968x24xf32, #tpu.memory_space<hbm>>) target(%arg12 : memref<64x24xf32, #tpu.memory_space<vmem>>) offsets(%dma_start3A_251 : memref<64xi32, #tpu.memory_space<vmem>>) semaphore(%arg19 : memref<!tpu.dma_semaphore, #tpu.memory_space<semaphore_mem>>)
      %dma_wait3A_255 = arith.constant 0 : i32
      %dma_wait3A_256 = arith.constant 0 : i32
      %dma_wait3A_257 = tpu.memref_slice %arg2[%dma_wait3A_255, %dma_wait3A_256] : memref<83968x24xf32, #tpu.memory_space<hbm>> -> memref<64x24xf32, #tpu.memory_space<hbm>>
      %dma_wait3A_258 = arith.constant 0 : i32
      %dma_wait3A_259 = arith.constant 0 : i32
      %dma_wait3A_260 = tpu.memref_slice %arg2[%dma_wait3A_258, %dma_wait3A_259] : memref<83968x24xf32, #tpu.memory_space<hbm>> -> memref<64x24xf32, #tpu.memory_space<hbm>>
      tpu.wait_dma2 semaphore(%arg18 : memref<!tpu.dma_semaphore, #tpu.memory_space<semaphore_mem>>) src(%dma_wait3A_260 : memref<64x24xf32, #tpu.memory_space<hbm>>) dst(%arg11 : memref<64x24xf32, #tpu.memory_space<vmem>>)
      %dma_start3A_261 = arith.constant 4 : i32
      %dma_start3A_262 = arith.constant 0 : i32
      %dma_start3A_263 = tpu.memref_slice %arg9[%dma_start3A_261, %dma_start3A_262] : memref<8x64xi32, #tpu.memory_space<vmem>> -> memref<1x64xi32, #tpu.memory_space<vmem>>
      %dma_start3A_264 = tpu.memref_squeeze %dma_start3A_263 : memref<1x64xi32, #tpu.memory_space<vmem>> -> memref<64xi32, #tpu.memory_space<vmem>>
      %dma_start3A_265 = arith.constant 0 : i32
      %dma_start3A_266 = arith.constant 0 : i32
      %dma_start3A_267 = tpu.memref_slice %arg13[%dma_start3A_265, %dma_start3A_266] : memref<83968x24xf32, #tpu.memory_space<vmem_shared>> -> memref<83968x24xf32, #tpu.memory_space<vmem_shared>>
      tpu.enqueue_indirect_dma source(%arg11 : memref<64x24xf32, #tpu.memory_space<vmem>>) target(%dma_start3A_267 : memref<83968x24xf32, #tpu.memory_space<vmem_shared>>) offsets(%dma_start3A_264 : memref<64xi32, #tpu.memory_space<vmem>>) semaphore(%arg20 : memref<!tpu.dma_semaphore, #tpu.memory_space<semaphore_mem>>) {add = true}
      %dma_wait3A_268 = arith.constant 0 : i32
      %dma_wait3A_269 = arith.constant 0 : i32
      %dma_wait3A_270 = tpu.memref_slice %arg2[%dma_wait3A_268, %dma_wait3A_269] : memref<83968x24xf32, #tpu.memory_space<hbm>> -> memref<64x24xf32, #tpu.memory_space<hbm>>
      %dma_wait3A_271 = arith.constant 0 : i32
      %dma_wait3A_272 = arith.constant 0 : i32
      %dma_wait3A_273 = tpu.memref_slice %arg2[%dma_wait3A_271, %dma_wait3A_272] : memref<83968x24xf32, #tpu.memory_space<hbm>> -> memref<64x24xf32, #tpu.memory_space<hbm>>
      tpu.wait_dma2 semaphore(%arg19 : memref<!tpu.dma_semaphore, #tpu.memory_space<semaphore_mem>>) src(%dma_wait3A_273 : memref<64x24xf32, #tpu.memory_space<hbm>>) dst(%arg12 : memref<64x24xf32, #tpu.memory_space<vmem>>)
      %dma_start3A_274 = arith.constant 5 : i32
      %dma_start3A_275 = arith.constant 0 : i32
      %dma_start3A_276 = tpu.memref_slice %arg9[%dma_start3A_274, %dma_start3A_275] : memref<8x64xi32, #tpu.memory_space<vmem>> -> memref<1x64xi32, #tpu.memory_space<vmem>>
      %dma_start3A_277 = tpu.memref_squeeze %dma_start3A_276 : memref<1x64xi32, #tpu.memory_space<vmem>> -> memref<64xi32, #tpu.memory_space<vmem>>
      %dma_start3A_278 = arith.constant 0 : i32
      %dma_start3A_279 = arith.constant 0 : i32
      %dma_start3A_280 = tpu.memref_slice %arg13[%dma_start3A_278, %dma_start3A_279] : memref<83968x24xf32, #tpu.memory_space<vmem_shared>> -> memref<83968x24xf32, #tpu.memory_space<vmem_shared>>
      tpu.enqueue_indirect_dma source(%arg12 : memref<64x24xf32, #tpu.memory_space<vmem>>) target(%dma_start3A_280 : memref<83968x24xf32, #tpu.memory_space<vmem_shared>>) offsets(%dma_start3A_277 : memref<64xi32, #tpu.memory_space<vmem>>) semaphore(%arg21 : memref<!tpu.dma_semaphore, #tpu.memory_space<semaphore_mem>>) {add = true}
      %mul3A_281 = arith.constant 8 : i32
      %mul3A_282 = arith.muli %scan3A_64, %mul3A_281 : i32
      %add3A_283 = arith.constant 3 : i32
      %add3A_284 = arith.addi %mul3A_282, %add3A_283 : i32
      %dma_wait3A_285 = arith.constant 0 : i32
      %dma_wait3A_286 = arith.constant 0 : i32
      %dma_wait3A_287 = tpu.memref_slice %arg2[%dma_wait3A_285, %dma_wait3A_286] : memref<83968x24xf32, #tpu.memory_space<hbm>> -> memref<64x24xf32, #tpu.memory_space<hbm>>
      %dma_wait3A_288 = arith.constant 0 : i32
      %dma_wait3A_289 = arith.constant 0 : i32
      %dma_wait3A_290 = tpu.memref_slice %arg2[%dma_wait3A_288, %dma_wait3A_289] : memref<83968x24xf32, #tpu.memory_space<hbm>> -> memref<64x24xf32, #tpu.memory_space<hbm>>
      tpu.wait_dma2 semaphore(%arg20 : memref<!tpu.dma_semaphore, #tpu.memory_space<semaphore_mem>>) src(%dma_wait3A_290 : memref<64x24xf32, #tpu.memory_space<hbm>>) dst(%arg11 : memref<64x24xf32, #tpu.memory_space<vmem>>)
      %dma_start3A_291 = arith.constant 3 : i32
      %dma_start3A_292 = arith.constant 0 : i32
      %dma_start3A_293 = tpu.memref_slice %arg7[%dma_start3A_291, %dma_start3A_292] : memref<4x128xi32, #tpu.memory_space<vmem>> -> memref<1x64xi32, #tpu.memory_space<vmem>>
      %dma_start3A_294 = tpu.memref_squeeze %dma_start3A_293 : memref<1x64xi32, #tpu.memory_space<vmem>> -> memref<64xi32, #tpu.memory_space<vmem>>
      %dma_start3A_295 = arith.constant 0 : i32
      %dma_start3A_296 = arith.constant 0 : i32
      %dma_start3A_297 = tpu.memref_slice %arg2[%dma_start3A_295, %dma_start3A_296] : memref<83968x24xf32, #tpu.memory_space<hbm>> -> memref<83968x24xf32, #tpu.memory_space<hbm>>
      tpu.enqueue_indirect_dma source(%dma_start3A_297 : memref<83968x24xf32, #tpu.memory_space<hbm>>) target(%arg11 : memref<64x24xf32, #tpu.memory_space<vmem>>) offsets(%dma_start3A_294 : memref<64xi32, #tpu.memory_space<vmem>>) semaphore(%arg18 : memref<!tpu.dma_semaphore, #tpu.memory_space<semaphore_mem>>)
      %dma_wait3A_298 = arith.constant 0 : i32
      %dma_wait3A_299 = arith.constant 0 : i32
      %dma_wait3A_300 = tpu.memref_slice %arg2[%dma_wait3A_298, %dma_wait3A_299] : memref<83968x24xf32, #tpu.memory_space<hbm>> -> memref<64x24xf32, #tpu.memory_space<hbm>>
      %dma_wait3A_301 = arith.constant 0 : i32
      %dma_wait3A_302 = arith.constant 0 : i32
      %dma_wait3A_303 = tpu.memref_slice %arg2[%dma_wait3A_301, %dma_wait3A_302] : memref<83968x24xf32, #tpu.memory_space<hbm>> -> memref<64x24xf32, #tpu.memory_space<hbm>>
      tpu.wait_dma2 semaphore(%arg21 : memref<!tpu.dma_semaphore, #tpu.memory_space<semaphore_mem>>) src(%dma_wait3A_303 : memref<64x24xf32, #tpu.memory_space<hbm>>) dst(%arg12 : memref<64x24xf32, #tpu.memory_space<vmem>>)
      %dma_start3A_304 = arith.constant 3 : i32
      %dma_start3A_305 = arith.constant 64 : i32
      %dma_start3A_306 = tpu.memref_slice %arg7[%dma_start3A_304, %dma_start3A_305] : memref<4x128xi32, #tpu.memory_space<vmem>> -> memref<1x64xi32, #tpu.memory_space<vmem>>
      %dma_start3A_307 = tpu.memref_squeeze %dma_start3A_306 : memref<1x64xi32, #tpu.memory_space<vmem>> -> memref<64xi32, #tpu.memory_space<vmem>>
      %dma_start3A_308 = arith.constant 0 : i32
      %dma_start3A_309 = arith.constant 0 : i32
      %dma_start3A_310 = tpu.memref_slice %arg2[%dma_start3A_308, %dma_start3A_309] : memref<83968x24xf32, #tpu.memory_space<hbm>> -> memref<83968x24xf32, #tpu.memory_space<hbm>>
      tpu.enqueue_indirect_dma source(%dma_start3A_310 : memref<83968x24xf32, #tpu.memory_space<hbm>>) target(%arg12 : memref<64x24xf32, #tpu.memory_space<vmem>>) offsets(%dma_start3A_307 : memref<64xi32, #tpu.memory_space<vmem>>) semaphore(%arg19 : memref<!tpu.dma_semaphore, #tpu.memory_space<semaphore_mem>>)
      %dma_wait3A_311 = arith.constant 0 : i32
      %dma_wait3A_312 = arith.constant 0 : i32
      %dma_wait3A_313 = tpu.memref_slice %arg2[%dma_wait3A_311, %dma_wait3A_312] : memref<83968x24xf32, #tpu.memory_space<hbm>> -> memref<64x24xf32, #tpu.memory_space<hbm>>
      %dma_wait3A_314 = arith.constant 0 : i32
      %dma_wait3A_315 = arith.constant 0 : i32
      %dma_wait3A_316 = tpu.memref_slice %arg2[%dma_wait3A_314, %dma_wait3A_315] : memref<83968x24xf32, #tpu.memory_space<hbm>> -> memref<64x24xf32, #tpu.memory_space<hbm>>
      tpu.wait_dma2 semaphore(%arg18 : memref<!tpu.dma_semaphore, #tpu.memory_space<semaphore_mem>>) src(%dma_wait3A_316 : memref<64x24xf32, #tpu.memory_space<hbm>>) dst(%arg11 : memref<64x24xf32, #tpu.memory_space<vmem>>)
      %dma_start3A_317 = arith.constant 6 : i32
      %dma_start3A_318 = arith.constant 0 : i32
      %dma_start3A_319 = tpu.memref_slice %arg9[%dma_start3A_317, %dma_start3A_318] : memref<8x64xi32, #tpu.memory_space<vmem>> -> memref<1x64xi32, #tpu.memory_space<vmem>>
      %dma_start3A_320 = tpu.memref_squeeze %dma_start3A_319 : memref<1x64xi32, #tpu.memory_space<vmem>> -> memref<64xi32, #tpu.memory_space<vmem>>
      %dma_start3A_321 = arith.constant 0 : i32
      %dma_start3A_322 = arith.constant 0 : i32
      %dma_start3A_323 = tpu.memref_slice %arg13[%dma_start3A_321, %dma_start3A_322] : memref<83968x24xf32, #tpu.memory_space<vmem_shared>> -> memref<83968x24xf32, #tpu.memory_space<vmem_shared>>
      tpu.enqueue_indirect_dma source(%arg11 : memref<64x24xf32, #tpu.memory_space<vmem>>) target(%dma_start3A_323 : memref<83968x24xf32, #tpu.memory_space<vmem_shared>>) offsets(%dma_start3A_320 : memref<64xi32, #tpu.memory_space<vmem>>) semaphore(%arg20 : memref<!tpu.dma_semaphore, #tpu.memory_space<semaphore_mem>>) {add = true}
      %dma_wait3A_324 = arith.constant 0 : i32
      %dma_wait3A_325 = arith.constant 0 : i32
      %dma_wait3A_326 = tpu.memref_slice %arg2[%dma_wait3A_324, %dma_wait3A_325] : memref<83968x24xf32, #tpu.memory_space<hbm>> -> memref<64x24xf32, #tpu.memory_space<hbm>>
      %dma_wait3A_327 = arith.constant 0 : i32
      %dma_wait3A_328 = arith.constant 0 : i32
      %dma_wait3A_329 = tpu.memref_slice %arg2[%dma_wait3A_327, %dma_wait3A_328] : memref<83968x24xf32, #tpu.memory_space<hbm>> -> memref<64x24xf32, #tpu.memory_space<hbm>>
      tpu.wait_dma2 semaphore(%arg19 : memref<!tpu.dma_semaphore, #tpu.memory_space<semaphore_mem>>) src(%dma_wait3A_329 : memref<64x24xf32, #tpu.memory_space<hbm>>) dst(%arg12 : memref<64x24xf32, #tpu.memory_space<vmem>>)
      %dma_start3A_330 = arith.constant 7 : i32
      %dma_start3A_331 = arith.constant 0 : i32
      %dma_start3A_332 = tpu.memref_slice %arg9[%dma_start3A_330, %dma_start3A_331] : memref<8x64xi32, #tpu.memory_space<vmem>> -> memref<1x64xi32, #tpu.memory_space<vmem>>
      %dma_start3A_333 = tpu.memref_squeeze %dma_start3A_332 : memref<1x64xi32, #tpu.memory_space<vmem>> -> memref<64xi32, #tpu.memory_space<vmem>>
      %dma_start3A_334 = arith.constant 0 : i32
      %dma_start3A_335 = arith.constant 0 : i32
      %dma_start3A_336 = tpu.memref_slice %arg13[%dma_start3A_334, %dma_start3A_335] : memref<83968x24xf32, #tpu.memory_space<vmem_shared>> -> memref<83968x24xf32, #tpu.memory_space<vmem_shared>>
      tpu.enqueue_indirect_dma source(%arg12 : memref<64x24xf32, #tpu.memory_space<vmem>>) target(%dma_start3A_336 : memref<83968x24xf32, #tpu.memory_space<vmem_shared>>) offsets(%dma_start3A_333 : memref<64xi32, #tpu.memory_space<vmem>>) semaphore(%arg21 : memref<!tpu.dma_semaphore, #tpu.memory_space<semaphore_mem>>) {add = true}
      %mul3A_337 = arith.constant 8 : i32
      %mul3A_338 = arith.muli %scan3A_64, %mul3A_337 : i32
      %add3A_339 = arith.constant 4 : i32
      %add3A_340 = arith.addi %mul3A_338, %add3A_339 : i32
      %dma_wait3A_341 = arith.constant 0 : i32
      %dma_wait3A_342 = arith.constant 0 : i32
      %dma_wait3A_343 = tpu.memref_slice %arg2[%dma_wait3A_341, %dma_wait3A_342] : memref<83968x24xf32, #tpu.memory_space<hbm>> -> memref<64x24xf32, #tpu.memory_space<hbm>>
      %dma_wait3A_344 = arith.constant 0 : i32
      %dma_wait3A_345 = arith.constant 0 : i32
      %dma_wait3A_346 = tpu.memref_slice %arg2[%dma_wait3A_344, %dma_wait3A_345] : memref<83968x24xf32, #tpu.memory_space<hbm>> -> memref<64x24xf32, #tpu.memory_space<hbm>>
      tpu.wait_dma2 semaphore(%arg20 : memref<!tpu.dma_semaphore, #tpu.memory_space<semaphore_mem>>) src(%dma_wait3A_346 : memref<64x24xf32, #tpu.memory_space<hbm>>) dst(%arg11 : memref<64x24xf32, #tpu.memory_space<vmem>>)
      %dma_wait3A_347 = arith.constant 0 : i32
      %dma_wait3A_348 = arith.constant 0 : i32
      %dma_wait3A_349 = tpu.memref_slice %arg2[%dma_wait3A_347, %dma_wait3A_348] : memref<83968x24xf32, #tpu.memory_space<hbm>> -> memref<64x24xf32, #tpu.memory_space<hbm>>
      %dma_wait3A_350 = arith.constant 0 : i32
      %dma_wait3A_351 = arith.constant 0 : i32
      %dma_wait3A_352 = tpu.memref_slice %arg2[%dma_wait3A_350, %dma_wait3A_351] : memref<83968x24xf32, #tpu.memory_space<hbm>> -> memref<64x24xf32, #tpu.memory_space<hbm>>
      tpu.wait_dma2 semaphore(%arg21 : memref<!tpu.dma_semaphore, #tpu.memory_space<semaphore_mem>>) src(%dma_wait3A_352 : memref<64x24xf32, #tpu.memory_space<hbm>>) dst(%arg12 : memref<64x24xf32, #tpu.memory_space<vmem>>)
      %dma_wait3A_353 = arith.constant 0 : i32
      %dma_wait3A_354 = arith.constant 0 : i32
      %dma_wait3A_355 = tpu.memref_slice %arg3[%dma_wait3A_353, %dma_wait3A_354] : memref<20992x128xi32, #tpu.memory_space<hbm>> -> memref<4x128xi32, #tpu.memory_space<hbm>>
      %dma_wait3A_356 = arith.constant 0 : i32
      %dma_wait3A_357 = arith.constant 0 : i32
      %dma_wait3A_358 = tpu.memref_slice %arg3[%dma_wait3A_356, %dma_wait3A_357] : memref<20992x128xi32, #tpu.memory_space<hbm>> -> memref<4x128xi32, #tpu.memory_space<hbm>>
      tpu.wait_dma2 semaphore(%arg15 : memref<!tpu.dma_semaphore, #tpu.memory_space<semaphore_mem>>) src(%dma_wait3A_358 : memref<4x128xi32, #tpu.memory_space<hbm>>) dst(%arg8 : memref<4x128xi32, #tpu.memory_space<vmem>>)
      %dma_wait3A_359 = arith.constant 0 : i32
      %dma_wait3A_360 = arith.constant 0 : i32
      %dma_wait3A_361 = tpu.memref_slice %arg4[%dma_wait3A_359, %dma_wait3A_360] : memref<41984x64xi32, #tpu.memory_space<hbm>> -> memref<8x64xi32, #tpu.memory_space<hbm>>
      %dma_wait3A_362 = arith.constant 0 : i32
      %dma_wait3A_363 = arith.constant 0 : i32
      %dma_wait3A_364 = tpu.memref_slice %arg4[%dma_wait3A_362, %dma_wait3A_363] : memref<41984x64xi32, #tpu.memory_space<hbm>> -> memref<8x64xi32, #tpu.memory_space<hbm>>
      tpu.wait_dma2 semaphore(%arg17 : memref<!tpu.dma_semaphore, #tpu.memory_space<semaphore_mem>>) src(%dma_wait3A_364 : memref<8x64xi32, #tpu.memory_space<hbm>>) dst(%arg10 : memref<8x64xi32, #tpu.memory_space<vmem>>)
      %lt3A = arith.constant 81 : i32
      %lt3A_365 = arith.cmpi slt, %scan3A_64, %lt3A : i32
      %convert_element_type3A_366 = arith.extui %lt3A_365 : i1 to i32
      %cond3A_367 = arith.constant 0 : i32
      %cond3A_368 = arith.cmpi ne, %convert_element_type3A_366, %cond3A_367 : i32
      scf.if %cond3A_368 {
        %mul3A_577 = arith.constant 2 : i32
        %mul3A_578 = arith.muli %scan3A_64, %mul3A_577 : i32
        %add3A_579 = arith.constant 2 : i32
        %add3A_580 = arith.addi %mul3A_578, %add3A_579 : i32
        %mul3A_581 = arith.constant 4 : i32
        %mul3A_582 = arith.muli %add3A_580, %mul3A_581 : i32
        %add3A_583 = arith.addi %mul3A_12, %mul3A_582 : i32
        %multiple_of3A_584 = tpu.assume_multiple %add3A_583, 4 : i32
        %dma_start3A_585 = arith.constant 0 : i32
        %dma_start3A_586 = tpu.memref_slice %arg3[%multiple_of3A_584, %dma_start3A_585] : memref<20992x128xi32, #tpu.memory_space<hbm>> -> memref<4x128xi32, #tpu.memory_space<hbm>>
        %dma_start3A_587 = arith.constant 0 : i32
        %dma_start3A_588 = tpu.memref_slice %arg3[%multiple_of3A_584, %dma_start3A_587] : memref<20992x128xi32, #tpu.memory_space<hbm>> -> memref<4x128xi32, #tpu.memory_space<hbm>>
        tpu.enqueue_dma source(%dma_start3A_588 : memref<4x128xi32, #tpu.memory_space<hbm>>) target(%arg7 : memref<4x128xi32, #tpu.memory_space<vmem>>) target_semaphore(%arg14 : memref<!tpu.dma_semaphore, #tpu.memory_space<semaphore_mem>>)
        %jit3A_589 = arith.constant 64 : i32
        %div3A_590 = arith.divsi %mul3A_10, %jit3A_589 : i32
        %sign3A_591 = arith.constant 0 : i32
        %sign3A_592 = arith.cmpi sgt, %mul3A_10, %sign3A_591 : i32
        %sign3A_593 = arith.extui %sign3A_592 : i1 to i32
        %sign3A_594 = arith.constant 0 : i32
        %sign3A_595 = arith.cmpi slt, %mul3A_10, %sign3A_594 : i32
        %sign3A_596 = arith.extui %sign3A_595 : i1 to i32
        %sign3A_597 = arith.subi %sign3A_593, %sign3A_596 : i32
        %sign3A_598 = arith.constant 0 : i32
        %sign3A_599 = arith.cmpi sgt, %jit3A_589, %sign3A_598 : i32
        %sign3A_600 = arith.extui %sign3A_599 : i1 to i32
        %sign3A_601 = arith.constant 0 : i32
        %sign3A_602 = arith.cmpi slt, %jit3A_589, %sign3A_601 : i32
        %sign3A_603 = arith.extui %sign3A_602 : i1 to i32
        %sign3A_604 = arith.subi %sign3A_600, %sign3A_603 : i32
        %ne3A_605 = arith.cmpi ne, %sign3A_597, %sign3A_604 : i32
        %rem3A_606 = arith.remsi %mul3A_10, %jit3A_589 : i32
        %ne3A_607 = arith.constant 0 : i32
        %ne3A_608 = arith.cmpi ne, %rem3A_606, %ne3A_607 : i32
        %and3A_609 = arith.andi %ne3A_605, %ne3A_608 : i1
        %sub3A_610 = arith.constant 1 : i32
        %sub3A_611 = arith.subi %div3A_590, %sub3A_610 : i32
        %select_n3A_612 = arith.select %and3A_609, %sub3A_611, %div3A_590 : i32
        %mul3A_613 = arith.constant 8 : i32
        %mul3A_614 = arith.muli %add3A_580, %mul3A_613 : i32
        %add3A_615 = arith.addi %select_n3A_612, %mul3A_614 : i32
        %multiple_of3A_616 = tpu.assume_multiple %add3A_615, 8 : i32
        %dma_start3A_617 = arith.constant 0 : i32
        %dma_start3A_618 = tpu.memref_slice %arg4[%multiple_of3A_616, %dma_start3A_617] : memref<41984x64xi32, #tpu.memory_space<hbm>> -> memref<8x64xi32, #tpu.memory_space<hbm>>
        %dma_start3A_619 = arith.constant 0 : i32
        %dma_start3A_620 = tpu.memref_slice %arg4[%multiple_of3A_616, %dma_start3A_619] : memref<41984x64xi32, #tpu.memory_space<hbm>> -> memref<8x64xi32, #tpu.memory_space<hbm>>
        tpu.enqueue_dma source(%dma_start3A_620 : memref<8x64xi32, #tpu.memory_space<hbm>>) target(%arg9 : memref<8x64xi32, #tpu.memory_space<vmem>>) target_semaphore(%arg16 : memref<!tpu.dma_semaphore, #tpu.memory_space<semaphore_mem>>)
      } else {
      }
      %dma_start3A_369 = arith.constant 0 : i32
      %dma_start3A_370 = arith.constant 0 : i32
      %dma_start3A_371 = tpu.memref_slice %arg8[%dma_start3A_369, %dma_start3A_370] : memref<4x128xi32, #tpu.memory_space<vmem>> -> memref<1x64xi32, #tpu.memory_space<vmem>>
      %dma_start3A_372 = tpu.memref_squeeze %dma_start3A_371 : memref<1x64xi32, #tpu.memory_space<vmem>> -> memref<64xi32, #tpu.memory_space<vmem>>
      %dma_start3A_373 = arith.constant 0 : i32
      %dma_start3A_374 = arith.constant 0 : i32
      %dma_start3A_375 = tpu.memref_slice %arg2[%dma_start3A_373, %dma_start3A_374] : memref<83968x24xf32, #tpu.memory_space<hbm>> -> memref<83968x24xf32, #tpu.memory_space<hbm>>
      tpu.enqueue_indirect_dma source(%dma_start3A_375 : memref<83968x24xf32, #tpu.memory_space<hbm>>) target(%arg11 : memref<64x24xf32, #tpu.memory_space<vmem>>) offsets(%dma_start3A_372 : memref<64xi32, #tpu.memory_space<vmem>>) semaphore(%arg18 : memref<!tpu.dma_semaphore, #tpu.memory_space<semaphore_mem>>)
      %dma_start3A_376 = arith.constant 0 : i32
      %dma_start3A_377 = arith.constant 64 : i32
      %dma_start3A_378 = tpu.memref_slice %arg8[%dma_start3A_376, %dma_start3A_377] : memref<4x128xi32, #tpu.memory_space<vmem>> -> memref<1x64xi32, #tpu.memory_space<vmem>>
      %dma_start3A_379 = tpu.memref_squeeze %dma_start3A_378 : memref<1x64xi32, #tpu.memory_space<vmem>> -> memref<64xi32, #tpu.memory_space<vmem>>
      %dma_start3A_380 = arith.constant 0 : i32
      %dma_start3A_381 = arith.constant 0 : i32
      %dma_start3A_382 = tpu.memref_slice %arg2[%dma_start3A_380, %dma_start3A_381] : memref<83968x24xf32, #tpu.memory_space<hbm>> -> memref<83968x24xf32, #tpu.memory_space<hbm>>
      tpu.enqueue_indirect_dma source(%dma_start3A_382 : memref<83968x24xf32, #tpu.memory_space<hbm>>) target(%arg12 : memref<64x24xf32, #tpu.memory_space<vmem>>) offsets(%dma_start3A_379 : memref<64xi32, #tpu.memory_space<vmem>>) semaphore(%arg19 : memref<!tpu.dma_semaphore, #tpu.memory_space<semaphore_mem>>)
      %dma_wait3A_383 = arith.constant 0 : i32
      %dma_wait3A_384 = arith.constant 0 : i32
      %dma_wait3A_385 = tpu.memref_slice %arg2[%dma_wait3A_383, %dma_wait3A_384] : memref<83968x24xf32, #tpu.memory_space<hbm>> -> memref<64x24xf32, #tpu.memory_space<hbm>>
      %dma_wait3A_386 = arith.constant 0 : i32
      %dma_wait3A_387 = arith.constant 0 : i32
      %dma_wait3A_388 = tpu.memref_slice %arg2[%dma_wait3A_386, %dma_wait3A_387] : memref<83968x24xf32, #tpu.memory_space<hbm>> -> memref<64x24xf32, #tpu.memory_space<hbm>>
      tpu.wait_dma2 semaphore(%arg18 : memref<!tpu.dma_semaphore, #tpu.memory_space<semaphore_mem>>) src(%dma_wait3A_388 : memref<64x24xf32, #tpu.memory_space<hbm>>) dst(%arg11 : memref<64x24xf32, #tpu.memory_space<vmem>>)
      %dma_start3A_389 = arith.constant 0 : i32
      %dma_start3A_390 = arith.constant 0 : i32
      %dma_start3A_391 = tpu.memref_slice %arg10[%dma_start3A_389, %dma_start3A_390] : memref<8x64xi32, #tpu.memory_space<vmem>> -> memref<1x64xi32, #tpu.memory_space<vmem>>
      %dma_start3A_392 = tpu.memref_squeeze %dma_start3A_391 : memref<1x64xi32, #tpu.memory_space<vmem>> -> memref<64xi32, #tpu.memory_space<vmem>>
      %dma_start3A_393 = arith.constant 0 : i32
      %dma_start3A_394 = arith.constant 0 : i32
      %dma_start3A_395 = tpu.memref_slice %arg13[%dma_start3A_393, %dma_start3A_394] : memref<83968x24xf32, #tpu.memory_space<vmem_shared>> -> memref<83968x24xf32, #tpu.memory_space<vmem_shared>>
      tpu.enqueue_indirect_dma source(%arg11 : memref<64x24xf32, #tpu.memory_space<vmem>>) target(%dma_start3A_395 : memref<83968x24xf32, #tpu.memory_space<vmem_shared>>) offsets(%dma_start3A_392 : memref<64xi32, #tpu.memory_space<vmem>>) semaphore(%arg20 : memref<!tpu.dma_semaphore, #tpu.memory_space<semaphore_mem>>) {add = true}
      %dma_wait3A_396 = arith.constant 0 : i32
      %dma_wait3A_397 = arith.constant 0 : i32
      %dma_wait3A_398 = tpu.memref_slice %arg2[%dma_wait3A_396, %dma_wait3A_397] : memref<83968x24xf32, #tpu.memory_space<hbm>> -> memref<64x24xf32, #tpu.memory_space<hbm>>
      %dma_wait3A_399 = arith.constant 0 : i32
      %dma_wait3A_400 = arith.constant 0 : i32
      %dma_wait3A_401 = tpu.memref_slice %arg2[%dma_wait3A_399, %dma_wait3A_400] : memref<83968x24xf32, #tpu.memory_space<hbm>> -> memref<64x24xf32, #tpu.memory_space<hbm>>
      tpu.wait_dma2 semaphore(%arg19 : memref<!tpu.dma_semaphore, #tpu.memory_space<semaphore_mem>>) src(%dma_wait3A_401 : memref<64x24xf32, #tpu.memory_space<hbm>>) dst(%arg12 : memref<64x24xf32, #tpu.memory_space<vmem>>)
      %dma_start3A_402 = arith.constant 1 : i32
      %dma_start3A_403 = arith.constant 0 : i32
      %dma_start3A_404 = tpu.memref_slice %arg10[%dma_start3A_402, %dma_start3A_403] : memref<8x64xi32, #tpu.memory_space<vmem>> -> memref<1x64xi32, #tpu.memory_space<vmem>>
      %dma_start3A_405 = tpu.memref_squeeze %dma_start3A_404 : memref<1x64xi32, #tpu.memory_space<vmem>> -> memref<64xi32, #tpu.memory_space<vmem>>
      %dma_start3A_406 = arith.constant 0 : i32
      %dma_start3A_407 = arith.constant 0 : i32
      %dma_start3A_408 = tpu.memref_slice %arg13[%dma_start3A_406, %dma_start3A_407] : memref<83968x24xf32, #tpu.memory_space<vmem_shared>> -> memref<83968x24xf32, #tpu.memory_space<vmem_shared>>
      tpu.enqueue_indirect_dma source(%arg12 : memref<64x24xf32, #tpu.memory_space<vmem>>) target(%dma_start3A_408 : memref<83968x24xf32, #tpu.memory_space<vmem_shared>>) offsets(%dma_start3A_405 : memref<64xi32, #tpu.memory_space<vmem>>) semaphore(%arg21 : memref<!tpu.dma_semaphore, #tpu.memory_space<semaphore_mem>>) {add = true}
      %mul3A_409 = arith.constant 8 : i32
      %mul3A_410 = arith.muli %scan3A_64, %mul3A_409 : i32
      %add3A_411 = arith.constant 5 : i32
      %add3A_412 = arith.addi %mul3A_410, %add3A_411 : i32
      %dma_wait3A_413 = arith.constant 0 : i32
      %dma_wait3A_414 = arith.constant 0 : i32
      %dma_wait3A_415 = tpu.memref_slice %arg2[%dma_wait3A_413, %dma_wait3A_414] : memref<83968x24xf32, #tpu.memory_space<hbm>> -> memref<64x24xf32, #tpu.memory_space<hbm>>
      %dma_wait3A_416 = arith.constant 0 : i32
      %dma_wait3A_417 = arith.constant 0 : i32
      %dma_wait3A_418 = tpu.memref_slice %arg2[%dma_wait3A_416, %dma_wait3A_417] : memref<83968x24xf32, #tpu.memory_space<hbm>> -> memref<64x24xf32, #tpu.memory_space<hbm>>
      tpu.wait_dma2 semaphore(%arg20 : memref<!tpu.dma_semaphore, #tpu.memory_space<semaphore_mem>>) src(%dma_wait3A_418 : memref<64x24xf32, #tpu.memory_space<hbm>>) dst(%arg11 : memref<64x24xf32, #tpu.memory_space<vmem>>)
      %dma_start3A_419 = arith.constant 1 : i32
      %dma_start3A_420 = arith.constant 0 : i32
      %dma_start3A_421 = tpu.memref_slice %arg8[%dma_start3A_419, %dma_start3A_420] : memref<4x128xi32, #tpu.memory_space<vmem>> -> memref<1x64xi32, #tpu.memory_space<vmem>>
      %dma_start3A_422 = tpu.memref_squeeze %dma_start3A_421 : memref<1x64xi32, #tpu.memory_space<vmem>> -> memref<64xi32, #tpu.memory_space<vmem>>
      %dma_start3A_423 = arith.constant 0 : i32
      %dma_start3A_424 = arith.constant 0 : i32
      %dma_start3A_425 = tpu.memref_slice %arg2[%dma_start3A_423, %dma_start3A_424] : memref<83968x24xf32, #tpu.memory_space<hbm>> -> memref<83968x24xf32, #tpu.memory_space<hbm>>
      tpu.enqueue_indirect_dma source(%dma_start3A_425 : memref<83968x24xf32, #tpu.memory_space<hbm>>) target(%arg11 : memref<64x24xf32, #tpu.memory_space<vmem>>) offsets(%dma_start3A_422 : memref<64xi32, #tpu.memory_space<vmem>>) semaphore(%arg18 : memref<!tpu.dma_semaphore, #tpu.memory_space<semaphore_mem>>)
      %dma_wait3A_426 = arith.constant 0 : i32
      %dma_wait3A_427 = arith.constant 0 : i32
      %dma_wait3A_428 = tpu.memref_slice %arg2[%dma_wait3A_426, %dma_wait3A_427] : memref<83968x24xf32, #tpu.memory_space<hbm>> -> memref<64x24xf32, #tpu.memory_space<hbm>>
      %dma_wait3A_429 = arith.constant 0 : i32
      %dma_wait3A_430 = arith.constant 0 : i32
      %dma_wait3A_431 = tpu.memref_slice %arg2[%dma_wait3A_429, %dma_wait3A_430] : memref<83968x24xf32, #tpu.memory_space<hbm>> -> memref<64x24xf32, #tpu.memory_space<hbm>>
      tpu.wait_dma2 semaphore(%arg21 : memref<!tpu.dma_semaphore, #tpu.memory_space<semaphore_mem>>) src(%dma_wait3A_431 : memref<64x24xf32, #tpu.memory_space<hbm>>) dst(%arg12 : memref<64x24xf32, #tpu.memory_space<vmem>>)
      %dma_start3A_432 = arith.constant 1 : i32
      %dma_start3A_433 = arith.constant 64 : i32
      %dma_start3A_434 = tpu.memref_slice %arg8[%dma_start3A_432, %dma_start3A_433] : memref<4x128xi32, #tpu.memory_space<vmem>> -> memref<1x64xi32, #tpu.memory_space<vmem>>
      %dma_start3A_435 = tpu.memref_squeeze %dma_start3A_434 : memref<1x64xi32, #tpu.memory_space<vmem>> -> memref<64xi32, #tpu.memory_space<vmem>>
      %dma_start3A_436 = arith.constant 0 : i32
      %dma_start3A_437 = arith.constant 0 : i32
      %dma_start3A_438 = tpu.memref_slice %arg2[%dma_start3A_436, %dma_start3A_437] : memref<83968x24xf32, #tpu.memory_space<hbm>> -> memref<83968x24xf32, #tpu.memory_space<hbm>>
      tpu.enqueue_indirect_dma source(%dma_start3A_438 : memref<83968x24xf32, #tpu.memory_space<hbm>>) target(%arg12 : memref<64x24xf32, #tpu.memory_space<vmem>>) offsets(%dma_start3A_435 : memref<64xi32, #tpu.memory_space<vmem>>) semaphore(%arg19 : memref<!tpu.dma_semaphore, #tpu.memory_space<semaphore_mem>>)
      %dma_wait3A_439 = arith.constant 0 : i32
      %dma_wait3A_440 = arith.constant 0 : i32
      %dma_wait3A_441 = tpu.memref_slice %arg2[%dma_wait3A_439, %dma_wait3A_440] : memref<83968x24xf32, #tpu.memory_space<hbm>> -> memref<64x24xf32, #tpu.memory_space<hbm>>
      %dma_wait3A_442 = arith.constant 0 : i32
      %dma_wait3A_443 = arith.constant 0 : i32
      %dma_wait3A_444 = tpu.memref_slice %arg2[%dma_wait3A_442, %dma_wait3A_443] : memref<83968x24xf32, #tpu.memory_space<hbm>> -> memref<64x24xf32, #tpu.memory_space<hbm>>
      tpu.wait_dma2 semaphore(%arg18 : memref<!tpu.dma_semaphore, #tpu.memory_space<semaphore_mem>>) src(%dma_wait3A_444 : memref<64x24xf32, #tpu.memory_space<hbm>>) dst(%arg11 : memref<64x24xf32, #tpu.memory_space<vmem>>)
      %dma_start3A_445 = arith.constant 2 : i32
      %dma_start3A_446 = arith.constant 0 : i32
      %dma_start3A_447 = tpu.memref_slice %arg10[%dma_start3A_445, %dma_start3A_446] : memref<8x64xi32, #tpu.memory_space<vmem>> -> memref<1x64xi32, #tpu.memory_space<vmem>>
      %dma_start3A_448 = tpu.memref_squeeze %dma_start3A_447 : memref<1x64xi32, #tpu.memory_space<vmem>> -> memref<64xi32, #tpu.memory_space<vmem>>
      %dma_start3A_449 = arith.constant 0 : i32
      %dma_start3A_450 = arith.constant 0 : i32
      %dma_start3A_451 = tpu.memref_slice %arg13[%dma_start3A_449, %dma_start3A_450] : memref<83968x24xf32, #tpu.memory_space<vmem_shared>> -> memref<83968x24xf32, #tpu.memory_space<vmem_shared>>
      tpu.enqueue_indirect_dma source(%arg11 : memref<64x24xf32, #tpu.memory_space<vmem>>) target(%dma_start3A_451 : memref<83968x24xf32, #tpu.memory_space<vmem_shared>>) offsets(%dma_start3A_448 : memref<64xi32, #tpu.memory_space<vmem>>) semaphore(%arg20 : memref<!tpu.dma_semaphore, #tpu.memory_space<semaphore_mem>>) {add = true}
      %dma_wait3A_452 = arith.constant 0 : i32
      %dma_wait3A_453 = arith.constant 0 : i32
      %dma_wait3A_454 = tpu.memref_slice %arg2[%dma_wait3A_452, %dma_wait3A_453] : memref<83968x24xf32, #tpu.memory_space<hbm>> -> memref<64x24xf32, #tpu.memory_space<hbm>>
      %dma_wait3A_455 = arith.constant 0 : i32
      %dma_wait3A_456 = arith.constant 0 : i32
      %dma_wait3A_457 = tpu.memref_slice %arg2[%dma_wait3A_455, %dma_wait3A_456] : memref<83968x24xf32, #tpu.memory_space<hbm>> -> memref<64x24xf32, #tpu.memory_space<hbm>>
      tpu.wait_dma2 semaphore(%arg19 : memref<!tpu.dma_semaphore, #tpu.memory_space<semaphore_mem>>) src(%dma_wait3A_457 : memref<64x24xf32, #tpu.memory_space<hbm>>) dst(%arg12 : memref<64x24xf32, #tpu.memory_space<vmem>>)
      %dma_start3A_458 = arith.constant 3 : i32
      %dma_start3A_459 = arith.constant 0 : i32
      %dma_start3A_460 = tpu.memref_slice %arg10[%dma_start3A_458, %dma_start3A_459] : memref<8x64xi32, #tpu.memory_space<vmem>> -> memref<1x64xi32, #tpu.memory_space<vmem>>
      %dma_start3A_461 = tpu.memref_squeeze %dma_start3A_460 : memref<1x64xi32, #tpu.memory_space<vmem>> -> memref<64xi32, #tpu.memory_space<vmem>>
      %dma_start3A_462 = arith.constant 0 : i32
      %dma_start3A_463 = arith.constant 0 : i32
      %dma_start3A_464 = tpu.memref_slice %arg13[%dma_start3A_462, %dma_start3A_463] : memref<83968x24xf32, #tpu.memory_space<vmem_shared>> -> memref<83968x24xf32, #tpu.memory_space<vmem_shared>>
      tpu.enqueue_indirect_dma source(%arg12 : memref<64x24xf32, #tpu.memory_space<vmem>>) target(%dma_start3A_464 : memref<83968x24xf32, #tpu.memory_space<vmem_shared>>) offsets(%dma_start3A_461 : memref<64xi32, #tpu.memory_space<vmem>>) semaphore(%arg21 : memref<!tpu.dma_semaphore, #tpu.memory_space<semaphore_mem>>) {add = true}
      %mul3A_465 = arith.constant 8 : i32
      %mul3A_466 = arith.muli %scan3A_64, %mul3A_465 : i32
      %add3A_467 = arith.constant 6 : i32
      %add3A_468 = arith.addi %mul3A_466, %add3A_467 : i32
      %dma_wait3A_469 = arith.constant 0 : i32
      %dma_wait3A_470 = arith.constant 0 : i32
      %dma_wait3A_471 = tpu.memref_slice %arg2[%dma_wait3A_469, %dma_wait3A_470] : memref<83968x24xf32, #tpu.memory_space<hbm>> -> memref<64x24xf32, #tpu.memory_space<hbm>>
      %dma_wait3A_472 = arith.constant 0 : i32
      %dma_wait3A_473 = arith.constant 0 : i32
      %dma_wait3A_474 = tpu.memref_slice %arg2[%dma_wait3A_472, %dma_wait3A_473] : memref<83968x24xf32, #tpu.memory_space<hbm>> -> memref<64x24xf32, #tpu.memory_space<hbm>>
      tpu.wait_dma2 semaphore(%arg20 : memref<!tpu.dma_semaphore, #tpu.memory_space<semaphore_mem>>) src(%dma_wait3A_474 : memref<64x24xf32, #tpu.memory_space<hbm>>) dst(%arg11 : memref<64x24xf32, #tpu.memory_space<vmem>>)
      %dma_start3A_475 = arith.constant 2 : i32
      %dma_start3A_476 = arith.constant 0 : i32
      %dma_start3A_477 = tpu.memref_slice %arg8[%dma_start3A_475, %dma_start3A_476] : memref<4x128xi32, #tpu.memory_space<vmem>> -> memref<1x64xi32, #tpu.memory_space<vmem>>
      %dma_start3A_478 = tpu.memref_squeeze %dma_start3A_477 : memref<1x64xi32, #tpu.memory_space<vmem>> -> memref<64xi32, #tpu.memory_space<vmem>>
      %dma_start3A_479 = arith.constant 0 : i32
      %dma_start3A_480 = arith.constant 0 : i32
      %dma_start3A_481 = tpu.memref_slice %arg2[%dma_start3A_479, %dma_start3A_480] : memref<83968x24xf32, #tpu.memory_space<hbm>> -> memref<83968x24xf32, #tpu.memory_space<hbm>>
      tpu.enqueue_indirect_dma source(%dma_start3A_481 : memref<83968x24xf32, #tpu.memory_space<hbm>>) target(%arg11 : memref<64x24xf32, #tpu.memory_space<vmem>>) offsets(%dma_start3A_478 : memref<64xi32, #tpu.memory_space<vmem>>) semaphore(%arg18 : memref<!tpu.dma_semaphore, #tpu.memory_space<semaphore_mem>>)
      %dma_wait3A_482 = arith.constant 0 : i32
      %dma_wait3A_483 = arith.constant 0 : i32
      %dma_wait3A_484 = tpu.memref_slice %arg2[%dma_wait3A_482, %dma_wait3A_483] : memref<83968x24xf32, #tpu.memory_space<hbm>> -> memref<64x24xf32, #tpu.memory_space<hbm>>
      %dma_wait3A_485 = arith.constant 0 : i32
      %dma_wait3A_486 = arith.constant 0 : i32
      %dma_wait3A_487 = tpu.memref_slice %arg2[%dma_wait3A_485, %dma_wait3A_486] : memref<83968x24xf32, #tpu.memory_space<hbm>> -> memref<64x24xf32, #tpu.memory_space<hbm>>
      tpu.wait_dma2 semaphore(%arg21 : memref<!tpu.dma_semaphore, #tpu.memory_space<semaphore_mem>>) src(%dma_wait3A_487 : memref<64x24xf32, #tpu.memory_space<hbm>>) dst(%arg12 : memref<64x24xf32, #tpu.memory_space<vmem>>)
      %dma_start3A_488 = arith.constant 2 : i32
      %dma_start3A_489 = arith.constant 64 : i32
      %dma_start3A_490 = tpu.memref_slice %arg8[%dma_start3A_488, %dma_start3A_489] : memref<4x128xi32, #tpu.memory_space<vmem>> -> memref<1x64xi32, #tpu.memory_space<vmem>>
      %dma_start3A_491 = tpu.memref_squeeze %dma_start3A_490 : memref<1x64xi32, #tpu.memory_space<vmem>> -> memref<64xi32, #tpu.memory_space<vmem>>
      %dma_start3A_492 = arith.constant 0 : i32
      %dma_start3A_493 = arith.constant 0 : i32
      %dma_start3A_494 = tpu.memref_slice %arg2[%dma_start3A_492, %dma_start3A_493] : memref<83968x24xf32, #tpu.memory_space<hbm>> -> memref<83968x24xf32, #tpu.memory_space<hbm>>
      tpu.enqueue_indirect_dma source(%dma_start3A_494 : memref<83968x24xf32, #tpu.memory_space<hbm>>) target(%arg12 : memref<64x24xf32, #tpu.memory_space<vmem>>) offsets(%dma_start3A_491 : memref<64xi32, #tpu.memory_space<vmem>>) semaphore(%arg19 : memref<!tpu.dma_semaphore, #tpu.memory_space<semaphore_mem>>)
      %dma_wait3A_495 = arith.constant 0 : i32
      %dma_wait3A_496 = arith.constant 0 : i32
      %dma_wait3A_497 = tpu.memref_slice %arg2[%dma_wait3A_495, %dma_wait3A_496] : memref<83968x24xf32, #tpu.memory_space<hbm>> -> memref<64x24xf32, #tpu.memory_space<hbm>>
      %dma_wait3A_498 = arith.constant 0 : i32
      %dma_wait3A_499 = arith.constant 0 : i32
      %dma_wait3A_500 = tpu.memref_slice %arg2[%dma_wait3A_498, %dma_wait3A_499] : memref<83968x24xf32, #tpu.memory_space<hbm>> -> memref<64x24xf32, #tpu.memory_space<hbm>>
      tpu.wait_dma2 semaphore(%arg18 : memref<!tpu.dma_semaphore, #tpu.memory_space<semaphore_mem>>) src(%dma_wait3A_500 : memref<64x24xf32, #tpu.memory_space<hbm>>) dst(%arg11 : memref<64x24xf32, #tpu.memory_space<vmem>>)
      %dma_start3A_501 = arith.constant 4 : i32
      %dma_start3A_502 = arith.constant 0 : i32
      %dma_start3A_503 = tpu.memref_slice %arg10[%dma_start3A_501, %dma_start3A_502] : memref<8x64xi32, #tpu.memory_space<vmem>> -> memref<1x64xi32, #tpu.memory_space<vmem>>
      %dma_start3A_504 = tpu.memref_squeeze %dma_start3A_503 : memref<1x64xi32, #tpu.memory_space<vmem>> -> memref<64xi32, #tpu.memory_space<vmem>>
      %dma_start3A_505 = arith.constant 0 : i32
      %dma_start3A_506 = arith.constant 0 : i32
      %dma_start3A_507 = tpu.memref_slice %arg13[%dma_start3A_505, %dma_start3A_506] : memref<83968x24xf32, #tpu.memory_space<vmem_shared>> -> memref<83968x24xf32, #tpu.memory_space<vmem_shared>>
      tpu.enqueue_indirect_dma source(%arg11 : memref<64x24xf32, #tpu.memory_space<vmem>>) target(%dma_start3A_507 : memref<83968x24xf32, #tpu.memory_space<vmem_shared>>) offsets(%dma_start3A_504 : memref<64xi32, #tpu.memory_space<vmem>>) semaphore(%arg20 : memref<!tpu.dma_semaphore, #tpu.memory_space<semaphore_mem>>) {add = true}
      %dma_wait3A_508 = arith.constant 0 : i32
      %dma_wait3A_509 = arith.constant 0 : i32
      %dma_wait3A_510 = tpu.memref_slice %arg2[%dma_wait3A_508, %dma_wait3A_509] : memref<83968x24xf32, #tpu.memory_space<hbm>> -> memref<64x24xf32, #tpu.memory_space<hbm>>
      %dma_wait3A_511 = arith.constant 0 : i32
      %dma_wait3A_512 = arith.constant 0 : i32
      %dma_wait3A_513 = tpu.memref_slice %arg2[%dma_wait3A_511, %dma_wait3A_512] : memref<83968x24xf32, #tpu.memory_space<hbm>> -> memref<64x24xf32, #tpu.memory_space<hbm>>
      tpu.wait_dma2 semaphore(%arg19 : memref<!tpu.dma_semaphore, #tpu.memory_space<semaphore_mem>>) src(%dma_wait3A_513 : memref<64x24xf32, #tpu.memory_space<hbm>>) dst(%arg12 : memref<64x24xf32, #tpu.memory_space<vmem>>)
      %dma_start3A_514 = arith.constant 5 : i32
      %dma_start3A_515 = arith.constant 0 : i32
      %dma_start3A_516 = tpu.memref_slice %arg10[%dma_start3A_514, %dma_start3A_515] : memref<8x64xi32, #tpu.memory_space<vmem>> -> memref<1x64xi32, #tpu.memory_space<vmem>>
      %dma_start3A_517 = tpu.memref_squeeze %dma_start3A_516 : memref<1x64xi32, #tpu.memory_space<vmem>> -> memref<64xi32, #tpu.memory_space<vmem>>
      %dma_start3A_518 = arith.constant 0 : i32
      %dma_start3A_519 = arith.constant 0 : i32
      %dma_start3A_520 = tpu.memref_slice %arg13[%dma_start3A_518, %dma_start3A_519] : memref<83968x24xf32, #tpu.memory_space<vmem_shared>> -> memref<83968x24xf32, #tpu.memory_space<vmem_shared>>
      tpu.enqueue_indirect_dma source(%arg12 : memref<64x24xf32, #tpu.memory_space<vmem>>) target(%dma_start3A_520 : memref<83968x24xf32, #tpu.memory_space<vmem_shared>>) offsets(%dma_start3A_517 : memref<64xi32, #tpu.memory_space<vmem>>) semaphore(%arg21 : memref<!tpu.dma_semaphore, #tpu.memory_space<semaphore_mem>>) {add = true}
      %mul3A_521 = arith.constant 8 : i32
      %mul3A_522 = arith.muli %scan3A_64, %mul3A_521 : i32
      %add3A_523 = arith.constant 7 : i32
      %add3A_524 = arith.addi %mul3A_522, %add3A_523 : i32
      %dma_wait3A_525 = arith.constant 0 : i32
      %dma_wait3A_526 = arith.constant 0 : i32
      %dma_wait3A_527 = tpu.memref_slice %arg2[%dma_wait3A_525, %dma_wait3A_526] : memref<83968x24xf32, #tpu.memory_space<hbm>> -> memref<64x24xf32, #tpu.memory_space<hbm>>
      %dma_wait3A_528 = arith.constant 0 : i32
      %dma_wait3A_529 = arith.constant 0 : i32
      %dma_wait3A_530 = tpu.memref_slice %arg2[%dma_wait3A_528, %dma_wait3A_529] : memref<83968x24xf32, #tpu.memory_space<hbm>> -> memref<64x24xf32, #tpu.memory_space<hbm>>
      tpu.wait_dma2 semaphore(%arg20 : memref<!tpu.dma_semaphore, #tpu.memory_space<semaphore_mem>>) src(%dma_wait3A_530 : memref<64x24xf32, #tpu.memory_space<hbm>>) dst(%arg11 : memref<64x24xf32, #tpu.memory_space<vmem>>)
      %dma_start3A_531 = arith.constant 3 : i32
      %dma_start3A_532 = arith.constant 0 : i32
      %dma_start3A_533 = tpu.memref_slice %arg8[%dma_start3A_531, %dma_start3A_532] : memref<4x128xi32, #tpu.memory_space<vmem>> -> memref<1x64xi32, #tpu.memory_space<vmem>>
      %dma_start3A_534 = tpu.memref_squeeze %dma_start3A_533 : memref<1x64xi32, #tpu.memory_space<vmem>> -> memref<64xi32, #tpu.memory_space<vmem>>
      %dma_start3A_535 = arith.constant 0 : i32
      %dma_start3A_536 = arith.constant 0 : i32
      %dma_start3A_537 = tpu.memref_slice %arg2[%dma_start3A_535, %dma_start3A_536] : memref<83968x24xf32, #tpu.memory_space<hbm>> -> memref<83968x24xf32, #tpu.memory_space<hbm>>
      tpu.enqueue_indirect_dma source(%dma_start3A_537 : memref<83968x24xf32, #tpu.memory_space<hbm>>) target(%arg11 : memref<64x24xf32, #tpu.memory_space<vmem>>) offsets(%dma_start3A_534 : memref<64xi32, #tpu.memory_space<vmem>>) semaphore(%arg18 : memref<!tpu.dma_semaphore, #tpu.memory_space<semaphore_mem>>)
      %dma_wait3A_538 = arith.constant 0 : i32
      %dma_wait3A_539 = arith.constant 0 : i32
      %dma_wait3A_540 = tpu.memref_slice %arg2[%dma_wait3A_538, %dma_wait3A_539] : memref<83968x24xf32, #tpu.memory_space<hbm>> -> memref<64x24xf32, #tpu.memory_space<hbm>>
      %dma_wait3A_541 = arith.constant 0 : i32
      %dma_wait3A_542 = arith.constant 0 : i32
      %dma_wait3A_543 = tpu.memref_slice %arg2[%dma_wait3A_541, %dma_wait3A_542] : memref<83968x24xf32, #tpu.memory_space<hbm>> -> memref<64x24xf32, #tpu.memory_space<hbm>>
      tpu.wait_dma2 semaphore(%arg21 : memref<!tpu.dma_semaphore, #tpu.memory_space<semaphore_mem>>) src(%dma_wait3A_543 : memref<64x24xf32, #tpu.memory_space<hbm>>) dst(%arg12 : memref<64x24xf32, #tpu.memory_space<vmem>>)
      %dma_start3A_544 = arith.constant 3 : i32
      %dma_start3A_545 = arith.constant 64 : i32
      %dma_start3A_546 = tpu.memref_slice %arg8[%dma_start3A_544, %dma_start3A_545] : memref<4x128xi32, #tpu.memory_space<vmem>> -> memref<1x64xi32, #tpu.memory_space<vmem>>
      %dma_start3A_547 = tpu.memref_squeeze %dma_start3A_546 : memref<1x64xi32, #tpu.memory_space<vmem>> -> memref<64xi32, #tpu.memory_space<vmem>>
      %dma_start3A_548 = arith.constant 0 : i32
      %dma_start3A_549 = arith.constant 0 : i32
      %dma_start3A_550 = tpu.memref_slice %arg2[%dma_start3A_548, %dma_start3A_549] : memref<83968x24xf32, #tpu.memory_space<hbm>> -> memref<83968x24xf32, #tpu.memory_space<hbm>>
      tpu.enqueue_indirect_dma source(%dma_start3A_550 : memref<83968x24xf32, #tpu.memory_space<hbm>>) target(%arg12 : memref<64x24xf32, #tpu.memory_space<vmem>>) offsets(%dma_start3A_547 : memref<64xi32, #tpu.memory_space<vmem>>) semaphore(%arg19 : memref<!tpu.dma_semaphore, #tpu.memory_space<semaphore_mem>>)
      %dma_wait3A_551 = arith.constant 0 : i32
      %dma_wait3A_552 = arith.constant 0 : i32
      %dma_wait3A_553 = tpu.memref_slice %arg2[%dma_wait3A_551, %dma_wait3A_552] : memref<83968x24xf32, #tpu.memory_space<hbm>> -> memref<64x24xf32, #tpu.memory_space<hbm>>
      %dma_wait3A_554 = arith.constant 0 : i32
      %dma_wait3A_555 = arith.constant 0 : i32
      %dma_wait3A_556 = tpu.memref_slice %arg2[%dma_wait3A_554, %dma_wait3A_555] : memref<83968x24xf32, #tpu.memory_space<hbm>> -> memref<64x24xf32, #tpu.memory_space<hbm>>
      tpu.wait_dma2 semaphore(%arg18 : memref<!tpu.dma_semaphore, #tpu.memory_space<semaphore_mem>>) src(%dma_wait3A_556 : memref<64x24xf32, #tpu.memory_space<hbm>>) dst(%arg11 : memref<64x24xf32, #tpu.memory_space<vmem>>)
      %dma_start3A_557 = arith.constant 6 : i32
      %dma_start3A_558 = arith.constant 0 : i32
      %dma_start3A_559 = tpu.memref_slice %arg10[%dma_start3A_557, %dma_start3A_558] : memref<8x64xi32, #tpu.memory_space<vmem>> -> memref<1x64xi32, #tpu.memory_space<vmem>>
      %dma_start3A_560 = tpu.memref_squeeze %dma_start3A_559 : memref<1x64xi32, #tpu.memory_space<vmem>> -> memref<64xi32, #tpu.memory_space<vmem>>
      %dma_start3A_561 = arith.constant 0 : i32
      %dma_start3A_562 = arith.constant 0 : i32
      %dma_start3A_563 = tpu.memref_slice %arg13[%dma_start3A_561, %dma_start3A_562] : memref<83968x24xf32, #tpu.memory_space<vmem_shared>> -> memref<83968x24xf32, #tpu.memory_space<vmem_shared>>
      tpu.enqueue_indirect_dma source(%arg11 : memref<64x24xf32, #tpu.memory_space<vmem>>) target(%dma_start3A_563 : memref<83968x24xf32, #tpu.memory_space<vmem_shared>>) offsets(%dma_start3A_560 : memref<64xi32, #tpu.memory_space<vmem>>) semaphore(%arg20 : memref<!tpu.dma_semaphore, #tpu.memory_space<semaphore_mem>>) {add = true}
      %dma_wait3A_564 = arith.constant 0 : i32
      %dma_wait3A_565 = arith.constant 0 : i32
      %dma_wait3A_566 = tpu.memref_slice %arg2[%dma_wait3A_564, %dma_wait3A_565] : memref<83968x24xf32, #tpu.memory_space<hbm>> -> memref<64x24xf32, #tpu.memory_space<hbm>>
      %dma_wait3A_567 = arith.constant 0 : i32
      %dma_wait3A_568 = arith.constant 0 : i32
      %dma_wait3A_569 = tpu.memref_slice %arg2[%dma_wait3A_567, %dma_wait3A_568] : memref<83968x24xf32, #tpu.memory_space<hbm>> -> memref<64x24xf32, #tpu.memory_space<hbm>>
      tpu.wait_dma2 semaphore(%arg19 : memref<!tpu.dma_semaphore, #tpu.memory_space<semaphore_mem>>) src(%dma_wait3A_569 : memref<64x24xf32, #tpu.memory_space<hbm>>) dst(%arg12 : memref<64x24xf32, #tpu.memory_space<vmem>>)
      %dma_start3A_570 = arith.constant 7 : i32
      %dma_start3A_571 = arith.constant 0 : i32
      %dma_start3A_572 = tpu.memref_slice %arg10[%dma_start3A_570, %dma_start3A_571] : memref<8x64xi32, #tpu.memory_space<vmem>> -> memref<1x64xi32, #tpu.memory_space<vmem>>
      %dma_start3A_573 = tpu.memref_squeeze %dma_start3A_572 : memref<1x64xi32, #tpu.memory_space<vmem>> -> memref<64xi32, #tpu.memory_space<vmem>>
      %dma_start3A_574 = arith.constant 0 : i32
      %dma_start3A_575 = arith.constant 0 : i32
      %dma_start3A_576 = tpu.memref_slice %arg13[%dma_start3A_574, %dma_start3A_575] : memref<83968x24xf32, #tpu.memory_space<vmem_shared>> -> memref<83968x24xf32, #tpu.memory_space<vmem_shared>>
      tpu.enqueue_indirect_dma source(%arg12 : memref<64x24xf32, #tpu.memory_space<vmem>>) target(%dma_start3A_576 : memref<83968x24xf32, #tpu.memory_space<vmem_shared>>) offsets(%dma_start3A_573 : memref<64xi32, #tpu.memory_space<vmem>>) semaphore(%arg21 : memref<!tpu.dma_semaphore, #tpu.memory_space<semaphore_mem>>) {add = true}
    }
    %scan3A_47 = arith.constant 82 : i32
    %dma_wait3A = arith.constant 0 : i32
    %dma_wait3A_48 = arith.constant 0 : i32
    %dma_wait3A_49 = tpu.memref_slice %arg2[%dma_wait3A, %dma_wait3A_48] : memref<83968x24xf32, #tpu.memory_space<hbm>> -> memref<64x24xf32, #tpu.memory_space<hbm>>
    %dma_wait3A_50 = arith.constant 0 : i32
    %dma_wait3A_51 = arith.constant 0 : i32
    %dma_wait3A_52 = tpu.memref_slice %arg2[%dma_wait3A_50, %dma_wait3A_51] : memref<83968x24xf32, #tpu.memory_space<hbm>> -> memref<64x24xf32, #tpu.memory_space<hbm>>
    tpu.wait_dma2 semaphore(%arg20 : memref<!tpu.dma_semaphore, #tpu.memory_space<semaphore_mem>>) src(%dma_wait3A_52 : memref<64x24xf32, #tpu.memory_space<hbm>>) dst(%arg11 : memref<64x24xf32, #tpu.memory_space<vmem>>)
    %dma_wait3A_53 = arith.constant 0 : i32
    %dma_wait3A_54 = arith.constant 0 : i32
    %dma_wait3A_55 = tpu.memref_slice %arg2[%dma_wait3A_53, %dma_wait3A_54] : memref<83968x24xf32, #tpu.memory_space<hbm>> -> memref<64x24xf32, #tpu.memory_space<hbm>>
    %dma_wait3A_56 = arith.constant 0 : i32
    %dma_wait3A_57 = arith.constant 0 : i32
    %dma_wait3A_58 = tpu.memref_slice %arg2[%dma_wait3A_56, %dma_wait3A_57] : memref<83968x24xf32, #tpu.memory_space<hbm>> -> memref<64x24xf32, #tpu.memory_space<hbm>>
    tpu.wait_dma2 semaphore(%arg21 : memref<!tpu.dma_semaphore, #tpu.memory_space<semaphore_mem>>) src(%dma_wait3A_58 : memref<64x24xf32, #tpu.memory_space<hbm>>) dst(%arg12 : memref<64x24xf32, #tpu.memory_space<vmem>>)
    %barrier3A_59 = arith.constant 0 : index
    tpu.barrier barrier_id(%barrier3A_59)
    %mul3A_60 = arith.constant 83968 : i32
    %mul3A_61 = arith.muli %arg0, %mul3A_60 : i32
    %add3A_62 = arith.addi %mul3A_61, %multiple_of3A : i32
    %multiple_of3A_63 = tpu.assume_multiple %add3A_62, 8 : i32
    "tpu.region"() ({
      %run_scoped3A = tpu.sem_alloc : memref<!tpu.dma_semaphore, #tpu.memory_space<semaphore_mem>>
      %dma_start3A_64 = arith.constant 0 : i32
      %dma_start3A_65 = tpu.memref_slice %arg6[%multiple_of3A_63, %dma_start3A_64] : memref<167936x24xf32, #tpu.memory_space<hbm>> -> memref<5248x24xf32, #tpu.memory_space<hbm>>
      %dma_start3A_66 = arith.constant 0 : i32
      %dma_start3A_67 = tpu.memref_slice %arg13[%multiple_of3A, %dma_start3A_66] : memref<83968x24xf32, #tpu.memory_space<vmem_shared>> -> memref<5248x24xf32, #tpu.memory_space<vmem_shared>>
      tpu.enqueue_dma source(%dma_start3A_67 : memref<5248x24xf32, #tpu.memory_space<vmem_shared>>) target(%dma_start3A_65 : memref<5248x24xf32, #tpu.memory_space<hbm>>) target_semaphore(%run_scoped3A : memref<!tpu.dma_semaphore, #tpu.memory_space<semaphore_mem>>)
      %dma_wait3A_68 = arith.constant 0 : i32
      %dma_wait3A_69 = tpu.memref_slice %arg6[%multiple_of3A_63, %dma_wait3A_68] : memref<167936x24xf32, #tpu.memory_space<hbm>> -> memref<5248x24xf32, #tpu.memory_space<hbm>>
      %dma_wait3A_70 = arith.constant 0 : i32
      %dma_wait3A_71 = tpu.memref_slice %arg13[%multiple_of3A, %dma_wait3A_70] : memref<83968x24xf32, #tpu.memory_space<vmem_shared>> -> memref<5248x24xf32, #tpu.memory_space<vmem_shared>>
      tpu.wait_dma2 semaphore(%run_scoped3A : memref<!tpu.dma_semaphore, #tpu.memory_space<semaphore_mem>>) src(%dma_wait3A_71 : memref<5248x24xf32, #tpu.memory_space<vmem_shared>>) dst(%dma_wait3A_69 : memref<5248x24xf32, #tpu.memory_space<hbm>>)
      tpu.yield
    }) : () -> ()
    return
  }
}

#map = affine_map<(d0, d1) -> (0, 0)>
#map1 = affine_map<(d0, d1) -> (0)>
module attributes {stable_mosaic.version = 14 : i64} {
  func.func @k(%arg0: i32, %arg1: i32, %arg2: memref<20992x128xi32, #tpu.memory_space<hbm>>, %arg3: memref<167936xf32, #tpu.memory_space<hbm>>, %arg4: memref<8x128xi32, #tpu.memory_space<vmem>>, %arg5: memref<8x128xi32, #tpu.memory_space<vmem>>, %arg6: memref<128xf32, #tpu.memory_space<vmem>>, %arg7: memref<1312xf32, #tpu.memory_space<vmem>>, %arg8: memref<83968xf32, #tpu.memory_space<vmem_shared>>, %arg9: memref<!tpu.dma_semaphore, #tpu.memory_space<semaphore_mem>>, %arg10: memref<!tpu.dma_semaphore, #tpu.memory_space<semaphore_mem>>, %arg11: memref<!tpu.dma_semaphore, #tpu.memory_space<semaphore_mem>>, %arg12: memref<!tpu.dma_semaphore, #tpu.memory_space<semaphore_mem>>) attributes {dimension_semantics = [#tpu.dimension_semantics<core_parallel>, #tpu.dimension_semantics<subcore_parallel>], iteration_bounds = array<i64: 2, 16>, scalar_prefetch = 0 : i64, scratch_operands = 9 : i64, tpu.core_type = #tpu.core_type<sc_vector_subcore>, window_params = [{transform_indices = #map}, {transform_indices = #map1}]} {
    %mul3A = arith.constant 2 : i32
    %mul3A_0 = arith.muli %arg1, %mul3A : i32
    %add3A = arith.addi %mul3A_0, %arg0 : i32
    %broadcast_in_dim3A = arith.constant 0.000000e+00 : f32
    %broadcast_in_dim3A_1 = vector.broadcast %broadcast_in_dim3A : f32 to vector<16xf32>
    %swap3A = arith.constant 0 : index
    %swap3A_2 = tpu.vector_load %arg7[%swap3A] {strides = array<i32>} : memref<1312xf32, #tpu.memory_space<vmem>>, vector<16xf32>,
    %swap3A_3 = vector.shape_cast %swap3A_2 : vector<16xf32> to vector<16xf32>
    %swap3A_4 = vector.shape_cast %broadcast_in_dim3A_1 : vector<16xf32> to vector<16xf32>
    tpu.vector_store %arg7[%swap3A], %swap3A_4 {strides = array<i32>} : memref<1312xf32, #tpu.memory_space<vmem>>, vector<16xf32>,
    %broadcast_in_dim3A_5 = arith.constant 0.000000e+00 : f32
    %broadcast_in_dim3A_6 = vector.broadcast %broadcast_in_dim3A_5 : f32 to vector<16xf32>
    %swap3A_7 = arith.constant 16 : index
    %swap3A_8 = tpu.vector_load %arg7[%swap3A_7] {strides = array<i32>} : memref<1312xf32, #tpu.memory_space<vmem>>, vector<16xf32>,
    %swap3A_9 = vector.shape_cast %swap3A_8 : vector<16xf32> to vector<16xf32>
    %swap3A_10 = vector.shape_cast %broadcast_in_dim3A_6 : vector<16xf32> to vector<16xf32>
    tpu.vector_store %arg7[%swap3A_7], %swap3A_10 {strides = array<i32>} : memref<1312xf32, #tpu.memory_space<vmem>>, vector<16xf32>,
    %broadcast_in_dim3A_11 = arith.constant 0.000000e+00 : f32
    %broadcast_in_dim3A_12 = vector.broadcast %broadcast_in_dim3A_11 : f32 to vector<16xf32>
    %swap3A_13 = arith.constant 32 : index
    %swap3A_14 = tpu.vector_load %arg7[%swap3A_13] {strides = array<i32>} : memref<1312xf32, #tpu.memory_space<vmem>>, vector<16xf32>,
    %swap3A_15 = vector.shape_cast %swap3A_14 : vector<16xf32> to vector<16xf32>
    %swap3A_16 = vector.shape_cast %broadcast_in_dim3A_12 : vector<16xf32> to vector<16xf32>
    tpu.vector_store %arg7[%swap3A_13], %swap3A_16 {strides = array<i32>} : memref<1312xf32, #tpu.memory_space<vmem>>, vector<16xf32>,
    %broadcast_in_dim3A_17 = arith.constant 0.000000e+00 : f32
    %broadcast_in_dim3A_18 = vector.broadcast %broadcast_in_dim3A_17 : f32 to vector<16xf32>
    %swap3A_19 = arith.constant 48 : index
    %swap3A_20 = tpu.vector_load %arg7[%swap3A_19] {strides = array<i32>} : memref<1312xf32, #tpu.memory_space<vmem>>, vector<16xf32>,
    %swap3A_21 = vector.shape_cast %swap3A_20 : vector<16xf32> to vector<16xf32>
    %swap3A_22 = vector.shape_cast %broadcast_in_dim3A_18 : vector<16xf32> to vector<16xf32>
    tpu.vector_store %arg7[%swap3A_19], %swap3A_22 {strides = array<i32>} : memref<1312xf32, #tpu.memory_space<vmem>>, vector<16xf32>,
    %broadcast_in_dim3A_23 = arith.constant 0.000000e+00 : f32
    %broadcast_in_dim3A_24 = vector.broadcast %broadcast_in_dim3A_23 : f32 to vector<16xf32>
    %swap3A_25 = arith.constant 64 : index
    %swap3A_26 = tpu.vector_load %arg7[%swap3A_25] {strides = array<i32>} : memref<1312xf32, #tpu.memory_space<vmem>>, vector<16xf32>,
    %swap3A_27 = vector.shape_cast %swap3A_26 : vector<16xf32> to vector<16xf32>
    %swap3A_28 = vector.shape_cast %broadcast_in_dim3A_24 : vector<16xf32> to vector<16xf32>
    tpu.vector_store %arg7[%swap3A_25], %swap3A_28 {strides = array<i32>} : memref<1312xf32, #tpu.memory_space<vmem>>, vector<16xf32>,
    %broadcast_in_dim3A_29 = arith.constant 0.000000e+00 : f32
    %broadcast_in_dim3A_30 = vector.broadcast %broadcast_in_dim3A_29 : f32 to vector<16xf32>
    %swap3A_31 = arith.constant 80 : index
    %swap3A_32 = tpu.vector_load %arg7[%swap3A_31] {strides = array<i32>} : memref<1312xf32, #tpu.memory_space<vmem>>, vector<16xf32>,
    %swap3A_33 = vector.shape_cast %swap3A_32 : vector<16xf32> to vector<16xf32>
    %swap3A_34 = vector.shape_cast %broadcast_in_dim3A_30 : vector<16xf32> to vector<16xf32>
    tpu.vector_store %arg7[%swap3A_31], %swap3A_34 {strides = array<i32>} : memref<1312xf32, #tpu.memory_space<vmem>>, vector<16xf32>,
    %broadcast_in_dim3A_35 = arith.constant 0.000000e+00 : f32
    %broadcast_in_dim3A_36 = vector.broadcast %broadcast_in_dim3A_35 : f32 to vector<16xf32>
    %swap3A_37 = arith.constant 96 : index
    %swap3A_38 = tpu.vector_load %arg7[%swap3A_37] {strides = array<i32>} : memref<1312xf32, #tpu.memory_space<vmem>>, vector<16xf32>,
    %swap3A_39 = vector.shape_cast %swap3A_38 : vector<16xf32> to vector<16xf32>
    %swap3A_40 = vector.shape_cast %broadcast_in_dim3A_36 : vector<16xf32> to vector<16xf32>
    tpu.vector_store %arg7[%swap3A_37], %swap3A_40 {strides = array<i32>} : memref<1312xf32, #tpu.memory_space<vmem>>, vector<16xf32>,
    %broadcast_in_dim3A_41 = arith.constant 0.000000e+00 : f32
    %broadcast_in_dim3A_42 = vector.broadcast %broadcast_in_dim3A_41 : f32 to vector<16xf32>
    %swap3A_43 = arith.constant 112 : index
    %swap3A_44 = tpu.vector_load %arg7[%swap3A_43] {strides = array<i32>} : memref<1312xf32, #tpu.memory_space<vmem>>, vector<16xf32>,
    %swap3A_45 = vector.shape_cast %swap3A_44 : vector<16xf32> to vector<16xf32>
    %swap3A_46 = vector.shape_cast %broadcast_in_dim3A_42 : vector<16xf32> to vector<16xf32>
    tpu.vector_store %arg7[%swap3A_43], %swap3A_46 {strides = array<i32>} : memref<1312xf32, #tpu.memory_space<vmem>>, vector<16xf32>,
    %broadcast_in_dim3A_47 = arith.constant 0.000000e+00 : f32
    %broadcast_in_dim3A_48 = vector.broadcast %broadcast_in_dim3A_47 : f32 to vector<16xf32>
    %swap3A_49 = arith.constant 128 : index
    %swap3A_50 = tpu.vector_load %arg7[%swap3A_49] {strides = array<i32>} : memref<1312xf32, #tpu.memory_space<vmem>>, vector<16xf32>,
    %swap3A_51 = vector.shape_cast %swap3A_50 : vector<16xf32> to vector<16xf32>
    %swap3A_52 = vector.shape_cast %broadcast_in_dim3A_48 : vector<16xf32> to vector<16xf32>
    tpu.vector_store %arg7[%swap3A_49], %swap3A_52 {strides = array<i32>} : memref<1312xf32, #tpu.memory_space<vmem>>, vector<16xf32>,
    %broadcast_in_dim3A_53 = arith.constant 0.000000e+00 : f32
    %broadcast_in_dim3A_54 = vector.broadcast %broadcast_in_dim3A_53 : f32 to vector<16xf32>
    %swap3A_55 = arith.constant 144 : index
    %swap3A_56 = tpu.vector_load %arg7[%swap3A_55] {strides = array<i32>} : memref<1312xf32, #tpu.memory_space<vmem>>, vector<16xf32>,
    %swap3A_57 = vector.shape_cast %swap3A_56 : vector<16xf32> to vector<16xf32>
    %swap3A_58 = vector.shape_cast %broadcast_in_dim3A_54 : vector<16xf32> to vector<16xf32>
    tpu.vector_store %arg7[%swap3A_55], %swap3A_58 {strides = array<i32>} : memref<1312xf32, #tpu.memory_space<vmem>>, vector<16xf32>,
    %broadcast_in_dim3A_59 = arith.constant 0.000000e+00 : f32
    %broadcast_in_dim3A_60 = vector.broadcast %broadcast_in_dim3A_59 : f32 to vector<16xf32>
    %swap3A_61 = arith.constant 160 : index
    %swap3A_62 = tpu.vector_load %arg7[%swap3A_61] {strides = array<i32>} : memref<1312xf32, #tpu.memory_space<vmem>>, vector<16xf32>,
    %swap3A_63 = vector.shape_cast %swap3A_62 : vector<16xf32> to vector<16xf32>
    %swap3A_64 = vector.shape_cast %broadcast_in_dim3A_60 : vector<16xf32> to vector<16xf32>
    tpu.vector_store %arg7[%swap3A_61], %swap3A_64 {strides = array<i32>} : memref<1312xf32, #tpu.memory_space<vmem>>, vector<16xf32>,
    %broadcast_in_dim3A_65 = arith.constant 0.000000e+00 : f32
    %broadcast_in_dim3A_66 = vector.broadcast %broadcast_in_dim3A_65 : f32 to vector<16xf32>
    %swap3A_67 = arith.constant 176 : index
    %swap3A_68 = tpu.vector_load %arg7[%swap3A_67] {strides = array<i32>} : memref<1312xf32, #tpu.memory_space<vmem>>, vector<16xf32>,
    %swap3A_69 = vector.shape_cast %swap3A_68 : vector<16xf32> to vector<16xf32>
    %swap3A_70 = vector.shape_cast %broadcast_in_dim3A_66 : vector<16xf32> to vector<16xf32>
    tpu.vector_store %arg7[%swap3A_67], %swap3A_70 {strides = array<i32>} : memref<1312xf32, #tpu.memory_space<vmem>>, vector<16xf32>,
    %broadcast_in_dim3A_71 = arith.constant 0.000000e+00 : f32
    %broadcast_in_dim3A_72 = vector.broadcast %broadcast_in_dim3A_71 : f32 to vector<16xf32>
    %swap3A_73 = arith.constant 192 : index
    %swap3A_74 = tpu.vector_load %arg7[%swap3A_73] {strides = array<i32>} : memref<1312xf32, #tpu.memory_space<vmem>>, vector<16xf32>,
    %swap3A_75 = vector.shape_cast %swap3A_74 : vector<16xf32> to vector<16xf32>
    %swap3A_76 = vector.shape_cast %broadcast_in_dim3A_72 : vector<16xf32> to vector<16xf32>
    tpu.vector_store %arg7[%swap3A_73], %swap3A_76 {strides = array<i32>} : memref<1312xf32, #tpu.memory_space<vmem>>, vector<16xf32>,
    %broadcast_in_dim3A_77 = arith.constant 0.000000e+00 : f32
    %broadcast_in_dim3A_78 = vector.broadcast %broadcast_in_dim3A_77 : f32 to vector<16xf32>
    %swap3A_79 = arith.constant 208 : index
    %swap3A_80 = tpu.vector_load %arg7[%swap3A_79] {strides = array<i32>} : memref<1312xf32, #tpu.memory_space<vmem>>, vector<16xf32>,
    %swap3A_81 = vector.shape_cast %swap3A_80 : vector<16xf32> to vector<16xf32>
    %swap3A_82 = vector.shape_cast %broadcast_in_dim3A_78 : vector<16xf32> to vector<16xf32>
    tpu.vector_store %arg7[%swap3A_79], %swap3A_82 {strides = array<i32>} : memref<1312xf32, #tpu.memory_space<vmem>>, vector<16xf32>,
    %broadcast_in_dim3A_83 = arith.constant 0.000000e+00 : f32
    %broadcast_in_dim3A_84 = vector.broadcast %broadcast_in_dim3A_83 : f32 to vector<16xf32>
    %swap3A_85 = arith.constant 224 : index
    %swap3A_86 = tpu.vector_load %arg7[%swap3A_85] {strides = array<i32>} : memref<1312xf32, #tpu.memory_space<vmem>>, vector<16xf32>,
    %swap3A_87 = vector.shape_cast %swap3A_86 : vector<16xf32> to vector<16xf32>
    %swap3A_88 = vector.shape_cast %broadcast_in_dim3A_84 : vector<16xf32> to vector<16xf32>
    tpu.vector_store %arg7[%swap3A_85], %swap3A_88 {strides = array<i32>} : memref<1312xf32, #tpu.memory_space<vmem>>, vector<16xf32>,
    %broadcast_in_dim3A_89 = arith.constant 0.000000e+00 : f32
    %broadcast_in_dim3A_90 = vector.broadcast %broadcast_in_dim3A_89 : f32 to vector<16xf32>
    %swap3A_91 = arith.constant 240 : index
    %swap3A_92 = tpu.vector_load %arg7[%swap3A_91] {strides = array<i32>} : memref<1312xf32, #tpu.memory_space<vmem>>, vector<16xf32>,
    %swap3A_93 = vector.shape_cast %swap3A_92 : vector<16xf32> to vector<16xf32>
    %swap3A_94 = vector.shape_cast %broadcast_in_dim3A_90 : vector<16xf32> to vector<16xf32>
    tpu.vector_store %arg7[%swap3A_91], %swap3A_94 {strides = array<i32>} : memref<1312xf32, #tpu.memory_space<vmem>>, vector<16xf32>,
    %broadcast_in_dim3A_95 = arith.constant 0.000000e+00 : f32
    %broadcast_in_dim3A_96 = vector.broadcast %broadcast_in_dim3A_95 : f32 to vector<16xf32>
    %swap3A_97 = arith.constant 256 : index
    %swap3A_98 = tpu.vector_load %arg7[%swap3A_97] {strides = array<i32>} : memref<1312xf32, #tpu.memory_space<vmem>>, vector<16xf32>,
    %swap3A_99 = vector.shape_cast %swap3A_98 : vector<16xf32> to vector<16xf32>
    %swap3A_100 = vector.shape_cast %broadcast_in_dim3A_96 : vector<16xf32> to vector<16xf32>
    tpu.vector_store %arg7[%swap3A_97], %swap3A_100 {strides = array<i32>} : memref<1312xf32, #tpu.memory_space<vmem>>, vector<16xf32>,
    %broadcast_in_dim3A_101 = arith.constant 0.000000e+00 : f32
    %broadcast_in_dim3A_102 = vector.broadcast %broadcast_in_dim3A_101 : f32 to vector<16xf32>
    %swap3A_103 = arith.constant 272 : index
    %swap3A_104 = tpu.vector_load %arg7[%swap3A_103] {strides = array<i32>} : memref<1312xf32, #tpu.memory_space<vmem>>, vector<16xf32>,
    %swap3A_105 = vector.shape_cast %swap3A_104 : vector<16xf32> to vector<16xf32>
    %swap3A_106 = vector.shape_cast %broadcast_in_dim3A_102 : vector<16xf32> to vector<16xf32>
    tpu.vector_store %arg7[%swap3A_103], %swap3A_106 {strides = array<i32>} : memref<1312xf32, #tpu.memory_space<vmem>>, vector<16xf32>,
    %broadcast_in_dim3A_107 = arith.constant 0.000000e+00 : f32
    %broadcast_in_dim3A_108 = vector.broadcast %broadcast_in_dim3A_107 : f32 to vector<16xf32>
    %swap3A_109 = arith.constant 288 : index
    %swap3A_110 = tpu.vector_load %arg7[%swap3A_109] {strides = array<i32>} : memref<1312xf32, #tpu.memory_space<vmem>>, vector<16xf32>,
    %swap3A_111 = vector.shape_cast %swap3A_110 : vector<16xf32> to vector<16xf32>
    %swap3A_112 = vector.shape_cast %broadcast_in_dim3A_108 : vector<16xf32> to vector<16xf32>
    tpu.vector_store %arg7[%swap3A_109], %swap3A_112 {strides = array<i32>} : memref<1312xf32, #tpu.memory_space<vmem>>, vector<16xf32>,
    %broadcast_in_dim3A_113 = arith.constant 0.000000e+00 : f32
    %broadcast_in_dim3A_114 = vector.broadcast %broadcast_in_dim3A_113 : f32 to vector<16xf32>
    %swap3A_115 = arith.constant 304 : index
    %swap3A_116 = tpu.vector_load %arg7[%swap3A_115] {strides = array<i32>} : memref<1312xf32, #tpu.memory_space<vmem>>, vector<16xf32>,
    %swap3A_117 = vector.shape_cast %swap3A_116 : vector<16xf32> to vector<16xf32>
    %swap3A_118 = vector.shape_cast %broadcast_in_dim3A_114 : vector<16xf32> to vector<16xf32>
    tpu.vector_store %arg7[%swap3A_115], %swap3A_118 {strides = array<i32>} : memref<1312xf32, #tpu.memory_space<vmem>>, vector<16xf32>,
    %broadcast_in_dim3A_119 = arith.constant 0.000000e+00 : f32
    %broadcast_in_dim3A_120 = vector.broadcast %broadcast_in_dim3A_119 : f32 to vector<16xf32>
    %swap3A_121 = arith.constant 320 : index
    %swap3A_122 = tpu.vector_load %arg7[%swap3A_121] {strides = array<i32>} : memref<1312xf32, #tpu.memory_space<vmem>>, vector<16xf32>,
    %swap3A_123 = vector.shape_cast %swap3A_122 : vector<16xf32> to vector<16xf32>
    %swap3A_124 = vector.shape_cast %broadcast_in_dim3A_120 : vector<16xf32> to vector<16xf32>
    tpu.vector_store %arg7[%swap3A_121], %swap3A_124 {strides = array<i32>} : memref<1312xf32, #tpu.memory_space<vmem>>, vector<16xf32>,
    %broadcast_in_dim3A_125 = arith.constant 0.000000e+00 : f32
    %broadcast_in_dim3A_126 = vector.broadcast %broadcast_in_dim3A_125 : f32 to vector<16xf32>
    %swap3A_127 = arith.constant 336 : index
    %swap3A_128 = tpu.vector_load %arg7[%swap3A_127] {strides = array<i32>} : memref<1312xf32, #tpu.memory_space<vmem>>, vector<16xf32>,
    %swap3A_129 = vector.shape_cast %swap3A_128 : vector<16xf32> to vector<16xf32>
    %swap3A_130 = vector.shape_cast %broadcast_in_dim3A_126 : vector<16xf32> to vector<16xf32>
    tpu.vector_store %arg7[%swap3A_127], %swap3A_130 {strides = array<i32>} : memref<1312xf32, #tpu.memory_space<vmem>>, vector<16xf32>,
    %broadcast_in_dim3A_131 = arith.constant 0.000000e+00 : f32
    %broadcast_in_dim3A_132 = vector.broadcast %broadcast_in_dim3A_131 : f32 to vector<16xf32>
    %swap3A_133 = arith.constant 352 : index
    %swap3A_134 = tpu.vector_load %arg7[%swap3A_133] {strides = array<i32>} : memref<1312xf32, #tpu.memory_space<vmem>>, vector<16xf32>,
    %swap3A_135 = vector.shape_cast %swap3A_134 : vector<16xf32> to vector<16xf32>
    %swap3A_136 = vector.shape_cast %broadcast_in_dim3A_132 : vector<16xf32> to vector<16xf32>
    tpu.vector_store %arg7[%swap3A_133], %swap3A_136 {strides = array<i32>} : memref<1312xf32, #tpu.memory_space<vmem>>, vector<16xf32>,
    %broadcast_in_dim3A_137 = arith.constant 0.000000e+00 : f32
    %broadcast_in_dim3A_138 = vector.broadcast %broadcast_in_dim3A_137 : f32 to vector<16xf32>
    %swap3A_139 = arith.constant 368 : index
    %swap3A_140 = tpu.vector_load %arg7[%swap3A_139] {strides = array<i32>} : memref<1312xf32, #tpu.memory_space<vmem>>, vector<16xf32>,
    %swap3A_141 = vector.shape_cast %swap3A_140 : vector<16xf32> to vector<16xf32>
    %swap3A_142 = vector.shape_cast %broadcast_in_dim3A_138 : vector<16xf32> to vector<16xf32>
    tpu.vector_store %arg7[%swap3A_139], %swap3A_142 {strides = array<i32>} : memref<1312xf32, #tpu.memory_space<vmem>>, vector<16xf32>,
    %broadcast_in_dim3A_143 = arith.constant 0.000000e+00 : f32
    %broadcast_in_dim3A_144 = vector.broadcast %broadcast_in_dim3A_143 : f32 to vector<16xf32>
    %swap3A_145 = arith.constant 384 : index
    %swap3A_146 = tpu.vector_load %arg7[%swap3A_145] {strides = array<i32>} : memref<1312xf32, #tpu.memory_space<vmem>>, vector<16xf32>,
    %swap3A_147 = vector.shape_cast %swap3A_146 : vector<16xf32> to vector<16xf32>
    %swap3A_148 = vector.shape_cast %broadcast_in_dim3A_144 : vector<16xf32> to vector<16xf32>
    tpu.vector_store %arg7[%swap3A_145], %swap3A_148 {strides = array<i32>} : memref<1312xf32, #tpu.memory_space<vmem>>, vector<16xf32>,
    %broadcast_in_dim3A_149 = arith.constant 0.000000e+00 : f32
    %broadcast_in_dim3A_150 = vector.broadcast %broadcast_in_dim3A_149 : f32 to vector<16xf32>
    %swap3A_151 = arith.constant 400 : index
    %swap3A_152 = tpu.vector_load %arg7[%swap3A_151] {strides = array<i32>} : memref<1312xf32, #tpu.memory_space<vmem>>, vector<16xf32>,
    %swap3A_153 = vector.shape_cast %swap3A_152 : vector<16xf32> to vector<16xf32>
    %swap3A_154 = vector.shape_cast %broadcast_in_dim3A_150 : vector<16xf32> to vector<16xf32>
    tpu.vector_store %arg7[%swap3A_151], %swap3A_154 {strides = array<i32>} : memref<1312xf32, #tpu.memory_space<vmem>>, vector<16xf32>,
    %broadcast_in_dim3A_155 = arith.constant 0.000000e+00 : f32
    %broadcast_in_dim3A_156 = vector.broadcast %broadcast_in_dim3A_155 : f32 to vector<16xf32>
    %swap3A_157 = arith.constant 416 : index
    %swap3A_158 = tpu.vector_load %arg7[%swap3A_157] {strides = array<i32>} : memref<1312xf32, #tpu.memory_space<vmem>>, vector<16xf32>,
    %swap3A_159 = vector.shape_cast %swap3A_158 : vector<16xf32> to vector<16xf32>
    %swap3A_160 = vector.shape_cast %broadcast_in_dim3A_156 : vector<16xf32> to vector<16xf32>
    tpu.vector_store %arg7[%swap3A_157], %swap3A_160 {strides = array<i32>} : memref<1312xf32, #tpu.memory_space<vmem>>, vector<16xf32>,
    %broadcast_in_dim3A_161 = arith.constant 0.000000e+00 : f32
    %broadcast_in_dim3A_162 = vector.broadcast %broadcast_in_dim3A_161 : f32 to vector<16xf32>
    %swap3A_163 = arith.constant 432 : index
    %swap3A_164 = tpu.vector_load %arg7[%swap3A_163] {strides = array<i32>} : memref<1312xf32, #tpu.memory_space<vmem>>, vector<16xf32>,
    %swap3A_165 = vector.shape_cast %swap3A_164 : vector<16xf32> to vector<16xf32>
    %swap3A_166 = vector.shape_cast %broadcast_in_dim3A_162 : vector<16xf32> to vector<16xf32>
    tpu.vector_store %arg7[%swap3A_163], %swap3A_166 {strides = array<i32>} : memref<1312xf32, #tpu.memory_space<vmem>>, vector<16xf32>,
    %broadcast_in_dim3A_167 = arith.constant 0.000000e+00 : f32
    %broadcast_in_dim3A_168 = vector.broadcast %broadcast_in_dim3A_167 : f32 to vector<16xf32>
    %swap3A_169 = arith.constant 448 : index
    %swap3A_170 = tpu.vector_load %arg7[%swap3A_169] {strides = array<i32>} : memref<1312xf32, #tpu.memory_space<vmem>>, vector<16xf32>,
    %swap3A_171 = vector.shape_cast %swap3A_170 : vector<16xf32> to vector<16xf32>
    %swap3A_172 = vector.shape_cast %broadcast_in_dim3A_168 : vector<16xf32> to vector<16xf32>
    tpu.vector_store %arg7[%swap3A_169], %swap3A_172 {strides = array<i32>} : memref<1312xf32, #tpu.memory_space<vmem>>, vector<16xf32>,
    %broadcast_in_dim3A_173 = arith.constant 0.000000e+00 : f32
    %broadcast_in_dim3A_174 = vector.broadcast %broadcast_in_dim3A_173 : f32 to vector<16xf32>
    %swap3A_175 = arith.constant 464 : index
    %swap3A_176 = tpu.vector_load %arg7[%swap3A_175] {strides = array<i32>} : memref<1312xf32, #tpu.memory_space<vmem>>, vector<16xf32>,
    %swap3A_177 = vector.shape_cast %swap3A_176 : vector<16xf32> to vector<16xf32>
    %swap3A_178 = vector.shape_cast %broadcast_in_dim3A_174 : vector<16xf32> to vector<16xf32>
    tpu.vector_store %arg7[%swap3A_175], %swap3A_178 {strides = array<i32>} : memref<1312xf32, #tpu.memory_space<vmem>>, vector<16xf32>,
    %broadcast_in_dim3A_179 = arith.constant 0.000000e+00 : f32
    %broadcast_in_dim3A_180 = vector.broadcast %broadcast_in_dim3A_179 : f32 to vector<16xf32>
    %swap3A_181 = arith.constant 480 : index
    %swap3A_182 = tpu.vector_load %arg7[%swap3A_181] {strides = array<i32>} : memref<1312xf32, #tpu.memory_space<vmem>>, vector<16xf32>,
    %swap3A_183 = vector.shape_cast %swap3A_182 : vector<16xf32> to vector<16xf32>
    %swap3A_184 = vector.shape_cast %broadcast_in_dim3A_180 : vector<16xf32> to vector<16xf32>
    tpu.vector_store %arg7[%swap3A_181], %swap3A_184 {strides = array<i32>} : memref<1312xf32, #tpu.memory_space<vmem>>, vector<16xf32>,
    %broadcast_in_dim3A_185 = arith.constant 0.000000e+00 : f32
    %broadcast_in_dim3A_186 = vector.broadcast %broadcast_in_dim3A_185 : f32 to vector<16xf32>
    %swap3A_187 = arith.constant 496 : index
    %swap3A_188 = tpu.vector_load %arg7[%swap3A_187] {strides = array<i32>} : memref<1312xf32, #tpu.memory_space<vmem>>, vector<16xf32>,
    %swap3A_189 = vector.shape_cast %swap3A_188 : vector<16xf32> to vector<16xf32>
    %swap3A_190 = vector.shape_cast %broadcast_in_dim3A_186 : vector<16xf32> to vector<16xf32>
    tpu.vector_store %arg7[%swap3A_187], %swap3A_190 {strides = array<i32>} : memref<1312xf32, #tpu.memory_space<vmem>>, vector<16xf32>,
    %broadcast_in_dim3A_191 = arith.constant 0.000000e+00 : f32
    %broadcast_in_dim3A_192 = vector.broadcast %broadcast_in_dim3A_191 : f32 to vector<16xf32>
    %swap3A_193 = arith.constant 512 : index
    %swap3A_194 = tpu.vector_load %arg7[%swap3A_193] {strides = array<i32>} : memref<1312xf32, #tpu.memory_space<vmem>>, vector<16xf32>,
    %swap3A_195 = vector.shape_cast %swap3A_194 : vector<16xf32> to vector<16xf32>
    %swap3A_196 = vector.shape_cast %broadcast_in_dim3A_192 : vector<16xf32> to vector<16xf32>
    tpu.vector_store %arg7[%swap3A_193], %swap3A_196 {strides = array<i32>} : memref<1312xf32, #tpu.memory_space<vmem>>, vector<16xf32>,
    %broadcast_in_dim3A_197 = arith.constant 0.000000e+00 : f32
    %broadcast_in_dim3A_198 = vector.broadcast %broadcast_in_dim3A_197 : f32 to vector<16xf32>
    %swap3A_199 = arith.constant 528 : index
    %swap3A_200 = tpu.vector_load %arg7[%swap3A_199] {strides = array<i32>} : memref<1312xf32, #tpu.memory_space<vmem>>, vector<16xf32>,
    %swap3A_201 = vector.shape_cast %swap3A_200 : vector<16xf32> to vector<16xf32>
    %swap3A_202 = vector.shape_cast %broadcast_in_dim3A_198 : vector<16xf32> to vector<16xf32>
    tpu.vector_store %arg7[%swap3A_199], %swap3A_202 {strides = array<i32>} : memref<1312xf32, #tpu.memory_space<vmem>>, vector<16xf32>,
    %broadcast_in_dim3A_203 = arith.constant 0.000000e+00 : f32
    %broadcast_in_dim3A_204 = vector.broadcast %broadcast_in_dim3A_203 : f32 to vector<16xf32>
    %swap3A_205 = arith.constant 544 : index
    %swap3A_206 = tpu.vector_load %arg7[%swap3A_205] {strides = array<i32>} : memref<1312xf32, #tpu.memory_space<vmem>>, vector<16xf32>,
    %swap3A_207 = vector.shape_cast %swap3A_206 : vector<16xf32> to vector<16xf32>
    %swap3A_208 = vector.shape_cast %broadcast_in_dim3A_204 : vector<16xf32> to vector<16xf32>
    tpu.vector_store %arg7[%swap3A_205], %swap3A_208 {strides = array<i32>} : memref<1312xf32, #tpu.memory_space<vmem>>, vector<16xf32>,
    %broadcast_in_dim3A_209 = arith.constant 0.000000e+00 : f32
    %broadcast_in_dim3A_210 = vector.broadcast %broadcast_in_dim3A_209 : f32 to vector<16xf32>
    %swap3A_211 = arith.constant 560 : index
    %swap3A_212 = tpu.vector_load %arg7[%swap3A_211] {strides = array<i32>} : memref<1312xf32, #tpu.memory_space<vmem>>, vector<16xf32>,
    %swap3A_213 = vector.shape_cast %swap3A_212 : vector<16xf32> to vector<16xf32>
    %swap3A_214 = vector.shape_cast %broadcast_in_dim3A_210 : vector<16xf32> to vector<16xf32>
    tpu.vector_store %arg7[%swap3A_211], %swap3A_214 {strides = array<i32>} : memref<1312xf32, #tpu.memory_space<vmem>>, vector<16xf32>,
    %broadcast_in_dim3A_215 = arith.constant 0.000000e+00 : f32
    %broadcast_in_dim3A_216 = vector.broadcast %broadcast_in_dim3A_215 : f32 to vector<16xf32>
    %swap3A_217 = arith.constant 576 : index
    %swap3A_218 = tpu.vector_load %arg7[%swap3A_217] {strides = array<i32>} : memref<1312xf32, #tpu.memory_space<vmem>>, vector<16xf32>,
    %swap3A_219 = vector.shape_cast %swap3A_218 : vector<16xf32> to vector<16xf32>
    %swap3A_220 = vector.shape_cast %broadcast_in_dim3A_216 : vector<16xf32> to vector<16xf32>
    tpu.vector_store %arg7[%swap3A_217], %swap3A_220 {strides = array<i32>} : memref<1312xf32, #tpu.memory_space<vmem>>, vector<16xf32>,
    %broadcast_in_dim3A_221 = arith.constant 0.000000e+00 : f32
    %broadcast_in_dim3A_222 = vector.broadcast %broadcast_in_dim3A_221 : f32 to vector<16xf32>
    %swap3A_223 = arith.constant 592 : index
    %swap3A_224 = tpu.vector_load %arg7[%swap3A_223] {strides = array<i32>} : memref<1312xf32, #tpu.memory_space<vmem>>, vector<16xf32>,
    %swap3A_225 = vector.shape_cast %swap3A_224 : vector<16xf32> to vector<16xf32>
    %swap3A_226 = vector.shape_cast %broadcast_in_dim3A_222 : vector<16xf32> to vector<16xf32>
    tpu.vector_store %arg7[%swap3A_223], %swap3A_226 {strides = array<i32>} : memref<1312xf32, #tpu.memory_space<vmem>>, vector<16xf32>,
    %broadcast_in_dim3A_227 = arith.constant 0.000000e+00 : f32
    %broadcast_in_dim3A_228 = vector.broadcast %broadcast_in_dim3A_227 : f32 to vector<16xf32>
    %swap3A_229 = arith.constant 608 : index
    %swap3A_230 = tpu.vector_load %arg7[%swap3A_229] {strides = array<i32>} : memref<1312xf32, #tpu.memory_space<vmem>>, vector<16xf32>,
    %swap3A_231 = vector.shape_cast %swap3A_230 : vector<16xf32> to vector<16xf32>
    %swap3A_232 = vector.shape_cast %broadcast_in_dim3A_228 : vector<16xf32> to vector<16xf32>
    tpu.vector_store %arg7[%swap3A_229], %swap3A_232 {strides = array<i32>} : memref<1312xf32, #tpu.memory_space<vmem>>, vector<16xf32>,
    %broadcast_in_dim3A_233 = arith.constant 0.000000e+00 : f32
    %broadcast_in_dim3A_234 = vector.broadcast %broadcast_in_dim3A_233 : f32 to vector<16xf32>
    %swap3A_235 = arith.constant 624 : index
    %swap3A_236 = tpu.vector_load %arg7[%swap3A_235] {strides = array<i32>} : memref<1312xf32, #tpu.memory_space<vmem>>, vector<16xf32>,
    %swap3A_237 = vector.shape_cast %swap3A_236 : vector<16xf32> to vector<16xf32>
    %swap3A_238 = vector.shape_cast %broadcast_in_dim3A_234 : vector<16xf32> to vector<16xf32>
    tpu.vector_store %arg7[%swap3A_235], %swap3A_238 {strides = array<i32>} : memref<1312xf32, #tpu.memory_space<vmem>>, vector<16xf32>,
    %broadcast_in_dim3A_239 = arith.constant 0.000000e+00 : f32
    %broadcast_in_dim3A_240 = vector.broadcast %broadcast_in_dim3A_239 : f32 to vector<16xf32>
    %swap3A_241 = arith.constant 640 : index
    %swap3A_242 = tpu.vector_load %arg7[%swap3A_241] {strides = array<i32>} : memref<1312xf32, #tpu.memory_space<vmem>>, vector<16xf32>,
    %swap3A_243 = vector.shape_cast %swap3A_242 : vector<16xf32> to vector<16xf32>
    %swap3A_244 = vector.shape_cast %broadcast_in_dim3A_240 : vector<16xf32> to vector<16xf32>
    tpu.vector_store %arg7[%swap3A_241], %swap3A_244 {strides = array<i32>} : memref<1312xf32, #tpu.memory_space<vmem>>, vector<16xf32>,
    %broadcast_in_dim3A_245 = arith.constant 0.000000e+00 : f32
    %broadcast_in_dim3A_246 = vector.broadcast %broadcast_in_dim3A_245 : f32 to vector<16xf32>
    %swap3A_247 = arith.constant 656 : index
    %swap3A_248 = tpu.vector_load %arg7[%swap3A_247] {strides = array<i32>} : memref<1312xf32, #tpu.memory_space<vmem>>, vector<16xf32>,
    %swap3A_249 = vector.shape_cast %swap3A_248 : vector<16xf32> to vector<16xf32>
    %swap3A_250 = vector.shape_cast %broadcast_in_dim3A_246 : vector<16xf32> to vector<16xf32>
    tpu.vector_store %arg7[%swap3A_247], %swap3A_250 {strides = array<i32>} : memref<1312xf32, #tpu.memory_space<vmem>>, vector<16xf32>,
    %broadcast_in_dim3A_251 = arith.constant 0.000000e+00 : f32
    %broadcast_in_dim3A_252 = vector.broadcast %broadcast_in_dim3A_251 : f32 to vector<16xf32>
    %swap3A_253 = arith.constant 672 : index
    %swap3A_254 = tpu.vector_load %arg7[%swap3A_253] {strides = array<i32>} : memref<1312xf32, #tpu.memory_space<vmem>>, vector<16xf32>,
    %swap3A_255 = vector.shape_cast %swap3A_254 : vector<16xf32> to vector<16xf32>
    %swap3A_256 = vector.shape_cast %broadcast_in_dim3A_252 : vector<16xf32> to vector<16xf32>
    tpu.vector_store %arg7[%swap3A_253], %swap3A_256 {strides = array<i32>} : memref<1312xf32, #tpu.memory_space<vmem>>, vector<16xf32>,
    %broadcast_in_dim3A_257 = arith.constant 0.000000e+00 : f32
    %broadcast_in_dim3A_258 = vector.broadcast %broadcast_in_dim3A_257 : f32 to vector<16xf32>
    %swap3A_259 = arith.constant 688 : index
    %swap3A_260 = tpu.vector_load %arg7[%swap3A_259] {strides = array<i32>} : memref<1312xf32, #tpu.memory_space<vmem>>, vector<16xf32>,
    %swap3A_261 = vector.shape_cast %swap3A_260 : vector<16xf32> to vector<16xf32>
    %swap3A_262 = vector.shape_cast %broadcast_in_dim3A_258 : vector<16xf32> to vector<16xf32>
    tpu.vector_store %arg7[%swap3A_259], %swap3A_262 {strides = array<i32>} : memref<1312xf32, #tpu.memory_space<vmem>>, vector<16xf32>,
    %broadcast_in_dim3A_263 = arith.constant 0.000000e+00 : f32
    %broadcast_in_dim3A_264 = vector.broadcast %broadcast_in_dim3A_263 : f32 to vector<16xf32>
    %swap3A_265 = arith.constant 704 : index
    %swap3A_266 = tpu.vector_load %arg7[%swap3A_265] {strides = array<i32>} : memref<1312xf32, #tpu.memory_space<vmem>>, vector<16xf32>,
    %swap3A_267 = vector.shape_cast %swap3A_266 : vector<16xf32> to vector<16xf32>
    %swap3A_268 = vector.shape_cast %broadcast_in_dim3A_264 : vector<16xf32> to vector<16xf32>
    tpu.vector_store %arg7[%swap3A_265], %swap3A_268 {strides = array<i32>} : memref<1312xf32, #tpu.memory_space<vmem>>, vector<16xf32>,
    %broadcast_in_dim3A_269 = arith.constant 0.000000e+00 : f32
    %broadcast_in_dim3A_270 = vector.broadcast %broadcast_in_dim3A_269 : f32 to vector<16xf32>
    %swap3A_271 = arith.constant 720 : index
    %swap3A_272 = tpu.vector_load %arg7[%swap3A_271] {strides = array<i32>} : memref<1312xf32, #tpu.memory_space<vmem>>, vector<16xf32>,
    %swap3A_273 = vector.shape_cast %swap3A_272 : vector<16xf32> to vector<16xf32>
    %swap3A_274 = vector.shape_cast %broadcast_in_dim3A_270 : vector<16xf32> to vector<16xf32>
    tpu.vector_store %arg7[%swap3A_271], %swap3A_274 {strides = array<i32>} : memref<1312xf32, #tpu.memory_space<vmem>>, vector<16xf32>,
    %broadcast_in_dim3A_275 = arith.constant 0.000000e+00 : f32
    %broadcast_in_dim3A_276 = vector.broadcast %broadcast_in_dim3A_275 : f32 to vector<16xf32>
    %swap3A_277 = arith.constant 736 : index
    %swap3A_278 = tpu.vector_load %arg7[%swap3A_277] {strides = array<i32>} : memref<1312xf32, #tpu.memory_space<vmem>>, vector<16xf32>,
    %swap3A_279 = vector.shape_cast %swap3A_278 : vector<16xf32> to vector<16xf32>
    %swap3A_280 = vector.shape_cast %broadcast_in_dim3A_276 : vector<16xf32> to vector<16xf32>
    tpu.vector_store %arg7[%swap3A_277], %swap3A_280 {strides = array<i32>} : memref<1312xf32, #tpu.memory_space<vmem>>, vector<16xf32>,
    %broadcast_in_dim3A_281 = arith.constant 0.000000e+00 : f32
    %broadcast_in_dim3A_282 = vector.broadcast %broadcast_in_dim3A_281 : f32 to vector<16xf32>
    %swap3A_283 = arith.constant 752 : index
    %swap3A_284 = tpu.vector_load %arg7[%swap3A_283] {strides = array<i32>} : memref<1312xf32, #tpu.memory_space<vmem>>, vector<16xf32>,
    %swap3A_285 = vector.shape_cast %swap3A_284 : vector<16xf32> to vector<16xf32>
    %swap3A_286 = vector.shape_cast %broadcast_in_dim3A_282 : vector<16xf32> to vector<16xf32>
    tpu.vector_store %arg7[%swap3A_283], %swap3A_286 {strides = array<i32>} : memref<1312xf32, #tpu.memory_space<vmem>>, vector<16xf32>,
    %broadcast_in_dim3A_287 = arith.constant 0.000000e+00 : f32
    %broadcast_in_dim3A_288 = vector.broadcast %broadcast_in_dim3A_287 : f32 to vector<16xf32>
    %swap3A_289 = arith.constant 768 : index
    %swap3A_290 = tpu.vector_load %arg7[%swap3A_289] {strides = array<i32>} : memref<1312xf32, #tpu.memory_space<vmem>>, vector<16xf32>,
    %swap3A_291 = vector.shape_cast %swap3A_290 : vector<16xf32> to vector<16xf32>
    %swap3A_292 = vector.shape_cast %broadcast_in_dim3A_288 : vector<16xf32> to vector<16xf32>
    tpu.vector_store %arg7[%swap3A_289], %swap3A_292 {strides = array<i32>} : memref<1312xf32, #tpu.memory_space<vmem>>, vector<16xf32>,
    %broadcast_in_dim3A_293 = arith.constant 0.000000e+00 : f32
    %broadcast_in_dim3A_294 = vector.broadcast %broadcast_in_dim3A_293 : f32 to vector<16xf32>
    %swap3A_295 = arith.constant 784 : index
    %swap3A_296 = tpu.vector_load %arg7[%swap3A_295] {strides = array<i32>} : memref<1312xf32, #tpu.memory_space<vmem>>, vector<16xf32>,
    %swap3A_297 = vector.shape_cast %swap3A_296 : vector<16xf32> to vector<16xf32>
    %swap3A_298 = vector.shape_cast %broadcast_in_dim3A_294 : vector<16xf32> to vector<16xf32>
    tpu.vector_store %arg7[%swap3A_295], %swap3A_298 {strides = array<i32>} : memref<1312xf32, #tpu.memory_space<vmem>>, vector<16xf32>,
    %broadcast_in_dim3A_299 = arith.constant 0.000000e+00 : f32
    %broadcast_in_dim3A_300 = vector.broadcast %broadcast_in_dim3A_299 : f32 to vector<16xf32>
    %swap3A_301 = arith.constant 800 : index
    %swap3A_302 = tpu.vector_load %arg7[%swap3A_301] {strides = array<i32>} : memref<1312xf32, #tpu.memory_space<vmem>>, vector<16xf32>,
    %swap3A_303 = vector.shape_cast %swap3A_302 : vector<16xf32> to vector<16xf32>
    %swap3A_304 = vector.shape_cast %broadcast_in_dim3A_300 : vector<16xf32> to vector<16xf32>
    tpu.vector_store %arg7[%swap3A_301], %swap3A_304 {strides = array<i32>} : memref<1312xf32, #tpu.memory_space<vmem>>, vector<16xf32>,
    %broadcast_in_dim3A_305 = arith.constant 0.000000e+00 : f32
    %broadcast_in_dim3A_306 = vector.broadcast %broadcast_in_dim3A_305 : f32 to vector<16xf32>
    %swap3A_307 = arith.constant 816 : index
    %swap3A_308 = tpu.vector_load %arg7[%swap3A_307] {strides = array<i32>} : memref<1312xf32, #tpu.memory_space<vmem>>, vector<16xf32>,
    %swap3A_309 = vector.shape_cast %swap3A_308 : vector<16xf32> to vector<16xf32>
    %swap3A_310 = vector.shape_cast %broadcast_in_dim3A_306 : vector<16xf32> to vector<16xf32>
    tpu.vector_store %arg7[%swap3A_307], %swap3A_310 {strides = array<i32>} : memref<1312xf32, #tpu.memory_space<vmem>>, vector<16xf32>,
    %broadcast_in_dim3A_311 = arith.constant 0.000000e+00 : f32
    %broadcast_in_dim3A_312 = vector.broadcast %broadcast_in_dim3A_311 : f32 to vector<16xf32>
    %swap3A_313 = arith.constant 832 : index
    %swap3A_314 = tpu.vector_load %arg7[%swap3A_313] {strides = array<i32>} : memref<1312xf32, #tpu.memory_space<vmem>>, vector<16xf32>,
    %swap3A_315 = vector.shape_cast %swap3A_314 : vector<16xf32> to vector<16xf32>
    %swap3A_316 = vector.shape_cast %broadcast_in_dim3A_312 : vector<16xf32> to vector<16xf32>
    tpu.vector_store %arg7[%swap3A_313], %swap3A_316 {strides = array<i32>} : memref<1312xf32, #tpu.memory_space<vmem>>, vector<16xf32>,
    %broadcast_in_dim3A_317 = arith.constant 0.000000e+00 : f32
    %broadcast_in_dim3A_318 = vector.broadcast %broadcast_in_dim3A_317 : f32 to vector<16xf32>
    %swap3A_319 = arith.constant 848 : index
    %swap3A_320 = tpu.vector_load %arg7[%swap3A_319] {strides = array<i32>} : memref<1312xf32, #tpu.memory_space<vmem>>, vector<16xf32>,
    %swap3A_321 = vector.shape_cast %swap3A_320 : vector<16xf32> to vector<16xf32>
    %swap3A_322 = vector.shape_cast %broadcast_in_dim3A_318 : vector<16xf32> to vector<16xf32>
    tpu.vector_store %arg7[%swap3A_319], %swap3A_322 {strides = array<i32>} : memref<1312xf32, #tpu.memory_space<vmem>>, vector<16xf32>,
    %broadcast_in_dim3A_323 = arith.constant 0.000000e+00 : f32
    %broadcast_in_dim3A_324 = vector.broadcast %broadcast_in_dim3A_323 : f32 to vector<16xf32>
    %swap3A_325 = arith.constant 864 : index
    %swap3A_326 = tpu.vector_load %arg7[%swap3A_325] {strides = array<i32>} : memref<1312xf32, #tpu.memory_space<vmem>>, vector<16xf32>,
    %swap3A_327 = vector.shape_cast %swap3A_326 : vector<16xf32> to vector<16xf32>
    %swap3A_328 = vector.shape_cast %broadcast_in_dim3A_324 : vector<16xf32> to vector<16xf32>
    tpu.vector_store %arg7[%swap3A_325], %swap3A_328 {strides = array<i32>} : memref<1312xf32, #tpu.memory_space<vmem>>, vector<16xf32>,
    %broadcast_in_dim3A_329 = arith.constant 0.000000e+00 : f32
    %broadcast_in_dim3A_330 = vector.broadcast %broadcast_in_dim3A_329 : f32 to vector<16xf32>
    %swap3A_331 = arith.constant 880 : index
    %swap3A_332 = tpu.vector_load %arg7[%swap3A_331] {strides = array<i32>} : memref<1312xf32, #tpu.memory_space<vmem>>, vector<16xf32>,
    %swap3A_333 = vector.shape_cast %swap3A_332 : vector<16xf32> to vector<16xf32>
    %swap3A_334 = vector.shape_cast %broadcast_in_dim3A_330 : vector<16xf32> to vector<16xf32>
    tpu.vector_store %arg7[%swap3A_331], %swap3A_334 {strides = array<i32>} : memref<1312xf32, #tpu.memory_space<vmem>>, vector<16xf32>,
    %broadcast_in_dim3A_335 = arith.constant 0.000000e+00 : f32
    %broadcast_in_dim3A_336 = vector.broadcast %broadcast_in_dim3A_335 : f32 to vector<16xf32>
    %swap3A_337 = arith.constant 896 : index
    %swap3A_338 = tpu.vector_load %arg7[%swap3A_337] {strides = array<i32>} : memref<1312xf32, #tpu.memory_space<vmem>>, vector<16xf32>,
    %swap3A_339 = vector.shape_cast %swap3A_338 : vector<16xf32> to vector<16xf32>
    %swap3A_340 = vector.shape_cast %broadcast_in_dim3A_336 : vector<16xf32> to vector<16xf32>
    tpu.vector_store %arg7[%swap3A_337], %swap3A_340 {strides = array<i32>} : memref<1312xf32, #tpu.memory_space<vmem>>, vector<16xf32>,
    %broadcast_in_dim3A_341 = arith.constant 0.000000e+00 : f32
    %broadcast_in_dim3A_342 = vector.broadcast %broadcast_in_dim3A_341 : f32 to vector<16xf32>
    %swap3A_343 = arith.constant 912 : index
    %swap3A_344 = tpu.vector_load %arg7[%swap3A_343] {strides = array<i32>} : memref<1312xf32, #tpu.memory_space<vmem>>, vector<16xf32>,
    %swap3A_345 = vector.shape_cast %swap3A_344 : vector<16xf32> to vector<16xf32>
    %swap3A_346 = vector.shape_cast %broadcast_in_dim3A_342 : vector<16xf32> to vector<16xf32>
    tpu.vector_store %arg7[%swap3A_343], %swap3A_346 {strides = array<i32>} : memref<1312xf32, #tpu.memory_space<vmem>>, vector<16xf32>,
    %broadcast_in_dim3A_347 = arith.constant 0.000000e+00 : f32
    %broadcast_in_dim3A_348 = vector.broadcast %broadcast_in_dim3A_347 : f32 to vector<16xf32>
    %swap3A_349 = arith.constant 928 : index
    %swap3A_350 = tpu.vector_load %arg7[%swap3A_349] {strides = array<i32>} : memref<1312xf32, #tpu.memory_space<vmem>>, vector<16xf32>,
    %swap3A_351 = vector.shape_cast %swap3A_350 : vector<16xf32> to vector<16xf32>
    %swap3A_352 = vector.shape_cast %broadcast_in_dim3A_348 : vector<16xf32> to vector<16xf32>
    tpu.vector_store %arg7[%swap3A_349], %swap3A_352 {strides = array<i32>} : memref<1312xf32, #tpu.memory_space<vmem>>, vector<16xf32>,
    %broadcast_in_dim3A_353 = arith.constant 0.000000e+00 : f32
    %broadcast_in_dim3A_354 = vector.broadcast %broadcast_in_dim3A_353 : f32 to vector<16xf32>
    %swap3A_355 = arith.constant 944 : index
    %swap3A_356 = tpu.vector_load %arg7[%swap3A_355] {strides = array<i32>} : memref<1312xf32, #tpu.memory_space<vmem>>, vector<16xf32>,
    %swap3A_357 = vector.shape_cast %swap3A_356 : vector<16xf32> to vector<16xf32>
    %swap3A_358 = vector.shape_cast %broadcast_in_dim3A_354 : vector<16xf32> to vector<16xf32>
    tpu.vector_store %arg7[%swap3A_355], %swap3A_358 {strides = array<i32>} : memref<1312xf32, #tpu.memory_space<vmem>>, vector<16xf32>,
    %broadcast_in_dim3A_359 = arith.constant 0.000000e+00 : f32
    %broadcast_in_dim3A_360 = vector.broadcast %broadcast_in_dim3A_359 : f32 to vector<16xf32>
    %swap3A_361 = arith.constant 960 : index
    %swap3A_362 = tpu.vector_load %arg7[%swap3A_361] {strides = array<i32>} : memref<1312xf32, #tpu.memory_space<vmem>>, vector<16xf32>,
    %swap3A_363 = vector.shape_cast %swap3A_362 : vector<16xf32> to vector<16xf32>
    %swap3A_364 = vector.shape_cast %broadcast_in_dim3A_360 : vector<16xf32> to vector<16xf32>
    tpu.vector_store %arg7[%swap3A_361], %swap3A_364 {strides = array<i32>} : memref<1312xf32, #tpu.memory_space<vmem>>, vector<16xf32>,
    %broadcast_in_dim3A_365 = arith.constant 0.000000e+00 : f32
    %broadcast_in_dim3A_366 = vector.broadcast %broadcast_in_dim3A_365 : f32 to vector<16xf32>
    %swap3A_367 = arith.constant 976 : index
    %swap3A_368 = tpu.vector_load %arg7[%swap3A_367] {strides = array<i32>} : memref<1312xf32, #tpu.memory_space<vmem>>, vector<16xf32>,
    %swap3A_369 = vector.shape_cast %swap3A_368 : vector<16xf32> to vector<16xf32>
    %swap3A_370 = vector.shape_cast %broadcast_in_dim3A_366 : vector<16xf32> to vector<16xf32>
    tpu.vector_store %arg7[%swap3A_367], %swap3A_370 {strides = array<i32>} : memref<1312xf32, #tpu.memory_space<vmem>>, vector<16xf32>,
    %broadcast_in_dim3A_371 = arith.constant 0.000000e+00 : f32
    %broadcast_in_dim3A_372 = vector.broadcast %broadcast_in_dim3A_371 : f32 to vector<16xf32>
    %swap3A_373 = arith.constant 992 : index
    %swap3A_374 = tpu.vector_load %arg7[%swap3A_373] {strides = array<i32>} : memref<1312xf32, #tpu.memory_space<vmem>>, vector<16xf32>,
    %swap3A_375 = vector.shape_cast %swap3A_374 : vector<16xf32> to vector<16xf32>
    %swap3A_376 = vector.shape_cast %broadcast_in_dim3A_372 : vector<16xf32> to vector<16xf32>
    tpu.vector_store %arg7[%swap3A_373], %swap3A_376 {strides = array<i32>} : memref<1312xf32, #tpu.memory_space<vmem>>, vector<16xf32>,
    %broadcast_in_dim3A_377 = arith.constant 0.000000e+00 : f32
    %broadcast_in_dim3A_378 = vector.broadcast %broadcast_in_dim3A_377 : f32 to vector<16xf32>
    %swap3A_379 = arith.constant 1008 : index
    %swap3A_380 = tpu.vector_load %arg7[%swap3A_379] {strides = array<i32>} : memref<1312xf32, #tpu.memory_space<vmem>>, vector<16xf32>,
    %swap3A_381 = vector.shape_cast %swap3A_380 : vector<16xf32> to vector<16xf32>
    %swap3A_382 = vector.shape_cast %broadcast_in_dim3A_378 : vector<16xf32> to vector<16xf32>
    tpu.vector_store %arg7[%swap3A_379], %swap3A_382 {strides = array<i32>} : memref<1312xf32, #tpu.memory_space<vmem>>, vector<16xf32>,
    %broadcast_in_dim3A_383 = arith.constant 0.000000e+00 : f32
    %broadcast_in_dim3A_384 = vector.broadcast %broadcast_in_dim3A_383 : f32 to vector<16xf32>
    %swap3A_385 = arith.constant 1024 : index
    %swap3A_386 = tpu.vector_load %arg7[%swap3A_385] {strides = array<i32>} : memref<1312xf32, #tpu.memory_space<vmem>>, vector<16xf32>,
    %swap3A_387 = vector.shape_cast %swap3A_386 : vector<16xf32> to vector<16xf32>
    %swap3A_388 = vector.shape_cast %broadcast_in_dim3A_384 : vector<16xf32> to vector<16xf32>
    tpu.vector_store %arg7[%swap3A_385], %swap3A_388 {strides = array<i32>} : memref<1312xf32, #tpu.memory_space<vmem>>, vector<16xf32>,
    %broadcast_in_dim3A_389 = arith.constant 0.000000e+00 : f32
    %broadcast_in_dim3A_390 = vector.broadcast %broadcast_in_dim3A_389 : f32 to vector<16xf32>
    %swap3A_391 = arith.constant 1040 : index
    %swap3A_392 = tpu.vector_load %arg7[%swap3A_391] {strides = array<i32>} : memref<1312xf32, #tpu.memory_space<vmem>>, vector<16xf32>,
    %swap3A_393 = vector.shape_cast %swap3A_392 : vector<16xf32> to vector<16xf32>
    %swap3A_394 = vector.shape_cast %broadcast_in_dim3A_390 : vector<16xf32> to vector<16xf32>
    tpu.vector_store %arg7[%swap3A_391], %swap3A_394 {strides = array<i32>} : memref<1312xf32, #tpu.memory_space<vmem>>, vector<16xf32>,
    %broadcast_in_dim3A_395 = arith.constant 0.000000e+00 : f32
    %broadcast_in_dim3A_396 = vector.broadcast %broadcast_in_dim3A_395 : f32 to vector<16xf32>
    %swap3A_397 = arith.constant 1056 : index
    %swap3A_398 = tpu.vector_load %arg7[%swap3A_397] {strides = array<i32>} : memref<1312xf32, #tpu.memory_space<vmem>>, vector<16xf32>,
    %swap3A_399 = vector.shape_cast %swap3A_398 : vector<16xf32> to vector<16xf32>
    %swap3A_400 = vector.shape_cast %broadcast_in_dim3A_396 : vector<16xf32> to vector<16xf32>
    tpu.vector_store %arg7[%swap3A_397], %swap3A_400 {strides = array<i32>} : memref<1312xf32, #tpu.memory_space<vmem>>, vector<16xf32>,
    %broadcast_in_dim3A_401 = arith.constant 0.000000e+00 : f32
    %broadcast_in_dim3A_402 = vector.broadcast %broadcast_in_dim3A_401 : f32 to vector<16xf32>
    %swap3A_403 = arith.constant 1072 : index
    %swap3A_404 = tpu.vector_load %arg7[%swap3A_403] {strides = array<i32>} : memref<1312xf32, #tpu.memory_space<vmem>>, vector<16xf32>,
    %swap3A_405 = vector.shape_cast %swap3A_404 : vector<16xf32> to vector<16xf32>
    %swap3A_406 = vector.shape_cast %broadcast_in_dim3A_402 : vector<16xf32> to vector<16xf32>
    tpu.vector_store %arg7[%swap3A_403], %swap3A_406 {strides = array<i32>} : memref<1312xf32, #tpu.memory_space<vmem>>, vector<16xf32>,
    %broadcast_in_dim3A_407 = arith.constant 0.000000e+00 : f32
    %broadcast_in_dim3A_408 = vector.broadcast %broadcast_in_dim3A_407 : f32 to vector<16xf32>
    %swap3A_409 = arith.constant 1088 : index
    %swap3A_410 = tpu.vector_load %arg7[%swap3A_409] {strides = array<i32>} : memref<1312xf32, #tpu.memory_space<vmem>>, vector<16xf32>,
    %swap3A_411 = vector.shape_cast %swap3A_410 : vector<16xf32> to vector<16xf32>
    %swap3A_412 = vector.shape_cast %broadcast_in_dim3A_408 : vector<16xf32> to vector<16xf32>
    tpu.vector_store %arg7[%swap3A_409], %swap3A_412 {strides = array<i32>} : memref<1312xf32, #tpu.memory_space<vmem>>, vector<16xf32>,
    %broadcast_in_dim3A_413 = arith.constant 0.000000e+00 : f32
    %broadcast_in_dim3A_414 = vector.broadcast %broadcast_in_dim3A_413 : f32 to vector<16xf32>
    %swap3A_415 = arith.constant 1104 : index
    %swap3A_416 = tpu.vector_load %arg7[%swap3A_415] {strides = array<i32>} : memref<1312xf32, #tpu.memory_space<vmem>>, vector<16xf32>,
    %swap3A_417 = vector.shape_cast %swap3A_416 : vector<16xf32> to vector<16xf32>
    %swap3A_418 = vector.shape_cast %broadcast_in_dim3A_414 : vector<16xf32> to vector<16xf32>
    tpu.vector_store %arg7[%swap3A_415], %swap3A_418 {strides = array<i32>} : memref<1312xf32, #tpu.memory_space<vmem>>, vector<16xf32>,
    %broadcast_in_dim3A_419 = arith.constant 0.000000e+00 : f32
    %broadcast_in_dim3A_420 = vector.broadcast %broadcast_in_dim3A_419 : f32 to vector<16xf32>
    %swap3A_421 = arith.constant 1120 : index
    %swap3A_422 = tpu.vector_load %arg7[%swap3A_421] {strides = array<i32>} : memref<1312xf32, #tpu.memory_space<vmem>>, vector<16xf32>,
    %swap3A_423 = vector.shape_cast %swap3A_422 : vector<16xf32> to vector<16xf32>
    %swap3A_424 = vector.shape_cast %broadcast_in_dim3A_420 : vector<16xf32> to vector<16xf32>
    tpu.vector_store %arg7[%swap3A_421], %swap3A_424 {strides = array<i32>} : memref<1312xf32, #tpu.memory_space<vmem>>, vector<16xf32>,
    %broadcast_in_dim3A_425 = arith.constant 0.000000e+00 : f32
    %broadcast_in_dim3A_426 = vector.broadcast %broadcast_in_dim3A_425 : f32 to vector<16xf32>
    %swap3A_427 = arith.constant 1136 : index
    %swap3A_428 = tpu.vector_load %arg7[%swap3A_427] {strides = array<i32>} : memref<1312xf32, #tpu.memory_space<vmem>>, vector<16xf32>,
    %swap3A_429 = vector.shape_cast %swap3A_428 : vector<16xf32> to vector<16xf32>
    %swap3A_430 = vector.shape_cast %broadcast_in_dim3A_426 : vector<16xf32> to vector<16xf32>
    tpu.vector_store %arg7[%swap3A_427], %swap3A_430 {strides = array<i32>} : memref<1312xf32, #tpu.memory_space<vmem>>, vector<16xf32>,
    %broadcast_in_dim3A_431 = arith.constant 0.000000e+00 : f32
    %broadcast_in_dim3A_432 = vector.broadcast %broadcast_in_dim3A_431 : f32 to vector<16xf32>
    %swap3A_433 = arith.constant 1152 : index
    %swap3A_434 = tpu.vector_load %arg7[%swap3A_433] {strides = array<i32>} : memref<1312xf32, #tpu.memory_space<vmem>>, vector<16xf32>,
    %swap3A_435 = vector.shape_cast %swap3A_434 : vector<16xf32> to vector<16xf32>
    %swap3A_436 = vector.shape_cast %broadcast_in_dim3A_432 : vector<16xf32> to vector<16xf32>
    tpu.vector_store %arg7[%swap3A_433], %swap3A_436 {strides = array<i32>} : memref<1312xf32, #tpu.memory_space<vmem>>, vector<16xf32>,
    %broadcast_in_dim3A_437 = arith.constant 0.000000e+00 : f32
    %broadcast_in_dim3A_438 = vector.broadcast %broadcast_in_dim3A_437 : f32 to vector<16xf32>
    %swap3A_439 = arith.constant 1168 : index
    %swap3A_440 = tpu.vector_load %arg7[%swap3A_439] {strides = array<i32>} : memref<1312xf32, #tpu.memory_space<vmem>>, vector<16xf32>,
    %swap3A_441 = vector.shape_cast %swap3A_440 : vector<16xf32> to vector<16xf32>
    %swap3A_442 = vector.shape_cast %broadcast_in_dim3A_438 : vector<16xf32> to vector<16xf32>
    tpu.vector_store %arg7[%swap3A_439], %swap3A_442 {strides = array<i32>} : memref<1312xf32, #tpu.memory_space<vmem>>, vector<16xf32>,
    %broadcast_in_dim3A_443 = arith.constant 0.000000e+00 : f32
    %broadcast_in_dim3A_444 = vector.broadcast %broadcast_in_dim3A_443 : f32 to vector<16xf32>
    %swap3A_445 = arith.constant 1184 : index
    %swap3A_446 = tpu.vector_load %arg7[%swap3A_445] {strides = array<i32>} : memref<1312xf32, #tpu.memory_space<vmem>>, vector<16xf32>,
    %swap3A_447 = vector.shape_cast %swap3A_446 : vector<16xf32> to vector<16xf32>
    %swap3A_448 = vector.shape_cast %broadcast_in_dim3A_444 : vector<16xf32> to vector<16xf32>
    tpu.vector_store %arg7[%swap3A_445], %swap3A_448 {strides = array<i32>} : memref<1312xf32, #tpu.memory_space<vmem>>, vector<16xf32>,
    %broadcast_in_dim3A_449 = arith.constant 0.000000e+00 : f32
    %broadcast_in_dim3A_450 = vector.broadcast %broadcast_in_dim3A_449 : f32 to vector<16xf32>
    %swap3A_451 = arith.constant 1200 : index
    %swap3A_452 = tpu.vector_load %arg7[%swap3A_451] {strides = array<i32>} : memref<1312xf32, #tpu.memory_space<vmem>>, vector<16xf32>,
    %swap3A_453 = vector.shape_cast %swap3A_452 : vector<16xf32> to vector<16xf32>
    %swap3A_454 = vector.shape_cast %broadcast_in_dim3A_450 : vector<16xf32> to vector<16xf32>
    tpu.vector_store %arg7[%swap3A_451], %swap3A_454 {strides = array<i32>} : memref<1312xf32, #tpu.memory_space<vmem>>, vector<16xf32>,
    %broadcast_in_dim3A_455 = arith.constant 0.000000e+00 : f32
    %broadcast_in_dim3A_456 = vector.broadcast %broadcast_in_dim3A_455 : f32 to vector<16xf32>
    %swap3A_457 = arith.constant 1216 : index
    %swap3A_458 = tpu.vector_load %arg7[%swap3A_457] {strides = array<i32>} : memref<1312xf32, #tpu.memory_space<vmem>>, vector<16xf32>,
    %swap3A_459 = vector.shape_cast %swap3A_458 : vector<16xf32> to vector<16xf32>
    %swap3A_460 = vector.shape_cast %broadcast_in_dim3A_456 : vector<16xf32> to vector<16xf32>
    tpu.vector_store %arg7[%swap3A_457], %swap3A_460 {strides = array<i32>} : memref<1312xf32, #tpu.memory_space<vmem>>, vector<16xf32>,
    %broadcast_in_dim3A_461 = arith.constant 0.000000e+00 : f32
    %broadcast_in_dim3A_462 = vector.broadcast %broadcast_in_dim3A_461 : f32 to vector<16xf32>
    %swap3A_463 = arith.constant 1232 : index
    %swap3A_464 = tpu.vector_load %arg7[%swap3A_463] {strides = array<i32>} : memref<1312xf32, #tpu.memory_space<vmem>>, vector<16xf32>,
    %swap3A_465 = vector.shape_cast %swap3A_464 : vector<16xf32> to vector<16xf32>
    %swap3A_466 = vector.shape_cast %broadcast_in_dim3A_462 : vector<16xf32> to vector<16xf32>
    tpu.vector_store %arg7[%swap3A_463], %swap3A_466 {strides = array<i32>} : memref<1312xf32, #tpu.memory_space<vmem>>, vector<16xf32>,
    %broadcast_in_dim3A_467 = arith.constant 0.000000e+00 : f32
    %broadcast_in_dim3A_468 = vector.broadcast %broadcast_in_dim3A_467 : f32 to vector<16xf32>
    %swap3A_469 = arith.constant 1248 : index
    %swap3A_470 = tpu.vector_load %arg7[%swap3A_469] {strides = array<i32>} : memref<1312xf32, #tpu.memory_space<vmem>>, vector<16xf32>,
    %swap3A_471 = vector.shape_cast %swap3A_470 : vector<16xf32> to vector<16xf32>
    %swap3A_472 = vector.shape_cast %broadcast_in_dim3A_468 : vector<16xf32> to vector<16xf32>
    tpu.vector_store %arg7[%swap3A_469], %swap3A_472 {strides = array<i32>} : memref<1312xf32, #tpu.memory_space<vmem>>, vector<16xf32>,
    %broadcast_in_dim3A_473 = arith.constant 0.000000e+00 : f32
    %broadcast_in_dim3A_474 = vector.broadcast %broadcast_in_dim3A_473 : f32 to vector<16xf32>
    %swap3A_475 = arith.constant 1264 : index
    %swap3A_476 = tpu.vector_load %arg7[%swap3A_475] {strides = array<i32>} : memref<1312xf32, #tpu.memory_space<vmem>>, vector<16xf32>,
    %swap3A_477 = vector.shape_cast %swap3A_476 : vector<16xf32> to vector<16xf32>
    %swap3A_478 = vector.shape_cast %broadcast_in_dim3A_474 : vector<16xf32> to vector<16xf32>
    tpu.vector_store %arg7[%swap3A_475], %swap3A_478 {strides = array<i32>} : memref<1312xf32, #tpu.memory_space<vmem>>, vector<16xf32>,
    %broadcast_in_dim3A_479 = arith.constant 0.000000e+00 : f32
    %broadcast_in_dim3A_480 = vector.broadcast %broadcast_in_dim3A_479 : f32 to vector<16xf32>
    %swap3A_481 = arith.constant 1280 : index
    %swap3A_482 = tpu.vector_load %arg7[%swap3A_481] {strides = array<i32>} : memref<1312xf32, #tpu.memory_space<vmem>>, vector<16xf32>,
    %swap3A_483 = vector.shape_cast %swap3A_482 : vector<16xf32> to vector<16xf32>
    %swap3A_484 = vector.shape_cast %broadcast_in_dim3A_480 : vector<16xf32> to vector<16xf32>
    tpu.vector_store %arg7[%swap3A_481], %swap3A_484 {strides = array<i32>} : memref<1312xf32, #tpu.memory_space<vmem>>, vector<16xf32>,
    %broadcast_in_dim3A_485 = arith.constant 0.000000e+00 : f32
    %broadcast_in_dim3A_486 = vector.broadcast %broadcast_in_dim3A_485 : f32 to vector<16xf32>
    %swap3A_487 = arith.constant 1296 : index
    %swap3A_488 = tpu.vector_load %arg7[%swap3A_487] {strides = array<i32>} : memref<1312xf32, #tpu.memory_space<vmem>>, vector<16xf32>,
    %swap3A_489 = vector.shape_cast %swap3A_488 : vector<16xf32> to vector<16xf32>
    %swap3A_490 = vector.shape_cast %broadcast_in_dim3A_486 : vector<16xf32> to vector<16xf32>
    tpu.vector_store %arg7[%swap3A_487], %swap3A_490 {strides = array<i32>} : memref<1312xf32, #tpu.memory_space<vmem>>, vector<16xf32>,
    %broadcast_in_dim3A_491 = arith.constant 1.000000e+00 : f32
    %broadcast_in_dim3A_492 = vector.broadcast %broadcast_in_dim3A_491 : f32 to vector<16xf32>
    %swap3A_493 = arith.constant 0 : index
    %swap3A_494 = tpu.vector_load %arg6[%swap3A_493] {strides = array<i32>} : memref<128xf32, #tpu.memory_space<vmem>>, vector<16xf32>,
    %swap3A_495 = vector.shape_cast %swap3A_494 : vector<16xf32> to vector<16xf32>
    %swap3A_496 = vector.shape_cast %broadcast_in_dim3A_492 : vector<16xf32> to vector<16xf32>
    tpu.vector_store %arg6[%swap3A_493], %swap3A_496 {strides = array<i32>} : memref<128xf32, #tpu.memory_space<vmem>>, vector<16xf32>,
    %broadcast_in_dim3A_497 = arith.constant 1.000000e+00 : f32
    %broadcast_in_dim3A_498 = vector.broadcast %broadcast_in_dim3A_497 : f32 to vector<16xf32>
    %swap3A_499 = arith.constant 16 : index
    %swap3A_500 = tpu.vector_load %arg6[%swap3A_499] {strides = array<i32>} : memref<128xf32, #tpu.memory_space<vmem>>, vector<16xf32>,
    %swap3A_501 = vector.shape_cast %swap3A_500 : vector<16xf32> to vector<16xf32>
    %swap3A_502 = vector.shape_cast %broadcast_in_dim3A_498 : vector<16xf32> to vector<16xf32>
    tpu.vector_store %arg6[%swap3A_499], %swap3A_502 {strides = array<i32>} : memref<128xf32, #tpu.memory_space<vmem>>, vector<16xf32>,
    %broadcast_in_dim3A_503 = arith.constant 1.000000e+00 : f32
    %broadcast_in_dim3A_504 = vector.broadcast %broadcast_in_dim3A_503 : f32 to vector<16xf32>
    %swap3A_505 = arith.constant 32 : index
    %swap3A_506 = tpu.vector_load %arg6[%swap3A_505] {strides = array<i32>} : memref<128xf32, #tpu.memory_space<vmem>>, vector<16xf32>,
    %swap3A_507 = vector.shape_cast %swap3A_506 : vector<16xf32> to vector<16xf32>
    %swap3A_508 = vector.shape_cast %broadcast_in_dim3A_504 : vector<16xf32> to vector<16xf32>
    tpu.vector_store %arg6[%swap3A_505], %swap3A_508 {strides = array<i32>} : memref<128xf32, #tpu.memory_space<vmem>>, vector<16xf32>,
    %broadcast_in_dim3A_509 = arith.constant 1.000000e+00 : f32
    %broadcast_in_dim3A_510 = vector.broadcast %broadcast_in_dim3A_509 : f32 to vector<16xf32>
    %swap3A_511 = arith.constant 48 : index
    %swap3A_512 = tpu.vector_load %arg6[%swap3A_511] {strides = array<i32>} : memref<128xf32, #tpu.memory_space<vmem>>, vector<16xf32>,
    %swap3A_513 = vector.shape_cast %swap3A_512 : vector<16xf32> to vector<16xf32>
    %swap3A_514 = vector.shape_cast %broadcast_in_dim3A_510 : vector<16xf32> to vector<16xf32>
    tpu.vector_store %arg6[%swap3A_511], %swap3A_514 {strides = array<i32>} : memref<128xf32, #tpu.memory_space<vmem>>, vector<16xf32>,
    %broadcast_in_dim3A_515 = arith.constant 1.000000e+00 : f32
    %broadcast_in_dim3A_516 = vector.broadcast %broadcast_in_dim3A_515 : f32 to vector<16xf32>
    %swap3A_517 = arith.constant 64 : index
    %swap3A_518 = tpu.vector_load %arg6[%swap3A_517] {strides = array<i32>} : memref<128xf32, #tpu.memory_space<vmem>>, vector<16xf32>,
    %swap3A_519 = vector.shape_cast %swap3A_518 : vector<16xf32> to vector<16xf32>
    %swap3A_520 = vector.shape_cast %broadcast_in_dim3A_516 : vector<16xf32> to vector<16xf32>
    tpu.vector_store %arg6[%swap3A_517], %swap3A_520 {strides = array<i32>} : memref<128xf32, #tpu.memory_space<vmem>>, vector<16xf32>,
    %broadcast_in_dim3A_521 = arith.constant 1.000000e+00 : f32
    %broadcast_in_dim3A_522 = vector.broadcast %broadcast_in_dim3A_521 : f32 to vector<16xf32>
    %swap3A_523 = arith.constant 80 : index
    %swap3A_524 = tpu.vector_load %arg6[%swap3A_523] {strides = array<i32>} : memref<128xf32, #tpu.memory_space<vmem>>, vector<16xf32>,
    %swap3A_525 = vector.shape_cast %swap3A_524 : vector<16xf32> to vector<16xf32>
    %swap3A_526 = vector.shape_cast %broadcast_in_dim3A_522 : vector<16xf32> to vector<16xf32>
    tpu.vector_store %arg6[%swap3A_523], %swap3A_526 {strides = array<i32>} : memref<128xf32, #tpu.memory_space<vmem>>, vector<16xf32>,
    %broadcast_in_dim3A_527 = arith.constant 1.000000e+00 : f32
    %broadcast_in_dim3A_528 = vector.broadcast %broadcast_in_dim3A_527 : f32 to vector<16xf32>
    %swap3A_529 = arith.constant 96 : index
    %swap3A_530 = tpu.vector_load %arg6[%swap3A_529] {strides = array<i32>} : memref<128xf32, #tpu.memory_space<vmem>>, vector<16xf32>,
    %swap3A_531 = vector.shape_cast %swap3A_530 : vector<16xf32> to vector<16xf32>
    %swap3A_532 = vector.shape_cast %broadcast_in_dim3A_528 : vector<16xf32> to vector<16xf32>
    tpu.vector_store %arg6[%swap3A_529], %swap3A_532 {strides = array<i32>} : memref<128xf32, #tpu.memory_space<vmem>>, vector<16xf32>,
    %broadcast_in_dim3A_533 = arith.constant 1.000000e+00 : f32
    %broadcast_in_dim3A_534 = vector.broadcast %broadcast_in_dim3A_533 : f32 to vector<16xf32>
    %swap3A_535 = arith.constant 112 : index
    %swap3A_536 = tpu.vector_load %arg6[%swap3A_535] {strides = array<i32>} : memref<128xf32, #tpu.memory_space<vmem>>, vector<16xf32>,
    %swap3A_537 = vector.shape_cast %swap3A_536 : vector<16xf32> to vector<16xf32>
    %swap3A_538 = vector.shape_cast %broadcast_in_dim3A_534 : vector<16xf32> to vector<16xf32>
    tpu.vector_store %arg6[%swap3A_535], %swap3A_538 {strides = array<i32>} : memref<128xf32, #tpu.memory_space<vmem>>, vector<16xf32>,
    %mul3A_539 = arith.constant 5248 : i32
    %mul3A_540 = arith.muli %arg1, %mul3A_539 : i32
    %multiple_of3A = tpu.assume_multiple %mul3A_540, 8 : i32
    %add3A_541 = arith.constant 0 : i32
    %add3A_542 = arith.addi %multiple_of3A, %add3A_541 : i32
    "tpu.region"() ({
      %run_scoped3A = tpu.sem_alloc : memref<!tpu.dma_semaphore, #tpu.memory_space<semaphore_mem>>
      %dma_start3A_574 = tpu.memref_slice %arg8[%add3A_542] : memref<83968xf32, #tpu.memory_space<vmem_shared>> -> memref<1312xf32, #tpu.memory_space<vmem_shared>>
      %dma_start3A_575 = tpu.memref_slice %arg8[%add3A_542] : memref<83968xf32, #tpu.memory_space<vmem_shared>> -> memref<1312xf32, #tpu.memory_space<vmem_shared>>
      tpu.enqueue_dma source(%arg7 : memref<1312xf32, #tpu.memory_space<vmem>>) target(%dma_start3A_575 : memref<1312xf32, #tpu.memory_space<vmem_shared>>) target_semaphore(%run_scoped3A : memref<!tpu.dma_semaphore, #tpu.memory_space<semaphore_mem>>)
      %dma_wait3A = tpu.memref_slice %arg8[%add3A_542] : memref<83968xf32, #tpu.memory_space<vmem_shared>> -> memref<1312xf32, #tpu.memory_space<vmem_shared>>
      %dma_wait3A_576 = tpu.memref_slice %arg8[%add3A_542] : memref<83968xf32, #tpu.memory_space<vmem_shared>> -> memref<1312xf32, #tpu.memory_space<vmem_shared>>
      tpu.wait_dma2 semaphore(%run_scoped3A : memref<!tpu.dma_semaphore, #tpu.memory_space<semaphore_mem>>) src(%arg7 : memref<1312xf32, #tpu.memory_space<vmem>>) dst(%dma_wait3A_576 : memref<1312xf32, #tpu.memory_space<vmem_shared>>)
      tpu.yield
    }) : () -> ()
    %add3A_543 = arith.constant 1312 : i32
    %add3A_544 = arith.addi %multiple_of3A, %add3A_543 : i32
    "tpu.region"() ({
      %run_scoped3A = tpu.sem_alloc : memref<!tpu.dma_semaphore, #tpu.memory_space<semaphore_mem>>
      %dma_start3A_574 = tpu.memref_slice %arg8[%add3A_544] : memref<83968xf32, #tpu.memory_space<vmem_shared>> -> memref<1312xf32, #tpu.memory_space<vmem_shared>>
      %dma_start3A_575 = tpu.memref_slice %arg8[%add3A_544] : memref<83968xf32, #tpu.memory_space<vmem_shared>> -> memref<1312xf32, #tpu.memory_space<vmem_shared>>
      tpu.enqueue_dma source(%arg7 : memref<1312xf32, #tpu.memory_space<vmem>>) target(%dma_start3A_575 : memref<1312xf32, #tpu.memory_space<vmem_shared>>) target_semaphore(%run_scoped3A : memref<!tpu.dma_semaphore, #tpu.memory_space<semaphore_mem>>)
      %dma_wait3A = tpu.memref_slice %arg8[%add3A_544] : memref<83968xf32, #tpu.memory_space<vmem_shared>> -> memref<1312xf32, #tpu.memory_space<vmem_shared>>
      %dma_wait3A_576 = tpu.memref_slice %arg8[%add3A_544] : memref<83968xf32, #tpu.memory_space<vmem_shared>> -> memref<1312xf32, #tpu.memory_space<vmem_shared>>
      tpu.wait_dma2 semaphore(%run_scoped3A : memref<!tpu.dma_semaphore, #tpu.memory_space<semaphore_mem>>) src(%arg7 : memref<1312xf32, #tpu.memory_space<vmem>>) dst(%dma_wait3A_576 : memref<1312xf32, #tpu.memory_space<vmem_shared>>)
      tpu.yield
    }) : () -> ()
    %add3A_545 = arith.constant 2624 : i32
    %add3A_546 = arith.addi %multiple_of3A, %add3A_545 : i32
    "tpu.region"() ({
      %run_scoped3A = tpu.sem_alloc : memref<!tpu.dma_semaphore, #tpu.memory_space<semaphore_mem>>
      %dma_start3A_574 = tpu.memref_slice %arg8[%add3A_546] : memref<83968xf32, #tpu.memory_space<vmem_shared>> -> memref<1312xf32, #tpu.memory_space<vmem_shared>>
      %dma_start3A_575 = tpu.memref_slice %arg8[%add3A_546] : memref<83968xf32, #tpu.memory_space<vmem_shared>> -> memref<1312xf32, #tpu.memory_space<vmem_shared>>
      tpu.enqueue_dma source(%arg7 : memref<1312xf32, #tpu.memory_space<vmem>>) target(%dma_start3A_575 : memref<1312xf32, #tpu.memory_space<vmem_shared>>) target_semaphore(%run_scoped3A : memref<!tpu.dma_semaphore, #tpu.memory_space<semaphore_mem>>)
      %dma_wait3A = tpu.memref_slice %arg8[%add3A_546] : memref<83968xf32, #tpu.memory_space<vmem_shared>> -> memref<1312xf32, #tpu.memory_space<vmem_shared>>
      %dma_wait3A_576 = tpu.memref_slice %arg8[%add3A_546] : memref<83968xf32, #tpu.memory_space<vmem_shared>> -> memref<1312xf32, #tpu.memory_space<vmem_shared>>
      tpu.wait_dma2 semaphore(%run_scoped3A : memref<!tpu.dma_semaphore, #tpu.memory_space<semaphore_mem>>) src(%arg7 : memref<1312xf32, #tpu.memory_space<vmem>>) dst(%dma_wait3A_576 : memref<1312xf32, #tpu.memory_space<vmem_shared>>)
      tpu.yield
    }) : () -> ()
    %add3A_547 = arith.constant 3936 : i32
    %add3A_548 = arith.addi %multiple_of3A, %add3A_547 : i32
    "tpu.region"() ({
      %run_scoped3A = tpu.sem_alloc : memref<!tpu.dma_semaphore, #tpu.memory_space<semaphore_mem>>
      %dma_start3A_574 = tpu.memref_slice %arg8[%add3A_548] : memref<83968xf32, #tpu.memory_space<vmem_shared>> -> memref<1312xf32, #tpu.memory_space<vmem_shared>>
      %dma_start3A_575 = tpu.memref_slice %arg8[%add3A_548] : memref<83968xf32, #tpu.memory_space<vmem_shared>> -> memref<1312xf32, #tpu.memory_space<vmem_shared>>
      tpu.enqueue_dma source(%arg7 : memref<1312xf32, #tpu.memory_space<vmem>>) target(%dma_start3A_575 : memref<1312xf32, #tpu.memory_space<vmem_shared>>) target_semaphore(%run_scoped3A : memref<!tpu.dma_semaphore, #tpu.memory_space<semaphore_mem>>)
      %dma_wait3A = tpu.memref_slice %arg8[%add3A_548] : memref<83968xf32, #tpu.memory_space<vmem_shared>> -> memref<1312xf32, #tpu.memory_space<vmem_shared>>
      %dma_wait3A_576 = tpu.memref_slice %arg8[%add3A_548] : memref<83968xf32, #tpu.memory_space<vmem_shared>> -> memref<1312xf32, #tpu.memory_space<vmem_shared>>
      tpu.wait_dma2 semaphore(%run_scoped3A : memref<!tpu.dma_semaphore, #tpu.memory_space<semaphore_mem>>) src(%arg7 : memref<1312xf32, #tpu.memory_space<vmem>>) dst(%dma_wait3A_576 : memref<1312xf32, #tpu.memory_space<vmem_shared>>)
      tpu.yield
    }) : () -> ()
    %barrier3A = arith.constant 0 : index
    tpu.barrier barrier_id(%barrier3A)
    %mul3A_549 = arith.constant 656 : i32
    %mul3A_550 = arith.muli %add3A, %mul3A_549 : i32
    %add3A_551 = arith.constant 0 : i32
    %add3A_552 = arith.addi %mul3A_550, %add3A_551 : i32
    %multiple_of3A_553 = tpu.assume_multiple %add3A_552, 8 : i32
    %dma_start3A = arith.constant 0 : i32
    %dma_start3A_554 = tpu.memref_slice %arg2[%multiple_of3A_553, %dma_start3A] : memref<20992x128xi32, #tpu.memory_space<hbm>> -> memref<8x128xi32, #tpu.memory_space<hbm>>
    %dma_start3A_555 = arith.constant 0 : i32
    %dma_start3A_556 = tpu.memref_slice %arg2[%multiple_of3A_553, %dma_start3A_555] : memref<20992x128xi32, #tpu.memory_space<hbm>> -> memref<8x128xi32, #tpu.memory_space<hbm>>
    tpu.enqueue_dma source(%dma_start3A_556 : memref<8x128xi32, #tpu.memory_space<hbm>>) target(%arg4 : memref<8x128xi32, #tpu.memory_space<vmem>>) target_semaphore(%arg9 : memref<!tpu.dma_semaphore, #tpu.memory_space<semaphore_mem>>)
    %add3A_557 = arith.constant 8 : i32
    %add3A_558 = arith.addi %mul3A_550, %add3A_557 : i32
    %multiple_of3A_559 = tpu.assume_multiple %add3A_558, 8 : i32
    %dma_start3A_560 = arith.constant 0 : i32
    %dma_start3A_561 = tpu.memref_slice %arg2[%multiple_of3A_559, %dma_start3A_560] : memref<20992x128xi32, #tpu.memory_space<hbm>> -> memref<8x128xi32, #tpu.memory_space<hbm>>
    %dma_start3A_562 = arith.constant 0 : i32
    %dma_start3A_563 = tpu.memref_slice %arg2[%multiple_of3A_559, %dma_start3A_562] : memref<20992x128xi32, #tpu.memory_space<hbm>> -> memref<8x128xi32, #tpu.memory_space<hbm>>
    tpu.enqueue_dma source(%dma_start3A_563 : memref<8x128xi32, #tpu.memory_space<hbm>>) target(%arg5 : memref<8x128xi32, #tpu.memory_space<vmem>>) target_semaphore(%arg10 : memref<!tpu.dma_semaphore, #tpu.memory_space<semaphore_mem>>)
    %scan3A = arith.constant 0 : i32
    %scan3A_564 = arith.constant 0 : i32
    %scan3A_565 = arith.constant 41 : i32
    %scan3A_566 = arith.addi %scan3A_564, %scan3A_565 : i32
    %scan3A_567 = arith.constant 1 : i32
    scf.for %scan3A_574 = %scan3A_564 to %scan3A_566 step %scan3A_567  : i32 {
      %mul3A_575 = arith.constant 2 : i32
      %mul3A_576 = arith.muli %mul3A_575, %scan3A_574 : i32
      %mul3A_577 = arith.constant 2 : i32
      %mul3A_578 = arith.muli %scan3A_574, %mul3A_577 : i32
      %add3A_579 = arith.constant 2 : i32
      %add3A_580 = arith.addi %mul3A_578, %add3A_579 : i32
      %lt3A = arith.constant 82 : i32
      %lt3A_581 = arith.cmpi slt, %add3A_580, %lt3A : i32
      %dma_wait3A = arith.constant 0 : i32
      %dma_wait3A_582 = arith.constant 0 : i32
      %dma_wait3A_583 = tpu.memref_slice %arg2[%dma_wait3A, %dma_wait3A_582] : memref<20992x128xi32, #tpu.memory_space<hbm>> -> memref<8x128xi32, #tpu.memory_space<hbm>>
      %dma_wait3A_584 = arith.constant 0 : i32
      %dma_wait3A_585 = arith.constant 0 : i32
      %dma_wait3A_586 = tpu.memref_slice %arg2[%dma_wait3A_584, %dma_wait3A_585] : memref<20992x128xi32, #tpu.memory_space<hbm>> -> memref<8x128xi32, #tpu.memory_space<hbm>>
      tpu.wait_dma2 semaphore(%arg9 : memref<!tpu.dma_semaphore, #tpu.memory_space<semaphore_mem>>) src(%dma_wait3A_586 : memref<8x128xi32, #tpu.memory_space<hbm>>) dst(%arg4 : memref<8x128xi32, #tpu.memory_space<vmem>>)
      %dma_start3A_587 = arith.constant 0 : i32
      %dma_start3A_588 = arith.constant 0 : i32
      %dma_start3A_589 = tpu.memref_slice %arg4[%dma_start3A_587, %dma_start3A_588] : memref<8x128xi32, #tpu.memory_space<vmem>> -> memref<1x128xi32, #tpu.memory_space<vmem>>
      %dma_start3A_590 = tpu.memref_squeeze %dma_start3A_589 : memref<1x128xi32, #tpu.memory_space<vmem>> -> memref<128xi32, #tpu.memory_space<vmem>>
      %dma_start3A_591 = arith.constant 0 : i32
      %dma_start3A_592 = tpu.memref_slice %arg8[%dma_start3A_591] : memref<83968xf32, #tpu.memory_space<vmem_shared>> -> memref<83968xf32, #tpu.memory_space<vmem_shared>>
      tpu.enqueue_indirect_dma source(%arg6 : memref<128xf32, #tpu.memory_space<vmem>>) target(%dma_start3A_592 : memref<83968xf32, #tpu.memory_space<vmem_shared>>) offsets(%dma_start3A_590 : memref<128xi32, #tpu.memory_space<vmem>>) semaphore(%arg11 : memref<!tpu.dma_semaphore, #tpu.memory_space<semaphore_mem>>) {add = true}
      %dma_start3A_593 = arith.constant 1 : i32
      %dma_start3A_594 = arith.constant 0 : i32
      %dma_start3A_595 = tpu.memref_slice %arg4[%dma_start3A_593, %dma_start3A_594] : memref<8x128xi32, #tpu.memory_space<vmem>> -> memref<1x128xi32, #tpu.memory_space<vmem>>
      %dma_start3A_596 = tpu.memref_squeeze %dma_start3A_595 : memref<1x128xi32, #tpu.memory_space<vmem>> -> memref<128xi32, #tpu.memory_space<vmem>>
      %dma_start3A_597 = arith.constant 0 : i32
      %dma_start3A_598 = tpu.memref_slice %arg8[%dma_start3A_597] : memref<83968xf32, #tpu.memory_space<vmem_shared>> -> memref<83968xf32, #tpu.memory_space<vmem_shared>>
      tpu.enqueue_indirect_dma source(%arg6 : memref<128xf32, #tpu.memory_space<vmem>>) target(%dma_start3A_598 : memref<83968xf32, #tpu.memory_space<vmem_shared>>) offsets(%dma_start3A_596 : memref<128xi32, #tpu.memory_space<vmem>>) semaphore(%arg12 : memref<!tpu.dma_semaphore, #tpu.memory_space<semaphore_mem>>) {add = true}
      %dma_wait3A_599 = arith.constant 0 : i32
      %dma_wait3A_600 = arith.constant 0 : i32
      %dma_wait3A_601 = arith.constant 0 : i32
      %dma_wait3A_602 = tpu.memref_slice %arg4[%dma_wait3A_600, %dma_wait3A_601] : memref<8x128xi32, #tpu.memory_space<vmem>> -> memref<1x128xi32, #tpu.memory_space<vmem>>
      %dma_wait3A_603 = tpu.memref_squeeze %dma_wait3A_602 : memref<1x128xi32, #tpu.memory_space<vmem>> -> memref<128xi32, #tpu.memory_space<vmem>>
      %dma_wait3A_604 = arith.constant 0 : i32
      %dma_wait3A_605 = tpu.memref_slice %arg2[%dma_wait3A_599, %dma_wait3A_604] : memref<20992x128xi32, #tpu.memory_space<hbm>> -> memref<1x128xi32, #tpu.memory_space<hbm>>
      %dma_wait3A_606 = tpu.memref_squeeze %dma_wait3A_605 : memref<1x128xi32, #tpu.memory_space<hbm>> -> memref<128xi32, #tpu.memory_space<hbm>>
      %dma_wait3A_607 = arith.constant 0 : i32
      %dma_wait3A_608 = tpu.memref_slice %arg4[%dma_wait3A_600, %dma_wait3A_607] : memref<8x128xi32, #tpu.memory_space<vmem>> -> memref<1x128xi32, #tpu.memory_space<vmem>>
      %dma_wait3A_609 = tpu.memref_squeeze %dma_wait3A_608 : memref<1x128xi32, #tpu.memory_space<vmem>> -> memref<128xi32, #tpu.memory_space<vmem>>
      %dma_wait3A_610 = arith.constant 0 : i32
      %dma_wait3A_611 = tpu.memref_slice %arg2[%dma_wait3A_599, %dma_wait3A_610] : memref<20992x128xi32, #tpu.memory_space<hbm>> -> memref<1x128xi32, #tpu.memory_space<hbm>>
      %dma_wait3A_612 = tpu.memref_squeeze %dma_wait3A_611 : memref<1x128xi32, #tpu.memory_space<hbm>> -> memref<128xi32, #tpu.memory_space<hbm>>
      tpu.wait_dma2 semaphore(%arg11 : memref<!tpu.dma_semaphore, #tpu.memory_space<semaphore_mem>>) src(%dma_wait3A_612 : memref<128xi32, #tpu.memory_space<hbm>>) dst(%dma_wait3A_609 : memref<128xi32, #tpu.memory_space<vmem>>)
      %dma_start3A_613 = arith.constant 2 : i32
      %dma_start3A_614 = arith.constant 0 : i32
      %dma_start3A_615 = tpu.memref_slice %arg4[%dma_start3A_613, %dma_start3A_614] : memref<8x128xi32, #tpu.memory_space<vmem>> -> memref<1x128xi32, #tpu.memory_space<vmem>>
      %dma_start3A_616 = tpu.memref_squeeze %dma_start3A_615 : memref<1x128xi32, #tpu.memory_space<vmem>> -> memref<128xi32, #tpu.memory_space<vmem>>
      %dma_start3A_617 = arith.constant 0 : i32
      %dma_start3A_618 = tpu.memref_slice %arg8[%dma_start3A_617] : memref<83968xf32, #tpu.memory_space<vmem_shared>> -> memref<83968xf32, #tpu.memory_space<vmem_shared>>
      tpu.enqueue_indirect_dma source(%arg6 : memref<128xf32, #tpu.memory_space<vmem>>) target(%dma_start3A_618 : memref<83968xf32, #tpu.memory_space<vmem_shared>>) offsets(%dma_start3A_616 : memref<128xi32, #tpu.memory_space<vmem>>) semaphore(%arg11 : memref<!tpu.dma_semaphore, #tpu.memory_space<semaphore_mem>>) {add = true}
      %dma_wait3A_619 = arith.constant 0 : i32
      %dma_wait3A_620 = arith.constant 0 : i32
      %dma_wait3A_621 = arith.constant 0 : i32
      %dma_wait3A_622 = tpu.memref_slice %arg4[%dma_wait3A_620, %dma_wait3A_621] : memref<8x128xi32, #tpu.memory_space<vmem>> -> memref<1x128xi32, #tpu.memory_space<vmem>>
      %dma_wait3A_623 = tpu.memref_squeeze %dma_wait3A_622 : memref<1x128xi32, #tpu.memory_space<vmem>> -> memref<128xi32, #tpu.memory_space<vmem>>
      %dma_wait3A_624 = arith.constant 0 : i32
      %dma_wait3A_625 = tpu.memref_slice %arg2[%dma_wait3A_619, %dma_wait3A_624] : memref<20992x128xi32, #tpu.memory_space<hbm>> -> memref<1x128xi32, #tpu.memory_space<hbm>>
      %dma_wait3A_626 = tpu.memref_squeeze %dma_wait3A_625 : memref<1x128xi32, #tpu.memory_space<hbm>> -> memref<128xi32, #tpu.memory_space<hbm>>
      %dma_wait3A_627 = arith.constant 0 : i32
      %dma_wait3A_628 = tpu.memref_slice %arg4[%dma_wait3A_620, %dma_wait3A_627] : memref<8x128xi32, #tpu.memory_space<vmem>> -> memref<1x128xi32, #tpu.memory_space<vmem>>
      %dma_wait3A_629 = tpu.memref_squeeze %dma_wait3A_628 : memref<1x128xi32, #tpu.memory_space<vmem>> -> memref<128xi32, #tpu.memory_space<vmem>>
      %dma_wait3A_630 = arith.constant 0 : i32
      %dma_wait3A_631 = tpu.memref_slice %arg2[%dma_wait3A_619, %dma_wait3A_630] : memref<20992x128xi32, #tpu.memory_space<hbm>> -> memref<1x128xi32, #tpu.memory_space<hbm>>
      %dma_wait3A_632 = tpu.memref_squeeze %dma_wait3A_631 : memref<1x128xi32, #tpu.memory_space<hbm>> -> memref<128xi32, #tpu.memory_space<hbm>>
      tpu.wait_dma2 semaphore(%arg12 : memref<!tpu.dma_semaphore, #tpu.memory_space<semaphore_mem>>) src(%dma_wait3A_632 : memref<128xi32, #tpu.memory_space<hbm>>) dst(%dma_wait3A_629 : memref<128xi32, #tpu.memory_space<vmem>>)
      %dma_start3A_633 = arith.constant 3 : i32
      %dma_start3A_634 = arith.constant 0 : i32
      %dma_start3A_635 = tpu.memref_slice %arg4[%dma_start3A_633, %dma_start3A_634] : memref<8x128xi32, #tpu.memory_space<vmem>> -> memref<1x128xi32, #tpu.memory_space<vmem>>
      %dma_start3A_636 = tpu.memref_squeeze %dma_start3A_635 : memref<1x128xi32, #tpu.memory_space<vmem>> -> memref<128xi32, #tpu.memory_space<vmem>>
      %dma_start3A_637 = arith.constant 0 : i32
      %dma_start3A_638 = tpu.memref_slice %arg8[%dma_start3A_637] : memref<83968xf32, #tpu.memory_space<vmem_shared>> -> memref<83968xf32, #tpu.memory_space<vmem_shared>>
      tpu.enqueue_indirect_dma source(%arg6 : memref<128xf32, #tpu.memory_space<vmem>>) target(%dma_start3A_638 : memref<83968xf32, #tpu.memory_space<vmem_shared>>) offsets(%dma_start3A_636 : memref<128xi32, #tpu.memory_space<vmem>>) semaphore(%arg12 : memref<!tpu.dma_semaphore, #tpu.memory_space<semaphore_mem>>) {add = true}
      %dma_wait3A_639 = arith.constant 0 : i32
      %dma_wait3A_640 = arith.constant 0 : i32
      %dma_wait3A_641 = arith.constant 0 : i32
      %dma_wait3A_642 = tpu.memref_slice %arg4[%dma_wait3A_640, %dma_wait3A_641] : memref<8x128xi32, #tpu.memory_space<vmem>> -> memref<1x128xi32, #tpu.memory_space<vmem>>
      %dma_wait3A_643 = tpu.memref_squeeze %dma_wait3A_642 : memref<1x128xi32, #tpu.memory_space<vmem>> -> memref<128xi32, #tpu.memory_space<vmem>>
      %dma_wait3A_644 = arith.constant 0 : i32
      %dma_wait3A_645 = tpu.memref_slice %arg2[%dma_wait3A_639, %dma_wait3A_644] : memref<20992x128xi32, #tpu.memory_space<hbm>> -> memref<1x128xi32, #tpu.memory_space<hbm>>
      %dma_wait3A_646 = tpu.memref_squeeze %dma_wait3A_645 : memref<1x128xi32, #tpu.memory_space<hbm>> -> memref<128xi32, #tpu.memory_space<hbm>>
      %dma_wait3A_647 = arith.constant 0 : i32
      %dma_wait3A_648 = tpu.memref_slice %arg4[%dma_wait3A_640, %dma_wait3A_647] : memref<8x128xi32, #tpu.memory_space<vmem>> -> memref<1x128xi32, #tpu.memory_space<vmem>>
      %dma_wait3A_649 = tpu.memref_squeeze %dma_wait3A_648 : memref<1x128xi32, #tpu.memory_space<vmem>> -> memref<128xi32, #tpu.memory_space<vmem>>
      %dma_wait3A_650 = arith.constant 0 : i32
      %dma_wait3A_651 = tpu.memref_slice %arg2[%dma_wait3A_639, %dma_wait3A_650] : memref<20992x128xi32, #tpu.memory_space<hbm>> -> memref<1x128xi32, #tpu.memory_space<hbm>>
      %dma_wait3A_652 = tpu.memref_squeeze %dma_wait3A_651 : memref<1x128xi32, #tpu.memory_space<hbm>> -> memref<128xi32, #tpu.memory_space<hbm>>
      tpu.wait_dma2 semaphore(%arg11 : memref<!tpu.dma_semaphore, #tpu.memory_space<semaphore_mem>>) src(%dma_wait3A_652 : memref<128xi32, #tpu.memory_space<hbm>>) dst(%dma_wait3A_649 : memref<128xi32, #tpu.memory_space<vmem>>)
      %dma_start3A_653 = arith.constant 4 : i32
      %dma_start3A_654 = arith.constant 0 : i32
      %dma_start3A_655 = tpu.memref_slice %arg4[%dma_start3A_653, %dma_start3A_654] : memref<8x128xi32, #tpu.memory_space<vmem>> -> memref<1x128xi32, #tpu.memory_space<vmem>>
      %dma_start3A_656 = tpu.memref_squeeze %dma_start3A_655 : memref<1x128xi32, #tpu.memory_space<vmem>> -> memref<128xi32, #tpu.memory_space<vmem>>
      %dma_start3A_657 = arith.constant 0 : i32
      %dma_start3A_658 = tpu.memref_slice %arg8[%dma_start3A_657] : memref<83968xf32, #tpu.memory_space<vmem_shared>> -> memref<83968xf32, #tpu.memory_space<vmem_shared>>
      tpu.enqueue_indirect_dma source(%arg6 : memref<128xf32, #tpu.memory_space<vmem>>) target(%dma_start3A_658 : memref<83968xf32, #tpu.memory_space<vmem_shared>>) offsets(%dma_start3A_656 : memref<128xi32, #tpu.memory_space<vmem>>) semaphore(%arg11 : memref<!tpu.dma_semaphore, #tpu.memory_space<semaphore_mem>>) {add = true}
      %dma_wait3A_659 = arith.constant 0 : i32
      %dma_wait3A_660 = arith.constant 0 : i32
      %dma_wait3A_661 = arith.constant 0 : i32
      %dma_wait3A_662 = tpu.memref_slice %arg4[%dma_wait3A_660, %dma_wait3A_661] : memref<8x128xi32, #tpu.memory_space<vmem>> -> memref<1x128xi32, #tpu.memory_space<vmem>>
      %dma_wait3A_663 = tpu.memref_squeeze %dma_wait3A_662 : memref<1x128xi32, #tpu.memory_space<vmem>> -> memref<128xi32, #tpu.memory_space<vmem>>
      %dma_wait3A_664 = arith.constant 0 : i32
      %dma_wait3A_665 = tpu.memref_slice %arg2[%dma_wait3A_659, %dma_wait3A_664] : memref<20992x128xi32, #tpu.memory_space<hbm>> -> memref<1x128xi32, #tpu.memory_space<hbm>>
      %dma_wait3A_666 = tpu.memref_squeeze %dma_wait3A_665 : memref<1x128xi32, #tpu.memory_space<hbm>> -> memref<128xi32, #tpu.memory_space<hbm>>
      %dma_wait3A_667 = arith.constant 0 : i32
      %dma_wait3A_668 = tpu.memref_slice %arg4[%dma_wait3A_660, %dma_wait3A_667] : memref<8x128xi32, #tpu.memory_space<vmem>> -> memref<1x128xi32, #tpu.memory_space<vmem>>
      %dma_wait3A_669 = tpu.memref_squeeze %dma_wait3A_668 : memref<1x128xi32, #tpu.memory_space<vmem>> -> memref<128xi32, #tpu.memory_space<vmem>>
      %dma_wait3A_670 = arith.constant 0 : i32
      %dma_wait3A_671 = tpu.memref_slice %arg2[%dma_wait3A_659, %dma_wait3A_670] : memref<20992x128xi32, #tpu.memory_space<hbm>> -> memref<1x128xi32, #tpu.memory_space<hbm>>
      %dma_wait3A_672 = tpu.memref_squeeze %dma_wait3A_671 : memref<1x128xi32, #tpu.memory_space<hbm>> -> memref<128xi32, #tpu.memory_space<hbm>>
      tpu.wait_dma2 semaphore(%arg12 : memref<!tpu.dma_semaphore, #tpu.memory_space<semaphore_mem>>) src(%dma_wait3A_672 : memref<128xi32, #tpu.memory_space<hbm>>) dst(%dma_wait3A_669 : memref<128xi32, #tpu.memory_space<vmem>>)
      %dma_start3A_673 = arith.constant 5 : i32
      %dma_start3A_674 = arith.constant 0 : i32
      %dma_start3A_675 = tpu.memref_slice %arg4[%dma_start3A_673, %dma_start3A_674] : memref<8x128xi32, #tpu.memory_space<vmem>> -> memref<1x128xi32, #tpu.memory_space<vmem>>
      %dma_start3A_676 = tpu.memref_squeeze %dma_start3A_675 : memref<1x128xi32, #tpu.memory_space<vmem>> -> memref<128xi32, #tpu.memory_space<vmem>>
      %dma_start3A_677 = arith.constant 0 : i32
      %dma_start3A_678 = tpu.memref_slice %arg8[%dma_start3A_677] : memref<83968xf32, #tpu.memory_space<vmem_shared>> -> memref<83968xf32, #tpu.memory_space<vmem_shared>>
      tpu.enqueue_indirect_dma source(%arg6 : memref<128xf32, #tpu.memory_space<vmem>>) target(%dma_start3A_678 : memref<83968xf32, #tpu.memory_space<vmem_shared>>) offsets(%dma_start3A_676 : memref<128xi32, #tpu.memory_space<vmem>>) semaphore(%arg12 : memref<!tpu.dma_semaphore, #tpu.memory_space<semaphore_mem>>) {add = true}
      %dma_wait3A_679 = arith.constant 0 : i32
      %dma_wait3A_680 = arith.constant 0 : i32
      %dma_wait3A_681 = arith.constant 0 : i32
      %dma_wait3A_682 = tpu.memref_slice %arg4[%dma_wait3A_680, %dma_wait3A_681] : memref<8x128xi32, #tpu.memory_space<vmem>> -> memref<1x128xi32, #tpu.memory_space<vmem>>
      %dma_wait3A_683 = tpu.memref_squeeze %dma_wait3A_682 : memref<1x128xi32, #tpu.memory_space<vmem>> -> memref<128xi32, #tpu.memory_space<vmem>>
      %dma_wait3A_684 = arith.constant 0 : i32
      %dma_wait3A_685 = tpu.memref_slice %arg2[%dma_wait3A_679, %dma_wait3A_684] : memref<20992x128xi32, #tpu.memory_space<hbm>> -> memref<1x128xi32, #tpu.memory_space<hbm>>
      %dma_wait3A_686 = tpu.memref_squeeze %dma_wait3A_685 : memref<1x128xi32, #tpu.memory_space<hbm>> -> memref<128xi32, #tpu.memory_space<hbm>>
      %dma_wait3A_687 = arith.constant 0 : i32
      %dma_wait3A_688 = tpu.memref_slice %arg4[%dma_wait3A_680, %dma_wait3A_687] : memref<8x128xi32, #tpu.memory_space<vmem>> -> memref<1x128xi32, #tpu.memory_space<vmem>>
      %dma_wait3A_689 = tpu.memref_squeeze %dma_wait3A_688 : memref<1x128xi32, #tpu.memory_space<vmem>> -> memref<128xi32, #tpu.memory_space<vmem>>
      %dma_wait3A_690 = arith.constant 0 : i32
      %dma_wait3A_691 = tpu.memref_slice %arg2[%dma_wait3A_679, %dma_wait3A_690] : memref<20992x128xi32, #tpu.memory_space<hbm>> -> memref<1x128xi32, #tpu.memory_space<hbm>>
      %dma_wait3A_692 = tpu.memref_squeeze %dma_wait3A_691 : memref<1x128xi32, #tpu.memory_space<hbm>> -> memref<128xi32, #tpu.memory_space<hbm>>
      tpu.wait_dma2 semaphore(%arg11 : memref<!tpu.dma_semaphore, #tpu.memory_space<semaphore_mem>>) src(%dma_wait3A_692 : memref<128xi32, #tpu.memory_space<hbm>>) dst(%dma_wait3A_689 : memref<128xi32, #tpu.memory_space<vmem>>)
      %dma_start3A_693 = arith.constant 6 : i32
      %dma_start3A_694 = arith.constant 0 : i32
      %dma_start3A_695 = tpu.memref_slice %arg4[%dma_start3A_693, %dma_start3A_694] : memref<8x128xi32, #tpu.memory_space<vmem>> -> memref<1x128xi32, #tpu.memory_space<vmem>>
      %dma_start3A_696 = tpu.memref_squeeze %dma_start3A_695 : memref<1x128xi32, #tpu.memory_space<vmem>> -> memref<128xi32, #tpu.memory_space<vmem>>
      %dma_start3A_697 = arith.constant 0 : i32
      %dma_start3A_698 = tpu.memref_slice %arg8[%dma_start3A_697] : memref<83968xf32, #tpu.memory_space<vmem_shared>> -> memref<83968xf32, #tpu.memory_space<vmem_shared>>
      tpu.enqueue_indirect_dma source(%arg6 : memref<128xf32, #tpu.memory_space<vmem>>) target(%dma_start3A_698 : memref<83968xf32, #tpu.memory_space<vmem_shared>>) offsets(%dma_start3A_696 : memref<128xi32, #tpu.memory_space<vmem>>) semaphore(%arg11 : memref<!tpu.dma_semaphore, #tpu.memory_space<semaphore_mem>>) {add = true}
      %dma_wait3A_699 = arith.constant 0 : i32
      %dma_wait3A_700 = arith.constant 0 : i32
      %dma_wait3A_701 = arith.constant 0 : i32
      %dma_wait3A_702 = tpu.memref_slice %arg4[%dma_wait3A_700, %dma_wait3A_701] : memref<8x128xi32, #tpu.memory_space<vmem>> -> memref<1x128xi32, #tpu.memory_space<vmem>>
      %dma_wait3A_703 = tpu.memref_squeeze %dma_wait3A_702 : memref<1x128xi32, #tpu.memory_space<vmem>> -> memref<128xi32, #tpu.memory_space<vmem>>
      %dma_wait3A_704 = arith.constant 0 : i32
      %dma_wait3A_705 = tpu.memref_slice %arg2[%dma_wait3A_699, %dma_wait3A_704] : memref<20992x128xi32, #tpu.memory_space<hbm>> -> memref<1x128xi32, #tpu.memory_space<hbm>>
      %dma_wait3A_706 = tpu.memref_squeeze %dma_wait3A_705 : memref<1x128xi32, #tpu.memory_space<hbm>> -> memref<128xi32, #tpu.memory_space<hbm>>
      %dma_wait3A_707 = arith.constant 0 : i32
      %dma_wait3A_708 = tpu.memref_slice %arg4[%dma_wait3A_700, %dma_wait3A_707] : memref<8x128xi32, #tpu.memory_space<vmem>> -> memref<1x128xi32, #tpu.memory_space<vmem>>
      %dma_wait3A_709 = tpu.memref_squeeze %dma_wait3A_708 : memref<1x128xi32, #tpu.memory_space<vmem>> -> memref<128xi32, #tpu.memory_space<vmem>>
      %dma_wait3A_710 = arith.constant 0 : i32
      %dma_wait3A_711 = tpu.memref_slice %arg2[%dma_wait3A_699, %dma_wait3A_710] : memref<20992x128xi32, #tpu.memory_space<hbm>> -> memref<1x128xi32, #tpu.memory_space<hbm>>
      %dma_wait3A_712 = tpu.memref_squeeze %dma_wait3A_711 : memref<1x128xi32, #tpu.memory_space<hbm>> -> memref<128xi32, #tpu.memory_space<hbm>>
      tpu.wait_dma2 semaphore(%arg12 : memref<!tpu.dma_semaphore, #tpu.memory_space<semaphore_mem>>) src(%dma_wait3A_712 : memref<128xi32, #tpu.memory_space<hbm>>) dst(%dma_wait3A_709 : memref<128xi32, #tpu.memory_space<vmem>>)
      %dma_start3A_713 = arith.constant 7 : i32
      %dma_start3A_714 = arith.constant 0 : i32
      %dma_start3A_715 = tpu.memref_slice %arg4[%dma_start3A_713, %dma_start3A_714] : memref<8x128xi32, #tpu.memory_space<vmem>> -> memref<1x128xi32, #tpu.memory_space<vmem>>
      %dma_start3A_716 = tpu.memref_squeeze %dma_start3A_715 : memref<1x128xi32, #tpu.memory_space<vmem>> -> memref<128xi32, #tpu.memory_space<vmem>>
      %dma_start3A_717 = arith.constant 0 : i32
      %dma_start3A_718 = tpu.memref_slice %arg8[%dma_start3A_717] : memref<83968xf32, #tpu.memory_space<vmem_shared>> -> memref<83968xf32, #tpu.memory_space<vmem_shared>>
      tpu.enqueue_indirect_dma source(%arg6 : memref<128xf32, #tpu.memory_space<vmem>>) target(%dma_start3A_718 : memref<83968xf32, #tpu.memory_space<vmem_shared>>) offsets(%dma_start3A_716 : memref<128xi32, #tpu.memory_space<vmem>>) semaphore(%arg12 : memref<!tpu.dma_semaphore, #tpu.memory_space<semaphore_mem>>) {add = true}
      %dma_wait3A_719 = arith.constant 0 : i32
      %dma_wait3A_720 = arith.constant 0 : i32
      %dma_wait3A_721 = arith.constant 0 : i32
      %dma_wait3A_722 = tpu.memref_slice %arg4[%dma_wait3A_720, %dma_wait3A_721] : memref<8x128xi32, #tpu.memory_space<vmem>> -> memref<1x128xi32, #tpu.memory_space<vmem>>
      %dma_wait3A_723 = tpu.memref_squeeze %dma_wait3A_722 : memref<1x128xi32, #tpu.memory_space<vmem>> -> memref<128xi32, #tpu.memory_space<vmem>>
      %dma_wait3A_724 = arith.constant 0 : i32
      %dma_wait3A_725 = tpu.memref_slice %arg2[%dma_wait3A_719, %dma_wait3A_724] : memref<20992x128xi32, #tpu.memory_space<hbm>> -> memref<1x128xi32, #tpu.memory_space<hbm>>
      %dma_wait3A_726 = tpu.memref_squeeze %dma_wait3A_725 : memref<1x128xi32, #tpu.memory_space<hbm>> -> memref<128xi32, #tpu.memory_space<hbm>>
      %dma_wait3A_727 = arith.constant 0 : i32
      %dma_wait3A_728 = tpu.memref_slice %arg4[%dma_wait3A_720, %dma_wait3A_727] : memref<8x128xi32, #tpu.memory_space<vmem>> -> memref<1x128xi32, #tpu.memory_space<vmem>>
      %dma_wait3A_729 = tpu.memref_squeeze %dma_wait3A_728 : memref<1x128xi32, #tpu.memory_space<vmem>> -> memref<128xi32, #tpu.memory_space<vmem>>
      %dma_wait3A_730 = arith.constant 0 : i32
      %dma_wait3A_731 = tpu.memref_slice %arg2[%dma_wait3A_719, %dma_wait3A_730] : memref<20992x128xi32, #tpu.memory_space<hbm>> -> memref<1x128xi32, #tpu.memory_space<hbm>>
      %dma_wait3A_732 = tpu.memref_squeeze %dma_wait3A_731 : memref<1x128xi32, #tpu.memory_space<hbm>> -> memref<128xi32, #tpu.memory_space<hbm>>
      tpu.wait_dma2 semaphore(%arg11 : memref<!tpu.dma_semaphore, #tpu.memory_space<semaphore_mem>>) src(%dma_wait3A_732 : memref<128xi32, #tpu.memory_space<hbm>>) dst(%dma_wait3A_729 : memref<128xi32, #tpu.memory_space<vmem>>)
      %dma_wait3A_733 = arith.constant 0 : i32
      %dma_wait3A_734 = arith.constant 0 : i32
      %dma_wait3A_735 = arith.constant 0 : i32
      %dma_wait3A_736 = tpu.memref_slice %arg4[%dma_wait3A_734, %dma_wait3A_735] : memref<8x128xi32, #tpu.memory_space<vmem>> -> memref<1x128xi32, #tpu.memory_space<vmem>>
      %dma_wait3A_737 = tpu.memref_squeeze %dma_wait3A_736 : memref<1x128xi32, #tpu.memory_space<vmem>> -> memref<128xi32, #tpu.memory_space<vmem>>
      %dma_wait3A_738 = arith.constant 0 : i32
      %dma_wait3A_739 = tpu.memref_slice %arg2[%dma_wait3A_733, %dma_wait3A_738] : memref<20992x128xi32, #tpu.memory_space<hbm>> -> memref<1x128xi32, #tpu.memory_space<hbm>>
      %dma_wait3A_740 = tpu.memref_squeeze %dma_wait3A_739 : memref<1x128xi32, #tpu.memory_space<hbm>> -> memref<128xi32, #tpu.memory_space<hbm>>
      %dma_wait3A_741 = arith.constant 0 : i32
      %dma_wait3A_742 = tpu.memref_slice %arg4[%dma_wait3A_734, %dma_wait3A_741] : memref<8x128xi32, #tpu.memory_space<vmem>> -> memref<1x128xi32, #tpu.memory_space<vmem>>
      %dma_wait3A_743 = tpu.memref_squeeze %dma_wait3A_742 : memref<1x128xi32, #tpu.memory_space<vmem>> -> memref<128xi32, #tpu.memory_space<vmem>>
      %dma_wait3A_744 = arith.constant 0 : i32
      %dma_wait3A_745 = tpu.memref_slice %arg2[%dma_wait3A_733, %dma_wait3A_744] : memref<20992x128xi32, #tpu.memory_space<hbm>> -> memref<1x128xi32, #tpu.memory_space<hbm>>
      %dma_wait3A_746 = tpu.memref_squeeze %dma_wait3A_745 : memref<1x128xi32, #tpu.memory_space<hbm>> -> memref<128xi32, #tpu.memory_space<hbm>>
      tpu.wait_dma2 semaphore(%arg12 : memref<!tpu.dma_semaphore, #tpu.memory_space<semaphore_mem>>) src(%dma_wait3A_746 : memref<128xi32, #tpu.memory_space<hbm>>) dst(%dma_wait3A_743 : memref<128xi32, #tpu.memory_space<vmem>>)
      %convert_element_type3A = arith.extui %lt3A_581 : i1 to i32
      %cond3A = arith.constant 0 : i32
      %cond3A_747 = arith.cmpi ne, %convert_element_type3A, %cond3A : i32
      scf.if %cond3A_747 {
        %add3A_927 = arith.constant 2 : i32
        %add3A_928 = arith.addi %mul3A_576, %add3A_927 : i32
        %mul3A_929 = arith.constant 8 : i32
        %mul3A_930 = arith.muli %add3A_928, %mul3A_929 : i32
        %add3A_931 = arith.addi %mul3A_550, %mul3A_930 : i32
        %multiple_of3A_932 = tpu.assume_multiple %add3A_931, 8 : i32
        %dma_start3A_933 = arith.constant 0 : i32
        %dma_start3A_934 = tpu.memref_slice %arg2[%multiple_of3A_932, %dma_start3A_933] : memref<20992x128xi32, #tpu.memory_space<hbm>> -> memref<8x128xi32, #tpu.memory_space<hbm>>
        %dma_start3A_935 = arith.constant 0 : i32
        %dma_start3A_936 = tpu.memref_slice %arg2[%multiple_of3A_932, %dma_start3A_935] : memref<20992x128xi32, #tpu.memory_space<hbm>> -> memref<8x128xi32, #tpu.memory_space<hbm>>
        tpu.enqueue_dma source(%dma_start3A_936 : memref<8x128xi32, #tpu.memory_space<hbm>>) target(%arg4 : memref<8x128xi32, #tpu.memory_space<vmem>>) target_semaphore(%arg9 : memref<!tpu.dma_semaphore, #tpu.memory_space<semaphore_mem>>)
      } else {
      }
      %mul3A_748 = arith.constant 2 : i32
      %mul3A_749 = arith.muli %mul3A_748, %scan3A_574 : i32
      %add3A_750 = arith.constant 1 : i32
      %add3A_751 = arith.addi %mul3A_749, %add3A_750 : i32
      %mul3A_752 = arith.constant 2 : i32
      %mul3A_753 = arith.muli %scan3A_574, %mul3A_752 : i32
      %add3A_754 = arith.constant 3 : i32
      %add3A_755 = arith.addi %mul3A_753, %add3A_754 : i32
      %lt3A_756 = arith.constant 82 : i32
      %lt3A_757 = arith.cmpi slt, %add3A_755, %lt3A_756 : i32
      %dma_wait3A_758 = arith.constant 0 : i32
      %dma_wait3A_759 = arith.constant 0 : i32
      %dma_wait3A_760 = tpu.memref_slice %arg2[%dma_wait3A_758, %dma_wait3A_759] : memref<20992x128xi32, #tpu.memory_space<hbm>> -> memref<8x128xi32, #tpu.memory_space<hbm>>
      %dma_wait3A_761 = arith.constant 0 : i32
      %dma_wait3A_762 = arith.constant 0 : i32
      %dma_wait3A_763 = tpu.memref_slice %arg2[%dma_wait3A_761, %dma_wait3A_762] : memref<20992x128xi32, #tpu.memory_space<hbm>> -> memref<8x128xi32, #tpu.memory_space<hbm>>
      tpu.wait_dma2 semaphore(%arg10 : memref<!tpu.dma_semaphore, #tpu.memory_space<semaphore_mem>>) src(%dma_wait3A_763 : memref<8x128xi32, #tpu.memory_space<hbm>>) dst(%arg5 : memref<8x128xi32, #tpu.memory_space<vmem>>)
      %dma_start3A_764 = arith.constant 0 : i32
      %dma_start3A_765 = arith.constant 0 : i32
      %dma_start3A_766 = tpu.memref_slice %arg5[%dma_start3A_764, %dma_start3A_765] : memref<8x128xi32, #tpu.memory_space<vmem>> -> memref<1x128xi32, #tpu.memory_space<vmem>>
      %dma_start3A_767 = tpu.memref_squeeze %dma_start3A_766 : memref<1x128xi32, #tpu.memory_space<vmem>> -> memref<128xi32, #tpu.memory_space<vmem>>
      %dma_start3A_768 = arith.constant 0 : i32
      %dma_start3A_769 = tpu.memref_slice %arg8[%dma_start3A_768] : memref<83968xf32, #tpu.memory_space<vmem_shared>> -> memref<83968xf32, #tpu.memory_space<vmem_shared>>
      tpu.enqueue_indirect_dma source(%arg6 : memref<128xf32, #tpu.memory_space<vmem>>) target(%dma_start3A_769 : memref<83968xf32, #tpu.memory_space<vmem_shared>>) offsets(%dma_start3A_767 : memref<128xi32, #tpu.memory_space<vmem>>) semaphore(%arg11 : memref<!tpu.dma_semaphore, #tpu.memory_space<semaphore_mem>>) {add = true}
      %dma_start3A_770 = arith.constant 1 : i32
      %dma_start3A_771 = arith.constant 0 : i32
      %dma_start3A_772 = tpu.memref_slice %arg5[%dma_start3A_770, %dma_start3A_771] : memref<8x128xi32, #tpu.memory_space<vmem>> -> memref<1x128xi32, #tpu.memory_space<vmem>>
      %dma_start3A_773 = tpu.memref_squeeze %dma_start3A_772 : memref<1x128xi32, #tpu.memory_space<vmem>> -> memref<128xi32, #tpu.memory_space<vmem>>
      %dma_start3A_774 = arith.constant 0 : i32
      %dma_start3A_775 = tpu.memref_slice %arg8[%dma_start3A_774] : memref<83968xf32, #tpu.memory_space<vmem_shared>> -> memref<83968xf32, #tpu.memory_space<vmem_shared>>
      tpu.enqueue_indirect_dma source(%arg6 : memref<128xf32, #tpu.memory_space<vmem>>) target(%dma_start3A_775 : memref<83968xf32, #tpu.memory_space<vmem_shared>>) offsets(%dma_start3A_773 : memref<128xi32, #tpu.memory_space<vmem>>) semaphore(%arg12 : memref<!tpu.dma_semaphore, #tpu.memory_space<semaphore_mem>>) {add = true}
      %dma_wait3A_776 = arith.constant 0 : i32
      %dma_wait3A_777 = arith.constant 0 : i32
      %dma_wait3A_778 = arith.constant 0 : i32
      %dma_wait3A_779 = tpu.memref_slice %arg4[%dma_wait3A_777, %dma_wait3A_778] : memref<8x128xi32, #tpu.memory_space<vmem>> -> memref<1x128xi32, #tpu.memory_space<vmem>>
      %dma_wait3A_780 = tpu.memref_squeeze %dma_wait3A_779 : memref<1x128xi32, #tpu.memory_space<vmem>> -> memref<128xi32, #tpu.memory_space<vmem>>
      %dma_wait3A_781 = arith.constant 0 : i32
      %dma_wait3A_782 = tpu.memref_slice %arg2[%dma_wait3A_776, %dma_wait3A_781] : memref<20992x128xi32, #tpu.memory_space<hbm>> -> memref<1x128xi32, #tpu.memory_space<hbm>>
      %dma_wait3A_783 = tpu.memref_squeeze %dma_wait3A_782 : memref<1x128xi32, #tpu.memory_space<hbm>> -> memref<128xi32, #tpu.memory_space<hbm>>
      %dma_wait3A_784 = arith.constant 0 : i32
      %dma_wait3A_785 = tpu.memref_slice %arg4[%dma_wait3A_777, %dma_wait3A_784] : memref<8x128xi32, #tpu.memory_space<vmem>> -> memref<1x128xi32, #tpu.memory_space<vmem>>
      %dma_wait3A_786 = tpu.memref_squeeze %dma_wait3A_785 : memref<1x128xi32, #tpu.memory_space<vmem>> -> memref<128xi32, #tpu.memory_space<vmem>>
      %dma_wait3A_787 = arith.constant 0 : i32
      %dma_wait3A_788 = tpu.memref_slice %arg2[%dma_wait3A_776, %dma_wait3A_787] : memref<20992x128xi32, #tpu.memory_space<hbm>> -> memref<1x128xi32, #tpu.memory_space<hbm>>
      %dma_wait3A_789 = tpu.memref_squeeze %dma_wait3A_788 : memref<1x128xi32, #tpu.memory_space<hbm>> -> memref<128xi32, #tpu.memory_space<hbm>>
      tpu.wait_dma2 semaphore(%arg11 : memref<!tpu.dma_semaphore, #tpu.memory_space<semaphore_mem>>) src(%dma_wait3A_789 : memref<128xi32, #tpu.memory_space<hbm>>) dst(%dma_wait3A_786 : memref<128xi32, #tpu.memory_space<vmem>>)
      %dma_start3A_790 = arith.constant 2 : i32
      %dma_start3A_791 = arith.constant 0 : i32
      %dma_start3A_792 = tpu.memref_slice %arg5[%dma_start3A_790, %dma_start3A_791] : memref<8x128xi32, #tpu.memory_space<vmem>> -> memref<1x128xi32, #tpu.memory_space<vmem>>
      %dma_start3A_793 = tpu.memref_squeeze %dma_start3A_792 : memref<1x128xi32, #tpu.memory_space<vmem>> -> memref<128xi32, #tpu.memory_space<vmem>>
      %dma_start3A_794 = arith.constant 0 : i32
      %dma_start3A_795 = tpu.memref_slice %arg8[%dma_start3A_794] : memref<83968xf32, #tpu.memory_space<vmem_shared>> -> memref<83968xf32, #tpu.memory_space<vmem_shared>>
      tpu.enqueue_indirect_dma source(%arg6 : memref<128xf32, #tpu.memory_space<vmem>>) target(%dma_start3A_795 : memref<83968xf32, #tpu.memory_space<vmem_shared>>) offsets(%dma_start3A_793 : memref<128xi32, #tpu.memory_space<vmem>>) semaphore(%arg11 : memref<!tpu.dma_semaphore, #tpu.memory_space<semaphore_mem>>) {add = true}
      %dma_wait3A_796 = arith.constant 0 : i32
      %dma_wait3A_797 = arith.constant 0 : i32
      %dma_wait3A_798 = arith.constant 0 : i32
      %dma_wait3A_799 = tpu.memref_slice %arg4[%dma_wait3A_797, %dma_wait3A_798] : memref<8x128xi32, #tpu.memory_space<vmem>> -> memref<1x128xi32, #tpu.memory_space<vmem>>
      %dma_wait3A_800 = tpu.memref_squeeze %dma_wait3A_799 : memref<1x128xi32, #tpu.memory_space<vmem>> -> memref<128xi32, #tpu.memory_space<vmem>>
      %dma_wait3A_801 = arith.constant 0 : i32
      %dma_wait3A_802 = tpu.memref_slice %arg2[%dma_wait3A_796, %dma_wait3A_801] : memref<20992x128xi32, #tpu.memory_space<hbm>> -> memref<1x128xi32, #tpu.memory_space<hbm>>
      %dma_wait3A_803 = tpu.memref_squeeze %dma_wait3A_802 : memref<1x128xi32, #tpu.memory_space<hbm>> -> memref<128xi32, #tpu.memory_space<hbm>>
      %dma_wait3A_804 = arith.constant 0 : i32
      %dma_wait3A_805 = tpu.memref_slice %arg4[%dma_wait3A_797, %dma_wait3A_804] : memref<8x128xi32, #tpu.memory_space<vmem>> -> memref<1x128xi32, #tpu.memory_space<vmem>>
      %dma_wait3A_806 = tpu.memref_squeeze %dma_wait3A_805 : memref<1x128xi32, #tpu.memory_space<vmem>> -> memref<128xi32, #tpu.memory_space<vmem>>
      %dma_wait3A_807 = arith.constant 0 : i32
      %dma_wait3A_808 = tpu.memref_slice %arg2[%dma_wait3A_796, %dma_wait3A_807] : memref<20992x128xi32, #tpu.memory_space<hbm>> -> memref<1x128xi32, #tpu.memory_space<hbm>>
      %dma_wait3A_809 = tpu.memref_squeeze %dma_wait3A_808 : memref<1x128xi32, #tpu.memory_space<hbm>> -> memref<128xi32, #tpu.memory_space<hbm>>
      tpu.wait_dma2 semaphore(%arg12 : memref<!tpu.dma_semaphore, #tpu.memory_space<semaphore_mem>>) src(%dma_wait3A_809 : memref<128xi32, #tpu.memory_space<hbm>>) dst(%dma_wait3A_806 : memref<128xi32, #tpu.memory_space<vmem>>)
      %dma_start3A_810 = arith.constant 3 : i32
      %dma_start3A_811 = arith.constant 0 : i32
      %dma_start3A_812 = tpu.memref_slice %arg5[%dma_start3A_810, %dma_start3A_811] : memref<8x128xi32, #tpu.memory_space<vmem>> -> memref<1x128xi32, #tpu.memory_space<vmem>>
      %dma_start3A_813 = tpu.memref_squeeze %dma_start3A_812 : memref<1x128xi32, #tpu.memory_space<vmem>> -> memref<128xi32, #tpu.memory_space<vmem>>
      %dma_start3A_814 = arith.constant 0 : i32
      %dma_start3A_815 = tpu.memref_slice %arg8[%dma_start3A_814] : memref<83968xf32, #tpu.memory_space<vmem_shared>> -> memref<83968xf32, #tpu.memory_space<vmem_shared>>
      tpu.enqueue_indirect_dma source(%arg6 : memref<128xf32, #tpu.memory_space<vmem>>) target(%dma_start3A_815 : memref<83968xf32, #tpu.memory_space<vmem_shared>>) offsets(%dma_start3A_813 : memref<128xi32, #tpu.memory_space<vmem>>) semaphore(%arg12 : memref<!tpu.dma_semaphore, #tpu.memory_space<semaphore_mem>>) {add = true}
      %dma_wait3A_816 = arith.constant 0 : i32
      %dma_wait3A_817 = arith.constant 0 : i32
      %dma_wait3A_818 = arith.constant 0 : i32
      %dma_wait3A_819 = tpu.memref_slice %arg4[%dma_wait3A_817, %dma_wait3A_818] : memref<8x128xi32, #tpu.memory_space<vmem>> -> memref<1x128xi32, #tpu.memory_space<vmem>>
      %dma_wait3A_820 = tpu.memref_squeeze %dma_wait3A_819 : memref<1x128xi32, #tpu.memory_space<vmem>> -> memref<128xi32, #tpu.memory_space<vmem>>
      %dma_wait3A_821 = arith.constant 0 : i32
      %dma_wait3A_822 = tpu.memref_slice %arg2[%dma_wait3A_816, %dma_wait3A_821] : memref<20992x128xi32, #tpu.memory_space<hbm>> -> memref<1x128xi32, #tpu.memory_space<hbm>>
      %dma_wait3A_823 = tpu.memref_squeeze %dma_wait3A_822 : memref<1x128xi32, #tpu.memory_space<hbm>> -> memref<128xi32, #tpu.memory_space<hbm>>
      %dma_wait3A_824 = arith.constant 0 : i32
      %dma_wait3A_825 = tpu.memref_slice %arg4[%dma_wait3A_817, %dma_wait3A_824] : memref<8x128xi32, #tpu.memory_space<vmem>> -> memref<1x128xi32, #tpu.memory_space<vmem>>
      %dma_wait3A_826 = tpu.memref_squeeze %dma_wait3A_825 : memref<1x128xi32, #tpu.memory_space<vmem>> -> memref<128xi32, #tpu.memory_space<vmem>>
      %dma_wait3A_827 = arith.constant 0 : i32
      %dma_wait3A_828 = tpu.memref_slice %arg2[%dma_wait3A_816, %dma_wait3A_827] : memref<20992x128xi32, #tpu.memory_space<hbm>> -> memref<1x128xi32, #tpu.memory_space<hbm>>
      %dma_wait3A_829 = tpu.memref_squeeze %dma_wait3A_828 : memref<1x128xi32, #tpu.memory_space<hbm>> -> memref<128xi32, #tpu.memory_space<hbm>>
      tpu.wait_dma2 semaphore(%arg11 : memref<!tpu.dma_semaphore, #tpu.memory_space<semaphore_mem>>) src(%dma_wait3A_829 : memref<128xi32, #tpu.memory_space<hbm>>) dst(%dma_wait3A_826 : memref<128xi32, #tpu.memory_space<vmem>>)
      %dma_start3A_830 = arith.constant 4 : i32
      %dma_start3A_831 = arith.constant 0 : i32
      %dma_start3A_832 = tpu.memref_slice %arg5[%dma_start3A_830, %dma_start3A_831] : memref<8x128xi32, #tpu.memory_space<vmem>> -> memref<1x128xi32, #tpu.memory_space<vmem>>
      %dma_start3A_833 = tpu.memref_squeeze %dma_start3A_832 : memref<1x128xi32, #tpu.memory_space<vmem>> -> memref<128xi32, #tpu.memory_space<vmem>>
      %dma_start3A_834 = arith.constant 0 : i32
      %dma_start3A_835 = tpu.memref_slice %arg8[%dma_start3A_834] : memref<83968xf32, #tpu.memory_space<vmem_shared>> -> memref<83968xf32, #tpu.memory_space<vmem_shared>>
      tpu.enqueue_indirect_dma source(%arg6 : memref<128xf32, #tpu.memory_space<vmem>>) target(%dma_start3A_835 : memref<83968xf32, #tpu.memory_space<vmem_shared>>) offsets(%dma_start3A_833 : memref<128xi32, #tpu.memory_space<vmem>>) semaphore(%arg11 : memref<!tpu.dma_semaphore, #tpu.memory_space<semaphore_mem>>) {add = true}
      %dma_wait3A_836 = arith.constant 0 : i32
      %dma_wait3A_837 = arith.constant 0 : i32
      %dma_wait3A_838 = arith.constant 0 : i32
      %dma_wait3A_839 = tpu.memref_slice %arg4[%dma_wait3A_837, %dma_wait3A_838] : memref<8x128xi32, #tpu.memory_space<vmem>> -> memref<1x128xi32, #tpu.memory_space<vmem>>
      %dma_wait3A_840 = tpu.memref_squeeze %dma_wait3A_839 : memref<1x128xi32, #tpu.memory_space<vmem>> -> memref<128xi32, #tpu.memory_space<vmem>>
      %dma_wait3A_841 = arith.constant 0 : i32
      %dma_wait3A_842 = tpu.memref_slice %arg2[%dma_wait3A_836, %dma_wait3A_841] : memref<20992x128xi32, #tpu.memory_space<hbm>> -> memref<1x128xi32, #tpu.memory_space<hbm>>
      %dma_wait3A_843 = tpu.memref_squeeze %dma_wait3A_842 : memref<1x128xi32, #tpu.memory_space<hbm>> -> memref<128xi32, #tpu.memory_space<hbm>>
      %dma_wait3A_844 = arith.constant 0 : i32
      %dma_wait3A_845 = tpu.memref_slice %arg4[%dma_wait3A_837, %dma_wait3A_844] : memref<8x128xi32, #tpu.memory_space<vmem>> -> memref<1x128xi32, #tpu.memory_space<vmem>>
      %dma_wait3A_846 = tpu.memref_squeeze %dma_wait3A_845 : memref<1x128xi32, #tpu.memory_space<vmem>> -> memref<128xi32, #tpu.memory_space<vmem>>
      %dma_wait3A_847 = arith.constant 0 : i32
      %dma_wait3A_848 = tpu.memref_slice %arg2[%dma_wait3A_836, %dma_wait3A_847] : memref<20992x128xi32, #tpu.memory_space<hbm>> -> memref<1x128xi32, #tpu.memory_space<hbm>>
      %dma_wait3A_849 = tpu.memref_squeeze %dma_wait3A_848 : memref<1x128xi32, #tpu.memory_space<hbm>> -> memref<128xi32, #tpu.memory_space<hbm>>
      tpu.wait_dma2 semaphore(%arg12 : memref<!tpu.dma_semaphore, #tpu.memory_space<semaphore_mem>>) src(%dma_wait3A_849 : memref<128xi32, #tpu.memory_space<hbm>>) dst(%dma_wait3A_846 : memref<128xi32, #tpu.memory_space<vmem>>)
      %dma_start3A_850 = arith.constant 5 : i32
      %dma_start3A_851 = arith.constant 0 : i32
      %dma_start3A_852 = tpu.memref_slice %arg5[%dma_start3A_850, %dma_start3A_851] : memref<8x128xi32, #tpu.memory_space<vmem>> -> memref<1x128xi32, #tpu.memory_space<vmem>>
      %dma_start3A_853 = tpu.memref_squeeze %dma_start3A_852 : memref<1x128xi32, #tpu.memory_space<vmem>> -> memref<128xi32, #tpu.memory_space<vmem>>
      %dma_start3A_854 = arith.constant 0 : i32
      %dma_start3A_855 = tpu.memref_slice %arg8[%dma_start3A_854] : memref<83968xf32, #tpu.memory_space<vmem_shared>> -> memref<83968xf32, #tpu.memory_space<vmem_shared>>
      tpu.enqueue_indirect_dma source(%arg6 : memref<128xf32, #tpu.memory_space<vmem>>) target(%dma_start3A_855 : memref<83968xf32, #tpu.memory_space<vmem_shared>>) offsets(%dma_start3A_853 : memref<128xi32, #tpu.memory_space<vmem>>) semaphore(%arg12 : memref<!tpu.dma_semaphore, #tpu.memory_space<semaphore_mem>>) {add = true}
      %dma_wait3A_856 = arith.constant 0 : i32
      %dma_wait3A_857 = arith.constant 0 : i32
      %dma_wait3A_858 = arith.constant 0 : i32
      %dma_wait3A_859 = tpu.memref_slice %arg4[%dma_wait3A_857, %dma_wait3A_858] : memref<8x128xi32, #tpu.memory_space<vmem>> -> memref<1x128xi32, #tpu.memory_space<vmem>>
      %dma_wait3A_860 = tpu.memref_squeeze %dma_wait3A_859 : memref<1x128xi32, #tpu.memory_space<vmem>> -> memref<128xi32, #tpu.memory_space<vmem>>
      %dma_wait3A_861 = arith.constant 0 : i32
      %dma_wait3A_862 = tpu.memref_slice %arg2[%dma_wait3A_856, %dma_wait3A_861] : memref<20992x128xi32, #tpu.memory_space<hbm>> -> memref<1x128xi32, #tpu.memory_space<hbm>>
      %dma_wait3A_863 = tpu.memref_squeeze %dma_wait3A_862 : memref<1x128xi32, #tpu.memory_space<hbm>> -> memref<128xi32, #tpu.memory_space<hbm>>
      %dma_wait3A_864 = arith.constant 0 : i32
      %dma_wait3A_865 = tpu.memref_slice %arg4[%dma_wait3A_857, %dma_wait3A_864] : memref<8x128xi32, #tpu.memory_space<vmem>> -> memref<1x128xi32, #tpu.memory_space<vmem>>
      %dma_wait3A_866 = tpu.memref_squeeze %dma_wait3A_865 : memref<1x128xi32, #tpu.memory_space<vmem>> -> memref<128xi32, #tpu.memory_space<vmem>>
      %dma_wait3A_867 = arith.constant 0 : i32
      %dma_wait3A_868 = tpu.memref_slice %arg2[%dma_wait3A_856, %dma_wait3A_867] : memref<20992x128xi32, #tpu.memory_space<hbm>> -> memref<1x128xi32, #tpu.memory_space<hbm>>
      %dma_wait3A_869 = tpu.memref_squeeze %dma_wait3A_868 : memref<1x128xi32, #tpu.memory_space<hbm>> -> memref<128xi32, #tpu.memory_space<hbm>>
      tpu.wait_dma2 semaphore(%arg11 : memref<!tpu.dma_semaphore, #tpu.memory_space<semaphore_mem>>) src(%dma_wait3A_869 : memref<128xi32, #tpu.memory_space<hbm>>) dst(%dma_wait3A_866 : memref<128xi32, #tpu.memory_space<vmem>>)
      %dma_start3A_870 = arith.constant 6 : i32
      %dma_start3A_871 = arith.constant 0 : i32
      %dma_start3A_872 = tpu.memref_slice %arg5[%dma_start3A_870, %dma_start3A_871] : memref<8x128xi32, #tpu.memory_space<vmem>> -> memref<1x128xi32, #tpu.memory_space<vmem>>
      %dma_start3A_873 = tpu.memref_squeeze %dma_start3A_872 : memref<1x128xi32, #tpu.memory_space<vmem>> -> memref<128xi32, #tpu.memory_space<vmem>>
      %dma_start3A_874 = arith.constant 0 : i32
      %dma_start3A_875 = tpu.memref_slice %arg8[%dma_start3A_874] : memref<83968xf32, #tpu.memory_space<vmem_shared>> -> memref<83968xf32, #tpu.memory_space<vmem_shared>>
      tpu.enqueue_indirect_dma source(%arg6 : memref<128xf32, #tpu.memory_space<vmem>>) target(%dma_start3A_875 : memref<83968xf32, #tpu.memory_space<vmem_shared>>) offsets(%dma_start3A_873 : memref<128xi32, #tpu.memory_space<vmem>>) semaphore(%arg11 : memref<!tpu.dma_semaphore, #tpu.memory_space<semaphore_mem>>) {add = true}
      %dma_wait3A_876 = arith.constant 0 : i32
      %dma_wait3A_877 = arith.constant 0 : i32
      %dma_wait3A_878 = arith.constant 0 : i32
      %dma_wait3A_879 = tpu.memref_slice %arg4[%dma_wait3A_877, %dma_wait3A_878] : memref<8x128xi32, #tpu.memory_space<vmem>> -> memref<1x128xi32, #tpu.memory_space<vmem>>
      %dma_wait3A_880 = tpu.memref_squeeze %dma_wait3A_879 : memref<1x128xi32, #tpu.memory_space<vmem>> -> memref<128xi32, #tpu.memory_space<vmem>>
      %dma_wait3A_881 = arith.constant 0 : i32
      %dma_wait3A_882 = tpu.memref_slice %arg2[%dma_wait3A_876, %dma_wait3A_881] : memref<20992x128xi32, #tpu.memory_space<hbm>> -> memref<1x128xi32, #tpu.memory_space<hbm>>
      %dma_wait3A_883 = tpu.memref_squeeze %dma_wait3A_882 : memref<1x128xi32, #tpu.memory_space<hbm>> -> memref<128xi32, #tpu.memory_space<hbm>>
      %dma_wait3A_884 = arith.constant 0 : i32
      %dma_wait3A_885 = tpu.memref_slice %arg4[%dma_wait3A_877, %dma_wait3A_884] : memref<8x128xi32, #tpu.memory_space<vmem>> -> memref<1x128xi32, #tpu.memory_space<vmem>>
      %dma_wait3A_886 = tpu.memref_squeeze %dma_wait3A_885 : memref<1x128xi32, #tpu.memory_space<vmem>> -> memref<128xi32, #tpu.memory_space<vmem>>
      %dma_wait3A_887 = arith.constant 0 : i32
      %dma_wait3A_888 = tpu.memref_slice %arg2[%dma_wait3A_876, %dma_wait3A_887] : memref<20992x128xi32, #tpu.memory_space<hbm>> -> memref<1x128xi32, #tpu.memory_space<hbm>>
      %dma_wait3A_889 = tpu.memref_squeeze %dma_wait3A_888 : memref<1x128xi32, #tpu.memory_space<hbm>> -> memref<128xi32, #tpu.memory_space<hbm>>
      tpu.wait_dma2 semaphore(%arg12 : memref<!tpu.dma_semaphore, #tpu.memory_space<semaphore_mem>>) src(%dma_wait3A_889 : memref<128xi32, #tpu.memory_space<hbm>>) dst(%dma_wait3A_886 : memref<128xi32, #tpu.memory_space<vmem>>)
      %dma_start3A_890 = arith.constant 7 : i32
      %dma_start3A_891 = arith.constant 0 : i32
      %dma_start3A_892 = tpu.memref_slice %arg5[%dma_start3A_890, %dma_start3A_891] : memref<8x128xi32, #tpu.memory_space<vmem>> -> memref<1x128xi32, #tpu.memory_space<vmem>>
      %dma_start3A_893 = tpu.memref_squeeze %dma_start3A_892 : memref<1x128xi32, #tpu.memory_space<vmem>> -> memref<128xi32, #tpu.memory_space<vmem>>
      %dma_start3A_894 = arith.constant 0 : i32
      %dma_start3A_895 = tpu.memref_slice %arg8[%dma_start3A_894] : memref<83968xf32, #tpu.memory_space<vmem_shared>> -> memref<83968xf32, #tpu.memory_space<vmem_shared>>
      tpu.enqueue_indirect_dma source(%arg6 : memref<128xf32, #tpu.memory_space<vmem>>) target(%dma_start3A_895 : memref<83968xf32, #tpu.memory_space<vmem_shared>>) offsets(%dma_start3A_893 : memref<128xi32, #tpu.memory_space<vmem>>) semaphore(%arg12 : memref<!tpu.dma_semaphore, #tpu.memory_space<semaphore_mem>>) {add = true}
      %dma_wait3A_896 = arith.constant 0 : i32
      %dma_wait3A_897 = arith.constant 0 : i32
      %dma_wait3A_898 = arith.constant 0 : i32
      %dma_wait3A_899 = tpu.memref_slice %arg4[%dma_wait3A_897, %dma_wait3A_898] : memref<8x128xi32, #tpu.memory_space<vmem>> -> memref<1x128xi32, #tpu.memory_space<vmem>>
      %dma_wait3A_900 = tpu.memref_squeeze %dma_wait3A_899 : memref<1x128xi32, #tpu.memory_space<vmem>> -> memref<128xi32, #tpu.memory_space<vmem>>
      %dma_wait3A_901 = arith.constant 0 : i32
      %dma_wait3A_902 = tpu.memref_slice %arg2[%dma_wait3A_896, %dma_wait3A_901] : memref<20992x128xi32, #tpu.memory_space<hbm>> -> memref<1x128xi32, #tpu.memory_space<hbm>>
      %dma_wait3A_903 = tpu.memref_squeeze %dma_wait3A_902 : memref<1x128xi32, #tpu.memory_space<hbm>> -> memref<128xi32, #tpu.memory_space<hbm>>
      %dma_wait3A_904 = arith.constant 0 : i32
      %dma_wait3A_905 = tpu.memref_slice %arg4[%dma_wait3A_897, %dma_wait3A_904] : memref<8x128xi32, #tpu.memory_space<vmem>> -> memref<1x128xi32, #tpu.memory_space<vmem>>
      %dma_wait3A_906 = tpu.memref_squeeze %dma_wait3A_905 : memref<1x128xi32, #tpu.memory_space<vmem>> -> memref<128xi32, #tpu.memory_space<vmem>>
      %dma_wait3A_907 = arith.constant 0 : i32
      %dma_wait3A_908 = tpu.memref_slice %arg2[%dma_wait3A_896, %dma_wait3A_907] : memref<20992x128xi32, #tpu.memory_space<hbm>> -> memref<1x128xi32, #tpu.memory_space<hbm>>
      %dma_wait3A_909 = tpu.memref_squeeze %dma_wait3A_908 : memref<1x128xi32, #tpu.memory_space<hbm>> -> memref<128xi32, #tpu.memory_space<hbm>>
      tpu.wait_dma2 semaphore(%arg11 : memref<!tpu.dma_semaphore, #tpu.memory_space<semaphore_mem>>) src(%dma_wait3A_909 : memref<128xi32, #tpu.memory_space<hbm>>) dst(%dma_wait3A_906 : memref<128xi32, #tpu.memory_space<vmem>>)
      %dma_wait3A_910 = arith.constant 0 : i32
      %dma_wait3A_911 = arith.constant 0 : i32
      %dma_wait3A_912 = arith.constant 0 : i32
      %dma_wait3A_913 = tpu.memref_slice %arg4[%dma_wait3A_911, %dma_wait3A_912] : memref<8x128xi32, #tpu.memory_space<vmem>> -> memref<1x128xi32, #tpu.memory_space<vmem>>
      %dma_wait3A_914 = tpu.memref_squeeze %dma_wait3A_913 : memref<1x128xi32, #tpu.memory_space<vmem>> -> memref<128xi32, #tpu.memory_space<vmem>>
      %dma_wait3A_915 = arith.constant 0 : i32
      %dma_wait3A_916 = tpu.memref_slice %arg2[%dma_wait3A_910, %dma_wait3A_915] : memref<20992x128xi32, #tpu.memory_space<hbm>> -> memref<1x128xi32, #tpu.memory_space<hbm>>
      %dma_wait3A_917 = tpu.memref_squeeze %dma_wait3A_916 : memref<1x128xi32, #tpu.memory_space<hbm>> -> memref<128xi32, #tpu.memory_space<hbm>>
      %dma_wait3A_918 = arith.constant 0 : i32
      %dma_wait3A_919 = tpu.memref_slice %arg4[%dma_wait3A_911, %dma_wait3A_918] : memref<8x128xi32, #tpu.memory_space<vmem>> -> memref<1x128xi32, #tpu.memory_space<vmem>>
      %dma_wait3A_920 = tpu.memref_squeeze %dma_wait3A_919 : memref<1x128xi32, #tpu.memory_space<vmem>> -> memref<128xi32, #tpu.memory_space<vmem>>
      %dma_wait3A_921 = arith.constant 0 : i32
      %dma_wait3A_922 = tpu.memref_slice %arg2[%dma_wait3A_910, %dma_wait3A_921] : memref<20992x128xi32, #tpu.memory_space<hbm>> -> memref<1x128xi32, #tpu.memory_space<hbm>>
      %dma_wait3A_923 = tpu.memref_squeeze %dma_wait3A_922 : memref<1x128xi32, #tpu.memory_space<hbm>> -> memref<128xi32, #tpu.memory_space<hbm>>
      tpu.wait_dma2 semaphore(%arg12 : memref<!tpu.dma_semaphore, #tpu.memory_space<semaphore_mem>>) src(%dma_wait3A_923 : memref<128xi32, #tpu.memory_space<hbm>>) dst(%dma_wait3A_920 : memref<128xi32, #tpu.memory_space<vmem>>)
      %convert_element_type3A_924 = arith.extui %lt3A_757 : i1 to i32
      %cond3A_925 = arith.constant 0 : i32
      %cond3A_926 = arith.cmpi ne, %convert_element_type3A_924, %cond3A_925 : i32
      scf.if %cond3A_926 {
        %add3A_927 = arith.constant 2 : i32
        %add3A_928 = arith.addi %add3A_751, %add3A_927 : i32
        %mul3A_929 = arith.constant 8 : i32
        %mul3A_930 = arith.muli %add3A_928, %mul3A_929 : i32
        %add3A_931 = arith.addi %mul3A_550, %mul3A_930 : i32
        %multiple_of3A_932 = tpu.assume_multiple %add3A_931, 8 : i32
        %dma_start3A_933 = arith.constant 0 : i32
        %dma_start3A_934 = tpu.memref_slice %arg2[%multiple_of3A_932, %dma_start3A_933] : memref<20992x128xi32, #tpu.memory_space<hbm>> -> memref<8x128xi32, #tpu.memory_space<hbm>>
        %dma_start3A_935 = arith.constant 0 : i32
        %dma_start3A_936 = tpu.memref_slice %arg2[%multiple_of3A_932, %dma_start3A_935] : memref<20992x128xi32, #tpu.memory_space<hbm>> -> memref<8x128xi32, #tpu.memory_space<hbm>>
        tpu.enqueue_dma source(%dma_start3A_936 : memref<8x128xi32, #tpu.memory_space<hbm>>) target(%arg5 : memref<8x128xi32, #tpu.memory_space<vmem>>) target_semaphore(%arg10 : memref<!tpu.dma_semaphore, #tpu.memory_space<semaphore_mem>>)
      } else {
      }
    }
    %scan3A_568 = arith.constant 41 : i32
    %barrier3A_569 = arith.constant 0 : index
    tpu.barrier barrier_id(%barrier3A_569)
    %mul3A_570 = arith.constant 83968 : i32
    %mul3A_571 = arith.muli %arg0, %mul3A_570 : i32
    %add3A_572 = arith.addi %mul3A_571, %multiple_of3A : i32
    %multiple_of3A_573 = tpu.assume_multiple %add3A_572, 8 : i32
    "tpu.region"() ({
      %run_scoped3A = tpu.sem_alloc : memref<!tpu.dma_semaphore, #tpu.memory_space<semaphore_mem>>
      %dma_start3A_574 = tpu.memref_slice %arg3[%multiple_of3A_573] : memref<167936xf32, #tpu.memory_space<hbm>> -> memref<5248xf32, #tpu.memory_space<hbm>>
      %dma_start3A_575 = tpu.memref_slice %arg8[%multiple_of3A] : memref<83968xf32, #tpu.memory_space<vmem_shared>> -> memref<5248xf32, #tpu.memory_space<vmem_shared>>
      tpu.enqueue_dma source(%dma_start3A_575 : memref<5248xf32, #tpu.memory_space<vmem_shared>>) target(%dma_start3A_574 : memref<5248xf32, #tpu.memory_space<hbm>>) target_semaphore(%run_scoped3A : memref<!tpu.dma_semaphore, #tpu.memory_space<semaphore_mem>>)
      %dma_wait3A = tpu.memref_slice %arg3[%multiple_of3A_573] : memref<167936xf32, #tpu.memory_space<hbm>> -> memref<5248xf32, #tpu.memory_space<hbm>>
      %dma_wait3A_576 = tpu.memref_slice %arg8[%multiple_of3A] : memref<83968xf32, #tpu.memory_space<vmem_shared>> -> memref<5248xf32, #tpu.memory_space<vmem_shared>>
      tpu.wait_dma2 semaphore(%run_scoped3A : memref<!tpu.dma_semaphore, #tpu.memory_space<semaphore_mem>>) src(%dma_wait3A_576 : memref<5248xf32, #tpu.memory_space<vmem_shared>>) dst(%dma_wait3A : memref<5248xf32, #tpu.memory_space<hbm>>)
      tpu.yield
    }) : () -> ()
    return
  }
}

#map = affine_map<(d0, d1) -> (0, 0)>
module attributes {stable_mosaic.version = 14 : i64} {
  func.func @k(%arg0: i32, %arg1: i32, %arg2: memref<83968x24xf32, #tpu.memory_space<hbm>>, %arg3: memref<20992x128xi32, #tpu.memory_space<hbm>>, %arg4: memref<41984x64xi32, #tpu.memory_space<hbm>>, %arg5: memref<83968x24xf32, #tpu.memory_space<hbm>>, %arg6: memref<167936x24xf32, #tpu.memory_space<hbm>>, %arg7: memref<4x128xi32, #tpu.memory_space<vmem>>, %arg8: memref<4x128xi32, #tpu.memory_space<vmem>>, %arg9: memref<8x64xi32, #tpu.memory_space<vmem>>, %arg10: memref<8x64xi32, #tpu.memory_space<vmem>>, %arg11: memref<64x24xf32, #tpu.memory_space<vmem>>, %arg12: memref<64x24xf32, #tpu.memory_space<vmem>>, %arg13: memref<83968x24xf32, #tpu.memory_space<vmem_shared>>, %arg14: memref<!tpu.dma_semaphore, #tpu.memory_space<semaphore_mem>>, %arg15: memref<!tpu.dma_semaphore, #tpu.memory_space<semaphore_mem>>, %arg16: memref<!tpu.dma_semaphore, #tpu.memory_space<semaphore_mem>>, %arg17: memref<!tpu.dma_semaphore, #tpu.memory_space<semaphore_mem>>, %arg18: memref<!tpu.dma_semaphore, #tpu.memory_space<semaphore_mem>>, %arg19: memref<!tpu.dma_semaphore, #tpu.memory_space<semaphore_mem>>, %arg20: memref<!tpu.dma_semaphore, #tpu.memory_space<semaphore_mem>>, %arg21: memref<!tpu.dma_semaphore, #tpu.memory_space<semaphore_mem>>) attributes {dimension_semantics = [#tpu.dimension_semantics<core_parallel>, #tpu.dimension_semantics<subcore_parallel>], iteration_bounds = array<i64: 2, 16>, scalar_prefetch = 0 : i64, scratch_operands = 15 : i64, tpu.core_type = #tpu.core_type<sc_vector_subcore>, window_params = [{transform_indices = #map}, {transform_indices = #map}, {transform_indices = #map}, {transform_indices = #map}, {transform_indices = #map}]} {
    %mul3A = arith.constant 2 : i32
    %mul3A_0 = arith.muli %arg1, %mul3A : i32
    %add3A = arith.addi %mul3A_0, %arg0 : i32
    %mul3A_1 = arith.constant 5248 : i32
    %mul3A_2 = arith.muli %arg1, %mul3A_1 : i32
    %multiple_of3A = tpu.assume_multiple %mul3A_2, 8 : i32
    %eq3A = arith.constant 0 : i32
    %eq3A_3 = arith.cmpi eq, %arg0, %eq3A : i32
    %convert_element_type3A = arith.extui %eq3A_3 : i1 to i32
    %cond3A = arith.constant 0 : i32
    %cond3A_4 = arith.cmpi ne, %convert_element_type3A, %cond3A : i32
    scf.if %cond3A_4 {
      "tpu.region"() ({
        %run_scoped3A = tpu.sem_alloc : memref<!tpu.dma_semaphore, #tpu.memory_space<semaphore_mem>>
        %dma_start3A_64 = arith.constant 0 : i32
        %dma_start3A_65 = tpu.memref_slice %arg13[%multiple_of3A, %dma_start3A_64] : memref<83968x24xf32, #tpu.memory_space<vmem_shared>> -> memref<5248x24xf32, #tpu.memory_space<vmem_shared>>
        %dma_start3A_66 = arith.constant 0 : i32
        %dma_start3A_67 = tpu.memref_slice %arg2[%multiple_of3A, %dma_start3A_66] : memref<83968x24xf32, #tpu.memory_space<hbm>> -> memref<5248x24xf32, #tpu.memory_space<hbm>>
        tpu.enqueue_dma source(%dma_start3A_67 : memref<5248x24xf32, #tpu.memory_space<hbm>>) target(%dma_start3A_65 : memref<5248x24xf32, #tpu.memory_space<vmem_shared>>) target_semaphore(%run_scoped3A : memref<!tpu.dma_semaphore, #tpu.memory_space<semaphore_mem>>)
        %dma_wait3A_68 = arith.constant 0 : i32
        %dma_wait3A_69 = tpu.memref_slice %arg13[%multiple_of3A, %dma_wait3A_68] : memref<83968x24xf32, #tpu.memory_space<vmem_shared>> -> memref<5248x24xf32, #tpu.memory_space<vmem_shared>>
        %dma_wait3A_70 = arith.constant 0 : i32
        %dma_wait3A_71 = tpu.memref_slice %arg2[%multiple_of3A, %dma_wait3A_70] : memref<83968x24xf32, #tpu.memory_space<hbm>> -> memref<5248x24xf32, #tpu.memory_space<hbm>>
        tpu.wait_dma2 semaphore(%run_scoped3A : memref<!tpu.dma_semaphore, #tpu.memory_space<semaphore_mem>>) src(%dma_wait3A_71 : memref<5248x24xf32, #tpu.memory_space<hbm>>) dst(%dma_wait3A_69 : memref<5248x24xf32, #tpu.memory_space<vmem_shared>>)
        tpu.yield
      }) : () -> ()
    } else {
    }
    %ne3A = arith.constant 0 : i32
    %ne3A_5 = arith.cmpi ne, %arg0, %ne3A : i32
    %convert_element_type3A_6 = arith.extui %ne3A_5 : i1 to i32
    %cond3A_7 = arith.constant 0 : i32
    %cond3A_8 = arith.cmpi ne, %convert_element_type3A_6, %cond3A_7 : i32
    scf.if %cond3A_8 {
      "tpu.region"() ({
        %run_scoped3A = tpu.sem_alloc : memref<!tpu.dma_semaphore, #tpu.memory_space<semaphore_mem>>
        %dma_start3A_64 = arith.constant 0 : i32
        %dma_start3A_65 = tpu.memref_slice %arg13[%multiple_of3A, %dma_start3A_64] : memref<83968x24xf32, #tpu.memory_space<vmem_shared>> -> memref<5248x24xf32, #tpu.memory_space<vmem_shared>>
        %dma_start3A_66 = arith.constant 0 : i32
        %dma_start3A_67 = tpu.memref_slice %arg5[%multiple_of3A, %dma_start3A_66] : memref<83968x24xf32, #tpu.memory_space<hbm>> -> memref<5248x24xf32, #tpu.memory_space<hbm>>
        tpu.enqueue_dma source(%dma_start3A_67 : memref<5248x24xf32, #tpu.memory_space<hbm>>) target(%dma_start3A_65 : memref<5248x24xf32, #tpu.memory_space<vmem_shared>>) target_semaphore(%run_scoped3A : memref<!tpu.dma_semaphore, #tpu.memory_space<semaphore_mem>>)
        %dma_wait3A_68 = arith.constant 0 : i32
        %dma_wait3A_69 = tpu.memref_slice %arg13[%multiple_of3A, %dma_wait3A_68] : memref<83968x24xf32, #tpu.memory_space<vmem_shared>> -> memref<5248x24xf32, #tpu.memory_space<vmem_shared>>
        %dma_wait3A_70 = arith.constant 0 : i32
        %dma_wait3A_71 = tpu.memref_slice %arg5[%multiple_of3A, %dma_wait3A_70] : memref<83968x24xf32, #tpu.memory_space<hbm>> -> memref<5248x24xf32, #tpu.memory_space<hbm>>
        tpu.wait_dma2 semaphore(%run_scoped3A : memref<!tpu.dma_semaphore, #tpu.memory_space<semaphore_mem>>) src(%dma_wait3A_71 : memref<5248x24xf32, #tpu.memory_space<hbm>>) dst(%dma_wait3A_69 : memref<5248x24xf32, #tpu.memory_space<vmem_shared>>)
        tpu.yield
      }) : () -> ()
    } else {
    }
    %barrier3A = arith.constant 0 : index
    tpu.barrier barrier_id(%barrier3A)
    %mul3A_9 = arith.constant 83968 : i32
    %mul3A_10 = arith.muli %add3A, %mul3A_9 : i32
    %mul3A_11 = arith.constant 656 : i32
    %mul3A_12 = arith.muli %add3A, %mul3A_11 : i32
    %add3A_13 = arith.constant 0 : i32
    %add3A_14 = arith.addi %mul3A_12, %add3A_13 : i32
    %multiple_of3A_15 = tpu.assume_multiple %add3A_14, 4 : i32
    %dma_start3A = arith.constant 0 : i32
    %dma_start3A_16 = tpu.memref_slice %arg3[%multiple_of3A_15, %dma_start3A] : memref<20992x128xi32, #tpu.memory_space<hbm>> -> memref<4x128xi32, #tpu.memory_space<hbm>>
    %dma_start3A_17 = arith.constant 0 : i32
    %dma_start3A_18 = tpu.memref_slice %arg3[%multiple_of3A_15, %dma_start3A_17] : memref<20992x128xi32, #tpu.memory_space<hbm>> -> memref<4x128xi32, #tpu.memory_space<hbm>>
    tpu.enqueue_dma source(%dma_start3A_18 : memref<4x128xi32, #tpu.memory_space<hbm>>) target(%arg7 : memref<4x128xi32, #tpu.memory_space<vmem>>) target_semaphore(%arg14 : memref<!tpu.dma_semaphore, #tpu.memory_space<semaphore_mem>>)
    %jit3A = arith.constant 64 : i32
    %div3A = arith.divsi %mul3A_10, %jit3A : i32
    %sign3A = arith.constant 0 : i32
    %sign3A_19 = arith.cmpi sgt, %mul3A_10, %sign3A : i32
    %sign3A_20 = arith.extui %sign3A_19 : i1 to i32
    %sign3A_21 = arith.constant 0 : i32
    %sign3A_22 = arith.cmpi slt, %mul3A_10, %sign3A_21 : i32
    %sign3A_23 = arith.extui %sign3A_22 : i1 to i32
    %sign3A_24 = arith.subi %sign3A_20, %sign3A_23 : i32
    %sign3A_25 = arith.constant 0 : i32
    %sign3A_26 = arith.cmpi sgt, %jit3A, %sign3A_25 : i32
    %sign3A_27 = arith.extui %sign3A_26 : i1 to i32
    %sign3A_28 = arith.constant 0 : i32
    %sign3A_29 = arith.cmpi slt, %jit3A, %sign3A_28 : i32
    %sign3A_30 = arith.extui %sign3A_29 : i1 to i32
    %sign3A_31 = arith.subi %sign3A_27, %sign3A_30 : i32
    %ne3A_32 = arith.cmpi ne, %sign3A_24, %sign3A_31 : i32
    %rem3A = arith.remsi %mul3A_10, %jit3A : i32
    %ne3A_33 = arith.constant 0 : i32
    %ne3A_34 = arith.cmpi ne, %rem3A, %ne3A_33 : i32
    %and3A = arith.andi %ne3A_32, %ne3A_34 : i1
    %sub3A = arith.constant 1 : i32
    %sub3A_35 = arith.subi %div3A, %sub3A : i32
    %select_n3A = arith.select %and3A, %sub3A_35, %div3A : i32
    %add3A_36 = arith.constant 0 : i32
    %add3A_37 = arith.addi %select_n3A, %add3A_36 : i32
    %multiple_of3A_38 = tpu.assume_multiple %add3A_37, 8 : i32
    %dma_start3A_39 = arith.constant 0 : i32
    %dma_start3A_40 = tpu.memref_slice %arg4[%multiple_of3A_38, %dma_start3A_39] : memref<41984x64xi32, #tpu.memory_space<hbm>> -> memref<8x64xi32, #tpu.memory_space<hbm>>
    %dma_start3A_41 = arith.constant 0 : i32
    %dma_start3A_42 = tpu.memref_slice %arg4[%multiple_of3A_38, %dma_start3A_41] : memref<41984x64xi32, #tpu.memory_space<hbm>> -> memref<8x64xi32, #tpu.memory_space<hbm>>
    tpu.enqueue_dma source(%dma_start3A_42 : memref<8x64xi32, #tpu.memory_space<hbm>>) target(%arg9 : memref<8x64xi32, #tpu.memory_space<vmem>>) target_semaphore(%arg16 : memref<!tpu.dma_semaphore, #tpu.memory_space<semaphore_mem>>)
    %scan3A = arith.constant 0 : i32
    %scan3A_43 = arith.constant 0 : i32
    %scan3A_44 = arith.constant 82 : i32
    %scan3A_45 = arith.addi %scan3A_43, %scan3A_44 : i32
    %scan3A_46 = arith.constant 1 : i32
    scf.for %scan3A_64 = %scan3A_43 to %scan3A_45 step %scan3A_46  : i32 {
      %mul3A_65 = arith.constant 8 : i32
      %mul3A_66 = arith.muli %scan3A_64, %mul3A_65 : i32
      %add3A_67 = arith.constant 0 : i32
      %add3A_68 = arith.addi %mul3A_66, %add3A_67 : i32
      %ge3A = arith.constant 1 : i32
      %ge3A_69 = arith.cmpi sge, %add3A_68, %ge3A : i32
      %convert_element_type3A_70 = arith.extui %ge3A_69 : i1 to i32
      %cond3A_71 = arith.constant 0 : i32
      %cond3A_72 = arith.cmpi ne, %convert_element_type3A_70, %cond3A_71 : i32
      scf.if %cond3A_72 {
        %dma_wait3A_577 = arith.constant 0 : i32
        %dma_wait3A_578 = arith.constant 0 : i32
        %dma_wait3A_579 = tpu.memref_slice %arg2[%dma_wait3A_577, %dma_wait3A_578] : memref<83968x24xf32, #tpu.memory_space<hbm>> -> memref<64x24xf32, #tpu.memory_space<hbm>>
        %dma_wait3A_580 = arith.constant 0 : i32
        %dma_wait3A_581 = arith.constant 0 : i32
        %dma_wait3A_582 = tpu.memref_slice %arg2[%dma_wait3A_580, %dma_wait3A_581] : memref<83968x24xf32, #tpu.memory_space<hbm>> -> memref<64x24xf32, #tpu.memory_space<hbm>>
        tpu.wait_dma2 semaphore(%arg20 : memref<!tpu.dma_semaphore, #tpu.memory_space<semaphore_mem>>) src(%dma_wait3A_582 : memref<64x24xf32, #tpu.memory_space<hbm>>) dst(%arg11 : memref<64x24xf32, #tpu.memory_space<vmem>>)
        %dma_wait3A_583 = arith.constant 0 : i32
        %dma_wait3A_584 = arith.constant 0 : i32
        %dma_wait3A_585 = tpu.memref_slice %arg2[%dma_wait3A_583, %dma_wait3A_584] : memref<83968x24xf32, #tpu.memory_space<hbm>> -> memref<64x24xf32, #tpu.memory_space<hbm>>
        %dma_wait3A_586 = arith.constant 0 : i32
        %dma_wait3A_587 = arith.constant 0 : i32
        %dma_wait3A_588 = tpu.memref_slice %arg2[%dma_wait3A_586, %dma_wait3A_587] : memref<83968x24xf32, #tpu.memory_space<hbm>> -> memref<64x24xf32, #tpu.memory_space<hbm>>
        tpu.wait_dma2 semaphore(%arg21 : memref<!tpu.dma_semaphore, #tpu.memory_space<semaphore_mem>>) src(%dma_wait3A_588 : memref<64x24xf32, #tpu.memory_space<hbm>>) dst(%arg12 : memref<64x24xf32, #tpu.memory_space<vmem>>)
      } else {
      }
      %dma_wait3A_73 = arith.constant 0 : i32
      %dma_wait3A_74 = arith.constant 0 : i32
      %dma_wait3A_75 = tpu.memref_slice %arg3[%dma_wait3A_73, %dma_wait3A_74] : memref<20992x128xi32, #tpu.memory_space<hbm>> -> memref<4x128xi32, #tpu.memory_space<hbm>>
      %dma_wait3A_76 = arith.constant 0 : i32
      %dma_wait3A_77 = arith.constant 0 : i32
      %dma_wait3A_78 = tpu.memref_slice %arg3[%dma_wait3A_76, %dma_wait3A_77] : memref<20992x128xi32, #tpu.memory_space<hbm>> -> memref<4x128xi32, #tpu.memory_space<hbm>>
      tpu.wait_dma2 semaphore(%arg14 : memref<!tpu.dma_semaphore, #tpu.memory_space<semaphore_mem>>) src(%dma_wait3A_78 : memref<4x128xi32, #tpu.memory_space<hbm>>) dst(%arg7 : memref<4x128xi32, #tpu.memory_space<vmem>>)
      %dma_wait3A_79 = arith.constant 0 : i32
      %dma_wait3A_80 = arith.constant 0 : i32
      %dma_wait3A_81 = tpu.memref_slice %arg4[%dma_wait3A_79, %dma_wait3A_80] : memref<41984x64xi32, #tpu.memory_space<hbm>> -> memref<8x64xi32, #tpu.memory_space<hbm>>
      %dma_wait3A_82 = arith.constant 0 : i32
      %dma_wait3A_83 = arith.constant 0 : i32
      %dma_wait3A_84 = tpu.memref_slice %arg4[%dma_wait3A_82, %dma_wait3A_83] : memref<41984x64xi32, #tpu.memory_space<hbm>> -> memref<8x64xi32, #tpu.memory_space<hbm>>
      tpu.wait_dma2 semaphore(%arg16 : memref<!tpu.dma_semaphore, #tpu.memory_space<semaphore_mem>>) src(%dma_wait3A_84 : memref<8x64xi32, #tpu.memory_space<hbm>>) dst(%arg9 : memref<8x64xi32, #tpu.memory_space<vmem>>)
      %mul3A_85 = arith.constant 2 : i32
      %mul3A_86 = arith.muli %scan3A_64, %mul3A_85 : i32
      %add3A_87 = arith.constant 1 : i32
      %add3A_88 = arith.addi %mul3A_86, %add3A_87 : i32
      %mul3A_89 = arith.constant 4 : i32
      %mul3A_90 = arith.muli %add3A_88, %mul3A_89 : i32
      %add3A_91 = arith.addi %mul3A_12, %mul3A_90 : i32
      %multiple_of3A_92 = tpu.assume_multiple %add3A_91, 4 : i32
      %dma_start3A_93 = arith.constant 0 : i32
      %dma_start3A_94 = tpu.memref_slice %arg3[%multiple_of3A_92, %dma_start3A_93] : memref<20992x128xi32, #tpu.memory_space<hbm>> -> memref<4x128xi32, #tpu.memory_space<hbm>>
      %dma_start3A_95 = arith.constant 0 : i32
      %dma_start3A_96 = tpu.memref_slice %arg3[%multiple_of3A_92, %dma_start3A_95] : memref<20992x128xi32, #tpu.memory_space<hbm>> -> memref<4x128xi32, #tpu.memory_space<hbm>>
      tpu.enqueue_dma source(%dma_start3A_96 : memref<4x128xi32, #tpu.memory_space<hbm>>) target(%arg8 : memref<4x128xi32, #tpu.memory_space<vmem>>) target_semaphore(%arg15 : memref<!tpu.dma_semaphore, #tpu.memory_space<semaphore_mem>>)
      %jit3A_97 = arith.constant 64 : i32
      %div3A_98 = arith.divsi %mul3A_10, %jit3A_97 : i32
      %sign3A_99 = arith.constant 0 : i32
      %sign3A_100 = arith.cmpi sgt, %mul3A_10, %sign3A_99 : i32
      %sign3A_101 = arith.extui %sign3A_100 : i1 to i32
      %sign3A_102 = arith.constant 0 : i32
      %sign3A_103 = arith.cmpi slt, %mul3A_10, %sign3A_102 : i32
      %sign3A_104 = arith.extui %sign3A_103 : i1 to i32
      %sign3A_105 = arith.subi %sign3A_101, %sign3A_104 : i32
      %sign3A_106 = arith.constant 0 : i32
      %sign3A_107 = arith.cmpi sgt, %jit3A_97, %sign3A_106 : i32
      %sign3A_108 = arith.extui %sign3A_107 : i1 to i32
      %sign3A_109 = arith.constant 0 : i32
      %sign3A_110 = arith.cmpi slt, %jit3A_97, %sign3A_109 : i32
      %sign3A_111 = arith.extui %sign3A_110 : i1 to i32
      %sign3A_112 = arith.subi %sign3A_108, %sign3A_111 : i32
      %ne3A_113 = arith.cmpi ne, %sign3A_105, %sign3A_112 : i32
      %rem3A_114 = arith.remsi %mul3A_10, %jit3A_97 : i32
      %ne3A_115 = arith.constant 0 : i32
      %ne3A_116 = arith.cmpi ne, %rem3A_114, %ne3A_115 : i32
      %and3A_117 = arith.andi %ne3A_113, %ne3A_116 : i1
      %sub3A_118 = arith.constant 1 : i32
      %sub3A_119 = arith.subi %div3A_98, %sub3A_118 : i32
      %select_n3A_120 = arith.select %and3A_117, %sub3A_119, %div3A_98 : i32
      %mul3A_121 = arith.constant 8 : i32
      %mul3A_122 = arith.muli %add3A_88, %mul3A_121 : i32
      %add3A_123 = arith.addi %select_n3A_120, %mul3A_122 : i32
      %multiple_of3A_124 = tpu.assume_multiple %add3A_123, 8 : i32
      %dma_start3A_125 = arith.constant 0 : i32
      %dma_start3A_126 = tpu.memref_slice %arg4[%multiple_of3A_124, %dma_start3A_125] : memref<41984x64xi32, #tpu.memory_space<hbm>> -> memref<8x64xi32, #tpu.memory_space<hbm>>
      %dma_start3A_127 = arith.constant 0 : i32
      %dma_start3A_128 = tpu.memref_slice %arg4[%multiple_of3A_124, %dma_start3A_127] : memref<41984x64xi32, #tpu.memory_space<hbm>> -> memref<8x64xi32, #tpu.memory_space<hbm>>
      tpu.enqueue_dma source(%dma_start3A_128 : memref<8x64xi32, #tpu.memory_space<hbm>>) target(%arg10 : memref<8x64xi32, #tpu.memory_space<vmem>>) target_semaphore(%arg17 : memref<!tpu.dma_semaphore, #tpu.memory_space<semaphore_mem>>)
      %dma_start3A_129 = arith.constant 0 : i32
      %dma_start3A_130 = arith.constant 0 : i32
      %dma_start3A_131 = tpu.memref_slice %arg7[%dma_start3A_129, %dma_start3A_130] : memref<4x128xi32, #tpu.memory_space<vmem>> -> memref<1x64xi32, #tpu.memory_space<vmem>>
      %dma_start3A_132 = tpu.memref_squeeze %dma_start3A_131 : memref<1x64xi32, #tpu.memory_space<vmem>> -> memref<64xi32, #tpu.memory_space<vmem>>
      %dma_start3A_133 = arith.constant 0 : i32
      %dma_start3A_134 = arith.constant 0 : i32
      %dma_start3A_135 = tpu.memref_slice %arg2[%dma_start3A_133, %dma_start3A_134] : memref<83968x24xf32, #tpu.memory_space<hbm>> -> memref<83968x24xf32, #tpu.memory_space<hbm>>
      tpu.enqueue_indirect_dma source(%dma_start3A_135 : memref<83968x24xf32, #tpu.memory_space<hbm>>) target(%arg11 : memref<64x24xf32, #tpu.memory_space<vmem>>) offsets(%dma_start3A_132 : memref<64xi32, #tpu.memory_space<vmem>>) semaphore(%arg18 : memref<!tpu.dma_semaphore, #tpu.memory_space<semaphore_mem>>)
      %dma_start3A_136 = arith.constant 0 : i32
      %dma_start3A_137 = arith.constant 64 : i32
      %dma_start3A_138 = tpu.memref_slice %arg7[%dma_start3A_136, %dma_start3A_137] : memref<4x128xi32, #tpu.memory_space<vmem>> -> memref<1x64xi32, #tpu.memory_space<vmem>>
      %dma_start3A_139 = tpu.memref_squeeze %dma_start3A_138 : memref<1x64xi32, #tpu.memory_space<vmem>> -> memref<64xi32, #tpu.memory_space<vmem>>
      %dma_start3A_140 = arith.constant 0 : i32
      %dma_start3A_141 = arith.constant 0 : i32
      %dma_start3A_142 = tpu.memref_slice %arg2[%dma_start3A_140, %dma_start3A_141] : memref<83968x24xf32, #tpu.memory_space<hbm>> -> memref<83968x24xf32, #tpu.memory_space<hbm>>
      tpu.enqueue_indirect_dma source(%dma_start3A_142 : memref<83968x24xf32, #tpu.memory_space<hbm>>) target(%arg12 : memref<64x24xf32, #tpu.memory_space<vmem>>) offsets(%dma_start3A_139 : memref<64xi32, #tpu.memory_space<vmem>>) semaphore(%arg19 : memref<!tpu.dma_semaphore, #tpu.memory_space<semaphore_mem>>)
      %dma_wait3A_143 = arith.constant 0 : i32
      %dma_wait3A_144 = arith.constant 0 : i32
      %dma_wait3A_145 = tpu.memref_slice %arg2[%dma_wait3A_143, %dma_wait3A_144] : memref<83968x24xf32, #tpu.memory_space<hbm>> -> memref<64x24xf32, #tpu.memory_space<hbm>>
      %dma_wait3A_146 = arith.constant 0 : i32
      %dma_wait3A_147 = arith.constant 0 : i32
      %dma_wait3A_148 = tpu.memref_slice %arg2[%dma_wait3A_146, %dma_wait3A_147] : memref<83968x24xf32, #tpu.memory_space<hbm>> -> memref<64x24xf32, #tpu.memory_space<hbm>>
      tpu.wait_dma2 semaphore(%arg18 : memref<!tpu.dma_semaphore, #tpu.memory_space<semaphore_mem>>) src(%dma_wait3A_148 : memref<64x24xf32, #tpu.memory_space<hbm>>) dst(%arg11 : memref<64x24xf32, #tpu.memory_space<vmem>>)
      %dma_start3A_149 = arith.constant 0 : i32
      %dma_start3A_150 = arith.constant 0 : i32
      %dma_start3A_151 = tpu.memref_slice %arg9[%dma_start3A_149, %dma_start3A_150] : memref<8x64xi32, #tpu.memory_space<vmem>> -> memref<1x64xi32, #tpu.memory_space<vmem>>
      %dma_start3A_152 = tpu.memref_squeeze %dma_start3A_151 : memref<1x64xi32, #tpu.memory_space<vmem>> -> memref<64xi32, #tpu.memory_space<vmem>>
      %dma_start3A_153 = arith.constant 0 : i32
      %dma_start3A_154 = arith.constant 0 : i32
      %dma_start3A_155 = tpu.memref_slice %arg13[%dma_start3A_153, %dma_start3A_154] : memref<83968x24xf32, #tpu.memory_space<vmem_shared>> -> memref<83968x24xf32, #tpu.memory_space<vmem_shared>>
      tpu.enqueue_indirect_dma source(%arg11 : memref<64x24xf32, #tpu.memory_space<vmem>>) target(%dma_start3A_155 : memref<83968x24xf32, #tpu.memory_space<vmem_shared>>) offsets(%dma_start3A_152 : memref<64xi32, #tpu.memory_space<vmem>>) semaphore(%arg20 : memref<!tpu.dma_semaphore, #tpu.memory_space<semaphore_mem>>) {add = true}
      %dma_wait3A_156 = arith.constant 0 : i32
      %dma_wait3A_157 = arith.constant 0 : i32
      %dma_wait3A_158 = tpu.memref_slice %arg2[%dma_wait3A_156, %dma_wait3A_157] : memref<83968x24xf32, #tpu.memory_space<hbm>> -> memref<64x24xf32, #tpu.memory_space<hbm>>
      %dma_wait3A_159 = arith.constant 0 : i32
      %dma_wait3A_160 = arith.constant 0 : i32
      %dma_wait3A_161 = tpu.memref_slice %arg2[%dma_wait3A_159, %dma_wait3A_160] : memref<83968x24xf32, #tpu.memory_space<hbm>> -> memref<64x24xf32, #tpu.memory_space<hbm>>
      tpu.wait_dma2 semaphore(%arg19 : memref<!tpu.dma_semaphore, #tpu.memory_space<semaphore_mem>>) src(%dma_wait3A_161 : memref<64x24xf32, #tpu.memory_space<hbm>>) dst(%arg12 : memref<64x24xf32, #tpu.memory_space<vmem>>)
      %dma_start3A_162 = arith.constant 1 : i32
      %dma_start3A_163 = arith.constant 0 : i32
      %dma_start3A_164 = tpu.memref_slice %arg9[%dma_start3A_162, %dma_start3A_163] : memref<8x64xi32, #tpu.memory_space<vmem>> -> memref<1x64xi32, #tpu.memory_space<vmem>>
      %dma_start3A_165 = tpu.memref_squeeze %dma_start3A_164 : memref<1x64xi32, #tpu.memory_space<vmem>> -> memref<64xi32, #tpu.memory_space<vmem>>
      %dma_start3A_166 = arith.constant 0 : i32
      %dma_start3A_167 = arith.constant 0 : i32
      %dma_start3A_168 = tpu.memref_slice %arg13[%dma_start3A_166, %dma_start3A_167] : memref<83968x24xf32, #tpu.memory_space<vmem_shared>> -> memref<83968x24xf32, #tpu.memory_space<vmem_shared>>
      tpu.enqueue_indirect_dma source(%arg12 : memref<64x24xf32, #tpu.memory_space<vmem>>) target(%dma_start3A_168 : memref<83968x24xf32, #tpu.memory_space<vmem_shared>>) offsets(%dma_start3A_165 : memref<64xi32, #tpu.memory_space<vmem>>) semaphore(%arg21 : memref<!tpu.dma_semaphore, #tpu.memory_space<semaphore_mem>>) {add = true}
      %mul3A_169 = arith.constant 8 : i32
      %mul3A_170 = arith.muli %scan3A_64, %mul3A_169 : i32
      %add3A_171 = arith.constant 1 : i32
      %add3A_172 = arith.addi %mul3A_170, %add3A_171 : i32
      %dma_wait3A_173 = arith.constant 0 : i32
      %dma_wait3A_174 = arith.constant 0 : i32
      %dma_wait3A_175 = tpu.memref_slice %arg2[%dma_wait3A_173, %dma_wait3A_174] : memref<83968x24xf32, #tpu.memory_space<hbm>> -> memref<64x24xf32, #tpu.memory_space<hbm>>
      %dma_wait3A_176 = arith.constant 0 : i32
      %dma_wait3A_177 = arith.constant 0 : i32
      %dma_wait3A_178 = tpu.memref_slice %arg2[%dma_wait3A_176, %dma_wait3A_177] : memref<83968x24xf32, #tpu.memory_space<hbm>> -> memref<64x24xf32, #tpu.memory_space<hbm>>
      tpu.wait_dma2 semaphore(%arg20 : memref<!tpu.dma_semaphore, #tpu.memory_space<semaphore_mem>>) src(%dma_wait3A_178 : memref<64x24xf32, #tpu.memory_space<hbm>>) dst(%arg11 : memref<64x24xf32, #tpu.memory_space<vmem>>)
      %dma_start3A_179 = arith.constant 1 : i32
      %dma_start3A_180 = arith.constant 0 : i32
      %dma_start3A_181 = tpu.memref_slice %arg7[%dma_start3A_179, %dma_start3A_180] : memref<4x128xi32, #tpu.memory_space<vmem>> -> memref<1x64xi32, #tpu.memory_space<vmem>>
      %dma_start3A_182 = tpu.memref_squeeze %dma_start3A_181 : memref<1x64xi32, #tpu.memory_space<vmem>> -> memref<64xi32, #tpu.memory_space<vmem>>
      %dma_start3A_183 = arith.constant 0 : i32
      %dma_start3A_184 = arith.constant 0 : i32
      %dma_start3A_185 = tpu.memref_slice %arg2[%dma_start3A_183, %dma_start3A_184] : memref<83968x24xf32, #tpu.memory_space<hbm>> -> memref<83968x24xf32, #tpu.memory_space<hbm>>
      tpu.enqueue_indirect_dma source(%dma_start3A_185 : memref<83968x24xf32, #tpu.memory_space<hbm>>) target(%arg11 : memref<64x24xf32, #tpu.memory_space<vmem>>) offsets(%dma_start3A_182 : memref<64xi32, #tpu.memory_space<vmem>>) semaphore(%arg18 : memref<!tpu.dma_semaphore, #tpu.memory_space<semaphore_mem>>)
      %dma_wait3A_186 = arith.constant 0 : i32
      %dma_wait3A_187 = arith.constant 0 : i32
      %dma_wait3A_188 = tpu.memref_slice %arg2[%dma_wait3A_186, %dma_wait3A_187] : memref<83968x24xf32, #tpu.memory_space<hbm>> -> memref<64x24xf32, #tpu.memory_space<hbm>>
      %dma_wait3A_189 = arith.constant 0 : i32
      %dma_wait3A_190 = arith.constant 0 : i32
      %dma_wait3A_191 = tpu.memref_slice %arg2[%dma_wait3A_189, %dma_wait3A_190] : memref<83968x24xf32, #tpu.memory_space<hbm>> -> memref<64x24xf32, #tpu.memory_space<hbm>>
      tpu.wait_dma2 semaphore(%arg21 : memref<!tpu.dma_semaphore, #tpu.memory_space<semaphore_mem>>) src(%dma_wait3A_191 : memref<64x24xf32, #tpu.memory_space<hbm>>) dst(%arg12 : memref<64x24xf32, #tpu.memory_space<vmem>>)
      %dma_start3A_192 = arith.constant 1 : i32
      %dma_start3A_193 = arith.constant 64 : i32
      %dma_start3A_194 = tpu.memref_slice %arg7[%dma_start3A_192, %dma_start3A_193] : memref<4x128xi32, #tpu.memory_space<vmem>> -> memref<1x64xi32, #tpu.memory_space<vmem>>
      %dma_start3A_195 = tpu.memref_squeeze %dma_start3A_194 : memref<1x64xi32, #tpu.memory_space<vmem>> -> memref<64xi32, #tpu.memory_space<vmem>>
      %dma_start3A_196 = arith.constant 0 : i32
      %dma_start3A_197 = arith.constant 0 : i32
      %dma_start3A_198 = tpu.memref_slice %arg2[%dma_start3A_196, %dma_start3A_197] : memref<83968x24xf32, #tpu.memory_space<hbm>> -> memref<83968x24xf32, #tpu.memory_space<hbm>>
      tpu.enqueue_indirect_dma source(%dma_start3A_198 : memref<83968x24xf32, #tpu.memory_space<hbm>>) target(%arg12 : memref<64x24xf32, #tpu.memory_space<vmem>>) offsets(%dma_start3A_195 : memref<64xi32, #tpu.memory_space<vmem>>) semaphore(%arg19 : memref<!tpu.dma_semaphore, #tpu.memory_space<semaphore_mem>>)
      %dma_wait3A_199 = arith.constant 0 : i32
      %dma_wait3A_200 = arith.constant 0 : i32
      %dma_wait3A_201 = tpu.memref_slice %arg2[%dma_wait3A_199, %dma_wait3A_200] : memref<83968x24xf32, #tpu.memory_space<hbm>> -> memref<64x24xf32, #tpu.memory_space<hbm>>
      %dma_wait3A_202 = arith.constant 0 : i32
      %dma_wait3A_203 = arith.constant 0 : i32
      %dma_wait3A_204 = tpu.memref_slice %arg2[%dma_wait3A_202, %dma_wait3A_203] : memref<83968x24xf32, #tpu.memory_space<hbm>> -> memref<64x24xf32, #tpu.memory_space<hbm>>
      tpu.wait_dma2 semaphore(%arg18 : memref<!tpu.dma_semaphore, #tpu.memory_space<semaphore_mem>>) src(%dma_wait3A_204 : memref<64x24xf32, #tpu.memory_space<hbm>>) dst(%arg11 : memref<64x24xf32, #tpu.memory_space<vmem>>)
      %dma_start3A_205 = arith.constant 2 : i32
      %dma_start3A_206 = arith.constant 0 : i32
      %dma_start3A_207 = tpu.memref_slice %arg9[%dma_start3A_205, %dma_start3A_206] : memref<8x64xi32, #tpu.memory_space<vmem>> -> memref<1x64xi32, #tpu.memory_space<vmem>>
      %dma_start3A_208 = tpu.memref_squeeze %dma_start3A_207 : memref<1x64xi32, #tpu.memory_space<vmem>> -> memref<64xi32, #tpu.memory_space<vmem>>
      %dma_start3A_209 = arith.constant 0 : i32
      %dma_start3A_210 = arith.constant 0 : i32
      %dma_start3A_211 = tpu.memref_slice %arg13[%dma_start3A_209, %dma_start3A_210] : memref<83968x24xf32, #tpu.memory_space<vmem_shared>> -> memref<83968x24xf32, #tpu.memory_space<vmem_shared>>
      tpu.enqueue_indirect_dma source(%arg11 : memref<64x24xf32, #tpu.memory_space<vmem>>) target(%dma_start3A_211 : memref<83968x24xf32, #tpu.memory_space<vmem_shared>>) offsets(%dma_start3A_208 : memref<64xi32, #tpu.memory_space<vmem>>) semaphore(%arg20 : memref<!tpu.dma_semaphore, #tpu.memory_space<semaphore_mem>>) {add = true}
      %dma_wait3A_212 = arith.constant 0 : i32
      %dma_wait3A_213 = arith.constant 0 : i32
      %dma_wait3A_214 = tpu.memref_slice %arg2[%dma_wait3A_212, %dma_wait3A_213] : memref<83968x24xf32, #tpu.memory_space<hbm>> -> memref<64x24xf32, #tpu.memory_space<hbm>>
      %dma_wait3A_215 = arith.constant 0 : i32
      %dma_wait3A_216 = arith.constant 0 : i32
      %dma_wait3A_217 = tpu.memref_slice %arg2[%dma_wait3A_215, %dma_wait3A_216] : memref<83968x24xf32, #tpu.memory_space<hbm>> -> memref<64x24xf32, #tpu.memory_space<hbm>>
      tpu.wait_dma2 semaphore(%arg19 : memref<!tpu.dma_semaphore, #tpu.memory_space<semaphore_mem>>) src(%dma_wait3A_217 : memref<64x24xf32, #tpu.memory_space<hbm>>) dst(%arg12 : memref<64x24xf32, #tpu.memory_space<vmem>>)
      %dma_start3A_218 = arith.constant 3 : i32
      %dma_start3A_219 = arith.constant 0 : i32
      %dma_start3A_220 = tpu.memref_slice %arg9[%dma_start3A_218, %dma_start3A_219] : memref<8x64xi32, #tpu.memory_space<vmem>> -> memref<1x64xi32, #tpu.memory_space<vmem>>
      %dma_start3A_221 = tpu.memref_squeeze %dma_start3A_220 : memref<1x64xi32, #tpu.memory_space<vmem>> -> memref<64xi32, #tpu.memory_space<vmem>>
      %dma_start3A_222 = arith.constant 0 : i32
      %dma_start3A_223 = arith.constant 0 : i32
      %dma_start3A_224 = tpu.memref_slice %arg13[%dma_start3A_222, %dma_start3A_223] : memref<83968x24xf32, #tpu.memory_space<vmem_shared>> -> memref<83968x24xf32, #tpu.memory_space<vmem_shared>>
      tpu.enqueue_indirect_dma source(%arg12 : memref<64x24xf32, #tpu.memory_space<vmem>>) target(%dma_start3A_224 : memref<83968x24xf32, #tpu.memory_space<vmem_shared>>) offsets(%dma_start3A_221 : memref<64xi32, #tpu.memory_space<vmem>>) semaphore(%arg21 : memref<!tpu.dma_semaphore, #tpu.memory_space<semaphore_mem>>) {add = true}
      %mul3A_225 = arith.constant 8 : i32
      %mul3A_226 = arith.muli %scan3A_64, %mul3A_225 : i32
      %add3A_227 = arith.constant 2 : i32
      %add3A_228 = arith.addi %mul3A_226, %add3A_227 : i32
      %dma_wait3A_229 = arith.constant 0 : i32
      %dma_wait3A_230 = arith.constant 0 : i32
      %dma_wait3A_231 = tpu.memref_slice %arg2[%dma_wait3A_229, %dma_wait3A_230] : memref<83968x24xf32, #tpu.memory_space<hbm>> -> memref<64x24xf32, #tpu.memory_space<hbm>>
      %dma_wait3A_232 = arith.constant 0 : i32
      %dma_wait3A_233 = arith.constant 0 : i32
      %dma_wait3A_234 = tpu.memref_slice %arg2[%dma_wait3A_232, %dma_wait3A_233] : memref<83968x24xf32, #tpu.memory_space<hbm>> -> memref<64x24xf32, #tpu.memory_space<hbm>>
      tpu.wait_dma2 semaphore(%arg20 : memref<!tpu.dma_semaphore, #tpu.memory_space<semaphore_mem>>) src(%dma_wait3A_234 : memref<64x24xf32, #tpu.memory_space<hbm>>) dst(%arg11 : memref<64x24xf32, #tpu.memory_space<vmem>>)
      %dma_start3A_235 = arith.constant 2 : i32
      %dma_start3A_236 = arith.constant 0 : i32
      %dma_start3A_237 = tpu.memref_slice %arg7[%dma_start3A_235, %dma_start3A_236] : memref<4x128xi32, #tpu.memory_space<vmem>> -> memref<1x64xi32, #tpu.memory_space<vmem>>
      %dma_start3A_238 = tpu.memref_squeeze %dma_start3A_237 : memref<1x64xi32, #tpu.memory_space<vmem>> -> memref<64xi32, #tpu.memory_space<vmem>>
      %dma_start3A_239 = arith.constant 0 : i32
      %dma_start3A_240 = arith.constant 0 : i32
      %dma_start3A_241 = tpu.memref_slice %arg2[%dma_start3A_239, %dma_start3A_240] : memref<83968x24xf32, #tpu.memory_space<hbm>> -> memref<83968x24xf32, #tpu.memory_space<hbm>>
      tpu.enqueue_indirect_dma source(%dma_start3A_241 : memref<83968x24xf32, #tpu.memory_space<hbm>>) target(%arg11 : memref<64x24xf32, #tpu.memory_space<vmem>>) offsets(%dma_start3A_238 : memref<64xi32, #tpu.memory_space<vmem>>) semaphore(%arg18 : memref<!tpu.dma_semaphore, #tpu.memory_space<semaphore_mem>>)
      %dma_wait3A_242 = arith.constant 0 : i32
      %dma_wait3A_243 = arith.constant 0 : i32
      %dma_wait3A_244 = tpu.memref_slice %arg2[%dma_wait3A_242, %dma_wait3A_243] : memref<83968x24xf32, #tpu.memory_space<hbm>> -> memref<64x24xf32, #tpu.memory_space<hbm>>
      %dma_wait3A_245 = arith.constant 0 : i32
      %dma_wait3A_246 = arith.constant 0 : i32
      %dma_wait3A_247 = tpu.memref_slice %arg2[%dma_wait3A_245, %dma_wait3A_246] : memref<83968x24xf32, #tpu.memory_space<hbm>> -> memref<64x24xf32, #tpu.memory_space<hbm>>
      tpu.wait_dma2 semaphore(%arg21 : memref<!tpu.dma_semaphore, #tpu.memory_space<semaphore_mem>>) src(%dma_wait3A_247 : memref<64x24xf32, #tpu.memory_space<hbm>>) dst(%arg12 : memref<64x24xf32, #tpu.memory_space<vmem>>)
      %dma_start3A_248 = arith.constant 2 : i32
      %dma_start3A_249 = arith.constant 64 : i32
      %dma_start3A_250 = tpu.memref_slice %arg7[%dma_start3A_248, %dma_start3A_249] : memref<4x128xi32, #tpu.memory_space<vmem>> -> memref<1x64xi32, #tpu.memory_space<vmem>>
      %dma_start3A_251 = tpu.memref_squeeze %dma_start3A_250 : memref<1x64xi32, #tpu.memory_space<vmem>> -> memref<64xi32, #tpu.memory_space<vmem>>
      %dma_start3A_252 = arith.constant 0 : i32
      %dma_start3A_253 = arith.constant 0 : i32
      %dma_start3A_254 = tpu.memref_slice %arg2[%dma_start3A_252, %dma_start3A_253] : memref<83968x24xf32, #tpu.memory_space<hbm>> -> memref<83968x24xf32, #tpu.memory_space<hbm>>
      tpu.enqueue_indirect_dma source(%dma_start3A_254 : memref<83968x24xf32, #tpu.memory_space<hbm>>) target(%arg12 : memref<64x24xf32, #tpu.memory_space<vmem>>) offsets(%dma_start3A_251 : memref<64xi32, #tpu.memory_space<vmem>>) semaphore(%arg19 : memref<!tpu.dma_semaphore, #tpu.memory_space<semaphore_mem>>)
      %dma_wait3A_255 = arith.constant 0 : i32
      %dma_wait3A_256 = arith.constant 0 : i32
      %dma_wait3A_257 = tpu.memref_slice %arg2[%dma_wait3A_255, %dma_wait3A_256] : memref<83968x24xf32, #tpu.memory_space<hbm>> -> memref<64x24xf32, #tpu.memory_space<hbm>>
      %dma_wait3A_258 = arith.constant 0 : i32
      %dma_wait3A_259 = arith.constant 0 : i32
      %dma_wait3A_260 = tpu.memref_slice %arg2[%dma_wait3A_258, %dma_wait3A_259] : memref<83968x24xf32, #tpu.memory_space<hbm>> -> memref<64x24xf32, #tpu.memory_space<hbm>>
      tpu.wait_dma2 semaphore(%arg18 : memref<!tpu.dma_semaphore, #tpu.memory_space<semaphore_mem>>) src(%dma_wait3A_260 : memref<64x24xf32, #tpu.memory_space<hbm>>) dst(%arg11 : memref<64x24xf32, #tpu.memory_space<vmem>>)
      %dma_start3A_261 = arith.constant 4 : i32
      %dma_start3A_262 = arith.constant 0 : i32
      %dma_start3A_263 = tpu.memref_slice %arg9[%dma_start3A_261, %dma_start3A_262] : memref<8x64xi32, #tpu.memory_space<vmem>> -> memref<1x64xi32, #tpu.memory_space<vmem>>
      %dma_start3A_264 = tpu.memref_squeeze %dma_start3A_263 : memref<1x64xi32, #tpu.memory_space<vmem>> -> memref<64xi32, #tpu.memory_space<vmem>>
      %dma_start3A_265 = arith.constant 0 : i32
      %dma_start3A_266 = arith.constant 0 : i32
      %dma_start3A_267 = tpu.memref_slice %arg13[%dma_start3A_265, %dma_start3A_266] : memref<83968x24xf32, #tpu.memory_space<vmem_shared>> -> memref<83968x24xf32, #tpu.memory_space<vmem_shared>>
      tpu.enqueue_indirect_dma source(%arg11 : memref<64x24xf32, #tpu.memory_space<vmem>>) target(%dma_start3A_267 : memref<83968x24xf32, #tpu.memory_space<vmem_shared>>) offsets(%dma_start3A_264 : memref<64xi32, #tpu.memory_space<vmem>>) semaphore(%arg20 : memref<!tpu.dma_semaphore, #tpu.memory_space<semaphore_mem>>) {add = true}
      %dma_wait3A_268 = arith.constant 0 : i32
      %dma_wait3A_269 = arith.constant 0 : i32
      %dma_wait3A_270 = tpu.memref_slice %arg2[%dma_wait3A_268, %dma_wait3A_269] : memref<83968x24xf32, #tpu.memory_space<hbm>> -> memref<64x24xf32, #tpu.memory_space<hbm>>
      %dma_wait3A_271 = arith.constant 0 : i32
      %dma_wait3A_272 = arith.constant 0 : i32
      %dma_wait3A_273 = tpu.memref_slice %arg2[%dma_wait3A_271, %dma_wait3A_272] : memref<83968x24xf32, #tpu.memory_space<hbm>> -> memref<64x24xf32, #tpu.memory_space<hbm>>
      tpu.wait_dma2 semaphore(%arg19 : memref<!tpu.dma_semaphore, #tpu.memory_space<semaphore_mem>>) src(%dma_wait3A_273 : memref<64x24xf32, #tpu.memory_space<hbm>>) dst(%arg12 : memref<64x24xf32, #tpu.memory_space<vmem>>)
      %dma_start3A_274 = arith.constant 5 : i32
      %dma_start3A_275 = arith.constant 0 : i32
      %dma_start3A_276 = tpu.memref_slice %arg9[%dma_start3A_274, %dma_start3A_275] : memref<8x64xi32, #tpu.memory_space<vmem>> -> memref<1x64xi32, #tpu.memory_space<vmem>>
      %dma_start3A_277 = tpu.memref_squeeze %dma_start3A_276 : memref<1x64xi32, #tpu.memory_space<vmem>> -> memref<64xi32, #tpu.memory_space<vmem>>
      %dma_start3A_278 = arith.constant 0 : i32
      %dma_start3A_279 = arith.constant 0 : i32
      %dma_start3A_280 = tpu.memref_slice %arg13[%dma_start3A_278, %dma_start3A_279] : memref<83968x24xf32, #tpu.memory_space<vmem_shared>> -> memref<83968x24xf32, #tpu.memory_space<vmem_shared>>
      tpu.enqueue_indirect_dma source(%arg12 : memref<64x24xf32, #tpu.memory_space<vmem>>) target(%dma_start3A_280 : memref<83968x24xf32, #tpu.memory_space<vmem_shared>>) offsets(%dma_start3A_277 : memref<64xi32, #tpu.memory_space<vmem>>) semaphore(%arg21 : memref<!tpu.dma_semaphore, #tpu.memory_space<semaphore_mem>>) {add = true}
      %mul3A_281 = arith.constant 8 : i32
      %mul3A_282 = arith.muli %scan3A_64, %mul3A_281 : i32
      %add3A_283 = arith.constant 3 : i32
      %add3A_284 = arith.addi %mul3A_282, %add3A_283 : i32
      %dma_wait3A_285 = arith.constant 0 : i32
      %dma_wait3A_286 = arith.constant 0 : i32
      %dma_wait3A_287 = tpu.memref_slice %arg2[%dma_wait3A_285, %dma_wait3A_286] : memref<83968x24xf32, #tpu.memory_space<hbm>> -> memref<64x24xf32, #tpu.memory_space<hbm>>
      %dma_wait3A_288 = arith.constant 0 : i32
      %dma_wait3A_289 = arith.constant 0 : i32
      %dma_wait3A_290 = tpu.memref_slice %arg2[%dma_wait3A_288, %dma_wait3A_289] : memref<83968x24xf32, #tpu.memory_space<hbm>> -> memref<64x24xf32, #tpu.memory_space<hbm>>
      tpu.wait_dma2 semaphore(%arg20 : memref<!tpu.dma_semaphore, #tpu.memory_space<semaphore_mem>>) src(%dma_wait3A_290 : memref<64x24xf32, #tpu.memory_space<hbm>>) dst(%arg11 : memref<64x24xf32, #tpu.memory_space<vmem>>)
      %dma_start3A_291 = arith.constant 3 : i32
      %dma_start3A_292 = arith.constant 0 : i32
      %dma_start3A_293 = tpu.memref_slice %arg7[%dma_start3A_291, %dma_start3A_292] : memref<4x128xi32, #tpu.memory_space<vmem>> -> memref<1x64xi32, #tpu.memory_space<vmem>>
      %dma_start3A_294 = tpu.memref_squeeze %dma_start3A_293 : memref<1x64xi32, #tpu.memory_space<vmem>> -> memref<64xi32, #tpu.memory_space<vmem>>
      %dma_start3A_295 = arith.constant 0 : i32
      %dma_start3A_296 = arith.constant 0 : i32
      %dma_start3A_297 = tpu.memref_slice %arg2[%dma_start3A_295, %dma_start3A_296] : memref<83968x24xf32, #tpu.memory_space<hbm>> -> memref<83968x24xf32, #tpu.memory_space<hbm>>
      tpu.enqueue_indirect_dma source(%dma_start3A_297 : memref<83968x24xf32, #tpu.memory_space<hbm>>) target(%arg11 : memref<64x24xf32, #tpu.memory_space<vmem>>) offsets(%dma_start3A_294 : memref<64xi32, #tpu.memory_space<vmem>>) semaphore(%arg18 : memref<!tpu.dma_semaphore, #tpu.memory_space<semaphore_mem>>)
      %dma_wait3A_298 = arith.constant 0 : i32
      %dma_wait3A_299 = arith.constant 0 : i32
      %dma_wait3A_300 = tpu.memref_slice %arg2[%dma_wait3A_298, %dma_wait3A_299] : memref<83968x24xf32, #tpu.memory_space<hbm>> -> memref<64x24xf32, #tpu.memory_space<hbm>>
      %dma_wait3A_301 = arith.constant 0 : i32
      %dma_wait3A_302 = arith.constant 0 : i32
      %dma_wait3A_303 = tpu.memref_slice %arg2[%dma_wait3A_301, %dma_wait3A_302] : memref<83968x24xf32, #tpu.memory_space<hbm>> -> memref<64x24xf32, #tpu.memory_space<hbm>>
      tpu.wait_dma2 semaphore(%arg21 : memref<!tpu.dma_semaphore, #tpu.memory_space<semaphore_mem>>) src(%dma_wait3A_303 : memref<64x24xf32, #tpu.memory_space<hbm>>) dst(%arg12 : memref<64x24xf32, #tpu.memory_space<vmem>>)
      %dma_start3A_304 = arith.constant 3 : i32
      %dma_start3A_305 = arith.constant 64 : i32
      %dma_start3A_306 = tpu.memref_slice %arg7[%dma_start3A_304, %dma_start3A_305] : memref<4x128xi32, #tpu.memory_space<vmem>> -> memref<1x64xi32, #tpu.memory_space<vmem>>
      %dma_start3A_307 = tpu.memref_squeeze %dma_start3A_306 : memref<1x64xi32, #tpu.memory_space<vmem>> -> memref<64xi32, #tpu.memory_space<vmem>>
      %dma_start3A_308 = arith.constant 0 : i32
      %dma_start3A_309 = arith.constant 0 : i32
      %dma_start3A_310 = tpu.memref_slice %arg2[%dma_start3A_308, %dma_start3A_309] : memref<83968x24xf32, #tpu.memory_space<hbm>> -> memref<83968x24xf32, #tpu.memory_space<hbm>>
      tpu.enqueue_indirect_dma source(%dma_start3A_310 : memref<83968x24xf32, #tpu.memory_space<hbm>>) target(%arg12 : memref<64x24xf32, #tpu.memory_space<vmem>>) offsets(%dma_start3A_307 : memref<64xi32, #tpu.memory_space<vmem>>) semaphore(%arg19 : memref<!tpu.dma_semaphore, #tpu.memory_space<semaphore_mem>>)
      %dma_wait3A_311 = arith.constant 0 : i32
      %dma_wait3A_312 = arith.constant 0 : i32
      %dma_wait3A_313 = tpu.memref_slice %arg2[%dma_wait3A_311, %dma_wait3A_312] : memref<83968x24xf32, #tpu.memory_space<hbm>> -> memref<64x24xf32, #tpu.memory_space<hbm>>
      %dma_wait3A_314 = arith.constant 0 : i32
      %dma_wait3A_315 = arith.constant 0 : i32
      %dma_wait3A_316 = tpu.memref_slice %arg2[%dma_wait3A_314, %dma_wait3A_315] : memref<83968x24xf32, #tpu.memory_space<hbm>> -> memref<64x24xf32, #tpu.memory_space<hbm>>
      tpu.wait_dma2 semaphore(%arg18 : memref<!tpu.dma_semaphore, #tpu.memory_space<semaphore_mem>>) src(%dma_wait3A_316 : memref<64x24xf32, #tpu.memory_space<hbm>>) dst(%arg11 : memref<64x24xf32, #tpu.memory_space<vmem>>)
      %dma_start3A_317 = arith.constant 6 : i32
      %dma_start3A_318 = arith.constant 0 : i32
      %dma_start3A_319 = tpu.memref_slice %arg9[%dma_start3A_317, %dma_start3A_318] : memref<8x64xi32, #tpu.memory_space<vmem>> -> memref<1x64xi32, #tpu.memory_space<vmem>>
      %dma_start3A_320 = tpu.memref_squeeze %dma_start3A_319 : memref<1x64xi32, #tpu.memory_space<vmem>> -> memref<64xi32, #tpu.memory_space<vmem>>
      %dma_start3A_321 = arith.constant 0 : i32
      %dma_start3A_322 = arith.constant 0 : i32
      %dma_start3A_323 = tpu.memref_slice %arg13[%dma_start3A_321, %dma_start3A_322] : memref<83968x24xf32, #tpu.memory_space<vmem_shared>> -> memref<83968x24xf32, #tpu.memory_space<vmem_shared>>
      tpu.enqueue_indirect_dma source(%arg11 : memref<64x24xf32, #tpu.memory_space<vmem>>) target(%dma_start3A_323 : memref<83968x24xf32, #tpu.memory_space<vmem_shared>>) offsets(%dma_start3A_320 : memref<64xi32, #tpu.memory_space<vmem>>) semaphore(%arg20 : memref<!tpu.dma_semaphore, #tpu.memory_space<semaphore_mem>>) {add = true}
      %dma_wait3A_324 = arith.constant 0 : i32
      %dma_wait3A_325 = arith.constant 0 : i32
      %dma_wait3A_326 = tpu.memref_slice %arg2[%dma_wait3A_324, %dma_wait3A_325] : memref<83968x24xf32, #tpu.memory_space<hbm>> -> memref<64x24xf32, #tpu.memory_space<hbm>>
      %dma_wait3A_327 = arith.constant 0 : i32
      %dma_wait3A_328 = arith.constant 0 : i32
      %dma_wait3A_329 = tpu.memref_slice %arg2[%dma_wait3A_327, %dma_wait3A_328] : memref<83968x24xf32, #tpu.memory_space<hbm>> -> memref<64x24xf32, #tpu.memory_space<hbm>>
      tpu.wait_dma2 semaphore(%arg19 : memref<!tpu.dma_semaphore, #tpu.memory_space<semaphore_mem>>) src(%dma_wait3A_329 : memref<64x24xf32, #tpu.memory_space<hbm>>) dst(%arg12 : memref<64x24xf32, #tpu.memory_space<vmem>>)
      %dma_start3A_330 = arith.constant 7 : i32
      %dma_start3A_331 = arith.constant 0 : i32
      %dma_start3A_332 = tpu.memref_slice %arg9[%dma_start3A_330, %dma_start3A_331] : memref<8x64xi32, #tpu.memory_space<vmem>> -> memref<1x64xi32, #tpu.memory_space<vmem>>
      %dma_start3A_333 = tpu.memref_squeeze %dma_start3A_332 : memref<1x64xi32, #tpu.memory_space<vmem>> -> memref<64xi32, #tpu.memory_space<vmem>>
      %dma_start3A_334 = arith.constant 0 : i32
      %dma_start3A_335 = arith.constant 0 : i32
      %dma_start3A_336 = tpu.memref_slice %arg13[%dma_start3A_334, %dma_start3A_335] : memref<83968x24xf32, #tpu.memory_space<vmem_shared>> -> memref<83968x24xf32, #tpu.memory_space<vmem_shared>>
      tpu.enqueue_indirect_dma source(%arg12 : memref<64x24xf32, #tpu.memory_space<vmem>>) target(%dma_start3A_336 : memref<83968x24xf32, #tpu.memory_space<vmem_shared>>) offsets(%dma_start3A_333 : memref<64xi32, #tpu.memory_space<vmem>>) semaphore(%arg21 : memref<!tpu.dma_semaphore, #tpu.memory_space<semaphore_mem>>) {add = true}
      %mul3A_337 = arith.constant 8 : i32
      %mul3A_338 = arith.muli %scan3A_64, %mul3A_337 : i32
      %add3A_339 = arith.constant 4 : i32
      %add3A_340 = arith.addi %mul3A_338, %add3A_339 : i32
      %dma_wait3A_341 = arith.constant 0 : i32
      %dma_wait3A_342 = arith.constant 0 : i32
      %dma_wait3A_343 = tpu.memref_slice %arg2[%dma_wait3A_341, %dma_wait3A_342] : memref<83968x24xf32, #tpu.memory_space<hbm>> -> memref<64x24xf32, #tpu.memory_space<hbm>>
      %dma_wait3A_344 = arith.constant 0 : i32
      %dma_wait3A_345 = arith.constant 0 : i32
      %dma_wait3A_346 = tpu.memref_slice %arg2[%dma_wait3A_344, %dma_wait3A_345] : memref<83968x24xf32, #tpu.memory_space<hbm>> -> memref<64x24xf32, #tpu.memory_space<hbm>>
      tpu.wait_dma2 semaphore(%arg20 : memref<!tpu.dma_semaphore, #tpu.memory_space<semaphore_mem>>) src(%dma_wait3A_346 : memref<64x24xf32, #tpu.memory_space<hbm>>) dst(%arg11 : memref<64x24xf32, #tpu.memory_space<vmem>>)
      %dma_wait3A_347 = arith.constant 0 : i32
      %dma_wait3A_348 = arith.constant 0 : i32
      %dma_wait3A_349 = tpu.memref_slice %arg2[%dma_wait3A_347, %dma_wait3A_348] : memref<83968x24xf32, #tpu.memory_space<hbm>> -> memref<64x24xf32, #tpu.memory_space<hbm>>
      %dma_wait3A_350 = arith.constant 0 : i32
      %dma_wait3A_351 = arith.constant 0 : i32
      %dma_wait3A_352 = tpu.memref_slice %arg2[%dma_wait3A_350, %dma_wait3A_351] : memref<83968x24xf32, #tpu.memory_space<hbm>> -> memref<64x24xf32, #tpu.memory_space<hbm>>
      tpu.wait_dma2 semaphore(%arg21 : memref<!tpu.dma_semaphore, #tpu.memory_space<semaphore_mem>>) src(%dma_wait3A_352 : memref<64x24xf32, #tpu.memory_space<hbm>>) dst(%arg12 : memref<64x24xf32, #tpu.memory_space<vmem>>)
      %dma_wait3A_353 = arith.constant 0 : i32
      %dma_wait3A_354 = arith.constant 0 : i32
      %dma_wait3A_355 = tpu.memref_slice %arg3[%dma_wait3A_353, %dma_wait3A_354] : memref<20992x128xi32, #tpu.memory_space<hbm>> -> memref<4x128xi32, #tpu.memory_space<hbm>>
      %dma_wait3A_356 = arith.constant 0 : i32
      %dma_wait3A_357 = arith.constant 0 : i32
      %dma_wait3A_358 = tpu.memref_slice %arg3[%dma_wait3A_356, %dma_wait3A_357] : memref<20992x128xi32, #tpu.memory_space<hbm>> -> memref<4x128xi32, #tpu.memory_space<hbm>>
      tpu.wait_dma2 semaphore(%arg15 : memref<!tpu.dma_semaphore, #tpu.memory_space<semaphore_mem>>) src(%dma_wait3A_358 : memref<4x128xi32, #tpu.memory_space<hbm>>) dst(%arg8 : memref<4x128xi32, #tpu.memory_space<vmem>>)
      %dma_wait3A_359 = arith.constant 0 : i32
      %dma_wait3A_360 = arith.constant 0 : i32
      %dma_wait3A_361 = tpu.memref_slice %arg4[%dma_wait3A_359, %dma_wait3A_360] : memref<41984x64xi32, #tpu.memory_space<hbm>> -> memref<8x64xi32, #tpu.memory_space<hbm>>
      %dma_wait3A_362 = arith.constant 0 : i32
      %dma_wait3A_363 = arith.constant 0 : i32
      %dma_wait3A_364 = tpu.memref_slice %arg4[%dma_wait3A_362, %dma_wait3A_363] : memref<41984x64xi32, #tpu.memory_space<hbm>> -> memref<8x64xi32, #tpu.memory_space<hbm>>
      tpu.wait_dma2 semaphore(%arg17 : memref<!tpu.dma_semaphore, #tpu.memory_space<semaphore_mem>>) src(%dma_wait3A_364 : memref<8x64xi32, #tpu.memory_space<hbm>>) dst(%arg10 : memref<8x64xi32, #tpu.memory_space<vmem>>)
      %lt3A = arith.constant 81 : i32
      %lt3A_365 = arith.cmpi slt, %scan3A_64, %lt3A : i32
      %convert_element_type3A_366 = arith.extui %lt3A_365 : i1 to i32
      %cond3A_367 = arith.constant 0 : i32
      %cond3A_368 = arith.cmpi ne, %convert_element_type3A_366, %cond3A_367 : i32
      scf.if %cond3A_368 {
        %mul3A_577 = arith.constant 2 : i32
        %mul3A_578 = arith.muli %scan3A_64, %mul3A_577 : i32
        %add3A_579 = arith.constant 2 : i32
        %add3A_580 = arith.addi %mul3A_578, %add3A_579 : i32
        %mul3A_581 = arith.constant 4 : i32
        %mul3A_582 = arith.muli %add3A_580, %mul3A_581 : i32
        %add3A_583 = arith.addi %mul3A_12, %mul3A_582 : i32
        %multiple_of3A_584 = tpu.assume_multiple %add3A_583, 4 : i32
        %dma_start3A_585 = arith.constant 0 : i32
        %dma_start3A_586 = tpu.memref_slice %arg3[%multiple_of3A_584, %dma_start3A_585] : memref<20992x128xi32, #tpu.memory_space<hbm>> -> memref<4x128xi32, #tpu.memory_space<hbm>>
        %dma_start3A_587 = arith.constant 0 : i32
        %dma_start3A_588 = tpu.memref_slice %arg3[%multiple_of3A_584, %dma_start3A_587] : memref<20992x128xi32, #tpu.memory_space<hbm>> -> memref<4x128xi32, #tpu.memory_space<hbm>>
        tpu.enqueue_dma source(%dma_start3A_588 : memref<4x128xi32, #tpu.memory_space<hbm>>) target(%arg7 : memref<4x128xi32, #tpu.memory_space<vmem>>) target_semaphore(%arg14 : memref<!tpu.dma_semaphore, #tpu.memory_space<semaphore_mem>>)
        %jit3A_589 = arith.constant 64 : i32
        %div3A_590 = arith.divsi %mul3A_10, %jit3A_589 : i32
        %sign3A_591 = arith.constant 0 : i32
        %sign3A_592 = arith.cmpi sgt, %mul3A_10, %sign3A_591 : i32
        %sign3A_593 = arith.extui %sign3A_592 : i1 to i32
        %sign3A_594 = arith.constant 0 : i32
        %sign3A_595 = arith.cmpi slt, %mul3A_10, %sign3A_594 : i32
        %sign3A_596 = arith.extui %sign3A_595 : i1 to i32
        %sign3A_597 = arith.subi %sign3A_593, %sign3A_596 : i32
        %sign3A_598 = arith.constant 0 : i32
        %sign3A_599 = arith.cmpi sgt, %jit3A_589, %sign3A_598 : i32
        %sign3A_600 = arith.extui %sign3A_599 : i1 to i32
        %sign3A_601 = arith.constant 0 : i32
        %sign3A_602 = arith.cmpi slt, %jit3A_589, %sign3A_601 : i32
        %sign3A_603 = arith.extui %sign3A_602 : i1 to i32
        %sign3A_604 = arith.subi %sign3A_600, %sign3A_603 : i32
        %ne3A_605 = arith.cmpi ne, %sign3A_597, %sign3A_604 : i32
        %rem3A_606 = arith.remsi %mul3A_10, %jit3A_589 : i32
        %ne3A_607 = arith.constant 0 : i32
        %ne3A_608 = arith.cmpi ne, %rem3A_606, %ne3A_607 : i32
        %and3A_609 = arith.andi %ne3A_605, %ne3A_608 : i1
        %sub3A_610 = arith.constant 1 : i32
        %sub3A_611 = arith.subi %div3A_590, %sub3A_610 : i32
        %select_n3A_612 = arith.select %and3A_609, %sub3A_611, %div3A_590 : i32
        %mul3A_613 = arith.constant 8 : i32
        %mul3A_614 = arith.muli %add3A_580, %mul3A_613 : i32
        %add3A_615 = arith.addi %select_n3A_612, %mul3A_614 : i32
        %multiple_of3A_616 = tpu.assume_multiple %add3A_615, 8 : i32
        %dma_start3A_617 = arith.constant 0 : i32
        %dma_start3A_618 = tpu.memref_slice %arg4[%multiple_of3A_616, %dma_start3A_617] : memref<41984x64xi32, #tpu.memory_space<hbm>> -> memref<8x64xi32, #tpu.memory_space<hbm>>
        %dma_start3A_619 = arith.constant 0 : i32
        %dma_start3A_620 = tpu.memref_slice %arg4[%multiple_of3A_616, %dma_start3A_619] : memref<41984x64xi32, #tpu.memory_space<hbm>> -> memref<8x64xi32, #tpu.memory_space<hbm>>
        tpu.enqueue_dma source(%dma_start3A_620 : memref<8x64xi32, #tpu.memory_space<hbm>>) target(%arg9 : memref<8x64xi32, #tpu.memory_space<vmem>>) target_semaphore(%arg16 : memref<!tpu.dma_semaphore, #tpu.memory_space<semaphore_mem>>)
      } else {
      }
      %dma_start3A_369 = arith.constant 0 : i32
      %dma_start3A_370 = arith.constant 0 : i32
      %dma_start3A_371 = tpu.memref_slice %arg8[%dma_start3A_369, %dma_start3A_370] : memref<4x128xi32, #tpu.memory_space<vmem>> -> memref<1x64xi32, #tpu.memory_space<vmem>>
      %dma_start3A_372 = tpu.memref_squeeze %dma_start3A_371 : memref<1x64xi32, #tpu.memory_space<vmem>> -> memref<64xi32, #tpu.memory_space<vmem>>
      %dma_start3A_373 = arith.constant 0 : i32
      %dma_start3A_374 = arith.constant 0 : i32
      %dma_start3A_375 = tpu.memref_slice %arg2[%dma_start3A_373, %dma_start3A_374] : memref<83968x24xf32, #tpu.memory_space<hbm>> -> memref<83968x24xf32, #tpu.memory_space<hbm>>
      tpu.enqueue_indirect_dma source(%dma_start3A_375 : memref<83968x24xf32, #tpu.memory_space<hbm>>) target(%arg11 : memref<64x24xf32, #tpu.memory_space<vmem>>) offsets(%dma_start3A_372 : memref<64xi32, #tpu.memory_space<vmem>>) semaphore(%arg18 : memref<!tpu.dma_semaphore, #tpu.memory_space<semaphore_mem>>)
      %dma_start3A_376 = arith.constant 0 : i32
      %dma_start3A_377 = arith.constant 64 : i32
      %dma_start3A_378 = tpu.memref_slice %arg8[%dma_start3A_376, %dma_start3A_377] : memref<4x128xi32, #tpu.memory_space<vmem>> -> memref<1x64xi32, #tpu.memory_space<vmem>>
      %dma_start3A_379 = tpu.memref_squeeze %dma_start3A_378 : memref<1x64xi32, #tpu.memory_space<vmem>> -> memref<64xi32, #tpu.memory_space<vmem>>
      %dma_start3A_380 = arith.constant 0 : i32
      %dma_start3A_381 = arith.constant 0 : i32
      %dma_start3A_382 = tpu.memref_slice %arg2[%dma_start3A_380, %dma_start3A_381] : memref<83968x24xf32, #tpu.memory_space<hbm>> -> memref<83968x24xf32, #tpu.memory_space<hbm>>
      tpu.enqueue_indirect_dma source(%dma_start3A_382 : memref<83968x24xf32, #tpu.memory_space<hbm>>) target(%arg12 : memref<64x24xf32, #tpu.memory_space<vmem>>) offsets(%dma_start3A_379 : memref<64xi32, #tpu.memory_space<vmem>>) semaphore(%arg19 : memref<!tpu.dma_semaphore, #tpu.memory_space<semaphore_mem>>)
      %dma_wait3A_383 = arith.constant 0 : i32
      %dma_wait3A_384 = arith.constant 0 : i32
      %dma_wait3A_385 = tpu.memref_slice %arg2[%dma_wait3A_383, %dma_wait3A_384] : memref<83968x24xf32, #tpu.memory_space<hbm>> -> memref<64x24xf32, #tpu.memory_space<hbm>>
      %dma_wait3A_386 = arith.constant 0 : i32
      %dma_wait3A_387 = arith.constant 0 : i32
      %dma_wait3A_388 = tpu.memref_slice %arg2[%dma_wait3A_386, %dma_wait3A_387] : memref<83968x24xf32, #tpu.memory_space<hbm>> -> memref<64x24xf32, #tpu.memory_space<hbm>>
      tpu.wait_dma2 semaphore(%arg18 : memref<!tpu.dma_semaphore, #tpu.memory_space<semaphore_mem>>) src(%dma_wait3A_388 : memref<64x24xf32, #tpu.memory_space<hbm>>) dst(%arg11 : memref<64x24xf32, #tpu.memory_space<vmem>>)
      %dma_start3A_389 = arith.constant 0 : i32
      %dma_start3A_390 = arith.constant 0 : i32
      %dma_start3A_391 = tpu.memref_slice %arg10[%dma_start3A_389, %dma_start3A_390] : memref<8x64xi32, #tpu.memory_space<vmem>> -> memref<1x64xi32, #tpu.memory_space<vmem>>
      %dma_start3A_392 = tpu.memref_squeeze %dma_start3A_391 : memref<1x64xi32, #tpu.memory_space<vmem>> -> memref<64xi32, #tpu.memory_space<vmem>>
      %dma_start3A_393 = arith.constant 0 : i32
      %dma_start3A_394 = arith.constant 0 : i32
      %dma_start3A_395 = tpu.memref_slice %arg13[%dma_start3A_393, %dma_start3A_394] : memref<83968x24xf32, #tpu.memory_space<vmem_shared>> -> memref<83968x24xf32, #tpu.memory_space<vmem_shared>>
      tpu.enqueue_indirect_dma source(%arg11 : memref<64x24xf32, #tpu.memory_space<vmem>>) target(%dma_start3A_395 : memref<83968x24xf32, #tpu.memory_space<vmem_shared>>) offsets(%dma_start3A_392 : memref<64xi32, #tpu.memory_space<vmem>>) semaphore(%arg20 : memref<!tpu.dma_semaphore, #tpu.memory_space<semaphore_mem>>) {add = true}
      %dma_wait3A_396 = arith.constant 0 : i32
      %dma_wait3A_397 = arith.constant 0 : i32
      %dma_wait3A_398 = tpu.memref_slice %arg2[%dma_wait3A_396, %dma_wait3A_397] : memref<83968x24xf32, #tpu.memory_space<hbm>> -> memref<64x24xf32, #tpu.memory_space<hbm>>
      %dma_wait3A_399 = arith.constant 0 : i32
      %dma_wait3A_400 = arith.constant 0 : i32
      %dma_wait3A_401 = tpu.memref_slice %arg2[%dma_wait3A_399, %dma_wait3A_400] : memref<83968x24xf32, #tpu.memory_space<hbm>> -> memref<64x24xf32, #tpu.memory_space<hbm>>
      tpu.wait_dma2 semaphore(%arg19 : memref<!tpu.dma_semaphore, #tpu.memory_space<semaphore_mem>>) src(%dma_wait3A_401 : memref<64x24xf32, #tpu.memory_space<hbm>>) dst(%arg12 : memref<64x24xf32, #tpu.memory_space<vmem>>)
      %dma_start3A_402 = arith.constant 1 : i32
      %dma_start3A_403 = arith.constant 0 : i32
      %dma_start3A_404 = tpu.memref_slice %arg10[%dma_start3A_402, %dma_start3A_403] : memref<8x64xi32, #tpu.memory_space<vmem>> -> memref<1x64xi32, #tpu.memory_space<vmem>>
      %dma_start3A_405 = tpu.memref_squeeze %dma_start3A_404 : memref<1x64xi32, #tpu.memory_space<vmem>> -> memref<64xi32, #tpu.memory_space<vmem>>
      %dma_start3A_406 = arith.constant 0 : i32
      %dma_start3A_407 = arith.constant 0 : i32
      %dma_start3A_408 = tpu.memref_slice %arg13[%dma_start3A_406, %dma_start3A_407] : memref<83968x24xf32, #tpu.memory_space<vmem_shared>> -> memref<83968x24xf32, #tpu.memory_space<vmem_shared>>
      tpu.enqueue_indirect_dma source(%arg12 : memref<64x24xf32, #tpu.memory_space<vmem>>) target(%dma_start3A_408 : memref<83968x24xf32, #tpu.memory_space<vmem_shared>>) offsets(%dma_start3A_405 : memref<64xi32, #tpu.memory_space<vmem>>) semaphore(%arg21 : memref<!tpu.dma_semaphore, #tpu.memory_space<semaphore_mem>>) {add = true}
      %mul3A_409 = arith.constant 8 : i32
      %mul3A_410 = arith.muli %scan3A_64, %mul3A_409 : i32
      %add3A_411 = arith.constant 5 : i32
      %add3A_412 = arith.addi %mul3A_410, %add3A_411 : i32
      %dma_wait3A_413 = arith.constant 0 : i32
      %dma_wait3A_414 = arith.constant 0 : i32
      %dma_wait3A_415 = tpu.memref_slice %arg2[%dma_wait3A_413, %dma_wait3A_414] : memref<83968x24xf32, #tpu.memory_space<hbm>> -> memref<64x24xf32, #tpu.memory_space<hbm>>
      %dma_wait3A_416 = arith.constant 0 : i32
      %dma_wait3A_417 = arith.constant 0 : i32
      %dma_wait3A_418 = tpu.memref_slice %arg2[%dma_wait3A_416, %dma_wait3A_417] : memref<83968x24xf32, #tpu.memory_space<hbm>> -> memref<64x24xf32, #tpu.memory_space<hbm>>
      tpu.wait_dma2 semaphore(%arg20 : memref<!tpu.dma_semaphore, #tpu.memory_space<semaphore_mem>>) src(%dma_wait3A_418 : memref<64x24xf32, #tpu.memory_space<hbm>>) dst(%arg11 : memref<64x24xf32, #tpu.memory_space<vmem>>)
      %dma_start3A_419 = arith.constant 1 : i32
      %dma_start3A_420 = arith.constant 0 : i32
      %dma_start3A_421 = tpu.memref_slice %arg8[%dma_start3A_419, %dma_start3A_420] : memref<4x128xi32, #tpu.memory_space<vmem>> -> memref<1x64xi32, #tpu.memory_space<vmem>>
      %dma_start3A_422 = tpu.memref_squeeze %dma_start3A_421 : memref<1x64xi32, #tpu.memory_space<vmem>> -> memref<64xi32, #tpu.memory_space<vmem>>
      %dma_start3A_423 = arith.constant 0 : i32
      %dma_start3A_424 = arith.constant 0 : i32
      %dma_start3A_425 = tpu.memref_slice %arg2[%dma_start3A_423, %dma_start3A_424] : memref<83968x24xf32, #tpu.memory_space<hbm>> -> memref<83968x24xf32, #tpu.memory_space<hbm>>
      tpu.enqueue_indirect_dma source(%dma_start3A_425 : memref<83968x24xf32, #tpu.memory_space<hbm>>) target(%arg11 : memref<64x24xf32, #tpu.memory_space<vmem>>) offsets(%dma_start3A_422 : memref<64xi32, #tpu.memory_space<vmem>>) semaphore(%arg18 : memref<!tpu.dma_semaphore, #tpu.memory_space<semaphore_mem>>)
      %dma_wait3A_426 = arith.constant 0 : i32
      %dma_wait3A_427 = arith.constant 0 : i32
      %dma_wait3A_428 = tpu.memref_slice %arg2[%dma_wait3A_426, %dma_wait3A_427] : memref<83968x24xf32, #tpu.memory_space<hbm>> -> memref<64x24xf32, #tpu.memory_space<hbm>>
      %dma_wait3A_429 = arith.constant 0 : i32
      %dma_wait3A_430 = arith.constant 0 : i32
      %dma_wait3A_431 = tpu.memref_slice %arg2[%dma_wait3A_429, %dma_wait3A_430] : memref<83968x24xf32, #tpu.memory_space<hbm>> -> memref<64x24xf32, #tpu.memory_space<hbm>>
      tpu.wait_dma2 semaphore(%arg21 : memref<!tpu.dma_semaphore, #tpu.memory_space<semaphore_mem>>) src(%dma_wait3A_431 : memref<64x24xf32, #tpu.memory_space<hbm>>) dst(%arg12 : memref<64x24xf32, #tpu.memory_space<vmem>>)
      %dma_start3A_432 = arith.constant 1 : i32
      %dma_start3A_433 = arith.constant 64 : i32
      %dma_start3A_434 = tpu.memref_slice %arg8[%dma_start3A_432, %dma_start3A_433] : memref<4x128xi32, #tpu.memory_space<vmem>> -> memref<1x64xi32, #tpu.memory_space<vmem>>
      %dma_start3A_435 = tpu.memref_squeeze %dma_start3A_434 : memref<1x64xi32, #tpu.memory_space<vmem>> -> memref<64xi32, #tpu.memory_space<vmem>>
      %dma_start3A_436 = arith.constant 0 : i32
      %dma_start3A_437 = arith.constant 0 : i32
      %dma_start3A_438 = tpu.memref_slice %arg2[%dma_start3A_436, %dma_start3A_437] : memref<83968x24xf32, #tpu.memory_space<hbm>> -> memref<83968x24xf32, #tpu.memory_space<hbm>>
      tpu.enqueue_indirect_dma source(%dma_start3A_438 : memref<83968x24xf32, #tpu.memory_space<hbm>>) target(%arg12 : memref<64x24xf32, #tpu.memory_space<vmem>>) offsets(%dma_start3A_435 : memref<64xi32, #tpu.memory_space<vmem>>) semaphore(%arg19 : memref<!tpu.dma_semaphore, #tpu.memory_space<semaphore_mem>>)
      %dma_wait3A_439 = arith.constant 0 : i32
      %dma_wait3A_440 = arith.constant 0 : i32
      %dma_wait3A_441 = tpu.memref_slice %arg2[%dma_wait3A_439, %dma_wait3A_440] : memref<83968x24xf32, #tpu.memory_space<hbm>> -> memref<64x24xf32, #tpu.memory_space<hbm>>
      %dma_wait3A_442 = arith.constant 0 : i32
      %dma_wait3A_443 = arith.constant 0 : i32
      %dma_wait3A_444 = tpu.memref_slice %arg2[%dma_wait3A_442, %dma_wait3A_443] : memref<83968x24xf32, #tpu.memory_space<hbm>> -> memref<64x24xf32, #tpu.memory_space<hbm>>
      tpu.wait_dma2 semaphore(%arg18 : memref<!tpu.dma_semaphore, #tpu.memory_space<semaphore_mem>>) src(%dma_wait3A_444 : memref<64x24xf32, #tpu.memory_space<hbm>>) dst(%arg11 : memref<64x24xf32, #tpu.memory_space<vmem>>)
      %dma_start3A_445 = arith.constant 2 : i32
      %dma_start3A_446 = arith.constant 0 : i32
      %dma_start3A_447 = tpu.memref_slice %arg10[%dma_start3A_445, %dma_start3A_446] : memref<8x64xi32, #tpu.memory_space<vmem>> -> memref<1x64xi32, #tpu.memory_space<vmem>>
      %dma_start3A_448 = tpu.memref_squeeze %dma_start3A_447 : memref<1x64xi32, #tpu.memory_space<vmem>> -> memref<64xi32, #tpu.memory_space<vmem>>
      %dma_start3A_449 = arith.constant 0 : i32
      %dma_start3A_450 = arith.constant 0 : i32
      %dma_start3A_451 = tpu.memref_slice %arg13[%dma_start3A_449, %dma_start3A_450] : memref<83968x24xf32, #tpu.memory_space<vmem_shared>> -> memref<83968x24xf32, #tpu.memory_space<vmem_shared>>
      tpu.enqueue_indirect_dma source(%arg11 : memref<64x24xf32, #tpu.memory_space<vmem>>) target(%dma_start3A_451 : memref<83968x24xf32, #tpu.memory_space<vmem_shared>>) offsets(%dma_start3A_448 : memref<64xi32, #tpu.memory_space<vmem>>) semaphore(%arg20 : memref<!tpu.dma_semaphore, #tpu.memory_space<semaphore_mem>>) {add = true}
      %dma_wait3A_452 = arith.constant 0 : i32
      %dma_wait3A_453 = arith.constant 0 : i32
      %dma_wait3A_454 = tpu.memref_slice %arg2[%dma_wait3A_452, %dma_wait3A_453] : memref<83968x24xf32, #tpu.memory_space<hbm>> -> memref<64x24xf32, #tpu.memory_space<hbm>>
      %dma_wait3A_455 = arith.constant 0 : i32
      %dma_wait3A_456 = arith.constant 0 : i32
      %dma_wait3A_457 = tpu.memref_slice %arg2[%dma_wait3A_455, %dma_wait3A_456] : memref<83968x24xf32, #tpu.memory_space<hbm>> -> memref<64x24xf32, #tpu.memory_space<hbm>>
      tpu.wait_dma2 semaphore(%arg19 : memref<!tpu.dma_semaphore, #tpu.memory_space<semaphore_mem>>) src(%dma_wait3A_457 : memref<64x24xf32, #tpu.memory_space<hbm>>) dst(%arg12 : memref<64x24xf32, #tpu.memory_space<vmem>>)
      %dma_start3A_458 = arith.constant 3 : i32
      %dma_start3A_459 = arith.constant 0 : i32
      %dma_start3A_460 = tpu.memref_slice %arg10[%dma_start3A_458, %dma_start3A_459] : memref<8x64xi32, #tpu.memory_space<vmem>> -> memref<1x64xi32, #tpu.memory_space<vmem>>
      %dma_start3A_461 = tpu.memref_squeeze %dma_start3A_460 : memref<1x64xi32, #tpu.memory_space<vmem>> -> memref<64xi32, #tpu.memory_space<vmem>>
      %dma_start3A_462 = arith.constant 0 : i32
      %dma_start3A_463 = arith.constant 0 : i32
      %dma_start3A_464 = tpu.memref_slice %arg13[%dma_start3A_462, %dma_start3A_463] : memref<83968x24xf32, #tpu.memory_space<vmem_shared>> -> memref<83968x24xf32, #tpu.memory_space<vmem_shared>>
      tpu.enqueue_indirect_dma source(%arg12 : memref<64x24xf32, #tpu.memory_space<vmem>>) target(%dma_start3A_464 : memref<83968x24xf32, #tpu.memory_space<vmem_shared>>) offsets(%dma_start3A_461 : memref<64xi32, #tpu.memory_space<vmem>>) semaphore(%arg21 : memref<!tpu.dma_semaphore, #tpu.memory_space<semaphore_mem>>) {add = true}
      %mul3A_465 = arith.constant 8 : i32
      %mul3A_466 = arith.muli %scan3A_64, %mul3A_465 : i32
      %add3A_467 = arith.constant 6 : i32
      %add3A_468 = arith.addi %mul3A_466, %add3A_467 : i32
      %dma_wait3A_469 = arith.constant 0 : i32
      %dma_wait3A_470 = arith.constant 0 : i32
      %dma_wait3A_471 = tpu.memref_slice %arg2[%dma_wait3A_469, %dma_wait3A_470] : memref<83968x24xf32, #tpu.memory_space<hbm>> -> memref<64x24xf32, #tpu.memory_space<hbm>>
      %dma_wait3A_472 = arith.constant 0 : i32
      %dma_wait3A_473 = arith.constant 0 : i32
      %dma_wait3A_474 = tpu.memref_slice %arg2[%dma_wait3A_472, %dma_wait3A_473] : memref<83968x24xf32, #tpu.memory_space<hbm>> -> memref<64x24xf32, #tpu.memory_space<hbm>>
      tpu.wait_dma2 semaphore(%arg20 : memref<!tpu.dma_semaphore, #tpu.memory_space<semaphore_mem>>) src(%dma_wait3A_474 : memref<64x24xf32, #tpu.memory_space<hbm>>) dst(%arg11 : memref<64x24xf32, #tpu.memory_space<vmem>>)
      %dma_start3A_475 = arith.constant 2 : i32
      %dma_start3A_476 = arith.constant 0 : i32
      %dma_start3A_477 = tpu.memref_slice %arg8[%dma_start3A_475, %dma_start3A_476] : memref<4x128xi32, #tpu.memory_space<vmem>> -> memref<1x64xi32, #tpu.memory_space<vmem>>
      %dma_start3A_478 = tpu.memref_squeeze %dma_start3A_477 : memref<1x64xi32, #tpu.memory_space<vmem>> -> memref<64xi32, #tpu.memory_space<vmem>>
      %dma_start3A_479 = arith.constant 0 : i32
      %dma_start3A_480 = arith.constant 0 : i32
      %dma_start3A_481 = tpu.memref_slice %arg2[%dma_start3A_479, %dma_start3A_480] : memref<83968x24xf32, #tpu.memory_space<hbm>> -> memref<83968x24xf32, #tpu.memory_space<hbm>>
      tpu.enqueue_indirect_dma source(%dma_start3A_481 : memref<83968x24xf32, #tpu.memory_space<hbm>>) target(%arg11 : memref<64x24xf32, #tpu.memory_space<vmem>>) offsets(%dma_start3A_478 : memref<64xi32, #tpu.memory_space<vmem>>) semaphore(%arg18 : memref<!tpu.dma_semaphore, #tpu.memory_space<semaphore_mem>>)
      %dma_wait3A_482 = arith.constant 0 : i32
      %dma_wait3A_483 = arith.constant 0 : i32
      %dma_wait3A_484 = tpu.memref_slice %arg2[%dma_wait3A_482, %dma_wait3A_483] : memref<83968x24xf32, #tpu.memory_space<hbm>> -> memref<64x24xf32, #tpu.memory_space<hbm>>
      %dma_wait3A_485 = arith.constant 0 : i32
      %dma_wait3A_486 = arith.constant 0 : i32
      %dma_wait3A_487 = tpu.memref_slice %arg2[%dma_wait3A_485, %dma_wait3A_486] : memref<83968x24xf32, #tpu.memory_space<hbm>> -> memref<64x24xf32, #tpu.memory_space<hbm>>
      tpu.wait_dma2 semaphore(%arg21 : memref<!tpu.dma_semaphore, #tpu.memory_space<semaphore_mem>>) src(%dma_wait3A_487 : memref<64x24xf32, #tpu.memory_space<hbm>>) dst(%arg12 : memref<64x24xf32, #tpu.memory_space<vmem>>)
      %dma_start3A_488 = arith.constant 2 : i32
      %dma_start3A_489 = arith.constant 64 : i32
      %dma_start3A_490 = tpu.memref_slice %arg8[%dma_start3A_488, %dma_start3A_489] : memref<4x128xi32, #tpu.memory_space<vmem>> -> memref<1x64xi32, #tpu.memory_space<vmem>>
      %dma_start3A_491 = tpu.memref_squeeze %dma_start3A_490 : memref<1x64xi32, #tpu.memory_space<vmem>> -> memref<64xi32, #tpu.memory_space<vmem>>
      %dma_start3A_492 = arith.constant 0 : i32
      %dma_start3A_493 = arith.constant 0 : i32
      %dma_start3A_494 = tpu.memref_slice %arg2[%dma_start3A_492, %dma_start3A_493] : memref<83968x24xf32, #tpu.memory_space<hbm>> -> memref<83968x24xf32, #tpu.memory_space<hbm>>
      tpu.enqueue_indirect_dma source(%dma_start3A_494 : memref<83968x24xf32, #tpu.memory_space<hbm>>) target(%arg12 : memref<64x24xf32, #tpu.memory_space<vmem>>) offsets(%dma_start3A_491 : memref<64xi32, #tpu.memory_space<vmem>>) semaphore(%arg19 : memref<!tpu.dma_semaphore, #tpu.memory_space<semaphore_mem>>)
      %dma_wait3A_495 = arith.constant 0 : i32
      %dma_wait3A_496 = arith.constant 0 : i32
      %dma_wait3A_497 = tpu.memref_slice %arg2[%dma_wait3A_495, %dma_wait3A_496] : memref<83968x24xf32, #tpu.memory_space<hbm>> -> memref<64x24xf32, #tpu.memory_space<hbm>>
      %dma_wait3A_498 = arith.constant 0 : i32
      %dma_wait3A_499 = arith.constant 0 : i32
      %dma_wait3A_500 = tpu.memref_slice %arg2[%dma_wait3A_498, %dma_wait3A_499] : memref<83968x24xf32, #tpu.memory_space<hbm>> -> memref<64x24xf32, #tpu.memory_space<hbm>>
      tpu.wait_dma2 semaphore(%arg18 : memref<!tpu.dma_semaphore, #tpu.memory_space<semaphore_mem>>) src(%dma_wait3A_500 : memref<64x24xf32, #tpu.memory_space<hbm>>) dst(%arg11 : memref<64x24xf32, #tpu.memory_space<vmem>>)
      %dma_start3A_501 = arith.constant 4 : i32
      %dma_start3A_502 = arith.constant 0 : i32
      %dma_start3A_503 = tpu.memref_slice %arg10[%dma_start3A_501, %dma_start3A_502] : memref<8x64xi32, #tpu.memory_space<vmem>> -> memref<1x64xi32, #tpu.memory_space<vmem>>
      %dma_start3A_504 = tpu.memref_squeeze %dma_start3A_503 : memref<1x64xi32, #tpu.memory_space<vmem>> -> memref<64xi32, #tpu.memory_space<vmem>>
      %dma_start3A_505 = arith.constant 0 : i32
      %dma_start3A_506 = arith.constant 0 : i32
      %dma_start3A_507 = tpu.memref_slice %arg13[%dma_start3A_505, %dma_start3A_506] : memref<83968x24xf32, #tpu.memory_space<vmem_shared>> -> memref<83968x24xf32, #tpu.memory_space<vmem_shared>>
      tpu.enqueue_indirect_dma source(%arg11 : memref<64x24xf32, #tpu.memory_space<vmem>>) target(%dma_start3A_507 : memref<83968x24xf32, #tpu.memory_space<vmem_shared>>) offsets(%dma_start3A_504 : memref<64xi32, #tpu.memory_space<vmem>>) semaphore(%arg20 : memref<!tpu.dma_semaphore, #tpu.memory_space<semaphore_mem>>) {add = true}
      %dma_wait3A_508 = arith.constant 0 : i32
      %dma_wait3A_509 = arith.constant 0 : i32
      %dma_wait3A_510 = tpu.memref_slice %arg2[%dma_wait3A_508, %dma_wait3A_509] : memref<83968x24xf32, #tpu.memory_space<hbm>> -> memref<64x24xf32, #tpu.memory_space<hbm>>
      %dma_wait3A_511 = arith.constant 0 : i32
      %dma_wait3A_512 = arith.constant 0 : i32
      %dma_wait3A_513 = tpu.memref_slice %arg2[%dma_wait3A_511, %dma_wait3A_512] : memref<83968x24xf32, #tpu.memory_space<hbm>> -> memref<64x24xf32, #tpu.memory_space<hbm>>
      tpu.wait_dma2 semaphore(%arg19 : memref<!tpu.dma_semaphore, #tpu.memory_space<semaphore_mem>>) src(%dma_wait3A_513 : memref<64x24xf32, #tpu.memory_space<hbm>>) dst(%arg12 : memref<64x24xf32, #tpu.memory_space<vmem>>)
      %dma_start3A_514 = arith.constant 5 : i32
      %dma_start3A_515 = arith.constant 0 : i32
      %dma_start3A_516 = tpu.memref_slice %arg10[%dma_start3A_514, %dma_start3A_515] : memref<8x64xi32, #tpu.memory_space<vmem>> -> memref<1x64xi32, #tpu.memory_space<vmem>>
      %dma_start3A_517 = tpu.memref_squeeze %dma_start3A_516 : memref<1x64xi32, #tpu.memory_space<vmem>> -> memref<64xi32, #tpu.memory_space<vmem>>
      %dma_start3A_518 = arith.constant 0 : i32
      %dma_start3A_519 = arith.constant 0 : i32
      %dma_start3A_520 = tpu.memref_slice %arg13[%dma_start3A_518, %dma_start3A_519] : memref<83968x24xf32, #tpu.memory_space<vmem_shared>> -> memref<83968x24xf32, #tpu.memory_space<vmem_shared>>
      tpu.enqueue_indirect_dma source(%arg12 : memref<64x24xf32, #tpu.memory_space<vmem>>) target(%dma_start3A_520 : memref<83968x24xf32, #tpu.memory_space<vmem_shared>>) offsets(%dma_start3A_517 : memref<64xi32, #tpu.memory_space<vmem>>) semaphore(%arg21 : memref<!tpu.dma_semaphore, #tpu.memory_space<semaphore_mem>>) {add = true}
      %mul3A_521 = arith.constant 8 : i32
      %mul3A_522 = arith.muli %scan3A_64, %mul3A_521 : i32
      %add3A_523 = arith.constant 7 : i32
      %add3A_524 = arith.addi %mul3A_522, %add3A_523 : i32
      %dma_wait3A_525 = arith.constant 0 : i32
      %dma_wait3A_526 = arith.constant 0 : i32
      %dma_wait3A_527 = tpu.memref_slice %arg2[%dma_wait3A_525, %dma_wait3A_526] : memref<83968x24xf32, #tpu.memory_space<hbm>> -> memref<64x24xf32, #tpu.memory_space<hbm>>
      %dma_wait3A_528 = arith.constant 0 : i32
      %dma_wait3A_529 = arith.constant 0 : i32
      %dma_wait3A_530 = tpu.memref_slice %arg2[%dma_wait3A_528, %dma_wait3A_529] : memref<83968x24xf32, #tpu.memory_space<hbm>> -> memref<64x24xf32, #tpu.memory_space<hbm>>
      tpu.wait_dma2 semaphore(%arg20 : memref<!tpu.dma_semaphore, #tpu.memory_space<semaphore_mem>>) src(%dma_wait3A_530 : memref<64x24xf32, #tpu.memory_space<hbm>>) dst(%arg11 : memref<64x24xf32, #tpu.memory_space<vmem>>)
      %dma_start3A_531 = arith.constant 3 : i32
      %dma_start3A_532 = arith.constant 0 : i32
      %dma_start3A_533 = tpu.memref_slice %arg8[%dma_start3A_531, %dma_start3A_532] : memref<4x128xi32, #tpu.memory_space<vmem>> -> memref<1x64xi32, #tpu.memory_space<vmem>>
      %dma_start3A_534 = tpu.memref_squeeze %dma_start3A_533 : memref<1x64xi32, #tpu.memory_space<vmem>> -> memref<64xi32, #tpu.memory_space<vmem>>
      %dma_start3A_535 = arith.constant 0 : i32
      %dma_start3A_536 = arith.constant 0 : i32
      %dma_start3A_537 = tpu.memref_slice %arg2[%dma_start3A_535, %dma_start3A_536] : memref<83968x24xf32, #tpu.memory_space<hbm>> -> memref<83968x24xf32, #tpu.memory_space<hbm>>
      tpu.enqueue_indirect_dma source(%dma_start3A_537 : memref<83968x24xf32, #tpu.memory_space<hbm>>) target(%arg11 : memref<64x24xf32, #tpu.memory_space<vmem>>) offsets(%dma_start3A_534 : memref<64xi32, #tpu.memory_space<vmem>>) semaphore(%arg18 : memref<!tpu.dma_semaphore, #tpu.memory_space<semaphore_mem>>)
      %dma_wait3A_538 = arith.constant 0 : i32
      %dma_wait3A_539 = arith.constant 0 : i32
      %dma_wait3A_540 = tpu.memref_slice %arg2[%dma_wait3A_538, %dma_wait3A_539] : memref<83968x24xf32, #tpu.memory_space<hbm>> -> memref<64x24xf32, #tpu.memory_space<hbm>>
      %dma_wait3A_541 = arith.constant 0 : i32
      %dma_wait3A_542 = arith.constant 0 : i32
      %dma_wait3A_543 = tpu.memref_slice %arg2[%dma_wait3A_541, %dma_wait3A_542] : memref<83968x24xf32, #tpu.memory_space<hbm>> -> memref<64x24xf32, #tpu.memory_space<hbm>>
      tpu.wait_dma2 semaphore(%arg21 : memref<!tpu.dma_semaphore, #tpu.memory_space<semaphore_mem>>) src(%dma_wait3A_543 : memref<64x24xf32, #tpu.memory_space<hbm>>) dst(%arg12 : memref<64x24xf32, #tpu.memory_space<vmem>>)
      %dma_start3A_544 = arith.constant 3 : i32
      %dma_start3A_545 = arith.constant 64 : i32
      %dma_start3A_546 = tpu.memref_slice %arg8[%dma_start3A_544, %dma_start3A_545] : memref<4x128xi32, #tpu.memory_space<vmem>> -> memref<1x64xi32, #tpu.memory_space<vmem>>
      %dma_start3A_547 = tpu.memref_squeeze %dma_start3A_546 : memref<1x64xi32, #tpu.memory_space<vmem>> -> memref<64xi32, #tpu.memory_space<vmem>>
      %dma_start3A_548 = arith.constant 0 : i32
      %dma_start3A_549 = arith.constant 0 : i32
      %dma_start3A_550 = tpu.memref_slice %arg2[%dma_start3A_548, %dma_start3A_549] : memref<83968x24xf32, #tpu.memory_space<hbm>> -> memref<83968x24xf32, #tpu.memory_space<hbm>>
      tpu.enqueue_indirect_dma source(%dma_start3A_550 : memref<83968x24xf32, #tpu.memory_space<hbm>>) target(%arg12 : memref<64x24xf32, #tpu.memory_space<vmem>>) offsets(%dma_start3A_547 : memref<64xi32, #tpu.memory_space<vmem>>) semaphore(%arg19 : memref<!tpu.dma_semaphore, #tpu.memory_space<semaphore_mem>>)
      %dma_wait3A_551 = arith.constant 0 : i32
      %dma_wait3A_552 = arith.constant 0 : i32
      %dma_wait3A_553 = tpu.memref_slice %arg2[%dma_wait3A_551, %dma_wait3A_552] : memref<83968x24xf32, #tpu.memory_space<hbm>> -> memref<64x24xf32, #tpu.memory_space<hbm>>
      %dma_wait3A_554 = arith.constant 0 : i32
      %dma_wait3A_555 = arith.constant 0 : i32
      %dma_wait3A_556 = tpu.memref_slice %arg2[%dma_wait3A_554, %dma_wait3A_555] : memref<83968x24xf32, #tpu.memory_space<hbm>> -> memref<64x24xf32, #tpu.memory_space<hbm>>
      tpu.wait_dma2 semaphore(%arg18 : memref<!tpu.dma_semaphore, #tpu.memory_space<semaphore_mem>>) src(%dma_wait3A_556 : memref<64x24xf32, #tpu.memory_space<hbm>>) dst(%arg11 : memref<64x24xf32, #tpu.memory_space<vmem>>)
      %dma_start3A_557 = arith.constant 6 : i32
      %dma_start3A_558 = arith.constant 0 : i32
      %dma_start3A_559 = tpu.memref_slice %arg10[%dma_start3A_557, %dma_start3A_558] : memref<8x64xi32, #tpu.memory_space<vmem>> -> memref<1x64xi32, #tpu.memory_space<vmem>>
      %dma_start3A_560 = tpu.memref_squeeze %dma_start3A_559 : memref<1x64xi32, #tpu.memory_space<vmem>> -> memref<64xi32, #tpu.memory_space<vmem>>
      %dma_start3A_561 = arith.constant 0 : i32
      %dma_start3A_562 = arith.constant 0 : i32
      %dma_start3A_563 = tpu.memref_slice %arg13[%dma_start3A_561, %dma_start3A_562] : memref<83968x24xf32, #tpu.memory_space<vmem_shared>> -> memref<83968x24xf32, #tpu.memory_space<vmem_shared>>
      tpu.enqueue_indirect_dma source(%arg11 : memref<64x24xf32, #tpu.memory_space<vmem>>) target(%dma_start3A_563 : memref<83968x24xf32, #tpu.memory_space<vmem_shared>>) offsets(%dma_start3A_560 : memref<64xi32, #tpu.memory_space<vmem>>) semaphore(%arg20 : memref<!tpu.dma_semaphore, #tpu.memory_space<semaphore_mem>>) {add = true}
      %dma_wait3A_564 = arith.constant 0 : i32
      %dma_wait3A_565 = arith.constant 0 : i32
      %dma_wait3A_566 = tpu.memref_slice %arg2[%dma_wait3A_564, %dma_wait3A_565] : memref<83968x24xf32, #tpu.memory_space<hbm>> -> memref<64x24xf32, #tpu.memory_space<hbm>>
      %dma_wait3A_567 = arith.constant 0 : i32
      %dma_wait3A_568 = arith.constant 0 : i32
      %dma_wait3A_569 = tpu.memref_slice %arg2[%dma_wait3A_567, %dma_wait3A_568] : memref<83968x24xf32, #tpu.memory_space<hbm>> -> memref<64x24xf32, #tpu.memory_space<hbm>>
      tpu.wait_dma2 semaphore(%arg19 : memref<!tpu.dma_semaphore, #tpu.memory_space<semaphore_mem>>) src(%dma_wait3A_569 : memref<64x24xf32, #tpu.memory_space<hbm>>) dst(%arg12 : memref<64x24xf32, #tpu.memory_space<vmem>>)
      %dma_start3A_570 = arith.constant 7 : i32
      %dma_start3A_571 = arith.constant 0 : i32
      %dma_start3A_572 = tpu.memref_slice %arg10[%dma_start3A_570, %dma_start3A_571] : memref<8x64xi32, #tpu.memory_space<vmem>> -> memref<1x64xi32, #tpu.memory_space<vmem>>
      %dma_start3A_573 = tpu.memref_squeeze %dma_start3A_572 : memref<1x64xi32, #tpu.memory_space<vmem>> -> memref<64xi32, #tpu.memory_space<vmem>>
      %dma_start3A_574 = arith.constant 0 : i32
      %dma_start3A_575 = arith.constant 0 : i32
      %dma_start3A_576 = tpu.memref_slice %arg13[%dma_start3A_574, %dma_start3A_575] : memref<83968x24xf32, #tpu.memory_space<vmem_shared>> -> memref<83968x24xf32, #tpu.memory_space<vmem_shared>>
      tpu.enqueue_indirect_dma source(%arg12 : memref<64x24xf32, #tpu.memory_space<vmem>>) target(%dma_start3A_576 : memref<83968x24xf32, #tpu.memory_space<vmem_shared>>) offsets(%dma_start3A_573 : memref<64xi32, #tpu.memory_space<vmem>>) semaphore(%arg21 : memref<!tpu.dma_semaphore, #tpu.memory_space<semaphore_mem>>) {add = true}
    }
    %scan3A_47 = arith.constant 82 : i32
    %dma_wait3A = arith.constant 0 : i32
    %dma_wait3A_48 = arith.constant 0 : i32
    %dma_wait3A_49 = tpu.memref_slice %arg2[%dma_wait3A, %dma_wait3A_48] : memref<83968x24xf32, #tpu.memory_space<hbm>> -> memref<64x24xf32, #tpu.memory_space<hbm>>
    %dma_wait3A_50 = arith.constant 0 : i32
    %dma_wait3A_51 = arith.constant 0 : i32
    %dma_wait3A_52 = tpu.memref_slice %arg2[%dma_wait3A_50, %dma_wait3A_51] : memref<83968x24xf32, #tpu.memory_space<hbm>> -> memref<64x24xf32, #tpu.memory_space<hbm>>
    tpu.wait_dma2 semaphore(%arg20 : memref<!tpu.dma_semaphore, #tpu.memory_space<semaphore_mem>>) src(%dma_wait3A_52 : memref<64x24xf32, #tpu.memory_space<hbm>>) dst(%arg11 : memref<64x24xf32, #tpu.memory_space<vmem>>)
    %dma_wait3A_53 = arith.constant 0 : i32
    %dma_wait3A_54 = arith.constant 0 : i32
    %dma_wait3A_55 = tpu.memref_slice %arg2[%dma_wait3A_53, %dma_wait3A_54] : memref<83968x24xf32, #tpu.memory_space<hbm>> -> memref<64x24xf32, #tpu.memory_space<hbm>>
    %dma_wait3A_56 = arith.constant 0 : i32
    %dma_wait3A_57 = arith.constant 0 : i32
    %dma_wait3A_58 = tpu.memref_slice %arg2[%dma_wait3A_56, %dma_wait3A_57] : memref<83968x24xf32, #tpu.memory_space<hbm>> -> memref<64x24xf32, #tpu.memory_space<hbm>>
    tpu.wait_dma2 semaphore(%arg21 : memref<!tpu.dma_semaphore, #tpu.memory_space<semaphore_mem>>) src(%dma_wait3A_58 : memref<64x24xf32, #tpu.memory_space<hbm>>) dst(%arg12 : memref<64x24xf32, #tpu.memory_space<vmem>>)
    %barrier3A_59 = arith.constant 0 : index
    tpu.barrier barrier_id(%barrier3A_59)
    %mul3A_60 = arith.constant 83968 : i32
    %mul3A_61 = arith.muli %arg0, %mul3A_60 : i32
    %add3A_62 = arith.addi %mul3A_61, %multiple_of3A : i32
    %multiple_of3A_63 = tpu.assume_multiple %add3A_62, 8 : i32
    "tpu.region"() ({
      %run_scoped3A = tpu.sem_alloc : memref<!tpu.dma_semaphore, #tpu.memory_space<semaphore_mem>>
      %dma_start3A_64 = arith.constant 0 : i32
      %dma_start3A_65 = tpu.memref_slice %arg6[%multiple_of3A_63, %dma_start3A_64] : memref<167936x24xf32, #tpu.memory_space<hbm>> -> memref<5248x24xf32, #tpu.memory_space<hbm>>
      %dma_start3A_66 = arith.constant 0 : i32
      %dma_start3A_67 = tpu.memref_slice %arg13[%multiple_of3A, %dma_start3A_66] : memref<83968x24xf32, #tpu.memory_space<vmem_shared>> -> memref<5248x24xf32, #tpu.memory_space<vmem_shared>>
      tpu.enqueue_dma source(%dma_start3A_67 : memref<5248x24xf32, #tpu.memory_space<vmem_shared>>) target(%dma_start3A_65 : memref<5248x24xf32, #tpu.memory_space<hbm>>) target_semaphore(%run_scoped3A : memref<!tpu.dma_semaphore, #tpu.memory_space<semaphore_mem>>)
      %dma_wait3A_68 = arith.constant 0 : i32
      %dma_wait3A_69 = tpu.memref_slice %arg6[%multiple_of3A_63, %dma_wait3A_68] : memref<167936x24xf32, #tpu.memory_space<hbm>> -> memref<5248x24xf32, #tpu.memory_space<hbm>>
      %dma_wait3A_70 = arith.constant 0 : i32
      %dma_wait3A_71 = tpu.memref_slice %arg13[%multiple_of3A, %dma_wait3A_70] : memref<83968x24xf32, #tpu.memory_space<vmem_shared>> -> memref<5248x24xf32, #tpu.memory_space<vmem_shared>>
      tpu.wait_dma2 semaphore(%run_scoped3A : memref<!tpu.dma_semaphore, #tpu.memory_space<semaphore_mem>>) src(%dma_wait3A_71 : memref<5248x24xf32, #tpu.memory_space<vmem_shared>>) dst(%dma_wait3A_69 : memref<5248x24xf32, #tpu.memory_space<hbm>>)
      tpu.yield
    }) : () -> ()
    return
  }
}

module attributes {stable_mosaic.version = 14 : i64} {
  func.func @_prep1_body(%arg0: i32, %arg1: memref<2x5248xf32, #tpu.memory_space<vmem>>, %arg2: memref<5248x20xf32, #tpu.memory_space<vmem>>, %arg3: memref<20x20xf32, #tpu.memory_space<vmem>>, %arg4: memref<5248x1xf32, #tpu.memory_space<vmem>>, %arg5: memref<5248x24xf32, #tpu.memory_space<vmem>>) attributes {dimension_semantics = [#tpu.dimension_semantics<arbitrary>], iteration_bounds = array<i64: 16>, scalar_prefetch = 0 : i64, scratch_operands = 0 : i64, tpu.core_type = #tpu.core_type<tc>, window_params = [{transform_indices = @transform_0, window_bounds = array<i64: 2, 5248>}, {transform_indices = @transform_1, window_bounds = array<i64: 5248, 20>}, {pipeline_mode = #tpu.pipeline_mode<synchronous>, transform_indices = @transform_2, window_bounds = array<i64: 20, 20>}, {transform_indices = @transform_3, window_bounds = array<i64: 5248, 1>}, {transform_indices = @transform_4, window_bounds = array<i64: 5248, 24>}]} {
    %get3A = arith.constant 0 : index
    %get3A_0 = arith.constant 0 : index
    %get3A_1 = vector.load %arg1[%get3A, %get3A_0] : memref<2x5248xf32, #tpu.memory_space<vmem>>, vector<1x5248xf32>
    %get3A_2 = vector.shape_cast %get3A_1 : vector<1x5248xf32> to vector<5248xf32>
    %get3A_3 = arith.constant 1 : index
    %get3A_4 = arith.constant 0 : index
    %get3A_5 = vector.load %arg1[%get3A_3, %get3A_4] : memref<2x5248xf32, #tpu.memory_space<vmem>>, vector<1x5248xf32>
    %get3A_6 = vector.shape_cast %get3A_5 : vector<1x5248xf32> to vector<5248xf32>
    %add3A = arith.addf %get3A_2, %get3A_6 : vector<5248xf32>
    %add3A_7 = arith.constant 1.000000e+00 : f32
    %add3A_8 = vector.broadcast %add3A_7 : f32 to vector<5248xf32>
    %add3A_9 = arith.addf %add3A, %add3A_8 : vector<5248xf32>
    %rsqrt3A = math.rsqrt %add3A_9 : vector<5248xf32>
    %broadcast_in_dim3A = vector.shape_cast %rsqrt3A : vector<5248xf32> to vector<5248x1xf32>
    %swap3A = arith.constant 0 : index
    %swap3A_10 = arith.constant 0 : index
    %swap3A_11 = vector.load %arg4[%swap3A, %swap3A_10] : memref<5248x1xf32, #tpu.memory_space<vmem>>, vector<5248x1xf32>
    tpu.vector_store %arg4[%swap3A, %swap3A_10], %broadcast_in_dim3A {strides = array<i32>} : memref<5248x1xf32, #tpu.memory_space<vmem>>, vector<5248x1xf32>,
    %get3A_12 = arith.constant 0 : index
    %get3A_13 = arith.constant 0 : index
    %get3A_14 = vector.load %arg2[%get3A_12, %get3A_13] : memref<5248x20xf32, #tpu.memory_space<vmem>>, vector<5248x20xf32>
    %get3A_15 = arith.constant 0 : index
    %get3A_16 = arith.constant 0 : index
    %get3A_17 = vector.load %arg3[%get3A_15, %get3A_16] : memref<20x20xf32, #tpu.memory_space<vmem>>, vector<20x20xf32>
    %dot_general3A = arith.constant dense<0.000000e+00> : vector<5248x20xf32>
    %dot_general3A_18 = tpu.matmul %get3A_14, %get3A_17, %dot_general3A {dimension_numbers = #tpu.dot_dimension_numbers<[1], [0], [0], [1], [0, 0, 1, 1], [], []>, transpose_lhs_hint = false} : vector<5248x20xf32>, vector<20x20xf32>, vector<5248x20xf32> -> vector<5248x20xf32>
    %broadcast_in_dim3A_19 = vector.shape_cast %rsqrt3A : vector<5248xf32> to vector<5248x1xf32>
    %mul3A = vector.broadcast %broadcast_in_dim3A_19 : vector<5248x1xf32> to vector<5248x20xf32>
    %mul3A_20 = arith.mulf %dot_general3A_18, %mul3A : vector<5248x20xf32>
    %broadcast_in_dim3A_21 = arith.constant 0.000000e+00 : f32
    %broadcast_in_dim3A_22 = vector.broadcast %broadcast_in_dim3A_21 : f32 to vector<5248x4xf32>
    %concatenate3A = tpu.concatenate %mul3A_20, %broadcast_in_dim3A_22 in 1 : vector<5248x20xf32>, vector<5248x4xf32> -> vector<5248x24xf32>
    %swap3A_23 = arith.constant 0 : index
    %swap3A_24 = arith.constant 0 : index
    %swap3A_25 = vector.load %arg5[%swap3A_23, %swap3A_24] : memref<5248x24xf32, #tpu.memory_space<vmem>>, vector<5248x24xf32>
    tpu.vector_store %arg5[%swap3A_23, %swap3A_24], %concatenate3A {strides = array<i32>} : memref<5248x24xf32, #tpu.memory_space<vmem>>, vector<5248x24xf32>,
    return
  }
  func.func @transform_0(%arg0: i32) -> (i32, i32) {
    %c0_i32 = arith.constant 0 : i32
    %c0_i32_0 = arith.constant 0 : i32
    return %c0_i32, %arg0 : i32, i32
  }
  func.func @transform_1(%arg0: i32) -> (i32, i32) {
    %c0_i32 = arith.constant 0 : i32
    %c0_i32_0 = arith.constant 0 : i32
    return %arg0, %c0_i32 : i32, i32
  }
  func.func @transform_2(%arg0: i32) -> (i32, i32) {
    %c0_i32 = arith.constant 0 : i32
    %c0_i32_0 = arith.constant 0 : i32
    %c0_i32_1 = arith.constant 0 : i32
    return %c0_i32, %c0_i32_0 : i32, i32
  }
  func.func @transform_3(%arg0: i32) -> (i32, i32) {
    %c0_i32 = arith.constant 0 : i32
    %c0_i32_0 = arith.constant 0 : i32
    return %arg0, %c0_i32 : i32, i32
  }
  func.func @transform_4(%arg0: i32) -> (i32, i32) {
    %c0_i32 = arith.constant 0 : i32
    %c0_i32_0 = arith.constant 0 : i32
    return %arg0, %c0_i32 : i32, i32
  }
}

module attributes {stable_mosaic.version = 14 : i64} {
  func.func @_mid_body(%arg0: i32, %arg1: memref<2x5248x24xf32, #tpu.memory_space<vmem>>, %arg2: memref<5248x1xf32, #tpu.memory_space<vmem>>, %arg3: memref<1x20xf32, #tpu.memory_space<vmem>>, %arg4: memref<20x20xf32, #tpu.memory_space<vmem>>, %arg5: memref<5248x24xf32, #tpu.memory_space<vmem>>) attributes {dimension_semantics = [#tpu.dimension_semantics<arbitrary>], iteration_bounds = array<i64: 16>, scalar_prefetch = 0 : i64, scratch_operands = 0 : i64, tpu.core_type = #tpu.core_type<tc>, window_params = [{transform_indices = @transform_0, window_bounds = array<i64: 2, 5248, 24>}, {transform_indices = @transform_1, window_bounds = array<i64: 5248, 1>}, {pipeline_mode = #tpu.pipeline_mode<synchronous>, transform_indices = @transform_2, window_bounds = array<i64: 1, 20>}, {pipeline_mode = #tpu.pipeline_mode<synchronous>, transform_indices = @transform_3, window_bounds = array<i64: 20, 20>}, {transform_indices = @transform_4, window_bounds = array<i64: 5248, 24>}]} {
    %get3A = arith.constant 0 : index
    %get3A_0 = arith.constant 0 : index
    %get3A_1 = arith.constant 0 : index
    %get3A_2 = vector.load %arg1[%get3A, %get3A_0, %get3A_1] : memref<2x5248x24xf32, #tpu.memory_space<vmem>>, vector<1x5248x20xf32>
    %get3A_3 = vector.shape_cast %get3A_2 : vector<1x5248x20xf32> to vector<5248x20xf32>
    %get3A_4 = arith.constant 1 : index
    %get3A_5 = arith.constant 0 : index
    %get3A_6 = arith.constant 0 : index
    %get3A_7 = vector.load %arg1[%get3A_4, %get3A_5, %get3A_6] : memref<2x5248x24xf32, #tpu.memory_space<vmem>>, vector<1x5248x20xf32>
    %get3A_8 = vector.shape_cast %get3A_7 : vector<1x5248x20xf32> to vector<5248x20xf32>
    %add3A = arith.addf %get3A_3, %get3A_8 : vector<5248x20xf32>
    %get3A_9 = arith.constant 0 : index
    %get3A_10 = arith.constant 0 : index
    %get3A_11 = vector.load %arg2[%get3A_9, %get3A_10] : memref<5248x1xf32, #tpu.memory_space<vmem>>, vector<5248x1xf32>
    %mul3A = vector.broadcast %get3A_11 : vector<5248x1xf32> to vector<5248x20xf32>
    %mul3A_12 = arith.mulf %mul3A, %add3A : vector<5248x20xf32>
    %get3A_13 = arith.constant 0 : index
    %get3A_14 = arith.constant 0 : index
    %get3A_15 = vector.load %arg3[%get3A_13, %get3A_14] : memref<1x20xf32, #tpu.memory_space<vmem>>, vector<1x20xf32>
    %add3A_16 = vector.broadcast %get3A_15 : vector<1x20xf32> to vector<5248x20xf32>
    %add3A_17 = arith.addf %mul3A_12, %add3A_16 : vector<5248x20xf32>
    %max3A = arith.constant 0.000000e+00 : f32
    %max3A_18 = vector.broadcast %max3A : f32 to vector<5248x20xf32>
    %max3A_19 = arith.maximumf %add3A_17, %max3A_18 : vector<5248x20xf32>
    %get3A_20 = arith.constant 0 : index
    %get3A_21 = arith.constant 0 : index
    %get3A_22 = vector.load %arg4[%get3A_20, %get3A_21] : memref<20x20xf32, #tpu.memory_space<vmem>>, vector<20x20xf32>
    %dot_general3A = arith.constant dense<0.000000e+00> : vector<5248x20xf32>
    %dot_general3A_23 = tpu.matmul %max3A_19, %get3A_22, %dot_general3A {dimension_numbers = #tpu.dot_dimension_numbers<[1], [0], [0], [1], [0, 0, 1, 1], [], []>, transpose_lhs_hint = false} : vector<5248x20xf32>, vector<20x20xf32>, vector<5248x20xf32> -> vector<5248x20xf32>
    %mul3A_24 = vector.broadcast %get3A_11 : vector<5248x1xf32> to vector<5248x20xf32>
    %mul3A_25 = arith.mulf %dot_general3A_23, %mul3A_24 : vector<5248x20xf32>
    %broadcast_in_dim3A = arith.constant 0.000000e+00 : f32
    %broadcast_in_dim3A_26 = vector.broadcast %broadcast_in_dim3A : f32 to vector<5248x4xf32>
    %concatenate3A = tpu.concatenate %mul3A_25, %broadcast_in_dim3A_26 in 1 : vector<5248x20xf32>, vector<5248x4xf32> -> vector<5248x24xf32>
    %swap3A = arith.constant 0 : index
    %swap3A_27 = arith.constant 0 : index
    %swap3A_28 = vector.load %arg5[%swap3A, %swap3A_27] : memref<5248x24xf32, #tpu.memory_space<vmem>>, vector<5248x24xf32>
    tpu.vector_store %arg5[%swap3A, %swap3A_27], %concatenate3A {strides = array<i32>} : memref<5248x24xf32, #tpu.memory_space<vmem>>, vector<5248x24xf32>,
    return
  }
  func.func @transform_0(%arg0: i32) -> (i32, i32, i32) {
    %c0_i32 = arith.constant 0 : i32
    %c0_i32_0 = arith.constant 0 : i32
    %c0_i32_1 = arith.constant 0 : i32
    return %c0_i32, %arg0, %c0_i32_0 : i32, i32, i32
  }
  func.func @transform_1(%arg0: i32) -> (i32, i32) {
    %c0_i32 = arith.constant 0 : i32
    %c0_i32_0 = arith.constant 0 : i32
    return %arg0, %c0_i32 : i32, i32
  }
  func.func @transform_2(%arg0: i32) -> (i32, i32) {
    %c0_i32 = arith.constant 0 : i32
    %c0_i32_0 = arith.constant 0 : i32
    %c0_i32_1 = arith.constant 0 : i32
    return %c0_i32, %c0_i32_0 : i32, i32
  }
  func.func @transform_3(%arg0: i32) -> (i32, i32) {
    %c0_i32 = arith.constant 0 : i32
    %c0_i32_0 = arith.constant 0 : i32
    %c0_i32_1 = arith.constant 0 : i32
    return %c0_i32, %c0_i32_0 : i32, i32
  }
  func.func @transform_4(%arg0: i32) -> (i32, i32) {
    %c0_i32 = arith.constant 0 : i32
    %c0_i32_0 = arith.constant 0 : i32
    return %arg0, %c0_i32 : i32, i32
  }
}

module attributes {stable_mosaic.version = 14 : i64} {
  func.func @_fin_body(%arg0: i32, %arg1: memref<2x5248x24xf32, #tpu.memory_space<vmem>>, %arg2: memref<5248x1xf32, #tpu.memory_space<vmem>>, %arg3: memref<1x20xf32, #tpu.memory_space<vmem>>, %arg4: memref<5248x20xf32, #tpu.memory_space<vmem>>) attributes {dimension_semantics = [#tpu.dimension_semantics<arbitrary>], iteration_bounds = array<i64: 16>, scalar_prefetch = 0 : i64, scratch_operands = 0 : i64, tpu.core_type = #tpu.core_type<tc>, window_params = [{transform_indices = @transform_0, window_bounds = array<i64: 2, 5248, 24>}, {transform_indices = @transform_1, window_bounds = array<i64: 5248, 1>}, {pipeline_mode = #tpu.pipeline_mode<synchronous>, transform_indices = @transform_2, window_bounds = array<i64: 1, 20>}, {transform_indices = @transform_3, window_bounds = array<i64: 5248, 20>}]} {
    %get3A = arith.constant 0 : index
    %get3A_0 = arith.constant 0 : index
    %get3A_1 = arith.constant 0 : index
    %get3A_2 = vector.load %arg1[%get3A, %get3A_0, %get3A_1] : memref<2x5248x24xf32, #tpu.memory_space<vmem>>, vector<1x5248x20xf32>
    %get3A_3 = vector.shape_cast %get3A_2 : vector<1x5248x20xf32> to vector<5248x20xf32>
    %get3A_4 = arith.constant 1 : index
    %get3A_5 = arith.constant 0 : index
    %get3A_6 = arith.constant 0 : index
    %get3A_7 = vector.load %arg1[%get3A_4, %get3A_5, %get3A_6] : memref<2x5248x24xf32, #tpu.memory_space<vmem>>, vector<1x5248x20xf32>
    %get3A_8 = vector.shape_cast %get3A_7 : vector<1x5248x20xf32> to vector<5248x20xf32>
    %add3A = arith.addf %get3A_3, %get3A_8 : vector<5248x20xf32>
    %get3A_9 = arith.constant 0 : index
    %get3A_10 = arith.constant 0 : index
    %get3A_11 = vector.load %arg2[%get3A_9, %get3A_10] : memref<5248x1xf32, #tpu.memory_space<vmem>>, vector<5248x1xf32>
    %mul3A = vector.broadcast %get3A_11 : vector<5248x1xf32> to vector<5248x20xf32>
    %mul3A_12 = arith.mulf %mul3A, %add3A : vector<5248x20xf32>
    %get3A_13 = arith.constant 0 : index
    %get3A_14 = arith.constant 0 : index
    %get3A_15 = vector.load %arg3[%get3A_13, %get3A_14] : memref<1x20xf32, #tpu.memory_space<vmem>>, vector<1x20xf32>
    %add3A_16 = vector.broadcast %get3A_15 : vector<1x20xf32> to vector<5248x20xf32>
    %add3A_17 = arith.addf %mul3A_12, %add3A_16 : vector<5248x20xf32>
    %max3A = arith.constant 0.000000e+00 : f32
    %max3A_18 = vector.broadcast %max3A : f32 to vector<5248x20xf32>
    %max3A_19 = arith.maximumf %add3A_17, %max3A_18 : vector<5248x20xf32>
    %swap3A = arith.constant 0 : index
    %swap3A_20 = arith.constant 0 : index
    %swap3A_21 = vector.load %arg4[%swap3A, %swap3A_20] : memref<5248x20xf32, #tpu.memory_space<vmem>>, vector<5248x20xf32>
    tpu.vector_store %arg4[%swap3A, %swap3A_20], %max3A_19 {strides = array<i32>} : memref<5248x20xf32, #tpu.memory_space<vmem>>, vector<5248x20xf32>,
    return
  }
  func.func @transform_0(%arg0: i32) -> (i32, i32, i32) {
    %c0_i32 = arith.constant 0 : i32
    %c0_i32_0 = arith.constant 0 : i32
    %c0_i32_1 = arith.constant 0 : i32
    return %c0_i32, %arg0, %c0_i32_0 : i32, i32, i32
  }
  func.func @transform_1(%arg0: i32) -> (i32, i32) {
    %c0_i32 = arith.constant 0 : i32
    %c0_i32_0 = arith.constant 0 : i32
    return %arg0, %c0_i32 : i32, i32
  }
  func.func @transform_2(%arg0: i32) -> (i32, i32) {
    %c0_i32 = arith.constant 0 : i32
    %c0_i32_0 = arith.constant 0 : i32
    %c0_i32_1 = arith.constant 0 : i32
    return %c0_i32, %c0_i32_0 : i32, i32
  }
  func.func @transform_3(%arg0: i32) -> (i32, i32) {
    %c0_i32 = arith.constant 0 : i32
    %c0_i32_0 = arith.constant 0 : i32
    return %arg0, %c0_i32 : i32, i32
  }
}

module attributes {stable_mosaic.version = 14 : i64} {
  func.func @_head_body(%arg0: i32, %arg1: memref<256x1640xf32, #tpu.memory_space<vmem>>, %arg2: memref<1640x300xf32, #tpu.memory_space<vmem>>, %arg3: memref<1x300xf32, #tpu.memory_space<vmem>>, %arg4: memref<300x22xf32, #tpu.memory_space<vmem>>, %arg5: memref<1x22xf32, #tpu.memory_space<vmem>>, %arg6: memref<256x22xf32, #tpu.memory_space<vmem>>) attributes {dimension_semantics = [#tpu.dimension_semantics<arbitrary>], iteration_bounds = array<i64: 4>, scalar_prefetch = 0 : i64, scratch_operands = 0 : i64, tpu.core_type = #tpu.core_type<tc>, window_params = [{transform_indices = @transform_0, window_bounds = array<i64: 256, 1640>}, {pipeline_mode = #tpu.pipeline_mode<synchronous>, transform_indices = @transform_1, window_bounds = array<i64: 1640, 300>}, {pipeline_mode = #tpu.pipeline_mode<synchronous>, transform_indices = @transform_2, window_bounds = array<i64: 1, 300>}, {pipeline_mode = #tpu.pipeline_mode<synchronous>, transform_indices = @transform_3, window_bounds = array<i64: 300, 22>}, {pipeline_mode = #tpu.pipeline_mode<synchronous>, transform_indices = @transform_4, window_bounds = array<i64: 1, 22>}, {transform_indices = @transform_5, window_bounds = array<i64: 256, 22>}]} {
    %get3A = arith.constant 0 : index
    %get3A_0 = arith.constant 0 : index
    %get3A_1 = vector.load %arg1[%get3A, %get3A_0] : memref<256x1640xf32, #tpu.memory_space<vmem>>, vector<256x1640xf32>
    %get3A_2 = arith.constant 0 : index
    %get3A_3 = arith.constant 0 : index
    %get3A_4 = vector.load %arg2[%get3A_2, %get3A_3] : memref<1640x300xf32, #tpu.memory_space<vmem>>, vector<1640x300xf32>
    %dot_general3A = arith.constant dense<0.000000e+00> : vector<256x300xf32>
    %dot_general3A_5 = tpu.matmul %get3A_1, %get3A_4, %dot_general3A {dimension_numbers = #tpu.dot_dimension_numbers<[1], [0], [0], [1], [0, 0, 1, 1], [], []>, transpose_lhs_hint = false} : vector<256x1640xf32>, vector<1640x300xf32>, vector<256x300xf32> -> vector<256x300xf32>
    %get3A_6 = arith.constant 0 : index
    %get3A_7 = arith.constant 0 : index
    %get3A_8 = vector.load %arg3[%get3A_6, %get3A_7] : memref<1x300xf32, #tpu.memory_space<vmem>>, vector<1x300xf32>
    %add3A = vector.broadcast %get3A_8 : vector<1x300xf32> to vector<256x300xf32>
    %add3A_9 = arith.addf %dot_general3A_5, %add3A : vector<256x300xf32>
    %max3A = arith.constant 0.000000e+00 : f32
    %max3A_10 = vector.broadcast %max3A : f32 to vector<256x300xf32>
    %max3A_11 = arith.maximumf %add3A_9, %max3A_10 : vector<256x300xf32>
    %get3A_12 = arith.constant 0 : index
    %get3A_13 = arith.constant 0 : index
    %get3A_14 = vector.load %arg4[%get3A_12, %get3A_13] : memref<300x22xf32, #tpu.memory_space<vmem>>, vector<300x22xf32>
    %dot_general3A_15 = arith.constant dense<0.000000e+00> : vector<256x22xf32>
    %dot_general3A_16 = tpu.matmul %max3A_11, %get3A_14, %dot_general3A_15 {dimension_numbers = #tpu.dot_dimension_numbers<[1], [0], [0], [1], [0, 0, 1, 1], [], []>, transpose_lhs_hint = false} : vector<256x300xf32>, vector<300x22xf32>, vector<256x22xf32> -> vector<256x22xf32>
    %get3A_17 = arith.constant 0 : index
    %get3A_18 = arith.constant 0 : index
    %get3A_19 = vector.load %arg5[%get3A_17, %get3A_18] : memref<1x22xf32, #tpu.memory_space<vmem>>, vector<1x22xf32>
    %add3A_20 = vector.broadcast %get3A_19 : vector<1x22xf32> to vector<256x22xf32>
    %add3A_21 = arith.addf %dot_general3A_16, %add3A_20 : vector<256x22xf32>
    %swap3A = arith.constant 0 : index
    %swap3A_22 = arith.constant 0 : index
    %swap3A_23 = vector.load %arg6[%swap3A, %swap3A_22] : memref<256x22xf32, #tpu.memory_space<vmem>>, vector<256x22xf32>
    tpu.vector_store %arg6[%swap3A, %swap3A_22], %add3A_21 {strides = array<i32>} : memref<256x22xf32, #tpu.memory_space<vmem>>, vector<256x22xf32>,
    return
  }
  func.func @transform_0(%arg0: i32) -> (i32, i32) {
    %c0_i32 = arith.constant 0 : i32
    %c0_i32_0 = arith.constant 0 : i32
    return %arg0, %c0_i32 : i32, i32
  }
  func.func @transform_1(%arg0: i32) -> (i32, i32) {
    %c0_i32 = arith.constant 0 : i32
    %c0_i32_0 = arith.constant 0 : i32
    %c0_i32_1 = arith.constant 0 : i32
    return %c0_i32, %c0_i32_0 : i32, i32
  }
  func.func @transform_2(%arg0: i32) -> (i32, i32) {
    %c0_i32 = arith.constant 0 : i32
    %c0_i32_0 = arith.constant 0 : i32
    %c0_i32_1 = arith.constant 0 : i32
    return %c0_i32, %c0_i32_0 : i32, i32
  }
  func.func @transform_3(%arg0: i32) -> (i32, i32) {
    %c0_i32 = arith.constant 0 : i32
    %c0_i32_0 = arith.constant 0 : i32
    %c0_i32_1 = arith.constant 0 : i32
    return %c0_i32, %c0_i32_0 : i32, i32
  }
  func.func @transform_4(%arg0: i32) -> (i32, i32) {
    %c0_i32 = arith.constant 0 : i32
    %c0_i32_0 = arith.constant 0 : i32
    %c0_i32_1 = arith.constant 0 : i32
    return %c0_i32, %c0_i32_0 : i32, i32
  }
  func.func @transform_5(%arg0: i32) -> (i32, i32) {
    %c0_i32 = arith.constant 0 : i32
    %c0_i32_0 = arith.constant 0 : i32
    return %arg0, %c0_i32 : i32, i32
  }
}

</mosaic_0001>

<sc_bundles>
// kernel: kernel.12.cloned.1.call-start
scs
__scs_entry_jumppad:
0x0: {  	(pc) =	sbr.rel $0x88, $3  }
0x1: {  	(tag) =	ssettag $0x0;
	lr =	simm.s32 $0x1  }
0x2: {  	[smem:$0x3F97] =	sst lr;
	_ =	strace $0xD0000000  }
0x3: {  	_ = 	snop  }
0x4: {  	_ = 	snop  }
0x5: {  	_ = 	snop  }
0x6: {  	_ = 	snop  }
0x7: {  	_ = 	snop  }
__scs_overlays_trampoline_lowered:
0x8: {  	[smem:$0x3FA6] =	sst s0  }
0x9: {  	[smem:$0x3FA7] =	sst s1  }
0xa: {  	[smem:$0x3FA8] =	sst s2  }
0xb: {  	[smem:$0x3FA9] =	sst s3  }
0xc: {  	[smem:$0x3FAA] =	sst s4  }
0xd: {  	[smem:$0x3FAB] =	sst s5  }
0xe: {  	[smem:$0x3FAC] =	sst s6  }
0xf: {  	[smem:$0x3FAD] =	sst s7  }
0x10: {  	[smem:$0x3FAE] =	sst s8  }
0x11: {  	[smem:$0x3FAF] =	sst s9;
	s0 =	simm.s32 @!p0 $0x0  }
0x12: {  	s1 =	sld [smem:$0x3F95];
	s0 =	simm.s32 @p0 $0x1  }
0x13: {  	[smem:$0x3FB0] =	sst s0;
	s0 =	simm.s32 @!p1 $0x0  }
0x14: {  	s2 =	sld [smem:$0x3F94];
	s0 =	simm.s32 @p1 $0x1  }
0x15: {  	[smem:$0x3FB1] =	sst s0;
	s0 =	simm.s32 @!p2 $0x0  }
0x16: {  	s3 =	sld [smem:$0x3FDB];
	s0 =	simm.s32 @p2 $0x1  }
0x17: {  	s4 =	simm.s32 $0x1BF5;
	[smem:$0x3FB3] =	sst s0  }
0x18: {  	s0 =	sld [smem:$0x3F96];
	_ =	swait.ge [sflag:s4], $0x0  }
0x19: {  	s7 =	sld [smem:$0x3F97]  }
0x1a: {  	s8 =	sadd.s32 $0xFFFFE003, lr  }
0x1b: {  	s9 =	sadd.s32 $0xFFFFFEF7, lr;
	s5 =	simm.s32 $0xFFFFFFFF;
	p2 =	slt.u32 s8, $0xFFFFF086  }
0x1c: {  	p1 =	slt.u32 s9, $0xF7A;
	s5 =	simm.s32 @!p2 $0x0  }
0x1d: {  	s5 =	simm.s32 @p1 $0x1;
	p0 =	seq.s32 s7, s2  }
0x1e: {  	s7 =	smul.u32 @!p0 $0xF7A, s2;
	p2 =	seq.s32 @!p0 s5, $0x0  }
0x1f: {  	s9 =	smul.u32 $0xF7A, s1;
	s8 =	simm.s32 @!p0 $0x1BF5;
	p2 =	por !p2, p0  }
0x20: {  	[sflag:s8] =	ssyncset.s32 @!p0 $0xFFFFF086;
	s6 =	sadd.s32 @!p0 s3, s7;
	s7 =	simm.s32 @!p0 $0x108  }
0x21: {  	s3 =	sadd.s32 s3, s9;
	s6 =	sadd.s32 @!p0 $0x88, s6;
	s7 =	simm.s32 @p2 $0x1082  }
0x22: {  	[simem:s7], [sflag:s8] =	dma.local @!p0 [hbm:s6], $0xF7A  }
0x23: {  	s9 =	sor.u32 $0xD0000000, s2;
	s6 =	simm.s32 $0x108;
	_ =	swait.ge @!p0 [sflag:s8], $0x0  }
0x24: {  	s3 =	sadd.s32 $0x88, s3;
	s6 =	simm.s32 @!p1 $0x1082;
	[sflag:s4] =	ssyncset.s32 $0xFFFFF086  }
0x25: {  	[simem:s6], [sflag:s4] =	dma.local [hbm:s3], $0xF7A  }
0x26: {  	[smem:$0x3F97] =	sst s1;
	(tag) =	ssettag s2;
	_ =	strace s9  }
0x27: {  	s1 =	sld [smem:$0x3FA7]  }
0x28: {  	s2 =	sld [smem:$0x3FA8]  }
0x29: {  	s4 =	sld [smem:$0x3FAA]  }
0x2a: {  	p0 =	seq.s32 s5, $0x0;
	s5 =	sld [smem:$0x3FAB]  }
0x2b: {  	s6 =	sld [smem:$0x3FAC]  }
0x2c: {  	s7 =	sld [smem:$0x3FAD]  }
0x2d: {  	s3 =	simm.s32 $0x108;
	s8 =	sld [smem:$0x3FAE]  }
0x2e: {  	s3 =	simm.s32 @!p0 $0x1082;
	s9 =	sld [smem:$0x3FAF]  }
0x2f: {  	lr =	sadd.s32 s0, s3;
	s0 =	sld [smem:$0x3FA6]  }
0x30: {  	s3 =	sld [smem:$0x3FA9]  }
0x31: {  	[smem:$0x3FB2] =	sst s10  }
0x32: {  	s10 =	sld [smem:$0x3FB0];
	_ =	sdelay $0x3  }
0x33: {  	p0 =	seq.s32 s10, $0x1;
	s10 =	sld [smem:$0x3FB2];
	_ =	sdelay $0x3  }
0x34: {  	[smem:$0x3FB2] =	sst s10  }
0x35: {  	s10 =	sld [smem:$0x3FB1];
	_ =	sdelay $0x3  }
0x36: {  	p1 =	seq.s32 s10, $0x1;
	s10 =	sld [smem:$0x3FB2];
	_ =	sdelay $0x3  }
0x37: {  	[smem:$0x3FB2] =	sst s10  }
0x38: {  	s10 =	sld [smem:$0x3FB3]  }
0x39: {  	_ = 	snop;
	(pc) =	sbr.ind lr, $3  }
0x3a: {  	_ = 	snop  }
0x3b: {  	_ = 	snop  }
0x3c: {  	p2 =	seq.s32 s10, $0x1;
	s10 =	sld [smem:$0x3FB2]  }
0x3d: {  	_ =	shalt  }
0x3e: {  	_ =	shalt  }
0x3f: {  	_ =	shalt  }
0x40: {  	_ =	shalt  }
0x41: {  	_ =	shalt  }
0x42: {  	_ =	shalt  }
0x43: {  	_ =	shalt  }
0x44: {  	_ =	shalt  }
0x45: {  	_ =	shalt  }
0x46: {  	_ =	shalt  }
0x47: {  	_ =	shalt  }
0x48: {  	_ =	shalt  }
0x49: {  	_ =	shalt  }
0x4a: {  	_ =	shalt  }
0x4b: {  	_ =	shalt  }
0x4c: {  	_ =	shalt  }
0x4d: {  	_ =	shalt  }
0x4e: {  	_ =	shalt  }
0x4f: {  	_ =	shalt  }
0x50: {  	_ =	shalt  }
0x51: {  	_ =	shalt  }
0x52: {  	_ =	shalt  }
0x53: {  	_ =	shalt  }
0x54: {  	_ =	shalt  }
0x55: {  	_ =	shalt  }
0x56: {  	_ =	shalt  }
0x57: {  	_ =	shalt  }
0x58: {  	_ =	shalt  }
0x59: {  	_ =	shalt  }
0x5a: {  	_ =	shalt  }
0x5b: {  	_ =	shalt  }
0x5c: {  	_ =	shalt  }
0x5d: {  	_ =	shalt  }
0x5e: {  	_ =	shalt  }
0x5f: {  	_ =	shalt  }
0x60: {  	_ =	shalt  }
0x61: {  	_ =	shalt  }
0x62: {  	_ =	shalt  }
0x63: {  	_ =	shalt  }
0x64: {  	_ =	shalt  }
0x65: {  	_ =	shalt  }
0x66: {  	_ =	shalt  }
0x67: {  	_ =	shalt  }
0x68: {  	_ =	shalt  }
0x69: {  	_ =	shalt  }
0x6a: {  	_ =	shalt  }
0x6b: {  	_ =	shalt  }
0x6c: {  	_ =	shalt  }
0x6d: {  	_ =	shalt  }
0x6e: {  	_ =	shalt  }
0x6f: {  	_ =	shalt  }
0x70: {  	_ =	shalt  }
0x71: {  	_ =	shalt  }
0x72: {  	_ =	shalt  }
0x73: {  	_ =	shalt  }
0x74: {  	_ =	shalt  }
0x75: {  	_ =	shalt  }
0x76: {  	_ =	shalt  }
0x77: {  	_ =	shalt  }
0x78: {  	_ =	shalt  }
0x79: {  	_ =	shalt  }
0x7a: {  	_ =	shalt  }
0x7b: {  	_ =	shalt  }
0x7c: {  	_ =	shalt  }
0x7d: {  	_ =	shalt  }
0x7e: {  	_ =	shalt  }
0x7f: {  	_ =	shalt  }
0x80: {  	_ =	shalt  }
0x81: {  	_ =	shalt  }
0x82: {  	_ =	shalt  }
0x83: {  	_ =	shalt  }
0x84: {  	_ =	shalt  }
0x85: {  	_ =	shalt  }
0x86: {  	_ =	shalt  }
0x87: {  	_ =	shalt  }
.Lfunc_end0:
.L_simem_size_0:
called_computation.1_lowered:
.L_overlay_start_0:
0x88: {  	s2 =	sld [smem:$0x3FD9]  }
0x89: {  	s3 =	sld [smem:$0x3FFE];
	_ =	sdelay $0x1  }
0x8a: {  	s1 =	srdreg.scid  }
0x8b: {  	s0 =	sand.u32 $0x1, s1  }
0x8c: {  	s16 =	sshll.u32 s0, $0xA;
	s2 =	sadd.s32 s3, s2  }
0x8d: {  	s2 =	sadd.s32 s2, s16  }
0x8e: {  	[smem:$0x3FBE] =	sst s2  }
0x8f: {  	_ = 	snop  }
0x90: {  	(tm) =	ssettm $0x1  }
0x91: {  	s17 =	sld [smem:$0x3FFB];
	_ =	sdelay $0x3  }
0x92: {  	_ =	strace s17  }
0x93: {  	s2 =	sld [smem:$0x3FFC];
	_ =	sdelay $0x3  }
0x94: {  	_ =	strace s2  }
0x95: {  	s2 =	sld [smem:$0x3FFD];
	_ =	sdelay $0x3  }
0x96: {  	_ =	strace s2  }
0x97: {  	_ =	strace $0x8FFFFFFF  }
0x98: {  	s18 =	sld [smem:$0x3FDB];
	_ =	sdelay $0x1  }
0x99: {  	s19 =	simm.s32 $_scs_section_size  }
0x9a: {  	s4 =	simm.s32 $_size__tile_overlayer_lowered;
	s5 =	simm.s32 $_tile_overlayer_lowered  }
0x9b: {  	s22 =	simm.s32 $0x1BFF;
	s21 =	sshll.u32 s5, $0x1;
	s2 =	sadd.s32 s19, s18  }
0x9c: {  	s6 =	simm.s32 $0x0;
	s20 =	sshll.u32 s4, $0x1;
	s4 =	sadd.s32 s21, s2  }
0x9d: {  	[timem:s6], [sflag:s22] =	dma.local [hbm:s4], s20  }
0x9e: {  	_ =	swait.ge [sflag:s22], s20  }
0x9f: {  	s3 =	ssub.s32 $0x0, s20;
	[sflag:s22] =	ssyncset.done $0x0  }
0xa0: {  	[sflag:s22] =	ssyncadd.s32 s3;
	_ =	sdelay $0x1  }
0xa1: {  	s23 =	simm.s32 $0x1B8B  }
0xa2: {  	_ =	swait.ge [sflag:s23], $0x1  }
0xa3: {  	[sflag:s23] =	ssyncset.done $0x0  }
0xa4: {  	s25 =	simm.s32 $0x1B8E;
	s24 =	sld [smem:$0x3FFE];
	[sflag:s23] =	ssyncadd.s32 $0xFFFFFFFF  }
0xa5: {  	s26 =	simm.s32 $execute0_lowered;
	[smem:$0x3FD2] =	sst s25  }
0xa6: {  	s4 =	sshll.u32 s26, $0x1;
	_ =	strace $0x80000049;
	[dreg:$0x1] =	wrdreg $0xFFFFFFFF  }
0xa7: {  	s28 =	simm.s32 $_size_execute0_lowered;
	s2 =	sadd.s32 s2, s4;
	[dreg:$0x0] =	wrdreg $0x0  }
0xa8: {  	s4 =	sshll.u32 s28, $0x1;
	[dreg:$0x2] =	wrdreg s2  }
0xa9: {  	[dreg:$0x3] =	wrdreg s4  }
0xaa: {  	[dreg:$0x4] =	wrdreg $0xC0  }
0xab: {  	_ =	task [dreg:s6], $0x5FFFF  }
0xac: {  	[dreg:$0x1] =	wrdreg $0xFFFFFFFF  }
0xad: {  	[dreg:$0x0] =	wrdreg $0x60  }
0xae: {  	[dreg:$0x2] =	wrdreg s24  }
0xaf: {  	[dreg:$0x3] =	wrdreg $0x14000  }
0xb0: {  	[dreg:$0x4] =	wrdreg $0x9  }
0xb1: {  	_ =	task.clear_ibuf [dreg:s6], $0x5FFFF;
	_ =	strace $0x90000049  }
0xb2: {  	s29 =	simm.s32 $0x9;
	_ =	strace $0x8000004B  }
0xb3: {  	_ =	swait.ge [sflag:s29], $0x1  }
0xb4: {  	[sflag:s29] =	ssyncadd.s32 $0xFFFFFFFF  }
0xb5: {  	_ =	strace $0x9000004B  }
0xb6: {  	_ =	sfence  }
0xb7: {  	s30 =	sld [smem:$0x0];
	_ =	sdelay $0x2  }
0xb8: {  	s31 =	sshll.u32 s1, $0xD;
	s1 =	sshrl.u32 s1, $0x2  }
0xb9: {  	s3 =	sand.u32 $0x4000, s31;
	s1 =	sadd.s32 s1, s30  }
0xba: {  	s0 =	sor.u32 s3, s0;
	s1 =	sshll.u32 s1, $0x11  }
0xbb: {  	s0 =	sor.u32 s1, s0  }
0xbc: {  	s0 =	sadd.s32 $0x8F2B, s0  }
0xbd: {  	[sflag:s0] =	ssyncadd.remote.s32 $0x1  }
0xbe: {  	_ =	sfence.sel $0xFFFF  }
0xbf: {  	[dreg:$0x0] =	wrdreg $0xFFFFFFFF;
	(pc) =	sbr.abs _section_cstart, $3  }
0xc0: {  	[dreg:$0x1] =	wrdreg $0xFFFFFFFF  }
0xc1: {  	_ =	task.clear_ibuf [dreg:s6], $0x2FFFF;
	_ =	strace $0x9FFFFFFF  }
0xc2: {  	(tm) =	ssettm $0x7FFFFFFF  }
0xc3: {  	_ =	shalt  }
tec
execute0_lowered:
.L_overlay_start_1:
0x0: {  	(tag) =	ssettag $0x1  }
0x1: {  	s0 =	rddreg [dreg:$0x0]  }
0x2: {  	s2 =	rddreg [dreg:$0x1]  }
0x3: {  	s3 =	simm.s32 $0x0;
	s1 =	srdreg.scid;
	s15 =	stileid.u32  }
0x4: {  	s20 =	simm.s32 $0x440;
	s22 =	simm.s32 $0x80;
	s23 =	simm.s32 $0xC0  }
0x5: {  	s28 =	simm.s32 $0x4;
	s29 =	simm.s32 $0x740;
	s30 =	simm.s32 $0x380  }
0x6: {  	s31 =	simm.s32 $0x3C0;
	[smem:$0x7FF] =	sst s3;
	s5 =	smul.u32 $0x3D80, s15  }
0x7: {  	s1 =	sand.u32 $0x1, s1;
	s4 =	sadd.s32 $0xA6200, s0;
	s25 =	smul.u32 $0x29000, s15  }
0x8: {  	s7 =	sadd.s32 $0x2200, s0;
	s8 =	sadd.s32 $0x54200, s0;
	s13 =	smul.u32 $0x1EC00, s15  }
0x9: {  	s9 =	sadd.s32 $0xE3A00, s0;
	s12 =	sshll.u32 s15, $0x1;
	s21 =	smul.u32 $0x7B000, s15  }
0xa: {  	_ =	strace $0x8000004A;
	s6 =	smul.u32 $0x3D800, s1;
	[dreg:$0x7] =	wrdreg s20  }
0xb: {  	s26 =	ssub.s32 $0x2, s1;
	s10 =	smul.u32 $0x14800, s1;
	[dreg:$0x8] =	wrdreg s22  }
0xc: {  	s14 =	sor.u32 s1, s12;
	p0 =	seq.s32 s1, $0x0;
	[dreg:$0x9] =	wrdreg s23  }
0xd: {  	s20 =	simm.s32 $0x2C0;
	s22 =	simm.s32 $0x6C0;
	s23 =	simm.s32 $0x300  }
0xe: {  	s11 =	sshrl.u32 s26, $0x1;
	s1 =	sadd.s32 s13, s2;
	s12 =	sshrl.u32 s13, $0x3  }
0xf: {  	s16 =	smul.u32 $0x14800, s14;
	s24 =	sshrl.u32 s21, $0x2;
	[dreg:$0x17] =	wrdreg s20  }
0x10: {  	s9 =	smov.u32 @p0 s4;
	s13 =	simm.s32 $0x180;
	[dreg:$0x19] =	wrdreg s22  }
0x11: {  	s21 =	simm.s32 $0x680;
	s20 =	simm.s32 $0xE00;
	[dreg:$0x1a] =	wrdreg s23  }
0x12: {  	s22 =	simm.s32 $0x6;
	s5 =	sadd.s32 s5, s6;
	[dreg:$0x10] =	wrdreg s13  }
0x13: {  	s6 =	sadd.s32 s10, s25;
	s25 =	simm.s32 $0x480;
	[dreg:$0x18] =	wrdreg s21  }
0x14: {  	s23 =	simm.s32 $0x7;
	s9 =	sadd.s32 s9, s12;
	[dreg:$0xa] =	wrdreg s25  }
0x15: {  	s12 =	simm.s32 $0x540;
	s1 =	sshrl.u32 s1, $0x3;
	[smem:$0x7FB] =	sst s9  }
0x16: {  	s13 =	simm.s32 $0x400;
	s0 =	sadd.s32 s5, s0;
	[dreg:$0xf] =	wrdreg s12  }
0x17: {  	s5 =	ssub.s32 s26, s11;
	s26 =	simm.s32 $0x4C0;
	[smem:$0x7FC] =	sst s1  }
0x18: {  	s18 =	sshrl.u32 s16, $0x3;
	s16 =	simm.s32 $0x5C0;
	[dreg:$0xb] =	wrdreg s26  }
0x19: {  	s21 =	simm.s32 $0x5;
	s25 =	simm.s32 $0x700;
	[dreg:$0x13] =	wrdreg s16  }
0x1a: {  	s10 =	sor.u32 $0x400, s6;
	s19 =	sadd.s32 s8, s18;
	[dreg:$0x1c] =	wrdreg s25  }
0x1b: {  	s11 =	smul.u32 $0x2900, s14;
	s0 =	sadd.s32 $0x121200, s0;
	[dreg:$0x1e] =	wrdreg s19  }
0x1c: {  	s6 =	sor.u32 $0x200, s6;
	s5 =	smax.u32 s5, $0x1;
	[dreg:$0x1f] =	wrdreg s0  }
0x1d: {  	s10 =	sshrl.u32 s10, $0x3;
	s18 =	simm.s32 $0x640;
	[smem:$0x7FA] =	sst s5  }
0x1e: {  	s12 =	simm.s32 $0x9;
	s14 =	sadd.s32 s10, s8;
	[dreg:$0x15] =	wrdreg s18  }
0x1f: {  	s1 =	simm.s32 $0x7C0;
	s11 =	sadd.s32 s7, s11;
	[dreg:$0x3] =	wrdreg s14  }
0x20: {  	s6 =	sshrl.u32 s6, $0x3;
	s10 =	sadd.s32 s10, s7;
	[dreg:$0x1d] =	wrdreg s11  }
0x21: {  	s16 =	simm.s32 $0x200;
	s17 =	sadd.s32 s6, s8;
	[dreg:$0x4] =	wrdreg s10  }
0x22: {  	s6 =	sadd.s32 s6, s7;
	s7 =	simm.s32 $0x100;
	[dreg:$0x5] =	wrdreg s17  }
0x23: {  	s8 =	simm.s32 $0x140;
	s19 =	simm.s32 $0x280;
	[dreg:$0x6] =	wrdreg s6  }
0x24: {  	s18 =	simm.s32 $0x40;
	s0 =	simm.s32 $0x780;
	[dreg:$0xc] =	wrdreg s7  }
0x25: {  	s5 =	simm.s32 $0x0;
	s6 =	sadd.s32 s24, s2;
	[dreg:$0xd] =	wrdreg s8  }
0x26: {  	s10 =	simm.s32 $0x500;
	s11 =	sshll.u32 s15, $0x6;
	[dreg:$0x16] =	wrdreg s19  }
0x27: {  	s14 =	simm.s32 $0x1C0;
	s15 =	simm.s32 $0x580;
	[dreg:$0xe] =	wrdreg s10  }
0x28: {  	s17 =	simm.s32 $0x240;
	s19 =	simm.s32 $0x800;
	[dreg:$0x11] =	wrdreg s14  }
0x29: {  	s24 =	simm.s32 $0x340;
	s10 =	sor.u32 $0x1C09, s11;
	[dreg:$0x12] =	wrdreg s15  }
0x2a: {  	s14 =	simm.s32 $0x1;
	s15 =	simm.s32 $0x3;
	[dreg:$0x14] =	wrdreg s17  }
0x2b: {  	s17 =	simm.s32 $0x600;
	[dreg:$0x1b] =	wrdreg s24;
	s26 =	sshrl.u32 s6, $0x3  }
0x2c: {  	s24 =	simm.s32 $0x8;
	[smem:$0x7FD] =	sst s26;
	s26 =	simm.s32 $0x2  }
.LBB2_1:
0x2d: {  	s6 =	sld [smem:$0x7FB]  }
0x2e: {  	s7 =	sld [smem:$0x7FC];
	_ =	sdelay $0x2  }
0x2f: {  	[spmem:s7], [sflag:s10] =	dma.local [hbm:s6], $0x3D80  }
0x30: {  	_ =	swait.ge [sflag:s12], $0x3D80  }
0x31: {  	[sflag:s12] =	ssyncset.done $0x0  }
0x32: {  	[sflag:s12] =	ssyncadd.s32 $0xFFFFC280  }
0x33: {  	[bflag:$0x0] =	sbarrier.arrive $0xFFFF  }
0x34: {  	p0 =	por $0x1, $0x1;
	s11 =	rddreg [dreg:$0x1d]  }
0x35: {  	[tilespmem:s3], [sflag:$0x1] =	stream.linear.gather [hbm4b:s11+s3], $0x200, $0x38;
	v63 =	vld [tilespmem:$0x0]  }
0x36: {  	s6 =	simm.s32 @!p0 $0x7;
	s25 =	rddreg [dreg:$0x1e]  }
0x37: {  	[tilespmem:s13], [sflag:$0x3] =	stream.linear.gather [hbm4b:s25+s3], $0x200, $0x38;
	v63 =	vld [tilespmem:$0x0]  }
0x38: {  	_ =	swait.ge @!p0 [sflag:s6], $0x600  }
0x39: {  	[sflag:s6] =	ssyncset.done @!p0 $0x0  }
0x3a: {  	[sflag:s6] =	ssyncadd.s32 @!p0 $0xFFFFFA00;
	s6 =	simm.s32 @!p0 $0x8  }
0x3b: {  	_ =	swait.ge @!p0 [sflag:s6], $0x600  }
0x3c: {  	[sflag:s6] =	ssyncset.done @!p0 $0x0  }
0x3d: {  	[sflag:s6] =	ssyncadd.s32 @!p0 $0xFFFFFA00  }
0x3e: {  	_ =	swait.ge [sflag:s14], $0x200  }
0x3f: {  	[sflag:s14] =	ssyncset.done $0x0  }
0x40: {  	[sflag:s14] =	ssyncadd.s32 $0xFFFFFE00  }
0x41: {  	_ =	swait.ge [sflag:s15], $0x200  }
0x42: {  	s7 =	rddreg [dreg:$0x6];
	[sflag:s15] =	ssyncset.done $0x0  }
0x43: {  	s8 =	rddreg [dreg:$0x5];
	[sflag:s15] =	ssyncadd.s32 $0xFFFFFE00;
	s6 =	sadd.s32 $0x0, s7  }
0x44: {  	[tilespmem:s16], [sflag:$0x2] =	stream.linear.gather [hbm4b:s6+s3], $0x200, $0x38;
	v63 =	vld [tilespmem:$0x0]  }
0x45: {  	s9 =	sadd.s32 $0x0, s8  }
0x46: {  	[tilespmem:s17], [sflag:$0x4] =	stream.linear.gather [hbm4b:s9+s3], $0x200, $0x38;
	v63 =	vld [tilespmem:$0x0]  }
0x47: {  	_ = 	snop  }
0x48: {  	[tilespmem:s19], [sflag:$0x5] =	stream.indirect.gather [hbm4b:s4+s18], $0x18, s3, s18, $0xb8;
	v63 =	vld [tilespmem:$0x0]  }
0x49: {  	_ = 	snop  }
0x4a: {  	[tilespmem:s20], [sflag:$0x6] =	stream.indirect.gather [hbm4b:s4+s18], $0x18, s18, s18, $0xb8;
	v63 =	vld [tilespmem:$0x0]  }
0x4b: {  	_ =	swait.ge [sflag:s21], $0x600  }
0x4c: {  	[sflag:s21] =	ssyncset.done $0x0  }
0x4d: {  	[sflag:s21] =	ssyncadd.s32 $0xFFFFFA00  }
0x4e: {  	[spmem:s2] =	stream.indirect.scatter.add.f32 [tilespmem:s19], [sflag:$0x7], $0x18, s13, s18, $0xb8;
	v63 =	vld [tilespmem:$0x0]  }
0x4f: {  	_ =	swait.ge [sflag:s22], $0x600  }
0x50: {  	[sflag:s22] =	ssyncset.done $0x0  }
0x51: {  	s11 =	rddreg [dreg:$0x7];
	[sflag:s22] =	ssyncadd.s32 $0xFFFFFA00  }
0x52: {  	[spmem:s2] =	stream.indirect.scatter.add.f32 [tilespmem:s20], [sflag:$0x8], $0x18, s11, s18, $0xb8;
	v63 =	vld [tilespmem:$0x0]  }
0x53: {  	_ =	swait.ge [sflag:s23], $0x600  }
0x54: {  	[sflag:s23] =	ssyncset.done $0x0  }
0x55: {  	s25 =	rddreg [dreg:$0x8];
	[sflag:s23] =	ssyncadd.s32 $0xFFFFFA00  }
0x56: {  	[tilespmem:s19], [sflag:$0x5] =	stream.indirect.gather [hbm4b:s4+s18], $0x18, s25, s18, $0xb8;
	v63 =	vld [tilespmem:$0x0]  }
0x57: {  	_ =	swait.ge [sflag:s24], $0x600  }
0x58: {  	[sflag:s24] =	ssyncset.done $0x0  }
0x59: {  	s7 =	rddreg [dreg:$0x9];
	[sflag:s24] =	ssyncadd.s32 $0xFFFFFA00  }
0x5a: {  	[tilespmem:s20], [sflag:$0x6] =	stream.indirect.gather [hbm4b:s4+s18], $0x18, s7, s18, $0xb8;
	v63 =	vld [tilespmem:$0x0]  }
0x5b: {  	_ =	swait.ge [sflag:s21], $0x600  }
0x5c: {  	[sflag:s21] =	ssyncset.done $0x0  }
0x5d: {  	s8 =	rddreg [dreg:$0xa];
	[sflag:s21] =	ssyncadd.s32 $0xFFFFFA00  }
0x5e: {  	[spmem:s2] =	stream.indirect.scatter.add.f32 [tilespmem:s19], [sflag:$0x7], $0x18, s8, s18, $0xb8;
	v63 =	vld [tilespmem:$0x0]  }
0x5f: {  	_ =	swait.ge [sflag:s22], $0x600  }
0x60: {  	[sflag:s22] =	ssyncset.done $0x0  }
0x61: {  	s9 =	rddreg [dreg:$0xb];
	[sflag:s22] =	ssyncadd.s32 $0xFFFFFA00  }
0x62: {  	[spmem:s2] =	stream.indirect.scatter.add.f32 [tilespmem:s20], [sflag:$0x8], $0x18, s9, s18, $0xb8;
	v63 =	vld [tilespmem:$0x0]  }
0x63: {  	_ =	swait.ge [sflag:s23], $0x600  }
0x64: {  	[sflag:s23] =	ssyncset.done $0x0  }
0x65: {  	s11 =	rddreg [dreg:$0xc];
	[sflag:s23] =	ssyncadd.s32 $0xFFFFFA00  }
0x66: {  	[tilespmem:s19], [sflag:$0x5] =	stream.indirect.gather [hbm4b:s4+s18], $0x18, s11, s18, $0xb8;
	v63 =	vld [tilespmem:$0x0]  }
0x67: {  	_ =	swait.ge [sflag:s24], $0x600  }
0x68: {  	[sflag:s24] =	ssyncset.done $0x0  }
0x69: {  	s25 =	rddreg [dreg:$0xd];
	[sflag:s24] =	ssyncadd.s32 $0xFFFFFA00  }
0x6a: {  	[tilespmem:s20], [sflag:$0x6] =	stream.indirect.gather [hbm4b:s4+s18], $0x18, s25, s18, $0xb8;
	v63 =	vld [tilespmem:$0x0]  }
0x6b: {  	_ =	swait.ge [sflag:s21], $0x600  }
0x6c: {  	[sflag:s21] =	ssyncset.done $0x0  }
0x6d: {  	s7 =	rddreg [dreg:$0xe];
	[sflag:s21] =	ssyncadd.s32 $0xFFFFFA00  }
0x6e: {  	[spmem:s2] =	stream.indirect.scatter.add.f32 [tilespmem:s19], [sflag:$0x7], $0x18, s7, s18, $0xb8;
	v63 =	vld [tilespmem:$0x0]  }
0x6f: {  	_ =	swait.ge [sflag:s22], $0x600  }
0x70: {  	[sflag:s22] =	ssyncset.done $0x0  }
0x71: {  	s8 =	rddreg [dreg:$0xf];
	[sflag:s22] =	ssyncadd.s32 $0xFFFFFA00  }
0x72: {  	[spmem:s2] =	stream.indirect.scatter.add.f32 [tilespmem:s20], [sflag:$0x8], $0x18, s8, s18, $0xb8;
	v63 =	vld [tilespmem:$0x0]  }
0x73: {  	_ =	swait.ge [sflag:s23], $0x600  }
0x74: {  	[sflag:s23] =	ssyncset.done $0x0  }
0x75: {  	s9 =	rddreg [dreg:$0x10];
	[sflag:s23] =	ssyncadd.s32 $0xFFFFFA00  }
0x76: {  	[tilespmem:s19], [sflag:$0x5] =	stream.indirect.gather [hbm4b:s4+s18], $0x18, s9, s18, $0xb8;
	v63 =	vld [tilespmem:$0x0]  }
0x77: {  	_ =	swait.ge [sflag:s24], $0x600  }
0x78: {  	[sflag:s24] =	ssyncset.done $0x0  }
0x79: {  	s11 =	rddreg [dreg:$0x11];
	[sflag:s24] =	ssyncadd.s32 $0xFFFFFA00  }
0x7a: {  	[tilespmem:s20], [sflag:$0x6] =	stream.indirect.gather [hbm4b:s4+s18], $0x18, s11, s18, $0xb8;
	v63 =	vld [tilespmem:$0x0]  }
0x7b: {  	_ =	swait.ge [sflag:s21], $0x600  }
0x7c: {  	[sflag:s21] =	ssyncset.done $0x0  }
0x7d: {  	s25 =	rddreg [dreg:$0x12];
	[sflag:s21] =	ssyncadd.s32 $0xFFFFFA00  }
0x7e: {  	[spmem:s2] =	stream.indirect.scatter.add.f32 [tilespmem:s19], [sflag:$0x7], $0x18, s25, s18, $0xb8;
	v63 =	vld [tilespmem:$0x0]  }
0x7f: {  	_ =	swait.ge [sflag:s22], $0x600  }
0x80: {  	[sflag:s22] =	ssyncset.done $0x0  }
0x81: {  	s7 =	rddreg [dreg:$0x13];
	[sflag:s22] =	ssyncadd.s32 $0xFFFFFA00  }
0x82: {  	[spmem:s2] =	stream.indirect.scatter.add.f32 [tilespmem:s20], [sflag:$0x8], $0x18, s7, s18, $0xb8;
	v63 =	vld [tilespmem:$0x0]  }
0x83: {  	_ =	swait.ge [sflag:s23], $0x600  }
0x84: {  	[sflag:s23] =	ssyncset.done $0x0  }
0x85: {  	[sflag:s23] =	ssyncadd.s32 $0xFFFFFA00  }
0x86: {  	_ =	swait.ge [sflag:s24], $0x600  }
0x87: {  	[sflag:s24] =	ssyncset.done $0x0  }
0x88: {  	[sflag:s24] =	ssyncadd.s32 $0xFFFFFA00  }
0x89: {  	_ =	swait.ge [sflag:s26], $0x200  }
0x8a: {  	[sflag:s26] =	ssyncset.done $0x0  }
0x8b: {  	[sflag:s26] =	ssyncadd.s32 $0xFFFFFE00  }
0x8c: {  	p0 =	por $0x0, $0x0;
	_ =	swait.ge [sflag:s28], $0x200  }
0x8d: {  	s8 =	simm.s32 @!p0 $0x0;
	s6 =	rddreg [dreg:$0x4];
	[sflag:s28] =	ssyncset.done $0x0  }
0x8e: {  	s7 =	rddreg [dreg:$0x3];
	[sflag:s28] =	ssyncadd.s32 $0xFFFFFE00;
	s6 =	sadd.s32 @!p0 $0x0, s6  }
0x8f: {  	[tilespmem:s8], [sflag:$0x1] =	stream.linear.gather @!p0 [hbm4b:s6+s8], $0x200, $0x38;
	v63 =	vld [tilespmem:$0x0]  }
0x90: {  	s6 =	sadd.s32 @!p0 $0x0, s7;
	s7 =	simm.s32 @!p0 $0x400  }
0x91: {  	[tilespmem:s7], [sflag:$0x3] =	stream.linear.gather @!p0 [hbm4b:s6+s8], $0x200, $0x38;
	v63 =	vld [tilespmem:$0x0]  }
0x92: {  	_ = 	snop  }
0x93: {  	[tilespmem:s19], [sflag:$0x5] =	stream.indirect.gather [hbm4b:s4+s18], $0x18, s16, s18, $0xb8;
	v63 =	vld [tilespmem:$0x0]  }
0x94: {  	s8 =	rddreg [dreg:$0x14]  }
0x95: {  	[tilespmem:s20], [sflag:$0x6] =	stream.indirect.gather [hbm4b:s4+s18], $0x18, s8, s18, $0xb8;
	v63 =	vld [tilespmem:$0x0]  }
0x96: {  	_ =	swait.ge [sflag:s21], $0x600  }
0x97: {  	[sflag:s21] =	ssyncset.done $0x0  }
0x98: {  	[sflag:s21] =	ssyncadd.s32 $0xFFFFFA00  }
0x99: {  	[spmem:s2] =	stream.indirect.scatter.add.f32 [tilespmem:s19], [sflag:$0x7], $0x18, s17, s18, $0xb8;
	v63 =	vld [tilespmem:$0x0]  }
0x9a: {  	_ =	swait.ge [sflag:s22], $0x600  }
0x9b: {  	[sflag:s22] =	ssyncset.done $0x0  }
0x9c: {  	s9 =	rddreg [dreg:$0x15];
	[sflag:s22] =	ssyncadd.s32 $0xFFFFFA00  }
0x9d: {  	[spmem:s2] =	stream.indirect.scatter.add.f32 [tilespmem:s20], [sflag:$0x8], $0x18, s9, s18, $0xb8;
	v63 =	vld [tilespmem:$0x0]  }
0x9e: {  	_ =	swait.ge [sflag:s23], $0x600  }
0x9f: {  	[sflag:s23] =	ssyncset.done $0x0  }
0xa0: {  	s11 =	rddreg [dreg:$0x16];
	[sflag:s23] =	ssyncadd.s32 $0xFFFFFA00  }
0xa1: {  	[tilespmem:s19], [sflag:$0x5] =	stream.indirect.gather [hbm4b:s4+s18], $0x18, s11, s18, $0xb8;
	v63 =	vld [tilespmem:$0x0]  }
0xa2: {  	_ =	swait.ge [sflag:s24], $0x600  }
0xa3: {  	[sflag:s24] =	ssyncset.done $0x0  }
0xa4: {  	s25 =	rddreg [dreg:$0x17];
	[sflag:s24] =	ssyncadd.s32 $0xFFFFFA00  }
0xa5: {  	[tilespmem:s20], [sflag:$0x6] =	stream.indirect.gather [hbm4b:s4+s18], $0x18, s25, s18, $0xb8;
	v63 =	vld [tilespmem:$0x0]  }
0xa6: {  	_ =	swait.ge [sflag:s21], $0x600  }
0xa7: {  	[sflag:s21] =	ssyncset.done $0x0  }
0xa8: {  	s7 =	rddreg [dreg:$0x18];
	[sflag:s21] =	ssyncadd.s32 $0xFFFFFA00  }
0xa9: {  	[spmem:s2] =	stream.indirect.scatter.add.f32 [tilespmem:s19], [sflag:$0x7], $0x18, s7, s18, $0xb8;
	v63 =	vld [tilespmem:$0x0]  }
0xaa: {  	_ =	swait.ge [sflag:s22], $0x600  }
0xab: {  	[sflag:s22] =	ssyncset.done $0x0  }
0xac: {  	s8 =	rddreg [dreg:$0x19];
	[sflag:s22] =	ssyncadd.s32 $0xFFFFFA00  }
0xad: {  	[spmem:s2] =	stream.indirect.scatter.add.f32 [tilespmem:s20], [sflag:$0x8], $0x18, s8, s18, $0xb8;
	v63 =	vld [tilespmem:$0x0]  }
0xae: {  	_ =	swait.ge [sflag:s23], $0x600  }
0xaf: {  	[sflag:s23] =	ssyncset.done $0x0  }
0xb0: {  	s9 =	rddreg [dreg:$0x1a];
	[sflag:s23] =	ssyncadd.s32 $0xFFFFFA00  }
0xb1: {  	[tilespmem:s19], [sflag:$0x5] =	stream.indirect.gather [hbm4b:s4+s18], $0x18, s9, s18, $0xb8;
	v63 =	vld [tilespmem:$0x0]  }
0xb2: {  	_ =	swait.ge [sflag:s24], $0x600  }
0xb3: {  	[sflag:s24] =	ssyncset.done $0x0  }
0xb4: {  	s11 =	rddreg [dreg:$0x1b];
	[sflag:s24] =	ssyncadd.s32 $0xFFFFFA00  }
0xb5: {  	[tilespmem:s20], [sflag:$0x6] =	stream.indirect.gather [hbm4b:s4+s18], $0x18, s11, s18, $0xb8;
	v63 =	vld [tilespmem:$0x0]  }
0xb6: {  	_ =	swait.ge [sflag:s21], $0x600  }
0xb7: {  	[sflag:s21] =	ssyncset.done $0x0  }
0xb8: {  	s25 =	rddreg [dreg:$0x1c];
	[sflag:s21] =	ssyncadd.s32 $0xFFFFFA00  }
0xb9: {  	[spmem:s2] =	stream.indirect.scatter.add.f32 [tilespmem:s19], [sflag:$0x7], $0x18, s25, s18, $0xb8;
	v63 =	vld [tilespmem:$0x0]  }
0xba: {  	_ =	swait.ge [sflag:s22], $0x600  }
0xbb: {  	[sflag:s22] =	ssyncset.done $0x0  }
0xbc: {  	[sflag:s22] =	ssyncadd.s32 $0xFFFFFA00  }
0xbd: {  	[spmem:s2] =	stream.indirect.scatter.add.f32 [tilespmem:s20], [sflag:$0x8], $0x18, s29, s18, $0xb8;
	v63 =	vld [tilespmem:$0x0]  }
0xbe: {  	_ =	swait.ge [sflag:s23], $0x600  }
0xbf: {  	[sflag:s23] =	ssyncset.done $0x0  }
0xc0: {  	[sflag:s23] =	ssyncadd.s32 $0xFFFFFA00  }
0xc1: {  	[tilespmem:s19], [sflag:$0x5] =	stream.indirect.gather [hbm4b:s4+s18], $0x18, s30, s18, $0xb8;
	v63 =	vld [tilespmem:$0x0]  }
0xc2: {  	_ =	swait.ge [sflag:s24], $0x600  }
0xc3: {  	[sflag:s24] =	ssyncset.done $0x0  }
0xc4: {  	[sflag:s24] =	ssyncadd.s32 $0xFFFFFA00  }
0xc5: {  	[tilespmem:s20], [sflag:$0x6] =	stream.indirect.gather [hbm4b:s4+s18], $0x18, s31, s18, $0xb8;
	v63 =	vld [tilespmem:$0x0]  }
0xc6: {  	_ =	swait.ge [sflag:s21], $0x600  }
0xc7: {  	[sflag:s21] =	ssyncset.done $0x0  }
0xc8: {  	[sflag:s21] =	ssyncadd.s32 $0xFFFFFA00  }
0xc9: {  	[spmem:s2] =	stream.indirect.scatter.add.f32 [tilespmem:s19], [sflag:$0x7], $0x18, s0, s18, $0xb8;
	v63 =	vld [tilespmem:$0x0]  }
0xca: {  	p1 =	por $0x0, $0x0;
	_ =	swait.ge [sflag:s22], $0x600  }
0xcb: {  	s6 =	simm.s32 $0x80;
	s7 =	simm.s32 $0x100;
	[sflag:s22] =	ssyncset.done $0x0  }
.LBB2_2:
0xcc: {  	s9 =	simm.s32 @!p1 $0x7;
	[sflag:s22] =	ssyncadd.s32 $0xFFFFFA00  }
0xcd: {  	[spmem:s2] =	stream.indirect.scatter.add.f32 [tilespmem:s20], [sflag:$0x8], $0x18, s1, s18, $0xb8;
	v63 =	vld [tilespmem:$0x0]  }
0xce: {  	_ =	swait.ge @!p1 [sflag:s9], $0x600  }
0xcf: {  	[sflag:s9] =	ssyncset.done @!p1 $0x0  }
0xd0: {  	[sflag:s9] =	ssyncadd.s32 @!p1 $0xFFFFFA00;
	s9 =	simm.s32 @!p1 $0x8  }
0xd1: {  	_ =	swait.ge @!p1 [sflag:s9], $0x600  }
0xd2: {  	[sflag:s9] =	ssyncset.done @!p1 $0x0  }
0xd3: {  	[sflag:s9] =	ssyncadd.s32 @!p1 $0xFFFFFA00  }
0xd4: {  	_ =	swait.ge [sflag:s14], $0x200  }
0xd5: {  	[sflag:s14] =	ssyncset.done $0x0  }
0xd6: {  	[sflag:s14] =	ssyncadd.s32 $0xFFFFFE00  }
0xd7: {  	_ =	swait.ge [sflag:s15], $0x200  }
0xd8: {  	s25 =	rddreg [dreg:$0x6];
	[sflag:s15] =	ssyncset.done $0x0  }
0xd9: {  	s11 =	rddreg [dreg:$0x5];
	[sflag:s15] =	ssyncadd.s32 $0xFFFFFE00;
	s9 =	sadd.s32 s6, s25  }
0xda: {  	[tilespmem:s16], [sflag:$0x2] =	stream.linear.gather [hbm4b:s9+s3], $0x200, $0x38;
	v63 =	vld [tilespmem:$0x0]  }
0xdb: {  	s11 =	sadd.s32 s6, s11  }
0xdc: {  	[tilespmem:s17], [sflag:$0x4] =	stream.linear.gather [hbm4b:s11+s3], $0x200, $0x38;
	v63 =	vld [tilespmem:$0x0]  }
0xdd: {  	_ = 	snop  }
0xde: {  	[tilespmem:s19], [sflag:$0x5] =	stream.indirect.gather [hbm4b:s4+s18], $0x18, s3, s18, $0xb8;
	v63 =	vld [tilespmem:$0x0]  }
0xdf: {  	_ = 	snop  }
0xe0: {  	[tilespmem:s20], [sflag:$0x6] =	stream.indirect.gather [hbm4b:s4+s18], $0x18, s18, s18, $0xb8;
	v63 =	vld [tilespmem:$0x0]  }
0xe1: {  	_ =	swait.ge [sflag:s21], $0x600  }
0xe2: {  	[sflag:s21] =	ssyncset.done $0x0  }
0xe3: {  	[sflag:s21] =	ssyncadd.s32 $0xFFFFFA00  }
0xe4: {  	[spmem:s2] =	stream.indirect.scatter.add.f32 [tilespmem:s19], [sflag:$0x7], $0x18, s13, s18, $0xb8;
	v63 =	vld [tilespmem:$0x0]  }
0xe5: {  	_ =	swait.ge [sflag:s22], $0x600  }
0xe6: {  	[sflag:s22] =	ssyncset.done $0x0  }
0xe7: {  	s25 =	rddreg [dreg:$0x7];
	[sflag:s22] =	ssyncadd.s32 $0xFFFFFA00  }
0xe8: {  	[spmem:s2] =	stream.indirect.scatter.add.f32 [tilespmem:s20], [sflag:$0x8], $0x18, s25, s18, $0xb8;
	v63 =	vld [tilespmem:$0x0]  }
0xe9: {  	_ =	swait.ge [sflag:s23], $0x600  }
0xea: {  	[sflag:s23] =	ssyncset.done $0x0  }
0xeb: {  	s11 =	rddreg [dreg:$0x8];
	[sflag:s23] =	ssyncadd.s32 $0xFFFFFA00  }
0xec: {  	[tilespmem:s19], [sflag:$0x5] =	stream.indirect.gather [hbm4b:s4+s18], $0x18, s11, s18, $0xb8;
	v63 =	vld [tilespmem:$0x0]  }
0xed: {  	_ =	swait.ge [sflag:s24], $0x600  }
0xee: {  	[sflag:s24] =	ssyncset.done $0x0  }
0xef: {  	s25 =	rddreg [dreg:$0x9];
	[sflag:s24] =	ssyncadd.s32 $0xFFFFFA00  }
0xf0: {  	[tilespmem:s20], [sflag:$0x6] =	stream.indirect.gather [hbm4b:s4+s18], $0x18, s25, s18, $0xb8;
	v63 =	vld [tilespmem:$0x0]  }
0xf1: {  	_ =	swait.ge [sflag:s21], $0x600  }
0xf2: {  	[sflag:s21] =	ssyncset.done $0x0  }
0xf3: {  	s11 =	rddreg [dreg:$0xa];
	[sflag:s21] =	ssyncadd.s32 $0xFFFFFA00  }
0xf4: {  	[spmem:s2] =	stream.indirect.scatter.add.f32 [tilespmem:s19], [sflag:$0x7], $0x18, s11, s18, $0xb8;
	v63 =	vld [tilespmem:$0x0]  }
0xf5: {  	_ =	swait.ge [sflag:s22], $0x600  }
0xf6: {  	[sflag:s22] =	ssyncset.done $0x0  }
0xf7: {  	s25 =	rddreg [dreg:$0xb];
	[sflag:s22] =	ssyncadd.s32 $0xFFFFFA00  }
0xf8: {  	[spmem:s2] =	stream.indirect.scatter.add.f32 [tilespmem:s20], [sflag:$0x8], $0x18, s25, s18, $0xb8;
	v63 =	vld [tilespmem:$0x0]  }
0xf9: {  	_ =	swait.ge [sflag:s23], $0x600  }
0xfa: {  	[sflag:s23] =	ssyncset.done $0x0  }
0xfb: {  	s11 =	rddreg [dreg:$0xc];
	[sflag:s23] =	ssyncadd.s32 $0xFFFFFA00  }
0xfc: {  	[tilespmem:s19], [sflag:$0x5] =	stream.indirect.gather [hbm4b:s4+s18], $0x18, s11, s18, $0xb8;
	v63 =	vld [tilespmem:$0x0]  }
0xfd: {  	_ =	swait.ge [sflag:s24], $0x600  }
0xfe: {  	[sflag:s24] =	ssyncset.done $0x0  }
0xff: {  	s25 =	rddreg [dreg:$0xd];
	[sflag:s24] =	ssyncadd.s32 $0xFFFFFA00  }
0x100: {  	[tilespmem:s20], [sflag:$0x6] =	stream.indirect.gather [hbm4b:s4+s18], $0x18, s25, s18, $0xb8;
	v63 =	vld [tilespmem:$0x0]  }
0x101: {  	_ =	swait.ge [sflag:s21], $0x600  }
0x102: {  	[sflag:s21] =	ssyncset.done $0x0  }
0x103: {  	s11 =	rddreg [dreg:$0xe];
	[sflag:s21] =	ssyncadd.s32 $0xFFFFFA00  }
0x104: {  	[spmem:s2] =	stream.indirect.scatter.add.f32 [tilespmem:s19], [sflag:$0x7], $0x18, s11, s18, $0xb8;
	v63 =	vld [tilespmem:$0x0]  }
0x105: {  	_ =	swait.ge [sflag:s22], $0x600  }
0x106: {  	[sflag:s22] =	ssyncset.done $0x0  }
0x107: {  	s25 =	rddreg [dreg:$0xf];
	[sflag:s22] =	ssyncadd.s32 $0xFFFFFA00  }
0x108: {  	[spmem:s2] =	stream.indirect.scatter.add.f32 [tilespmem:s20], [sflag:$0x8], $0x18, s25, s18, $0xb8;
	v63 =	vld [tilespmem:$0x0]  }
0x109: {  	_ =	swait.ge [sflag:s23], $0x600  }
0x10a: {  	[sflag:s23] =	ssyncset.done $0x0  }
0x10b: {  	s11 =	rddreg [dreg:$0x10];
	[sflag:s23] =	ssyncadd.s32 $0xFFFFFA00  }
0x10c: {  	[tilespmem:s19], [sflag:$0x5] =	stream.indirect.gather [hbm4b:s4+s18], $0x18, s11, s18, $0xb8;
	v63 =	vld [tilespmem:$0x0]  }
0x10d: {  	_ =	swait.ge [sflag:s24], $0x600  }
0x10e: {  	[sflag:s24] =	ssyncset.done $0x0  }
0x10f: {  	s25 =	rddreg [dreg:$0x11];
	[sflag:s24] =	ssyncadd.s32 $0xFFFFFA00  }
0x110: {  	[tilespmem:s20], [sflag:$0x6] =	stream.indirect.gather [hbm4b:s4+s18], $0x18, s25, s18, $0xb8;
	v63 =	vld [tilespmem:$0x0]  }
0x111: {  	_ =	swait.ge [sflag:s21], $0x600  }
0x112: {  	[sflag:s21] =	ssyncset.done $0x0  }
0x113: {  	s11 =	rddreg [dreg:$0x12];
	[sflag:s21] =	ssyncadd.s32 $0xFFFFFA00  }
0x114: {  	[spmem:s2] =	stream.indirect.scatter.add.f32 [tilespmem:s19], [sflag:$0x7], $0x18, s11, s18, $0xb8;
	v63 =	vld [tilespmem:$0x0]  }
0x115: {  	_ =	swait.ge [sflag:s22], $0x600  }
0x116: {  	[sflag:s22] =	ssyncset.done $0x0  }
0x117: {  	s25 =	rddreg [dreg:$0x13];
	[sflag:s22] =	ssyncadd.s32 $0xFFFFFA00  }
0x118: {  	[spmem:s2] =	stream.indirect.scatter.add.f32 [tilespmem:s20], [sflag:$0x8], $0x18, s25, s18, $0xb8;
	v63 =	vld [tilespmem:$0x0]  }
0x119: {  	_ =	swait.ge [sflag:s23], $0x600  }
0x11a: {  	[sflag:s23] =	ssyncset.done $0x0  }
0x11b: {  	[sflag:s23] =	ssyncadd.s32 $0xFFFFFA00  }
0x11c: {  	_ =	swait.ge [sflag:s24], $0x600  }
0x11d: {  	[sflag:s24] =	ssyncset.done $0x0  }
0x11e: {  	[sflag:s24] =	ssyncadd.s32 $0xFFFFFA00  }
0x11f: {  	_ =	swait.ge [sflag:s26], $0x200  }
0x120: {  	[sflag:s26] =	ssyncset.done $0x0  }
0x121: {  	[sflag:s26] =	ssyncadd.s32 $0xFFFFFE00  }
0x122: {  	p1 =	seq.s32 s6, $0x2880;
	_ =	swait.ge [sflag:s28], $0x200  }
0x123: {  	s25 =	simm.s32 @!p1 $0x0;
	s9 =	rddreg [dreg:$0x4];
	[sflag:s28] =	ssyncset.done $0x0  }
0x124: {  	s11 =	rddreg [dreg:$0x3];
	[sflag:s28] =	ssyncadd.s32 $0xFFFFFE00;
	s9 =	sadd.s32 @!p1 s6, s9  }
0x125: {  	[tilespmem:s25], [sflag:$0x1] =	stream.linear.gather @!p1 [hbm4b:s9+s25], $0x200, $0x38;
	v63 =	vld [tilespmem:$0x0]  }
0x126: {  	s9 =	sadd.s32 @!p1 s6, s11;
	s11 =	simm.s32 @!p1 $0x400  }
0x127: {  	[tilespmem:s11], [sflag:$0x3] =	stream.linear.gather @!p1 [hbm4b:s9+s25], $0x200, $0x38;
	v63 =	vld [tilespmem:$0x0]  }
0x128: {  	_ = 	snop  }
0x129: {  	[tilespmem:s19], [sflag:$0x5] =	stream.indirect.gather [hbm4b:s4+s18], $0x18, s16, s18, $0xb8;
	v63 =	vld [tilespmem:$0x0]  }
0x12a: {  	s9 =	rddreg [dreg:$0x14]  }
0x12b: {  	[tilespmem:s20], [sflag:$0x6] =	stream.indirect.gather [hbm4b:s4+s18], $0x18, s9, s18, $0xb8;
	v63 =	vld [tilespmem:$0x0]  }
0x12c: {  	_ =	swait.ge [sflag:s21], $0x600  }
0x12d: {  	[sflag:s21] =	ssyncset.done $0x0  }
0x12e: {  	[sflag:s21] =	ssyncadd.s32 $0xFFFFFA00  }
0x12f: {  	[spmem:s2] =	stream.indirect.scatter.add.f32 [tilespmem:s19], [sflag:$0x7], $0x18, s17, s18, $0xb8;
	v63 =	vld [tilespmem:$0x0]  }
0x130: {  	_ =	swait.ge [sflag:s22], $0x600  }
0x131: {  	[sflag:s22] =	ssyncset.done $0x0  }
0x132: {  	s11 =	rddreg [dreg:$0x15];
	[sflag:s22] =	ssyncadd.s32 $0xFFFFFA00  }
0x133: {  	[spmem:s2] =	stream.indirect.scatter.add.f32 [tilespmem:s20], [sflag:$0x8], $0x18, s11, s18, $0xb8;
	v63 =	vld [tilespmem:$0x0]  }
0x134: {  	_ =	swait.ge [sflag:s23], $0x600  }
0x135: {  	[sflag:s23] =	ssyncset.done $0x0  }
0x136: {  	s25 =	rddreg [dreg:$0x16];
	[sflag:s23] =	ssyncadd.s32 $0xFFFFFA00  }
0x137: {  	[tilespmem:s19], [sflag:$0x5] =	stream.indirect.gather [hbm4b:s4+s18], $0x18, s25, s18, $0xb8;
	v63 =	vld [tilespmem:$0x0]  }
0x138: {  	_ =	swait.ge [sflag:s24], $0x600  }
0x139: {  	[sflag:s24] =	ssyncset.done $0x0  }
0x13a: {  	s9 =	rddreg [dreg:$0x17];
	[sflag:s24] =	ssyncadd.s32 $0xFFFFFA00  }
0x13b: {  	[tilespmem:s20], [sflag:$0x6] =	stream.indirect.gather [hbm4b:s4+s18], $0x18, s9, s18, $0xb8;
	v63 =	vld [tilespmem:$0x0]  }
0x13c: {  	_ =	swait.ge [sflag:s21], $0x600  }
0x13d: {  	[sflag:s21] =	ssyncset.done $0x0  }
0x13e: {  	s11 =	rddreg [dreg:$0x18];
	[sflag:s21] =	ssyncadd.s32 $0xFFFFFA00  }
0x13f: {  	[spmem:s2] =	stream.indirect.scatter.add.f32 [tilespmem:s19], [sflag:$0x7], $0x18, s11, s18, $0xb8;
	v63 =	vld [tilespmem:$0x0]  }
0x140: {  	_ =	swait.ge [sflag:s22], $0x600  }
0x141: {  	[sflag:s22] =	ssyncset.done $0x0  }
0x142: {  	s25 =	rddreg [dreg:$0x19];
	[sflag:s22] =	ssyncadd.s32 $0xFFFFFA00  }
0x143: {  	[spmem:s2] =	stream.indirect.scatter.add.f32 [tilespmem:s20], [sflag:$0x8], $0x18, s25, s18, $0xb8;
	v63 =	vld [tilespmem:$0x0]  }
0x144: {  	_ =	swait.ge [sflag:s23], $0x600  }
0x145: {  	[sflag:s23] =	ssyncset.done $0x0  }
0x146: {  	s9 =	rddreg [dreg:$0x1a];
	[sflag:s23] =	ssyncadd.s32 $0xFFFFFA00  }
0x147: {  	[tilespmem:s19], [sflag:$0x5] =	stream.indirect.gather [hbm4b:s4+s18], $0x18, s9, s18, $0xb8;
	v63 =	vld [tilespmem:$0x0]  }
0x148: {  	_ =	swait.ge [sflag:s24], $0x600  }
0x149: {  	[sflag:s24] =	ssyncset.done $0x0  }
0x14a: {  	s11 =	rddreg [dreg:$0x1b];
	[sflag:s24] =	ssyncadd.s32 $0xFFFFFA00  }
0x14b: {  	[tilespmem:s20], [sflag:$0x6] =	stream.indirect.gather [hbm4b:s4+s18], $0x18, s11, s18, $0xb8;
	v63 =	vld [tilespmem:$0x0]  }
0x14c: {  	_ =	swait.ge [sflag:s21], $0x600  }
0x14d: {  	[sflag:s21] =	ssyncset.done $0x0  }
0x14e: {  	s25 =	rddreg [dreg:$0x1c];
	[sflag:s21] =	ssyncadd.s32 $0xFFFFFA00  }
0x14f: {  	[spmem:s2] =	stream.indirect.scatter.add.f32 [tilespmem:s19], [sflag:$0x7], $0x18, s25, s18, $0xb8;
	v63 =	vld [tilespmem:$0x0]  }
0x150: {  	_ =	swait.ge [sflag:s22], $0x600  }
0x151: {  	[sflag:s22] =	ssyncset.done $0x0  }
0x152: {  	[sflag:s22] =	ssyncadd.s32 $0xFFFFFA00  }
0x153: {  	[spmem:s2] =	stream.indirect.scatter.add.f32 [tilespmem:s20], [sflag:$0x8], $0x18, s29, s18, $0xb8;
	v63 =	vld [tilespmem:$0x0]  }
0x154: {  	_ =	swait.ge [sflag:s23], $0x600  }
0x155: {  	[sflag:s23] =	ssyncset.done $0x0  }
0x156: {  	[sflag:s23] =	ssyncadd.s32 $0xFFFFFA00  }
0x157: {  	[tilespmem:s19], [sflag:$0x5] =	stream.indirect.gather [hbm4b:s4+s18], $0x18, s30, s18, $0xb8;
	v63 =	vld [tilespmem:$0x0]  }
0x158: {  	_ =	swait.ge [sflag:s24], $0x600  }
0x159: {  	[sflag:s24] =	ssyncset.done $0x0  }
0x15a: {  	s8 =	smov.u32 s7;
	s7 =	sadd.s32 $0x80, s7;
	[sflag:s24] =	ssyncadd.s32 $0xFFFFFA00  }
0x15b: {  	[tilespmem:s20], [sflag:$0x6] =	stream.indirect.gather [hbm4b:s4+s18], $0x18, s31, s18, $0xb8;
	v63 =	vld [tilespmem:$0x0]  }
0x15c: {  	p0 =	sne.s32 s7, $0x2900;
	_ =	swait.ge [sflag:s21], $0x600  }
.Ltmp0:
0x15d: {  	[sflag:s21] =	ssyncset.done $0x0;
	(pc) =	sbr.rel @p0 .LBB2_2-.Ltmp0, $4  }
0x15e: {  	[sflag:s21] =	ssyncadd.s32 $0xFFFFFA00  }
0x15f: {  	[spmem:s2] =	stream.indirect.scatter.add.f32 [tilespmem:s19], [sflag:$0x7], $0x18, s0, s18, $0xb8;
	v63 =	vld [tilespmem:$0x0]  }
0x160: {  	s6 =	smov.u32 s8;
	_ =	swait.ge [sflag:s22], $0x600  }
0x161: {  	p1 =	seq.s32 s6, $0x0;
	[sflag:s22] =	ssyncset.done $0x0  }
0x162: {  	s7 =	simm.s32 @!p1 $0x7;
	[sflag:s22] =	ssyncadd.s32 $0xFFFFFA00  }
0x163: {  	[spmem:s2] =	stream.indirect.scatter.add.f32 [tilespmem:s20], [sflag:$0x8], $0x18, s1, s18, $0xb8;
	v63 =	vld [tilespmem:$0x0]  }
0x164: {  	_ =	swait.ge @!p1 [sflag:s7], $0x600  }
0x165: {  	[sflag:s7] =	ssyncset.done @!p1 $0x0  }
0x166: {  	[sflag:s7] =	ssyncadd.s32 @!p1 $0xFFFFFA00;
	s7 =	simm.s32 @!p1 $0x8  }
0x167: {  	_ =	swait.ge @!p1 [sflag:s7], $0x600  }
0x168: {  	[sflag:s7] =	ssyncset.done @!p1 $0x0  }
0x169: {  	[sflag:s7] =	ssyncadd.s32 @!p1 $0xFFFFFA00  }
0x16a: {  	_ =	swait.ge [sflag:s14], $0x200  }
0x16b: {  	[sflag:s14] =	ssyncset.done $0x0  }
0x16c: {  	[sflag:s14] =	ssyncadd.s32 $0xFFFFFE00  }
0x16d: {  	_ =	swait.ge [sflag:s15], $0x200  }
0x16e: {  	s25 =	rddreg [dreg:$0x6];
	[sflag:s15] =	ssyncset.done $0x0  }
0x16f: {  	s8 =	rddreg [dreg:$0x5];
	[sflag:s15] =	ssyncadd.s32 $0xFFFFFE00;
	s7 =	sadd.s32 s6, s25  }
0x170: {  	[tilespmem:s16], [sflag:$0x2] =	stream.linear.gather [hbm4b:s7+s3], $0x200, $0x38;
	v63 =	vld [tilespmem:$0x0]  }
0x171: {  	s8 =	sadd.s32 s6, s8  }
0x172: {  	[tilespmem:s17], [sflag:$0x4] =	stream.linear.gather [hbm4b:s8+s3], $0x200, $0x38;
	v63 =	vld [tilespmem:$0x0]  }
0x173: {  	_ = 	snop  }
0x174: {  	[tilespmem:s19], [sflag:$0x5] =	stream.indirect.gather [hbm4b:s4+s18], $0x18, s3, s18, $0xb8;
	v63 =	vld [tilespmem:$0x0]  }
0x175: {  	_ = 	snop  }
0x176: {  	[tilespmem:s20], [sflag:$0x6] =	stream.indirect.gather [hbm4b:s4+s18], $0x18, s18, s18, $0xb8;
	v63 =	vld [tilespmem:$0x0]  }
0x177: {  	_ =	swait.ge [sflag:s21], $0x600  }
0x178: {  	[sflag:s21] =	ssyncset.done $0x0  }
0x179: {  	[sflag:s21] =	ssyncadd.s32 $0xFFFFFA00  }
0x17a: {  	[spmem:s2] =	stream.indirect.scatter.add.f32 [tilespmem:s19], [sflag:$0x7], $0x18, s13, s18, $0xb8;
	v63 =	vld [tilespmem:$0x0]  }
0x17b: {  	_ =	swait.ge [sflag:s22], $0x600  }
0x17c: {  	[sflag:s22] =	ssyncset.done $0x0  }
0x17d: {  	s9 =	rddreg [dreg:$0x7];
	[sflag:s22] =	ssyncadd.s32 $0xFFFFFA00  }
0x17e: {  	[spmem:s2] =	stream.indirect.scatter.add.f32 [tilespmem:s20], [sflag:$0x8], $0x18, s9, s18, $0xb8;
	v63 =	vld [tilespmem:$0x0]  }
0x17f: {  	_ =	swait.ge [sflag:s23], $0x600  }
0x180: {  	[sflag:s23] =	ssyncset.done $0x0  }
0x181: {  	s11 =	rddreg [dreg:$0x8];
	[sflag:s23] =	ssyncadd.s32 $0xFFFFFA00  }
0x182: {  	[tilespmem:s19], [sflag:$0x5] =	stream.indirect.gather [hbm4b:s4+s18], $0x18, s11, s18, $0xb8;
	v63 =	vld [tilespmem:$0x0]  }
0x183: {  	_ =	swait.ge [sflag:s24], $0x600  }
0x184: {  	[sflag:s24] =	ssyncset.done $0x0  }
0x185: {  	s25 =	rddreg [dreg:$0x9];
	[sflag:s24] =	ssyncadd.s32 $0xFFFFFA00  }
0x186: {  	[tilespmem:s20], [sflag:$0x6] =	stream.indirect.gather [hbm4b:s4+s18], $0x18, s25, s18, $0xb8;
	v63 =	vld [tilespmem:$0x0]  }
0x187: {  	_ =	swait.ge [sflag:s21], $0x600  }
0x188: {  	[sflag:s21] =	ssyncset.done $0x0  }
0x189: {  	s8 =	rddreg [dreg:$0xa];
	[sflag:s21] =	ssyncadd.s32 $0xFFFFFA00  }
0x18a: {  	[spmem:s2] =	stream.indirect.scatter.add.f32 [tilespmem:s19], [sflag:$0x7], $0x18, s8, s18, $0xb8;
	v63 =	vld [tilespmem:$0x0]  }
0x18b: {  	_ =	swait.ge [sflag:s22], $0x600  }
0x18c: {  	[sflag:s22] =	ssyncset.done $0x0  }
0x18d: {  	s9 =	rddreg [dreg:$0xb];
	[sflag:s22] =	ssyncadd.s32 $0xFFFFFA00  }
0x18e: {  	[spmem:s2] =	stream.indirect.scatter.add.f32 [tilespmem:s20], [sflag:$0x8], $0x18, s9, s18, $0xb8;
	v63 =	vld [tilespmem:$0x0]  }
0x18f: {  	_ =	swait.ge [sflag:s23], $0x600  }
0x190: {  	[sflag:s23] =	ssyncset.done $0x0  }
0x191: {  	s11 =	rddreg [dreg:$0xc];
	[sflag:s23] =	ssyncadd.s32 $0xFFFFFA00  }
0x192: {  	[tilespmem:s19], [sflag:$0x5] =	stream.indirect.gather [hbm4b:s4+s18], $0x18, s11, s18, $0xb8;
	v63 =	vld [tilespmem:$0x0]  }
0x193: {  	_ =	swait.ge [sflag:s24], $0x600  }
0x194: {  	[sflag:s24] =	ssyncset.done $0x0  }
0x195: {  	s25 =	rddreg [dreg:$0xd];
	[sflag:s24] =	ssyncadd.s32 $0xFFFFFA00  }
0x196: {  	[tilespmem:s20], [sflag:$0x6] =	stream.indirect.gather [hbm4b:s4+s18], $0x18, s25, s18, $0xb8;
	v63 =	vld [tilespmem:$0x0]  }
0x197: {  	_ =	swait.ge [sflag:s21], $0x600  }
0x198: {  	[sflag:s21] =	ssyncset.done $0x0  }
0x199: {  	s8 =	rddreg [dreg:$0xe];
	[sflag:s21] =	ssyncadd.s32 $0xFFFFFA00  }
0x19a: {  	[spmem:s2] =	stream.indirect.scatter.add.f32 [tilespmem:s19], [sflag:$0x7], $0x18, s8, s18, $0xb8;
	v63 =	vld [tilespmem:$0x0]  }
0x19b: {  	_ =	swait.ge [sflag:s22], $0x600  }
0x19c: {  	[sflag:s22] =	ssyncset.done $0x0  }
0x19d: {  	s9 =	rddreg [dreg:$0xf];
	[sflag:s22] =	ssyncadd.s32 $0xFFFFFA00  }
0x19e: {  	[spmem:s2] =	stream.indirect.scatter.add.f32 [tilespmem:s20], [sflag:$0x8], $0x18, s9, s18, $0xb8;
	v63 =	vld [tilespmem:$0x0]  }
0x19f: {  	_ =	swait.ge [sflag:s23], $0x600  }
0x1a0: {  	[sflag:s23] =	ssyncset.done $0x0  }
0x1a1: {  	s11 =	rddreg [dreg:$0x10];
	[sflag:s23] =	ssyncadd.s32 $0xFFFFFA00  }
0x1a2: {  	[tilespmem:s19], [sflag:$0x5] =	stream.indirect.gather [hbm4b:s4+s18], $0x18, s11, s18, $0xb8;
	v63 =	vld [tilespmem:$0x0]  }
0x1a3: {  	_ =	swait.ge [sflag:s24], $0x600  }
0x1a4: {  	[sflag:s24] =	ssyncset.done $0x0  }
0x1a5: {  	s25 =	rddreg [dreg:$0x11];
	[sflag:s24] =	ssyncadd.s32 $0xFFFFFA00  }
0x1a6: {  	[tilespmem:s20], [sflag:$0x6] =	stream.indirect.gather [hbm4b:s4+s18], $0x18, s25, s18, $0xb8;
	v63 =	vld [tilespmem:$0x0]  }
0x1a7: {  	_ =	swait.ge [sflag:s21], $0x600  }
0x1a8: {  	[sflag:s21] =	ssyncset.done $0x0  }
0x1a9: {  	s8 =	rddreg [dreg:$0x12];
	[sflag:s21] =	ssyncadd.s32 $0xFFFFFA00  }
0x1aa: {  	[spmem:s2] =	stream.indirect.scatter.add.f32 [tilespmem:s19], [sflag:$0x7], $0x18, s8, s18, $0xb8;
	v63 =	vld [tilespmem:$0x0]  }
0x1ab: {  	_ =	swait.ge [sflag:s22], $0x600  }
0x1ac: {  	[sflag:s22] =	ssyncset.done $0x0  }
0x1ad: {  	s9 =	rddreg [dreg:$0x13];
	[sflag:s22] =	ssyncadd.s32 $0xFFFFFA00  }
0x1ae: {  	[spmem:s2] =	stream.indirect.scatter.add.f32 [tilespmem:s20], [sflag:$0x8], $0x18, s9, s18, $0xb8;
	v63 =	vld [tilespmem:$0x0]  }
0x1af: {  	_ =	swait.ge [sflag:s23], $0x600  }
0x1b0: {  	[sflag:s23] =	ssyncset.done $0x0  }
0x1b1: {  	[sflag:s23] =	ssyncadd.s32 $0xFFFFFA00  }
0x1b2: {  	_ =	swait.ge [sflag:s24], $0x600  }
0x1b3: {  	[sflag:s24] =	ssyncset.done $0x0  }
0x1b4: {  	[sflag:s24] =	ssyncadd.s32 $0xFFFFFA00  }
0x1b5: {  	_ =	swait.ge [sflag:s26], $0x200  }
0x1b6: {  	[sflag:s26] =	ssyncset.done $0x0  }
0x1b7: {  	[sflag:s26] =	ssyncadd.s32 $0xFFFFFE00  }
0x1b8: {  	p0 =	seq.s32 s6, $0x2880;
	_ =	swait.ge [sflag:s28], $0x200  }
0x1b9: {  	s9 =	simm.s32 @!p0 $0x0;
	s7 =	rddreg [dreg:$0x4];
	[sflag:s28] =	ssyncset.done $0x0  }
0x1ba: {  	s8 =	rddreg [dreg:$0x3];
	[sflag:s28] =	ssyncadd.s32 $0xFFFFFE00;
	s7 =	sadd.s32 @!p0 s6, s7  }
0x1bb: {  	[tilespmem:s9], [sflag:$0x1] =	stream.linear.gather @!p0 [hbm4b:s7+s9], $0x200, $0x38;
	v63 =	vld [tilespmem:$0x0]  }
0x1bc: {  	s6 =	sadd.s32 @!p0 s6, s8;
	s7 =	simm.s32 @!p0 $0x400  }
0x1bd: {  	[tilespmem:s7], [sflag:$0x3] =	stream.linear.gather @!p0 [hbm4b:s6+s9], $0x200, $0x38;
	v63 =	vld [tilespmem:$0x0]  }
0x1be: {  	_ = 	snop  }
0x1bf: {  	[tilespmem:s19], [sflag:$0x5] =	stream.indirect.gather [hbm4b:s4+s18], $0x18, s16, s18, $0xb8;
	v63 =	vld [tilespmem:$0x0]  }
0x1c0: {  	s11 =	rddreg [dreg:$0x14]  }
0x1c1: {  	[tilespmem:s20], [sflag:$0x6] =	stream.indirect.gather [hbm4b:s4+s18], $0x18, s11, s18, $0xb8;
	v63 =	vld [tilespmem:$0x0]  }
0x1c2: {  	_ =	swait.ge [sflag:s21], $0x600  }
0x1c3: {  	[sflag:s21] =	ssyncset.done $0x0  }
0x1c4: {  	[sflag:s21] =	ssyncadd.s32 $0xFFFFFA00  }
0x1c5: {  	[spmem:s2] =	stream.indirect.scatter.add.f32 [tilespmem:s19], [sflag:$0x7], $0x18, s17, s18, $0xb8;
	v63 =	vld [tilespmem:$0x0]  }
0x1c6: {  	_ =	swait.ge [sflag:s22], $0x600  }
0x1c7: {  	[sflag:s22] =	ssyncset.done $0x0  }
0x1c8: {  	s25 =	rddreg [dreg:$0x15];
	[sflag:s22] =	ssyncadd.s32 $0xFFFFFA00  }
0x1c9: {  	[spmem:s2] =	stream.indirect.scatter.add.f32 [tilespmem:s20], [sflag:$0x8], $0x18, s25, s18, $0xb8;
	v63 =	vld [tilespmem:$0x0]  }
0x1ca: {  	_ =	swait.ge [sflag:s23], $0x600  }
0x1cb: {  	[sflag:s23] =	ssyncset.done $0x0  }
0x1cc: {  	s7 =	rddreg [dreg:$0x16];
	[sflag:s23] =	ssyncadd.s32 $0xFFFFFA00  }
0x1cd: {  	[tilespmem:s19], [sflag:$0x5] =	stream.indirect.gather [hbm4b:s4+s18], $0x18, s7, s18, $0xb8;
	v63 =	vld [tilespmem:$0x0]  }
0x1ce: {  	_ =	swait.ge [sflag:s24], $0x600  }
0x1cf: {  	[sflag:s24] =	ssyncset.done $0x0  }
0x1d0: {  	s8 =	rddreg [dreg:$0x17];
	[sflag:s24] =	ssyncadd.s32 $0xFFFFFA00  }
0x1d1: {  	[tilespmem:s20], [sflag:$0x6] =	stream.indirect.gather [hbm4b:s4+s18], $0x18, s8, s18, $0xb8;
	v63 =	vld [tilespmem:$0x0]  }
0x1d2: {  	_ =	swait.ge [sflag:s21], $0x600  }
0x1d3: {  	[sflag:s21] =	ssyncset.done $0x0  }
0x1d4: {  	s9 =	rddreg [dreg:$0x18];
	[sflag:s21] =	ssyncadd.s32 $0xFFFFFA00  }
0x1d5: {  	[spmem:s2] =	stream.indirect.scatter.add.f32 [tilespmem:s19], [sflag:$0x7], $0x18, s9, s18, $0xb8;
	v63 =	vld [tilespmem:$0x0]  }
0x1d6: {  	_ =	swait.ge [sflag:s22], $0x600  }
0x1d7: {  	[sflag:s22] =	ssyncset.done $0x0  }
0x1d8: {  	s11 =	rddreg [dreg:$0x19];
	[sflag:s22] =	ssyncadd.s32 $0xFFFFFA00  }
0x1d9: {  	[spmem:s2] =	stream.indirect.scatter.add.f32 [tilespmem:s20], [sflag:$0x8], $0x18, s11, s18, $0xb8;
	v63 =	vld [tilespmem:$0x0]  }
0x1da: {  	_ =	swait.ge [sflag:s23], $0x600  }
0x1db: {  	[sflag:s23] =	ssyncset.done $0x0  }
0x1dc: {  	s25 =	rddreg [dreg:$0x1a];
	[sflag:s23] =	ssyncadd.s32 $0xFFFFFA00  }
0x1dd: {  	[tilespmem:s19], [sflag:$0x5] =	stream.indirect.gather [hbm4b:s4+s18], $0x18, s25, s18, $0xb8;
	v63 =	vld [tilespmem:$0x0]  }
0x1de: {  	_ =	swait.ge [sflag:s24], $0x600  }
0x1df: {  	[sflag:s24] =	ssyncset.done $0x0  }
0x1e0: {  	s7 =	rddreg [dreg:$0x1b];
	[sflag:s24] =	ssyncadd.s32 $0xFFFFFA00  }
0x1e1: {  	[tilespmem:s20], [sflag:$0x6] =	stream.indirect.gather [hbm4b:s4+s18], $0x18, s7, s18, $0xb8;
	v63 =	vld [tilespmem:$0x0]  }
0x1e2: {  	_ =	swait.ge [sflag:s21], $0x600  }
0x1e3: {  	[sflag:s21] =	ssyncset.done $0x0  }
0x1e4: {  	s8 =	rddreg [dreg:$0x1c];
	[sflag:s21] =	ssyncadd.s32 $0xFFFFFA00  }
0x1e5: {  	[spmem:s2] =	stream.indirect.scatter.add.f32 [tilespmem:s19], [sflag:$0x7], $0x18, s8, s18, $0xb8;
	v63 =	vld [tilespmem:$0x0]  }
0x1e6: {  	_ =	swait.ge [sflag:s22], $0x600  }
0x1e7: {  	[sflag:s22] =	ssyncset.done $0x0  }
0x1e8: {  	[sflag:s22] =	ssyncadd.s32 $0xFFFFFA00  }
0x1e9: {  	[spmem:s2] =	stream.indirect.scatter.add.f32 [tilespmem:s20], [sflag:$0x8], $0x18, s29, s18, $0xb8;
	v63 =	vld [tilespmem:$0x0]  }
0x1ea: {  	_ =	swait.ge [sflag:s23], $0x600  }
0x1eb: {  	[sflag:s23] =	ssyncset.done $0x0  }
0x1ec: {  	[sflag:s23] =	ssyncadd.s32 $0xFFFFFA00  }
0x1ed: {  	[tilespmem:s19], [sflag:$0x5] =	stream.indirect.gather [hbm4b:s4+s18], $0x18, s30, s18, $0xb8;
	v63 =	vld [tilespmem:$0x0]  }
0x1ee: {  	_ =	swait.ge [sflag:s24], $0x600  }
0x1ef: {  	[sflag:s24] =	ssyncset.done $0x0  }
0x1f0: {  	[sflag:s24] =	ssyncadd.s32 $0xFFFFFA00  }
0x1f1: {  	[tilespmem:s20], [sflag:$0x6] =	stream.indirect.gather [hbm4b:s4+s18], $0x18, s31, s18, $0xb8;
	v63 =	vld [tilespmem:$0x0]  }
0x1f2: {  	_ =	swait.ge [sflag:s21], $0x600  }
0x1f3: {  	[sflag:s21] =	ssyncset.done $0x0  }
0x1f4: {  	[sflag:s21] =	ssyncadd.s32 $0xFFFFFA00  }
0x1f5: {  	[spmem:s2] =	stream.indirect.scatter.add.f32 [tilespmem:s19], [sflag:$0x7], $0x18, s0, s18, $0xb8;
	v63 =	vld [tilespmem:$0x0]  }
0x1f6: {  	_ =	swait.ge [sflag:s22], $0x600  }
0x1f7: {  	[sflag:s22] =	ssyncset.done $0x0  }
0x1f8: {  	[sflag:s22] =	ssyncadd.s32 $0xFFFFFA00  }
0x1f9: {  	[spmem:s2] =	stream.indirect.scatter.add.f32 [tilespmem:s20], [sflag:$0x8], $0x18, s1, s18, $0xb8;
	v63 =	vld [tilespmem:$0x0]  }
0x1fa: {  	_ =	swait.ge [sflag:s23], $0x600  }
0x1fb: {  	[sflag:s23] =	ssyncset.done $0x0  }
0x1fc: {  	[sflag:s23] =	ssyncadd.s32 $0xFFFFFA00  }
0x1fd: {  	_ =	swait.ge [sflag:s24], $0x600  }
0x1fe: {  	[sflag:s24] =	ssyncset.done $0x0  }
0x1ff: {  	[sflag:s24] =	ssyncadd.s32 $0xFFFFFA00  }
0x200: {  	[bflag:$0x0] =	sbarrier.arrive $0xFFFF  }
0x201: {  	s11 =	sld [smem:$0x7FD];
	_ =	sdelay $0x1  }
0x202: {  	s9 =	rddreg [dreg:$0x1f]  }
0x203: {  	[hbm:s9], [sflag:s10] =	dma.local [spmem:s11], $0x3D80  }
0x204: {  	_ =	swait.ge [sflag:s12], $0x3D80  }
0x205: {  	s25 =	sld [smem:$0x7FA];
	_ =	sdelay $0x1  }
0x206: {  	s5 =	sadd.s32 $0x1, s5  }
0x207: {  	p0 =	sne.s32 s5, s25  }
.Ltmp1:
0x208: {  	_ = 	snop;
	(pc) =	sbr.rel @p0 .LBB2_1-.Ltmp1, $3  }
0x209: {  	_ =	sdelay $0x1  }
0x20a: {  	[sflag:s12] =	ssyncset.done $0x0  }
0x20b: {  	[sflag:s12] =	ssyncadd.s32 $0xFFFFC280  }
0x20c: {  	_ =	sfence.sel $0x180000  }
0x20d: {  	[bflag:$0x0] =	sbarrier.arrive $0xFFFF  }
0x20e: {  	_ =	strace $0x9000004A  }
0x20f: {  	s0 =	stileid.u32;
	[bflag:$0x2] =	sbarrier.arrive $0xFFFF  }
0x210: {  	p0 =	sne.s32 s0, $0x0;
	s0 =	rddreg [dreg:$0x2]  }
0x211: {  	s0 =	sadd.s32 @!p0 $0x100000, s0  }
0x212: {  	[sflag:s0] =	ssyncadd.tile.s32 @!p0 $0x1;
	_ =	shalt  }
.Lfunc_end2:
_tile_overlayer_lowered:
.L_overlay_start_2:
0x213: {  	(tag) =	ssettag $0x2  }
0x214: {  	s0 =	rddreg [dreg:$0x0];
	s2 =	stileid.u32  }
0x215: {  	s1 =	rddreg [dreg:$0x1];
	p0 =	sne.s32 s2, $0x0  }
0x216: {  	s3 =	rddreg [dreg:$0x2];
	[bflag:$0x3] =	sbarrier.arrive $0xFFFF;
	s2 =	simm.s32 @!p0 $0x1C09  }
0x217: {  	[timem:s3], [sflag:s2] =	dma.local @!p0 [hbm:s0], s1  }
0x218: {  	s0 =	simm.s32 @!p0 $0x9  }
0x219: {  	_ =	swait.ge @!p0 [sflag:s0], s1  }
0x21a: {  	s1 =	ssub.s32 @!p0 $0x0, s1;
	[sflag:s0] =	ssyncset.done @!p0 $0x0  }
0x21b: {  	[sflag:s0] =	ssyncadd.s32 @!p0 s1  }
0x21c: {  	[bflag:$0x3] =	sbarrier.arrive $0xFFFF  }
0x21d: {  	_ =	shalt  }

// kernel: kernel.15.cloned.1.call-start
scs
__scs_entry_jumppad:
0x0: {  	(pc) =	sbr.rel $0x88, $3  }
0x1: {  	(tag) =	ssettag $0x0;
	lr =	simm.s32 $0x1  }
0x2: {  	[smem:$0x3F97] =	sst lr;
	_ =	strace $0xD0000000  }
0x3: {  	_ = 	snop  }
0x4: {  	_ = 	snop  }
0x5: {  	_ = 	snop  }
0x6: {  	_ = 	snop  }
0x7: {  	_ = 	snop  }
__scs_overlays_trampoline_lowered:
0x8: {  	[smem:$0x3FA6] =	sst s0  }
0x9: {  	[smem:$0x3FA7] =	sst s1  }
0xa: {  	[smem:$0x3FA8] =	sst s2  }
0xb: {  	[smem:$0x3FA9] =	sst s3  }
0xc: {  	[smem:$0x3FAA] =	sst s4  }
0xd: {  	[smem:$0x3FAB] =	sst s5  }
0xe: {  	[smem:$0x3FAC] =	sst s6  }
0xf: {  	[smem:$0x3FAD] =	sst s7  }
0x10: {  	[smem:$0x3FAE] =	sst s8  }
0x11: {  	[smem:$0x3FAF] =	sst s9;
	s0 =	simm.s32 @!p0 $0x0  }
0x12: {  	s1 =	sld [smem:$0x3F95];
	s0 =	simm.s32 @p0 $0x1  }
0x13: {  	[smem:$0x3FB0] =	sst s0;
	s0 =	simm.s32 @!p1 $0x0  }
0x14: {  	s2 =	sld [smem:$0x3F94];
	s0 =	simm.s32 @p1 $0x1  }
0x15: {  	[smem:$0x3FB1] =	sst s0;
	s0 =	simm.s32 @!p2 $0x0  }
0x16: {  	s3 =	sld [smem:$0x3FDB];
	s0 =	simm.s32 @p2 $0x1  }
0x17: {  	s4 =	simm.s32 $0x1BF5;
	[smem:$0x3FB3] =	sst s0  }
0x18: {  	s0 =	sld [smem:$0x3F96];
	_ =	swait.ge [sflag:s4], $0x0  }
0x19: {  	s7 =	sld [smem:$0x3F97]  }
0x1a: {  	s8 =	sadd.s32 $0xFFFFE003, lr  }
0x1b: {  	s9 =	sadd.s32 $0xFFFFFEF7, lr;
	s5 =	simm.s32 $0xFFFFFFFF;
	p2 =	slt.u32 s8, $0xFFFFF086  }
0x1c: {  	p1 =	slt.u32 s9, $0xF7A;
	s5 =	simm.s32 @!p2 $0x0  }
0x1d: {  	s5 =	simm.s32 @p1 $0x1;
	p0 =	seq.s32 s7, s2  }
0x1e: {  	s7 =	smul.u32 @!p0 $0xF7A, s2;
	p2 =	seq.s32 @!p0 s5, $0x0  }
0x1f: {  	s9 =	smul.u32 $0xF7A, s1;
	s8 =	simm.s32 @!p0 $0x1BF5;
	p2 =	por !p2, p0  }
0x20: {  	[sflag:s8] =	ssyncset.s32 @!p0 $0xFFFFF086;
	s6 =	sadd.s32 @!p0 s3, s7;
	s7 =	simm.s32 @!p0 $0x108  }
0x21: {  	s3 =	sadd.s32 s3, s9;
	s6 =	sadd.s32 @!p0 $0x88, s6;
	s7 =	simm.s32 @p2 $0x1082  }
0x22: {  	[simem:s7], [sflag:s8] =	dma.local @!p0 [hbm:s6], $0xF7A  }
0x23: {  	s9 =	sor.u32 $0xD0000000, s2;
	s6 =	simm.s32 $0x108;
	_ =	swait.ge @!p0 [sflag:s8], $0x0  }
0x24: {  	s3 =	sadd.s32 $0x88, s3;
	s6 =	simm.s32 @!p1 $0x1082;
	[sflag:s4] =	ssyncset.s32 $0xFFFFF086  }
0x25: {  	[simem:s6], [sflag:s4] =	dma.local [hbm:s3], $0xF7A  }
0x26: {  	[smem:$0x3F97] =	sst s1;
	(tag) =	ssettag s2;
	_ =	strace s9  }
0x27: {  	s1 =	sld [smem:$0x3FA7]  }
0x28: {  	s2 =	sld [smem:$0x3FA8]  }
0x29: {  	s4 =	sld [smem:$0x3FAA]  }
0x2a: {  	p0 =	seq.s32 s5, $0x0;
	s5 =	sld [smem:$0x3FAB]  }
0x2b: {  	s6 =	sld [smem:$0x3FAC]  }
0x2c: {  	s7 =	sld [smem:$0x3FAD]  }
0x2d: {  	s3 =	simm.s32 $0x108;
	s8 =	sld [smem:$0x3FAE]  }
0x2e: {  	s3 =	simm.s32 @!p0 $0x1082;
	s9 =	sld [smem:$0x3FAF]  }
0x2f: {  	lr =	sadd.s32 s0, s3;
	s0 =	sld [smem:$0x3FA6]  }
0x30: {  	s3 =	sld [smem:$0x3FA9]  }
0x31: {  	[smem:$0x3FB2] =	sst s10  }
0x32: {  	s10 =	sld [smem:$0x3FB0];
	_ =	sdelay $0x3  }
0x33: {  	p0 =	seq.s32 s10, $0x1;
	s10 =	sld [smem:$0x3FB2];
	_ =	sdelay $0x3  }
0x34: {  	[smem:$0x3FB2] =	sst s10  }
0x35: {  	s10 =	sld [smem:$0x3FB1];
	_ =	sdelay $0x3  }
0x36: {  	p1 =	seq.s32 s10, $0x1;
	s10 =	sld [smem:$0x3FB2];
	_ =	sdelay $0x3  }
0x37: {  	[smem:$0x3FB2] =	sst s10  }
0x38: {  	s10 =	sld [smem:$0x3FB3]  }
0x39: {  	_ = 	snop;
	(pc) =	sbr.ind lr, $3  }
0x3a: {  	_ = 	snop  }
0x3b: {  	_ = 	snop  }
0x3c: {  	p2 =	seq.s32 s10, $0x1;
	s10 =	sld [smem:$0x3FB2]  }
0x3d: {  	_ =	shalt  }
0x3e: {  	_ =	shalt  }
0x3f: {  	_ =	shalt  }
0x40: {  	_ =	shalt  }
0x41: {  	_ =	shalt  }
0x42: {  	_ =	shalt  }
0x43: {  	_ =	shalt  }
0x44: {  	_ =	shalt  }
0x45: {  	_ =	shalt  }
0x46: {  	_ =	shalt  }
0x47: {  	_ =	shalt  }
0x48: {  	_ =	shalt  }
0x49: {  	_ =	shalt  }
0x4a: {  	_ =	shalt  }
0x4b: {  	_ =	shalt  }
0x4c: {  	_ =	shalt  }
0x4d: {  	_ =	shalt  }
0x4e: {  	_ =	shalt  }
0x4f: {  	_ =	shalt  }
0x50: {  	_ =	shalt  }
0x51: {  	_ =	shalt  }
0x52: {  	_ =	shalt  }
0x53: {  	_ =	shalt  }
0x54: {  	_ =	shalt  }
0x55: {  	_ =	shalt  }
0x56: {  	_ =	shalt  }
0x57: {  	_ =	shalt  }
0x58: {  	_ =	shalt  }
0x59: {  	_ =	shalt  }
0x5a: {  	_ =	shalt  }
0x5b: {  	_ =	shalt  }
0x5c: {  	_ =	shalt  }
0x5d: {  	_ =	shalt  }
0x5e: {  	_ =	shalt  }
0x5f: {  	_ =	shalt  }
0x60: {  	_ =	shalt  }
0x61: {  	_ =	shalt  }
0x62: {  	_ =	shalt  }
0x63: {  	_ =	shalt  }
0x64: {  	_ =	shalt  }
0x65: {  	_ =	shalt  }
0x66: {  	_ =	shalt  }
0x67: {  	_ =	shalt  }
0x68: {  	_ =	shalt  }
0x69: {  	_ =	shalt  }
0x6a: {  	_ =	shalt  }
0x6b: {  	_ =	shalt  }
0x6c: {  	_ =	shalt  }
0x6d: {  	_ =	shalt  }
0x6e: {  	_ =	shalt  }
0x6f: {  	_ =	shalt  }
0x70: {  	_ =	shalt  }
0x71: {  	_ =	shalt  }
0x72: {  	_ =	shalt  }
0x73: {  	_ =	shalt  }
0x74: {  	_ =	shalt  }
0x75: {  	_ =	shalt  }
0x76: {  	_ =	shalt  }
0x77: {  	_ =	shalt  }
0x78: {  	_ =	shalt  }
0x79: {  	_ =	shalt  }
0x7a: {  	_ =	shalt  }
0x7b: {  	_ =	shalt  }
0x7c: {  	_ =	shalt  }
0x7d: {  	_ =	shalt  }
0x7e: {  	_ =	shalt  }
0x7f: {  	_ =	shalt  }
0x80: {  	_ =	shalt  }
0x81: {  	_ =	shalt  }
0x82: {  	_ =	shalt  }
0x83: {  	_ =	shalt  }
0x84: {  	_ =	shalt  }
0x85: {  	_ =	shalt  }
0x86: {  	_ =	shalt  }
0x87: {  	_ =	shalt  }
.Lfunc_end0:
.L_simem_size_0:
called_computation.2_lowered:
.L_overlay_start_0:
0x88: {  	s2 =	sld [smem:$0x3FD9]  }
0x89: {  	s3 =	sld [smem:$0x3FFE];
	_ =	sdelay $0x1  }
0x8a: {  	s1 =	srdreg.scid  }
0x8b: {  	s0 =	sand.u32 $0x1, s1  }
0x8c: {  	s16 =	sshll.u32 s0, $0xA;
	s2 =	sadd.s32 s3, s2  }
0x8d: {  	s2 =	sadd.s32 s2, s16  }
0x8e: {  	[smem:$0x3FBE] =	sst s2  }
0x8f: {  	_ = 	snop  }
0x90: {  	(tm) =	ssettm $0x1  }
0x91: {  	s17 =	sld [smem:$0x3FFB];
	_ =	sdelay $0x3  }
0x92: {  	_ =	strace s17  }
0x93: {  	s2 =	sld [smem:$0x3FFC];
	_ =	sdelay $0x3  }
0x94: {  	_ =	strace s2  }
0x95: {  	s2 =	sld [smem:$0x3FFD];
	_ =	sdelay $0x3  }
0x96: {  	_ =	strace s2  }
0x97: {  	_ =	strace $0x8FFFFFFF  }
0x98: {  	s18 =	sld [smem:$0x3FDB];
	_ =	sdelay $0x1  }
0x99: {  	s19 =	simm.s32 $_scs_section_size  }
0x9a: {  	s4 =	simm.s32 $_size__tile_overlayer_lowered;
	s5 =	simm.s32 $_tile_overlayer_lowered  }
0x9b: {  	s22 =	simm.s32 $0x1BFF;
	s21 =	sshll.u32 s5, $0x1;
	s2 =	sadd.s32 s19, s18  }
0x9c: {  	s6 =	simm.s32 $0x0;
	s20 =	sshll.u32 s4, $0x1;
	s4 =	sadd.s32 s21, s2  }
0x9d: {  	[timem:s6], [sflag:s22] =	dma.local [hbm:s4], s20  }
0x9e: {  	_ =	swait.ge [sflag:s22], s20  }
0x9f: {  	s3 =	ssub.s32 $0x0, s20;
	[sflag:s22] =	ssyncset.done $0x0  }
0xa0: {  	[sflag:s22] =	ssyncadd.s32 s3;
	_ =	sdelay $0x1  }
0xa1: {  	s23 =	simm.s32 $0x1B8B  }
0xa2: {  	_ =	swait.ge [sflag:s23], $0x1  }
0xa3: {  	[sflag:s23] =	ssyncset.done $0x0  }
0xa4: {  	s25 =	simm.s32 $0x1B8E;
	s24 =	sld [smem:$0x3FFE];
	[sflag:s23] =	ssyncadd.s32 $0xFFFFFFFF  }
0xa5: {  	s26 =	simm.s32 $execute0_lowered;
	[smem:$0x3FD2] =	sst s25  }
0xa6: {  	s4 =	sshll.u32 s26, $0x1;
	_ =	strace $0x8000004C;
	[dreg:$0x1] =	wrdreg $0xFFFFFFFF  }
0xa7: {  	s28 =	simm.s32 $_size_execute0_lowered;
	s2 =	sadd.s32 s2, s4;
	[dreg:$0x0] =	wrdreg $0x0  }
0xa8: {  	s4 =	sshll.u32 s28, $0x1;
	[dreg:$0x2] =	wrdreg s2  }
0xa9: {  	[dreg:$0x3] =	wrdreg s4  }
0xaa: {  	[dreg:$0x4] =	wrdreg $0xC0  }
0xab: {  	_ =	task [dreg:s6], $0x5FFFF  }
0xac: {  	[dreg:$0x1] =	wrdreg $0xFFFFFFFF  }
0xad: {  	[dreg:$0x0] =	wrdreg $0x60  }
0xae: {  	[dreg:$0x2] =	wrdreg s24  }
0xaf: {  	[dreg:$0x3] =	wrdreg $0x14000  }
0xb0: {  	[dreg:$0x4] =	wrdreg $0x9  }
0xb1: {  	_ =	task.clear_ibuf [dreg:s6], $0x5FFFF;
	_ =	strace $0x9000004C  }
0xb2: {  	s29 =	simm.s32 $0x9;
	_ =	strace $0x8000004E  }
0xb3: {  	_ =	swait.ge [sflag:s29], $0x1  }
0xb4: {  	[sflag:s29] =	ssyncadd.s32 $0xFFFFFFFF  }
0xb5: {  	_ =	strace $0x9000004E  }
0xb6: {  	_ =	sfence  }
0xb7: {  	s30 =	sld [smem:$0x0];
	_ =	sdelay $0x2  }
0xb8: {  	s31 =	sshll.u32 s1, $0xD;
	s1 =	sshrl.u32 s1, $0x2  }
0xb9: {  	s3 =	sand.u32 $0x4000, s31;
	s1 =	sadd.s32 s1, s30  }
0xba: {  	s0 =	sor.u32 s3, s0;
	s1 =	sshll.u32 s1, $0x11  }
0xbb: {  	s0 =	sor.u32 s1, s0  }
0xbc: {  	s0 =	sadd.s32 $0x8F2B, s0  }
0xbd: {  	[sflag:s0] =	ssyncadd.remote.s32 $0x1  }
0xbe: {  	_ =	sfence.sel $0xFFFF  }
0xbf: {  	[dreg:$0x0] =	wrdreg $0xFFFFFFFF;
	(pc) =	sbr.abs _section_cstart, $3  }
0xc0: {  	[dreg:$0x1] =	wrdreg $0xFFFFFFFF  }
0xc1: {  	_ =	task.clear_ibuf [dreg:s6], $0x2FFFF;
	_ =	strace $0x9FFFFFFF  }
0xc2: {  	(tm) =	ssettm $0x7FFFFFFF  }
0xc3: {  	_ =	shalt  }
tec
execute0_lowered:
.L_overlay_start_1:
0x0: {  	(tag) =	ssettag $0x1  }
0x1: {  	s0 =	rddreg [dreg:$0x0]  }
0x2: {  	s2 =	rddreg [dreg:$0x1]  }
0x3: {  	s3 =	simm.s32 $0x0;
	s1 =	srdreg.scid;
	s15 =	stileid.u32  }
0x4: {  	s20 =	simm.s32 $0x440;
	s22 =	simm.s32 $0x80;
	s23 =	simm.s32 $0xC0  }
0x5: {  	s28 =	simm.s32 $0x4;
	s29 =	simm.s32 $0x740;
	s30 =	simm.s32 $0x380  }
0x6: {  	s31 =	simm.s32 $0x3C0;
	[smem:$0x7FF] =	sst s3;
	s5 =	smul.u32 $0x3D80, s15  }
0x7: {  	s1 =	sand.u32 $0x1, s1;
	s4 =	sadd.s32 $0xA6200, s0;
	s25 =	smul.u32 $0x29000, s15  }
0x8: {  	s7 =	sadd.s32 $0x2200, s0;
	s8 =	sadd.s32 $0x54200, s0;
	s13 =	smul.u32 $0x1EC00, s15  }
0x9: {  	s9 =	sadd.s32 $0xE3A00, s0;
	s12 =	sshll.u32 s15, $0x1;
	s21 =	smul.u32 $0x7B000, s15  }
0xa: {  	_ =	strace $0x8000004D;
	s6 =	smul.u32 $0x3D800, s1;
	[dreg:$0x7] =	wrdreg s20  }
0xb: {  	s26 =	ssub.s32 $0x2, s1;
	s10 =	smul.u32 $0x14800, s1;
	[dreg:$0x8] =	wrdreg s22  }
0xc: {  	s14 =	sor.u32 s1, s12;
	p0 =	seq.s32 s1, $0x0;
	[dreg:$0x9] =	wrdreg s23  }
0xd: {  	s20 =	simm.s32 $0x2C0;
	s22 =	simm.s32 $0x6C0;
	s23 =	simm.s32 $0x300  }
0xe: {  	s11 =	sshrl.u32 s26, $0x1;
	s1 =	sadd.s32 s13, s2;
	s12 =	sshrl.u32 s13, $0x3  }
0xf: {  	s16 =	smul.u32 $0x14800, s14;
	s24 =	sshrl.u32 s21, $0x2;
	[dreg:$0x17] =	wrdreg s20  }
0x10: {  	s9 =	smov.u32 @p0 s4;
	s13 =	simm.s32 $0x180;
	[dreg:$0x19] =	wrdreg s22  }
0x11: {  	s21 =	simm.s32 $0x680;
	s20 =	simm.s32 $0xE00;
	[dreg:$0x1a] =	wrdreg s23  }
0x12: {  	s22 =	simm.s32 $0x6;
	s5 =	sadd.s32 s5, s6;
	[dreg:$0x10] =	wrdreg s13  }
0x13: {  	s6 =	sadd.s32 s10, s25;
	s25 =	simm.s32 $0x480;
	[dreg:$0x18] =	wrdreg s21  }
0x14: {  	s23 =	simm.s32 $0x7;
	s9 =	sadd.s32 s9, s12;
	[dreg:$0xa] =	wrdreg s25  }
0x15: {  	s12 =	simm.s32 $0x540;
	s1 =	sshrl.u32 s1, $0x3;
	[smem:$0x7FB] =	sst s9  }
0x16: {  	s13 =	simm.s32 $0x400;
	s0 =	sadd.s32 s5, s0;
	[dreg:$0xf] =	wrdreg s12  }
0x17: {  	s5 =	ssub.s32 s26, s11;
	s26 =	simm.s32 $0x4C0;
	[smem:$0x7FC] =	sst s1  }
0x18: {  	s18 =	sshrl.u32 s16, $0x3;
	s16 =	simm.s32 $0x5C0;
	[dreg:$0xb] =	wrdreg s26  }
0x19: {  	s21 =	simm.s32 $0x5;
	s25 =	simm.s32 $0x700;
	[dreg:$0x13] =	wrdreg s16  }
0x1a: {  	s10 =	sor.u32 $0x400, s6;
	s19 =	sadd.s32 s8, s18;
	[dreg:$0x1c] =	wrdreg s25  }
0x1b: {  	s11 =	smul.u32 $0x2900, s14;
	s0 =	sadd.s32 $0x121200, s0;
	[dreg:$0x1e] =	wrdreg s19  }
0x1c: {  	s6 =	sor.u32 $0x200, s6;
	s5 =	smax.u32 s5, $0x1;
	[dreg:$0x1f] =	wrdreg s0  }
0x1d: {  	s10 =	sshrl.u32 s10, $0x3;
	s18 =	simm.s32 $0x640;
	[smem:$0x7FA] =	sst s5  }
0x1e: {  	s12 =	simm.s32 $0x9;
	s14 =	sadd.s32 s10, s8;
	[dreg:$0x15] =	wrdreg s18  }
0x1f: {  	s1 =	simm.s32 $0x7C0;
	s11 =	sadd.s32 s7, s11;
	[dreg:$0x3] =	wrdreg s14  }
0x20: {  	s6 =	sshrl.u32 s6, $0x3;
	s10 =	sadd.s32 s10, s7;
	[dreg:$0x1d] =	wrdreg s11  }
0x21: {  	s16 =	simm.s32 $0x200;
	s17 =	sadd.s32 s6, s8;
	[dreg:$0x4] =	wrdreg s10  }
0x22: {  	s6 =	sadd.s32 s6, s7;
	s7 =	simm.s32 $0x100;
	[dreg:$0x5] =	wrdreg s17  }
0x23: {  	s8 =	simm.s32 $0x140;
	s19 =	simm.s32 $0x280;
	[dreg:$0x6] =	wrdreg s6  }
0x24: {  	s18 =	simm.s32 $0x40;
	s0 =	simm.s32 $0x780;
	[dreg:$0xc] =	wrdreg s7  }
0x25: {  	s5 =	simm.s32 $0x0;
	s6 =	sadd.s32 s24, s2;
	[dreg:$0xd] =	wrdreg s8  }
0x26: {  	s10 =	simm.s32 $0x500;
	s11 =	sshll.u32 s15, $0x6;
	[dreg:$0x16] =	wrdreg s19  }
0x27: {  	s14 =	simm.s32 $0x1C0;
	s15 =	simm.s32 $0x580;
	[dreg:$0xe] =	wrdreg s10  }
0x28: {  	s17 =	simm.s32 $0x240;
	s19 =	simm.s32 $0x800;
	[dreg:$0x11] =	wrdreg s14  }
0x29: {  	s24 =	simm.s32 $0x340;
	s10 =	sor.u32 $0x1C09, s11;
	[dreg:$0x12] =	wrdreg s15  }
0x2a: {  	s14 =	simm.s32 $0x1;
	s15 =	simm.s32 $0x3;
	[dreg:$0x14] =	wrdreg s17  }
0x2b: {  	s17 =	simm.s32 $0x600;
	[dreg:$0x1b] =	wrdreg s24;
	s26 =	sshrl.u32 s6, $0x3  }
0x2c: {  	s24 =	simm.s32 $0x8;
	[smem:$0x7FD] =	sst s26;
	s26 =	simm.s32 $0x2  }
.LBB2_1:
0x2d: {  	s6 =	sld [smem:$0x7FB]  }
0x2e: {  	s7 =	sld [smem:$0x7FC];
	_ =	sdelay $0x2  }
0x2f: {  	[spmem:s7], [sflag:s10] =	dma.local [hbm:s6], $0x3D80  }
0x30: {  	_ =	swait.ge [sflag:s12], $0x3D80  }
0x31: {  	[sflag:s12] =	ssyncset.done $0x0  }
0x32: {  	[sflag:s12] =	ssyncadd.s32 $0xFFFFC280  }
0x33: {  	[bflag:$0x0] =	sbarrier.arrive $0xFFFF  }
0x34: {  	p0 =	por $0x1, $0x1;
	s11 =	rddreg [dreg:$0x1d]  }
0x35: {  	[tilespmem:s3], [sflag:$0x1] =	stream.linear.gather [hbm4b:s11+s3], $0x200, $0x38;
	v63 =	vld [tilespmem:$0x0]  }
0x36: {  	s6 =	simm.s32 @!p0 $0x7;
	s25 =	rddreg [dreg:$0x1e]  }
0x37: {  	[tilespmem:s13], [sflag:$0x3] =	stream.linear.gather [hbm4b:s25+s3], $0x200, $0x38;
	v63 =	vld [tilespmem:$0x0]  }
0x38: {  	_ =	swait.ge @!p0 [sflag:s6], $0x600  }
0x39: {  	[sflag:s6] =	ssyncset.done @!p0 $0x0  }
0x3a: {  	[sflag:s6] =	ssyncadd.s32 @!p0 $0xFFFFFA00;
	s6 =	simm.s32 @!p0 $0x8  }
0x3b: {  	_ =	swait.ge @!p0 [sflag:s6], $0x600  }
0x3c: {  	[sflag:s6] =	ssyncset.done @!p0 $0x0  }
0x3d: {  	[sflag:s6] =	ssyncadd.s32 @!p0 $0xFFFFFA00  }
0x3e: {  	_ =	swait.ge [sflag:s14], $0x200  }
0x3f: {  	[sflag:s14] =	ssyncset.done $0x0  }
0x40: {  	[sflag:s14] =	ssyncadd.s32 $0xFFFFFE00  }
0x41: {  	_ =	swait.ge [sflag:s15], $0x200  }
0x42: {  	s7 =	rddreg [dreg:$0x6];
	[sflag:s15] =	ssyncset.done $0x0  }
0x43: {  	s8 =	rddreg [dreg:$0x5];
	[sflag:s15] =	ssyncadd.s32 $0xFFFFFE00;
	s6 =	sadd.s32 $0x0, s7  }
0x44: {  	[tilespmem:s16], [sflag:$0x2] =	stream.linear.gather [hbm4b:s6+s3], $0x200, $0x38;
	v63 =	vld [tilespmem:$0x0]  }
0x45: {  	s9 =	sadd.s32 $0x0, s8  }
0x46: {  	[tilespmem:s17], [sflag:$0x4] =	stream.linear.gather [hbm4b:s9+s3], $0x200, $0x38;
	v63 =	vld [tilespmem:$0x0]  }
0x47: {  	_ = 	snop  }
0x48: {  	[tilespmem:s19], [sflag:$0x5] =	stream.indirect.gather [hbm4b:s4+s18], $0x18, s3, s18, $0xb8;
	v63 =	vld [tilespmem:$0x0]  }
0x49: {  	_ = 	snop  }
0x4a: {  	[tilespmem:s20], [sflag:$0x6] =	stream.indirect.gather [hbm4b:s4+s18], $0x18, s18, s18, $0xb8;
	v63 =	vld [tilespmem:$0x0]  }
0x4b: {  	_ =	swait.ge [sflag:s21], $0x600  }
0x4c: {  	[sflag:s21] =	ssyncset.done $0x0  }
0x4d: {  	[sflag:s21] =	ssyncadd.s32 $0xFFFFFA00  }
0x4e: {  	[spmem:s2] =	stream.indirect.scatter.add.f32 [tilespmem:s19], [sflag:$0x7], $0x18, s13, s18, $0xb8;
	v63 =	vld [tilespmem:$0x0]  }
0x4f: {  	_ =	swait.ge [sflag:s22], $0x600  }
0x50: {  	[sflag:s22] =	ssyncset.done $0x0  }
0x51: {  	s11 =	rddreg [dreg:$0x7];
	[sflag:s22] =	ssyncadd.s32 $0xFFFFFA00  }
0x52: {  	[spmem:s2] =	stream.indirect.scatter.add.f32 [tilespmem:s20], [sflag:$0x8], $0x18, s11, s18, $0xb8;
	v63 =	vld [tilespmem:$0x0]  }
0x53: {  	_ =	swait.ge [sflag:s23], $0x600  }
0x54: {  	[sflag:s23] =	ssyncset.done $0x0  }
0x55: {  	s25 =	rddreg [dreg:$0x8];
	[sflag:s23] =	ssyncadd.s32 $0xFFFFFA00  }
0x56: {  	[tilespmem:s19], [sflag:$0x5] =	stream.indirect.gather [hbm4b:s4+s18], $0x18, s25, s18, $0xb8;
	v63 =	vld [tilespmem:$0x0]  }
0x57: {  	_ =	swait.ge [sflag:s24], $0x600  }
0x58: {  	[sflag:s24] =	ssyncset.done $0x0  }
0x59: {  	s7 =	rddreg [dreg:$0x9];
	[sflag:s24] =	ssyncadd.s32 $0xFFFFFA00  }
0x5a: {  	[tilespmem:s20], [sflag:$0x6] =	stream.indirect.gather [hbm4b:s4+s18], $0x18, s7, s18, $0xb8;
	v63 =	vld [tilespmem:$0x0]  }
0x5b: {  	_ =	swait.ge [sflag:s21], $0x600  }
0x5c: {  	[sflag:s21] =	ssyncset.done $0x0  }
0x5d: {  	s8 =	rddreg [dreg:$0xa];
	[sflag:s21] =	ssyncadd.s32 $0xFFFFFA00  }
0x5e: {  	[spmem:s2] =	stream.indirect.scatter.add.f32 [tilespmem:s19], [sflag:$0x7], $0x18, s8, s18, $0xb8;
	v63 =	vld [tilespmem:$0x0]  }
0x5f: {  	_ =	swait.ge [sflag:s22], $0x600  }
0x60: {  	[sflag:s22] =	ssyncset.done $0x0  }
0x61: {  	s9 =	rddreg [dreg:$0xb];
	[sflag:s22] =	ssyncadd.s32 $0xFFFFFA00  }
0x62: {  	[spmem:s2] =	stream.indirect.scatter.add.f32 [tilespmem:s20], [sflag:$0x8], $0x18, s9, s18, $0xb8;
	v63 =	vld [tilespmem:$0x0]  }
0x63: {  	_ =	swait.ge [sflag:s23], $0x600  }
0x64: {  	[sflag:s23] =	ssyncset.done $0x0  }
0x65: {  	s11 =	rddreg [dreg:$0xc];
	[sflag:s23] =	ssyncadd.s32 $0xFFFFFA00  }
0x66: {  	[tilespmem:s19], [sflag:$0x5] =	stream.indirect.gather [hbm4b:s4+s18], $0x18, s11, s18, $0xb8;
	v63 =	vld [tilespmem:$0x0]  }
0x67: {  	_ =	swait.ge [sflag:s24], $0x600  }
0x68: {  	[sflag:s24] =	ssyncset.done $0x0  }
0x69: {  	s25 =	rddreg [dreg:$0xd];
	[sflag:s24] =	ssyncadd.s32 $0xFFFFFA00  }
0x6a: {  	[tilespmem:s20], [sflag:$0x6] =	stream.indirect.gather [hbm4b:s4+s18], $0x18, s25, s18, $0xb8;
	v63 =	vld [tilespmem:$0x0]  }
0x6b: {  	_ =	swait.ge [sflag:s21], $0x600  }
0x6c: {  	[sflag:s21] =	ssyncset.done $0x0  }
0x6d: {  	s7 =	rddreg [dreg:$0xe];
	[sflag:s21] =	ssyncadd.s32 $0xFFFFFA00  }
0x6e: {  	[spmem:s2] =	stream.indirect.scatter.add.f32 [tilespmem:s19], [sflag:$0x7], $0x18, s7, s18, $0xb8;
	v63 =	vld [tilespmem:$0x0]  }
0x6f: {  	_ =	swait.ge [sflag:s22], $0x600  }
0x70: {  	[sflag:s22] =	ssyncset.done $0x0  }
0x71: {  	s8 =	rddreg [dreg:$0xf];
	[sflag:s22] =	ssyncadd.s32 $0xFFFFFA00  }
0x72: {  	[spmem:s2] =	stream.indirect.scatter.add.f32 [tilespmem:s20], [sflag:$0x8], $0x18, s8, s18, $0xb8;
	v63 =	vld [tilespmem:$0x0]  }
0x73: {  	_ =	swait.ge [sflag:s23], $0x600  }
0x74: {  	[sflag:s23] =	ssyncset.done $0x0  }
0x75: {  	s9 =	rddreg [dreg:$0x10];
	[sflag:s23] =	ssyncadd.s32 $0xFFFFFA00  }
0x76: {  	[tilespmem:s19], [sflag:$0x5] =	stream.indirect.gather [hbm4b:s4+s18], $0x18, s9, s18, $0xb8;
	v63 =	vld [tilespmem:$0x0]  }
0x77: {  	_ =	swait.ge [sflag:s24], $0x600  }
0x78: {  	[sflag:s24] =	ssyncset.done $0x0  }
0x79: {  	s11 =	rddreg [dreg:$0x11];
	[sflag:s24] =	ssyncadd.s32 $0xFFFFFA00  }
0x7a: {  	[tilespmem:s20], [sflag:$0x6] =	stream.indirect.gather [hbm4b:s4+s18], $0x18, s11, s18, $0xb8;
	v63 =	vld [tilespmem:$0x0]  }
0x7b: {  	_ =	swait.ge [sflag:s21], $0x600  }
0x7c: {  	[sflag:s21] =	ssyncset.done $0x0  }
0x7d: {  	s25 =	rddreg [dreg:$0x12];
	[sflag:s21] =	ssyncadd.s32 $0xFFFFFA00  }
0x7e: {  	[spmem:s2] =	stream.indirect.scatter.add.f32 [tilespmem:s19], [sflag:$0x7], $0x18, s25, s18, $0xb8;
	v63 =	vld [tilespmem:$0x0]  }
0x7f: {  	_ =	swait.ge [sflag:s22], $0x600  }
0x80: {  	[sflag:s22] =	ssyncset.done $0x0  }
0x81: {  	s7 =	rddreg [dreg:$0x13];
	[sflag:s22] =	ssyncadd.s32 $0xFFFFFA00  }
0x82: {  	[spmem:s2] =	stream.indirect.scatter.add.f32 [tilespmem:s20], [sflag:$0x8], $0x18, s7, s18, $0xb8;
	v63 =	vld [tilespmem:$0x0]  }
0x83: {  	_ =	swait.ge [sflag:s23], $0x600  }
0x84: {  	[sflag:s23] =	ssyncset.done $0x0  }
0x85: {  	[sflag:s23] =	ssyncadd.s32 $0xFFFFFA00  }
0x86: {  	_ =	swait.ge [sflag:s24], $0x600  }
0x87: {  	[sflag:s24] =	ssyncset.done $0x0  }
0x88: {  	[sflag:s24] =	ssyncadd.s32 $0xFFFFFA00  }
0x89: {  	_ =	swait.ge [sflag:s26], $0x200  }
0x8a: {  	[sflag:s26] =	ssyncset.done $0x0  }
0x8b: {  	[sflag:s26] =	ssyncadd.s32 $0xFFFFFE00  }
0x8c: {  	p0 =	por $0x0, $0x0;
	_ =	swait.ge [sflag:s28], $0x200  }
0x8d: {  	s8 =	simm.s32 @!p0 $0x0;
	s6 =	rddreg [dreg:$0x4];
	[sflag:s28] =	ssyncset.done $0x0  }
0x8e: {  	s7 =	rddreg [dreg:$0x3];
	[sflag:s28] =	ssyncadd.s32 $0xFFFFFE00;
	s6 =	sadd.s32 @!p0 $0x0, s6  }
0x8f: {  	[tilespmem:s8], [sflag:$0x1] =	stream.linear.gather @!p0 [hbm4b:s6+s8], $0x200, $0x38;
	v63 =	vld [tilespmem:$0x0]  }
0x90: {  	s6 =	sadd.s32 @!p0 $0x0, s7;
	s7 =	simm.s32 @!p0 $0x400  }
0x91: {  	[tilespmem:s7], [sflag:$0x3] =	stream.linear.gather @!p0 [hbm4b:s6+s8], $0x200, $0x38;
	v63 =	vld [tilespmem:$0x0]  }
0x92: {  	_ = 	snop  }
0x93: {  	[tilespmem:s19], [sflag:$0x5] =	stream.indirect.gather [hbm4b:s4+s18], $0x18, s16, s18, $0xb8;
	v63 =	vld [tilespmem:$0x0]  }
0x94: {  	s8 =	rddreg [dreg:$0x14]  }
0x95: {  	[tilespmem:s20], [sflag:$0x6] =	stream.indirect.gather [hbm4b:s4+s18], $0x18, s8, s18, $0xb8;
	v63 =	vld [tilespmem:$0x0]  }
0x96: {  	_ =	swait.ge [sflag:s21], $0x600  }
0x97: {  	[sflag:s21] =	ssyncset.done $0x0  }
0x98: {  	[sflag:s21] =	ssyncadd.s32 $0xFFFFFA00  }
0x99: {  	[spmem:s2] =	stream.indirect.scatter.add.f32 [tilespmem:s19], [sflag:$0x7], $0x18, s17, s18, $0xb8;
	v63 =	vld [tilespmem:$0x0]  }
0x9a: {  	_ =	swait.ge [sflag:s22], $0x600  }
0x9b: {  	[sflag:s22] =	ssyncset.done $0x0  }
0x9c: {  	s9 =	rddreg [dreg:$0x15];
	[sflag:s22] =	ssyncadd.s32 $0xFFFFFA00  }
0x9d: {  	[spmem:s2] =	stream.indirect.scatter.add.f32 [tilespmem:s20], [sflag:$0x8], $0x18, s9, s18, $0xb8;
	v63 =	vld [tilespmem:$0x0]  }
0x9e: {  	_ =	swait.ge [sflag:s23], $0x600  }
0x9f: {  	[sflag:s23] =	ssyncset.done $0x0  }
0xa0: {  	s11 =	rddreg [dreg:$0x16];
	[sflag:s23] =	ssyncadd.s32 $0xFFFFFA00  }
0xa1: {  	[tilespmem:s19], [sflag:$0x5] =	stream.indirect.gather [hbm4b:s4+s18], $0x18, s11, s18, $0xb8;
	v63 =	vld [tilespmem:$0x0]  }
0xa2: {  	_ =	swait.ge [sflag:s24], $0x600  }
0xa3: {  	[sflag:s24] =	ssyncset.done $0x0  }
0xa4: {  	s25 =	rddreg [dreg:$0x17];
	[sflag:s24] =	ssyncadd.s32 $0xFFFFFA00  }
0xa5: {  	[tilespmem:s20], [sflag:$0x6] =	stream.indirect.gather [hbm4b:s4+s18], $0x18, s25, s18, $0xb8;
	v63 =	vld [tilespmem:$0x0]  }
0xa6: {  	_ =	swait.ge [sflag:s21], $0x600  }
0xa7: {  	[sflag:s21] =	ssyncset.done $0x0  }
0xa8: {  	s7 =	rddreg [dreg:$0x18];
	[sflag:s21] =	ssyncadd.s32 $0xFFFFFA00  }
0xa9: {  	[spmem:s2] =	stream.indirect.scatter.add.f32 [tilespmem:s19], [sflag:$0x7], $0x18, s7, s18, $0xb8;
	v63 =	vld [tilespmem:$0x0]  }
0xaa: {  	_ =	swait.ge [sflag:s22], $0x600  }
0xab: {  	[sflag:s22] =	ssyncset.done $0x0  }
0xac: {  	s8 =	rddreg [dreg:$0x19];
	[sflag:s22] =	ssyncadd.s32 $0xFFFFFA00  }
0xad: {  	[spmem:s2] =	stream.indirect.scatter.add.f32 [tilespmem:s20], [sflag:$0x8], $0x18, s8, s18, $0xb8;
	v63 =	vld [tilespmem:$0x0]  }
0xae: {  	_ =	swait.ge [sflag:s23], $0x600  }
0xaf: {  	[sflag:s23] =	ssyncset.done $0x0  }
0xb0: {  	s9 =	rddreg [dreg:$0x1a];
	[sflag:s23] =	ssyncadd.s32 $0xFFFFFA00  }
0xb1: {  	[tilespmem:s19], [sflag:$0x5] =	stream.indirect.gather [hbm4b:s4+s18], $0x18, s9, s18, $0xb8;
	v63 =	vld [tilespmem:$0x0]  }
0xb2: {  	_ =	swait.ge [sflag:s24], $0x600  }
0xb3: {  	[sflag:s24] =	ssyncset.done $0x0  }
0xb4: {  	s11 =	rddreg [dreg:$0x1b];
	[sflag:s24] =	ssyncadd.s32 $0xFFFFFA00  }
0xb5: {  	[tilespmem:s20], [sflag:$0x6] =	stream.indirect.gather [hbm4b:s4+s18], $0x18, s11, s18, $0xb8;
	v63 =	vld [tilespmem:$0x0]  }
0xb6: {  	_ =	swait.ge [sflag:s21], $0x600  }
0xb7: {  	[sflag:s21] =	ssyncset.done $0x0  }
0xb8: {  	s25 =	rddreg [dreg:$0x1c];
	[sflag:s21] =	ssyncadd.s32 $0xFFFFFA00  }
0xb9: {  	[spmem:s2] =	stream.indirect.scatter.add.f32 [tilespmem:s19], [sflag:$0x7], $0x18, s25, s18, $0xb8;
	v63 =	vld [tilespmem:$0x0]  }
0xba: {  	_ =	swait.ge [sflag:s22], $0x600  }
0xbb: {  	[sflag:s22] =	ssyncset.done $0x0  }
0xbc: {  	[sflag:s22] =	ssyncadd.s32 $0xFFFFFA00  }
0xbd: {  	[spmem:s2] =	stream.indirect.scatter.add.f32 [tilespmem:s20], [sflag:$0x8], $0x18, s29, s18, $0xb8;
	v63 =	vld [tilespmem:$0x0]  }
0xbe: {  	_ =	swait.ge [sflag:s23], $0x600  }
0xbf: {  	[sflag:s23] =	ssyncset.done $0x0  }
0xc0: {  	[sflag:s23] =	ssyncadd.s32 $0xFFFFFA00  }
0xc1: {  	[tilespmem:s19], [sflag:$0x5] =	stream.indirect.gather [hbm4b:s4+s18], $0x18, s30, s18, $0xb8;
	v63 =	vld [tilespmem:$0x0]  }
0xc2: {  	_ =	swait.ge [sflag:s24], $0x600  }
0xc3: {  	[sflag:s24] =	ssyncset.done $0x0  }
0xc4: {  	[sflag:s24] =	ssyncadd.s32 $0xFFFFFA00  }
0xc5: {  	[tilespmem:s20], [sflag:$0x6] =	stream.indirect.gather [hbm4b:s4+s18], $0x18, s31, s18, $0xb8;
	v63 =	vld [tilespmem:$0x0]  }
0xc6: {  	_ =	swait.ge [sflag:s21], $0x600  }
0xc7: {  	[sflag:s21] =	ssyncset.done $0x0  }
0xc8: {  	[sflag:s21] =	ssyncadd.s32 $0xFFFFFA00  }
0xc9: {  	[spmem:s2] =	stream.indirect.scatter.add.f32 [tilespmem:s19], [sflag:$0x7], $0x18, s0, s18, $0xb8;
	v63 =	vld [tilespmem:$0x0]  }
0xca: {  	p1 =	por $0x0, $0x0;
	_ =	swait.ge [sflag:s22], $0x600  }
0xcb: {  	s6 =	simm.s32 $0x80;
	s7 =	simm.s32 $0x100;
	[sflag:s22] =	ssyncset.done $0x0  }
.LBB2_2:
0xcc: {  	s9 =	simm.s32 @!p1 $0x7;
	[sflag:s22] =	ssyncadd.s32 $0xFFFFFA00  }
0xcd: {  	[spmem:s2] =	stream.indirect.scatter.add.f32 [tilespmem:s20], [sflag:$0x8], $0x18, s1, s18, $0xb8;
	v63 =	vld [tilespmem:$0x0]  }
0xce: {  	_ =	swait.ge @!p1 [sflag:s9], $0x600  }
0xcf: {  	[sflag:s9] =	ssyncset.done @!p1 $0x0  }
0xd0: {  	[sflag:s9] =	ssyncadd.s32 @!p1 $0xFFFFFA00;
	s9 =	simm.s32 @!p1 $0x8  }
0xd1: {  	_ =	swait.ge @!p1 [sflag:s9], $0x600  }
0xd2: {  	[sflag:s9] =	ssyncset.done @!p1 $0x0  }
0xd3: {  	[sflag:s9] =	ssyncadd.s32 @!p1 $0xFFFFFA00  }
0xd4: {  	_ =	swait.ge [sflag:s14], $0x200  }
0xd5: {  	[sflag:s14] =	ssyncset.done $0x0  }
0xd6: {  	[sflag:s14] =	ssyncadd.s32 $0xFFFFFE00  }
0xd7: {  	_ =	swait.ge [sflag:s15], $0x200  }
0xd8: {  	s25 =	rddreg [dreg:$0x6];
	[sflag:s15] =	ssyncset.done $0x0  }
0xd9: {  	s11 =	rddreg [dreg:$0x5];
	[sflag:s15] =	ssyncadd.s32 $0xFFFFFE00;
	s9 =	sadd.s32 s6, s25  }
0xda: {  	[tilespmem:s16], [sflag:$0x2] =	stream.linear.gather [hbm4b:s9+s3], $0x200, $0x38;
	v63 =	vld [tilespmem:$0x0]  }
0xdb: {  	s11 =	sadd.s32 s6, s11  }
0xdc: {  	[tilespmem:s17], [sflag:$0x4] =	stream.linear.gather [hbm4b:s11+s3], $0x200, $0x38;
	v63 =	vld [tilespmem:$0x0]  }
0xdd: {  	_ = 	snop  }
0xde: {  	[tilespmem:s19], [sflag:$0x5] =	stream.indirect.gather [hbm4b:s4+s18], $0x18, s3, s18, $0xb8;
	v63 =	vld [tilespmem:$0x0]  }
0xdf: {  	_ = 	snop  }
0xe0: {  	[tilespmem:s20], [sflag:$0x6] =	stream.indirect.gather [hbm4b:s4+s18], $0x18, s18, s18, $0xb8;
	v63 =	vld [tilespmem:$0x0]  }
0xe1: {  	_ =	swait.ge [sflag:s21], $0x600  }
0xe2: {  	[sflag:s21] =	ssyncset.done $0x0  }
0xe3: {  	[sflag:s21] =	ssyncadd.s32 $0xFFFFFA00  }
0xe4: {  	[spmem:s2] =	stream.indirect.scatter.add.f32 [tilespmem:s19], [sflag:$0x7], $0x18, s13, s18, $0xb8;
	v63 =	vld [tilespmem:$0x0]  }
0xe5: {  	_ =	swait.ge [sflag:s22], $0x600  }
0xe6: {  	[sflag:s22] =	ssyncset.done $0x0  }
0xe7: {  	s25 =	rddreg [dreg:$0x7];
	[sflag:s22] =	ssyncadd.s32 $0xFFFFFA00  }
0xe8: {  	[spmem:s2] =	stream.indirect.scatter.add.f32 [tilespmem:s20], [sflag:$0x8], $0x18, s25, s18, $0xb8;
	v63 =	vld [tilespmem:$0x0]  }
0xe9: {  	_ =	swait.ge [sflag:s23], $0x600  }
0xea: {  	[sflag:s23] =	ssyncset.done $0x0  }
0xeb: {  	s11 =	rddreg [dreg:$0x8];
	[sflag:s23] =	ssyncadd.s32 $0xFFFFFA00  }
0xec: {  	[tilespmem:s19], [sflag:$0x5] =	stream.indirect.gather [hbm4b:s4+s18], $0x18, s11, s18, $0xb8;
	v63 =	vld [tilespmem:$0x0]  }
0xed: {  	_ =	swait.ge [sflag:s24], $0x600  }
0xee: {  	[sflag:s24] =	ssyncset.done $0x0  }
0xef: {  	s25 =	rddreg [dreg:$0x9];
	[sflag:s24] =	ssyncadd.s32 $0xFFFFFA00  }
0xf0: {  	[tilespmem:s20], [sflag:$0x6] =	stream.indirect.gather [hbm4b:s4+s18], $0x18, s25, s18, $0xb8;
	v63 =	vld [tilespmem:$0x0]  }
0xf1: {  	_ =	swait.ge [sflag:s21], $0x600  }
0xf2: {  	[sflag:s21] =	ssyncset.done $0x0  }
0xf3: {  	s11 =	rddreg [dreg:$0xa];
	[sflag:s21] =	ssyncadd.s32 $0xFFFFFA00  }
0xf4: {  	[spmem:s2] =	stream.indirect.scatter.add.f32 [tilespmem:s19], [sflag:$0x7], $0x18, s11, s18, $0xb8;
	v63 =	vld [tilespmem:$0x0]  }
0xf5: {  	_ =	swait.ge [sflag:s22], $0x600  }
0xf6: {  	[sflag:s22] =	ssyncset.done $0x0  }
0xf7: {  	s25 =	rddreg [dreg:$0xb];
	[sflag:s22] =	ssyncadd.s32 $0xFFFFFA00  }
0xf8: {  	[spmem:s2] =	stream.indirect.scatter.add.f32 [tilespmem:s20], [sflag:$0x8], $0x18, s25, s18, $0xb8;
	v63 =	vld [tilespmem:$0x0]  }
0xf9: {  	_ =	swait.ge [sflag:s23], $0x600  }
0xfa: {  	[sflag:s23] =	ssyncset.done $0x0  }
0xfb: {  	s11 =	rddreg [dreg:$0xc];
	[sflag:s23] =	ssyncadd.s32 $0xFFFFFA00  }
0xfc: {  	[tilespmem:s19], [sflag:$0x5] =	stream.indirect.gather [hbm4b:s4+s18], $0x18, s11, s18, $0xb8;
	v63 =	vld [tilespmem:$0x0]  }
0xfd: {  	_ =	swait.ge [sflag:s24], $0x600  }
0xfe: {  	[sflag:s24] =	ssyncset.done $0x0  }
0xff: {  	s25 =	rddreg [dreg:$0xd];
	[sflag:s24] =	ssyncadd.s32 $0xFFFFFA00  }
0x100: {  	[tilespmem:s20], [sflag:$0x6] =	stream.indirect.gather [hbm4b:s4+s18], $0x18, s25, s18, $0xb8;
	v63 =	vld [tilespmem:$0x0]  }
0x101: {  	_ =	swait.ge [sflag:s21], $0x600  }
0x102: {  	[sflag:s21] =	ssyncset.done $0x0  }
0x103: {  	s11 =	rddreg [dreg:$0xe];
	[sflag:s21] =	ssyncadd.s32 $0xFFFFFA00  }
0x104: {  	[spmem:s2] =	stream.indirect.scatter.add.f32 [tilespmem:s19], [sflag:$0x7], $0x18, s11, s18, $0xb8;
	v63 =	vld [tilespmem:$0x0]  }
0x105: {  	_ =	swait.ge [sflag:s22], $0x600  }
0x106: {  	[sflag:s22] =	ssyncset.done $0x0  }
0x107: {  	s25 =	rddreg [dreg:$0xf];
	[sflag:s22] =	ssyncadd.s32 $0xFFFFFA00  }
0x108: {  	[spmem:s2] =	stream.indirect.scatter.add.f32 [tilespmem:s20], [sflag:$0x8], $0x18, s25, s18, $0xb8;
	v63 =	vld [tilespmem:$0x0]  }
0x109: {  	_ =	swait.ge [sflag:s23], $0x600  }
0x10a: {  	[sflag:s23] =	ssyncset.done $0x0  }
0x10b: {  	s11 =	rddreg [dreg:$0x10];
	[sflag:s23] =	ssyncadd.s32 $0xFFFFFA00  }
0x10c: {  	[tilespmem:s19], [sflag:$0x5] =	stream.indirect.gather [hbm4b:s4+s18], $0x18, s11, s18, $0xb8;
	v63 =	vld [tilespmem:$0x0]  }
0x10d: {  	_ =	swait.ge [sflag:s24], $0x600  }
0x10e: {  	[sflag:s24] =	ssyncset.done $0x0  }
0x10f: {  	s25 =	rddreg [dreg:$0x11];
	[sflag:s24] =	ssyncadd.s32 $0xFFFFFA00  }
0x110: {  	[tilespmem:s20], [sflag:$0x6] =	stream.indirect.gather [hbm4b:s4+s18], $0x18, s25, s18, $0xb8;
	v63 =	vld [tilespmem:$0x0]  }
0x111: {  	_ =	swait.ge [sflag:s21], $0x600  }
0x112: {  	[sflag:s21] =	ssyncset.done $0x0  }
0x113: {  	s11 =	rddreg [dreg:$0x12];
	[sflag:s21] =	ssyncadd.s32 $0xFFFFFA00  }
0x114: {  	[spmem:s2] =	stream.indirect.scatter.add.f32 [tilespmem:s19], [sflag:$0x7], $0x18, s11, s18, $0xb8;
	v63 =	vld [tilespmem:$0x0]  }
0x115: {  	_ =	swait.ge [sflag:s22], $0x600  }
0x116: {  	[sflag:s22] =	ssyncset.done $0x0  }
0x117: {  	s25 =	rddreg [dreg:$0x13];
	[sflag:s22] =	ssyncadd.s32 $0xFFFFFA00  }
0x118: {  	[spmem:s2] =	stream.indirect.scatter.add.f32 [tilespmem:s20], [sflag:$0x8], $0x18, s25, s18, $0xb8;
	v63 =	vld [tilespmem:$0x0]  }
0x119: {  	_ =	swait.ge [sflag:s23], $0x600  }
0x11a: {  	[sflag:s23] =	ssyncset.done $0x0  }
0x11b: {  	[sflag:s23] =	ssyncadd.s32 $0xFFFFFA00  }
0x11c: {  	_ =	swait.ge [sflag:s24], $0x600  }
0x11d: {  	[sflag:s24] =	ssyncset.done $0x0  }
0x11e: {  	[sflag:s24] =	ssyncadd.s32 $0xFFFFFA00  }
0x11f: {  	_ =	swait.ge [sflag:s26], $0x200  }
0x120: {  	[sflag:s26] =	ssyncset.done $0x0  }
0x121: {  	[sflag:s26] =	ssyncadd.s32 $0xFFFFFE00  }
0x122: {  	p1 =	seq.s32 s6, $0x2880;
	_ =	swait.ge [sflag:s28], $0x200  }
0x123: {  	s25 =	simm.s32 @!p1 $0x0;
	s9 =	rddreg [dreg:$0x4];
	[sflag:s28] =	ssyncset.done $0x0  }
0x124: {  	s11 =	rddreg [dreg:$0x3];
	[sflag:s28] =	ssyncadd.s32 $0xFFFFFE00;
	s9 =	sadd.s32 @!p1 s6, s9  }
0x125: {  	[tilespmem:s25], [sflag:$0x1] =	stream.linear.gather @!p1 [hbm4b:s9+s25], $0x200, $0x38;
	v63 =	vld [tilespmem:$0x0]  }
0x126: {  	s9 =	sadd.s32 @!p1 s6, s11;
	s11 =	simm.s32 @!p1 $0x400  }
0x127: {  	[tilespmem:s11], [sflag:$0x3] =	stream.linear.gather @!p1 [hbm4b:s9+s25], $0x200, $0x38;
	v63 =	vld [tilespmem:$0x0]  }
0x128: {  	_ = 	snop  }
0x129: {  	[tilespmem:s19], [sflag:$0x5] =	stream.indirect.gather [hbm4b:s4+s18], $0x18, s16, s18, $0xb8;
	v63 =	vld [tilespmem:$0x0]  }
0x12a: {  	s9 =	rddreg [dreg:$0x14]  }
0x12b: {  	[tilespmem:s20], [sflag:$0x6] =	stream.indirect.gather [hbm4b:s4+s18], $0x18, s9, s18, $0xb8;
	v63 =	vld [tilespmem:$0x0]  }
0x12c: {  	_ =	swait.ge [sflag:s21], $0x600  }
0x12d: {  	[sflag:s21] =	ssyncset.done $0x0  }
0x12e: {  	[sflag:s21] =	ssyncadd.s32 $0xFFFFFA00  }
0x12f: {  	[spmem:s2] =	stream.indirect.scatter.add.f32 [tilespmem:s19], [sflag:$0x7], $0x18, s17, s18, $0xb8;
	v63 =	vld [tilespmem:$0x0]  }
0x130: {  	_ =	swait.ge [sflag:s22], $0x600  }
0x131: {  	[sflag:s22] =	ssyncset.done $0x0  }
0x132: {  	s11 =	rddreg [dreg:$0x15];
	[sflag:s22] =	ssyncadd.s32 $0xFFFFFA00  }
0x133: {  	[spmem:s2] =	stream.indirect.scatter.add.f32 [tilespmem:s20], [sflag:$0x8], $0x18, s11, s18, $0xb8;
	v63 =	vld [tilespmem:$0x0]  }
0x134: {  	_ =	swait.ge [sflag:s23], $0x600  }
0x135: {  	[sflag:s23] =	ssyncset.done $0x0  }
0x136: {  	s25 =	rddreg [dreg:$0x16];
	[sflag:s23] =	ssyncadd.s32 $0xFFFFFA00  }
0x137: {  	[tilespmem:s19], [sflag:$0x5] =	stream.indirect.gather [hbm4b:s4+s18], $0x18, s25, s18, $0xb8;
	v63 =	vld [tilespmem:$0x0]  }
0x138: {  	_ =	swait.ge [sflag:s24], $0x600  }
0x139: {  	[sflag:s24] =	ssyncset.done $0x0  }
0x13a: {  	s9 =	rddreg [dreg:$0x17];
	[sflag:s24] =	ssyncadd.s32 $0xFFFFFA00  }
0x13b: {  	[tilespmem:s20], [sflag:$0x6] =	stream.indirect.gather [hbm4b:s4+s18], $0x18, s9, s18, $0xb8;
	v63 =	vld [tilespmem:$0x0]  }
0x13c: {  	_ =	swait.ge [sflag:s21], $0x600  }
0x13d: {  	[sflag:s21] =	ssyncset.done $0x0  }
0x13e: {  	s11 =	rddreg [dreg:$0x18];
	[sflag:s21] =	ssyncadd.s32 $0xFFFFFA00  }
0x13f: {  	[spmem:s2] =	stream.indirect.scatter.add.f32 [tilespmem:s19], [sflag:$0x7], $0x18, s11, s18, $0xb8;
	v63 =	vld [tilespmem:$0x0]  }
0x140: {  	_ =	swait.ge [sflag:s22], $0x600  }
0x141: {  	[sflag:s22] =	ssyncset.done $0x0  }
0x142: {  	s25 =	rddreg [dreg:$0x19];
	[sflag:s22] =	ssyncadd.s32 $0xFFFFFA00  }
0x143: {  	[spmem:s2] =	stream.indirect.scatter.add.f32 [tilespmem:s20], [sflag:$0x8], $0x18, s25, s18, $0xb8;
	v63 =	vld [tilespmem:$0x0]  }
0x144: {  	_ =	swait.ge [sflag:s23], $0x600  }
0x145: {  	[sflag:s23] =	ssyncset.done $0x0  }
0x146: {  	s9 =	rddreg [dreg:$0x1a];
	[sflag:s23] =	ssyncadd.s32 $0xFFFFFA00  }
0x147: {  	[tilespmem:s19], [sflag:$0x5] =	stream.indirect.gather [hbm4b:s4+s18], $0x18, s9, s18, $0xb8;
	v63 =	vld [tilespmem:$0x0]  }
0x148: {  	_ =	swait.ge [sflag:s24], $0x600  }
0x149: {  	[sflag:s24] =	ssyncset.done $0x0  }
0x14a: {  	s11 =	rddreg [dreg:$0x1b];
	[sflag:s24] =	ssyncadd.s32 $0xFFFFFA00  }
0x14b: {  	[tilespmem:s20], [sflag:$0x6] =	stream.indirect.gather [hbm4b:s4+s18], $0x18, s11, s18, $0xb8;
	v63 =	vld [tilespmem:$0x0]  }
0x14c: {  	_ =	swait.ge [sflag:s21], $0x600  }
0x14d: {  	[sflag:s21] =	ssyncset.done $0x0  }
0x14e: {  	s25 =	rddreg [dreg:$0x1c];
	[sflag:s21] =	ssyncadd.s32 $0xFFFFFA00  }
0x14f: {  	[spmem:s2] =	stream.indirect.scatter.add.f32 [tilespmem:s19], [sflag:$0x7], $0x18, s25, s18, $0xb8;
	v63 =	vld [tilespmem:$0x0]  }
0x150: {  	_ =	swait.ge [sflag:s22], $0x600  }
0x151: {  	[sflag:s22] =	ssyncset.done $0x0  }
0x152: {  	[sflag:s22] =	ssyncadd.s32 $0xFFFFFA00  }
0x153: {  	[spmem:s2] =	stream.indirect.scatter.add.f32 [tilespmem:s20], [sflag:$0x8], $0x18, s29, s18, $0xb8;
	v63 =	vld [tilespmem:$0x0]  }
0x154: {  	_ =	swait.ge [sflag:s23], $0x600  }
0x155: {  	[sflag:s23] =	ssyncset.done $0x0  }
0x156: {  	[sflag:s23] =	ssyncadd.s32 $0xFFFFFA00  }
0x157: {  	[tilespmem:s19], [sflag:$0x5] =	stream.indirect.gather [hbm4b:s4+s18], $0x18, s30, s18, $0xb8;
	v63 =	vld [tilespmem:$0x0]  }
0x158: {  	_ =	swait.ge [sflag:s24], $0x600  }
0x159: {  	[sflag:s24] =	ssyncset.done $0x0  }
0x15a: {  	s8 =	smov.u32 s7;
	s7 =	sadd.s32 $0x80, s7;
	[sflag:s24] =	ssyncadd.s32 $0xFFFFFA00  }
0x15b: {  	[tilespmem:s20], [sflag:$0x6] =	stream.indirect.gather [hbm4b:s4+s18], $0x18, s31, s18, $0xb8;
	v63 =	vld [tilespmem:$0x0]  }
0x15c: {  	p0 =	sne.s32 s7, $0x2900;
	_ =	swait.ge [sflag:s21], $0x600  }
.Ltmp0:
0x15d: {  	[sflag:s21] =	ssyncset.done $0x0;
	(pc) =	sbr.rel @p0 .LBB2_2-.Ltmp0, $4  }
0x15e: {  	[sflag:s21] =	ssyncadd.s32 $0xFFFFFA00  }
0x15f: {  	[spmem:s2] =	stream.indirect.scatter.add.f32 [tilespmem:s19], [sflag:$0x7], $0x18, s0, s18, $0xb8;
	v63 =	vld [tilespmem:$0x0]  }
0x160: {  	s6 =	smov.u32 s8;
	_ =	swait.ge [sflag:s22], $0x600  }
0x161: {  	p1 =	seq.s32 s6, $0x0;
	[sflag:s22] =	ssyncset.done $0x0  }
0x162: {  	s7 =	simm.s32 @!p1 $0x7;
	[sflag:s22] =	ssyncadd.s32 $0xFFFFFA00  }
0x163: {  	[spmem:s2] =	stream.indirect.scatter.add.f32 [tilespmem:s20], [sflag:$0x8], $0x18, s1, s18, $0xb8;
	v63 =	vld [tilespmem:$0x0]  }
0x164: {  	_ =	swait.ge @!p1 [sflag:s7], $0x600  }
0x165: {  	[sflag:s7] =	ssyncset.done @!p1 $0x0  }
0x166: {  	[sflag:s7] =	ssyncadd.s32 @!p1 $0xFFFFFA00;
	s7 =	simm.s32 @!p1 $0x8  }
0x167: {  	_ =	swait.ge @!p1 [sflag:s7], $0x600  }
0x168: {  	[sflag:s7] =	ssyncset.done @!p1 $0x0  }
0x169: {  	[sflag:s7] =	ssyncadd.s32 @!p1 $0xFFFFFA00  }
0x16a: {  	_ =	swait.ge [sflag:s14], $0x200  }
0x16b: {  	[sflag:s14] =	ssyncset.done $0x0  }
0x16c: {  	[sflag:s14] =	ssyncadd.s32 $0xFFFFFE00  }
0x16d: {  	_ =	swait.ge [sflag:s15], $0x200  }
0x16e: {  	s25 =	rddreg [dreg:$0x6];
	[sflag:s15] =	ssyncset.done $0x0  }
0x16f: {  	s8 =	rddreg [dreg:$0x5];
	[sflag:s15] =	ssyncadd.s32 $0xFFFFFE00;
	s7 =	sadd.s32 s6, s25  }
0x170: {  	[tilespmem:s16], [sflag:$0x2] =	stream.linear.gather [hbm4b:s7+s3], $0x200, $0x38;
	v63 =	vld [tilespmem:$0x0]  }
0x171: {  	s8 =	sadd.s32 s6, s8  }
0x172: {  	[tilespmem:s17], [sflag:$0x4] =	stream.linear.gather [hbm4b:s8+s3], $0x200, $0x38;
	v63 =	vld [tilespmem:$0x0]  }
0x173: {  	_ = 	snop  }
0x174: {  	[tilespmem:s19], [sflag:$0x5] =	stream.indirect.gather [hbm4b:s4+s18], $0x18, s3, s18, $0xb8;
	v63 =	vld [tilespmem:$0x0]  }
0x175: {  	_ = 	snop  }
0x176: {  	[tilespmem:s20], [sflag:$0x6] =	stream.indirect.gather [hbm4b:s4+s18], $0x18, s18, s18, $0xb8;
	v63 =	vld [tilespmem:$0x0]  }
0x177: {  	_ =	swait.ge [sflag:s21], $0x600  }
0x178: {  	[sflag:s21] =	ssyncset.done $0x0  }
0x179: {  	[sflag:s21] =	ssyncadd.s32 $0xFFFFFA00  }
0x17a: {  	[spmem:s2] =	stream.indirect.scatter.add.f32 [tilespmem:s19], [sflag:$0x7], $0x18, s13, s18, $0xb8;
	v63 =	vld [tilespmem:$0x0]  }
0x17b: {  	_ =	swait.ge [sflag:s22], $0x600  }
0x17c: {  	[sflag:s22] =	ssyncset.done $0x0  }
0x17d: {  	s9 =	rddreg [dreg:$0x7];
	[sflag:s22] =	ssyncadd.s32 $0xFFFFFA00  }
0x17e: {  	[spmem:s2] =	stream.indirect.scatter.add.f32 [tilespmem:s20], [sflag:$0x8], $0x18, s9, s18, $0xb8;
	v63 =	vld [tilespmem:$0x0]  }
0x17f: {  	_ =	swait.ge [sflag:s23], $0x600  }
0x180: {  	[sflag:s23] =	ssyncset.done $0x0  }
0x181: {  	s11 =	rddreg [dreg:$0x8];
	[sflag:s23] =	ssyncadd.s32 $0xFFFFFA00  }
0x182: {  	[tilespmem:s19], [sflag:$0x5] =	stream.indirect.gather [hbm4b:s4+s18], $0x18, s11, s18, $0xb8;
	v63 =	vld [tilespmem:$0x0]  }
0x183: {  	_ =	swait.ge [sflag:s24], $0x600  }
0x184: {  	[sflag:s24] =	ssyncset.done $0x0  }
0x185: {  	s25 =	rddreg [dreg:$0x9];
	[sflag:s24] =	ssyncadd.s32 $0xFFFFFA00  }
0x186: {  	[tilespmem:s20], [sflag:$0x6] =	stream.indirect.gather [hbm4b:s4+s18], $0x18, s25, s18, $0xb8;
	v63 =	vld [tilespmem:$0x0]  }
0x187: {  	_ =	swait.ge [sflag:s21], $0x600  }
0x188: {  	[sflag:s21] =	ssyncset.done $0x0  }
0x189: {  	s8 =	rddreg [dreg:$0xa];
	[sflag:s21] =	ssyncadd.s32 $0xFFFFFA00  }
0x18a: {  	[spmem:s2] =	stream.indirect.scatter.add.f32 [tilespmem:s19], [sflag:$0x7], $0x18, s8, s18, $0xb8;
	v63 =	vld [tilespmem:$0x0]  }
0x18b: {  	_ =	swait.ge [sflag:s22], $0x600  }
0x18c: {  	[sflag:s22] =	ssyncset.done $0x0  }
0x18d: {  	s9 =	rddreg [dreg:$0xb];
	[sflag:s22] =	ssyncadd.s32 $0xFFFFFA00  }
0x18e: {  	[spmem:s2] =	stream.indirect.scatter.add.f32 [tilespmem:s20], [sflag:$0x8], $0x18, s9, s18, $0xb8;
	v63 =	vld [tilespmem:$0x0]  }
0x18f: {  	_ =	swait.ge [sflag:s23], $0x600  }
0x190: {  	[sflag:s23] =	ssyncset.done $0x0  }
0x191: {  	s11 =	rddreg [dreg:$0xc];
	[sflag:s23] =	ssyncadd.s32 $0xFFFFFA00  }
0x192: {  	[tilespmem:s19], [sflag:$0x5] =	stream.indirect.gather [hbm4b:s4+s18], $0x18, s11, s18, $0xb8;
	v63 =	vld [tilespmem:$0x0]  }
0x193: {  	_ =	swait.ge [sflag:s24], $0x600  }
0x194: {  	[sflag:s24] =	ssyncset.done $0x0  }
0x195: {  	s25 =	rddreg [dreg:$0xd];
	[sflag:s24] =	ssyncadd.s32 $0xFFFFFA00  }
0x196: {  	[tilespmem:s20], [sflag:$0x6] =	stream.indirect.gather [hbm4b:s4+s18], $0x18, s25, s18, $0xb8;
	v63 =	vld [tilespmem:$0x0]  }
0x197: {  	_ =	swait.ge [sflag:s21], $0x600  }
0x198: {  	[sflag:s21] =	ssyncset.done $0x0  }
0x199: {  	s8 =	rddreg [dreg:$0xe];
	[sflag:s21] =	ssyncadd.s32 $0xFFFFFA00  }
0x19a: {  	[spmem:s2] =	stream.indirect.scatter.add.f32 [tilespmem:s19], [sflag:$0x7], $0x18, s8, s18, $0xb8;
	v63 =	vld [tilespmem:$0x0]  }
0x19b: {  	_ =	swait.ge [sflag:s22], $0x600  }
0x19c: {  	[sflag:s22] =	ssyncset.done $0x0  }
0x19d: {  	s9 =	rddreg [dreg:$0xf];
	[sflag:s22] =	ssyncadd.s32 $0xFFFFFA00  }
0x19e: {  	[spmem:s2] =	stream.indirect.scatter.add.f32 [tilespmem:s20], [sflag:$0x8], $0x18, s9, s18, $0xb8;
	v63 =	vld [tilespmem:$0x0]  }
0x19f: {  	_ =	swait.ge [sflag:s23], $0x600  }
0x1a0: {  	[sflag:s23] =	ssyncset.done $0x0  }
0x1a1: {  	s11 =	rddreg [dreg:$0x10];
	[sflag:s23] =	ssyncadd.s32 $0xFFFFFA00  }
0x1a2: {  	[tilespmem:s19], [sflag:$0x5] =	stream.indirect.gather [hbm4b:s4+s18], $0x18, s11, s18, $0xb8;
	v63 =	vld [tilespmem:$0x0]  }
0x1a3: {  	_ =	swait.ge [sflag:s24], $0x600  }
0x1a4: {  	[sflag:s24] =	ssyncset.done $0x0  }
0x1a5: {  	s25 =	rddreg [dreg:$0x11];
	[sflag:s24] =	ssyncadd.s32 $0xFFFFFA00  }
0x1a6: {  	[tilespmem:s20], [sflag:$0x6] =	stream.indirect.gather [hbm4b:s4+s18], $0x18, s25, s18, $0xb8;
	v63 =	vld [tilespmem:$0x0]  }
0x1a7: {  	_ =	swait.ge [sflag:s21], $0x600  }
0x1a8: {  	[sflag:s21] =	ssyncset.done $0x0  }
0x1a9: {  	s8 =	rddreg [dreg:$0x12];
	[sflag:s21] =	ssyncadd.s32 $0xFFFFFA00  }
0x1aa: {  	[spmem:s2] =	stream.indirect.scatter.add.f32 [tilespmem:s19], [sflag:$0x7], $0x18, s8, s18, $0xb8;
	v63 =	vld [tilespmem:$0x0]  }
0x1ab: {  	_ =	swait.ge [sflag:s22], $0x600  }
0x1ac: {  	[sflag:s22] =	ssyncset.done $0x0  }
0x1ad: {  	s9 =	rddreg [dreg:$0x13];
	[sflag:s22] =	ssyncadd.s32 $0xFFFFFA00  }
0x1ae: {  	[spmem:s2] =	stream.indirect.scatter.add.f32 [tilespmem:s20], [sflag:$0x8], $0x18, s9, s18, $0xb8;
	v63 =	vld [tilespmem:$0x0]  }
0x1af: {  	_ =	swait.ge [sflag:s23], $0x600  }
0x1b0: {  	[sflag:s23] =	ssyncset.done $0x0  }
0x1b1: {  	[sflag:s23] =	ssyncadd.s32 $0xFFFFFA00  }
0x1b2: {  	_ =	swait.ge [sflag:s24], $0x600  }
0x1b3: {  	[sflag:s24] =	ssyncset.done $0x0  }
0x1b4: {  	[sflag:s24] =	ssyncadd.s32 $0xFFFFFA00  }
0x1b5: {  	_ =	swait.ge [sflag:s26], $0x200  }
0x1b6: {  	[sflag:s26] =	ssyncset.done $0x0  }
0x1b7: {  	[sflag:s26] =	ssyncadd.s32 $0xFFFFFE00  }
0x1b8: {  	p0 =	seq.s32 s6, $0x2880;
	_ =	swait.ge [sflag:s28], $0x200  }
0x1b9: {  	s9 =	simm.s32 @!p0 $0x0;
	s7 =	rddreg [dreg:$0x4];
	[sflag:s28] =	ssyncset.done $0x0  }
0x1ba: {  	s8 =	rddreg [dreg:$0x3];
	[sflag:s28] =	ssyncadd.s32 $0xFFFFFE00;
	s7 =	sadd.s32 @!p0 s6, s7  }
0x1bb: {  	[tilespmem:s9], [sflag:$0x1] =	stream.linear.gather @!p0 [hbm4b:s7+s9], $0x200, $0x38;
	v63 =	vld [tilespmem:$0x0]  }
0x1bc: {  	s6 =	sadd.s32 @!p0 s6, s8;
	s7 =	simm.s32 @!p0 $0x400  }
0x1bd: {  	[tilespmem:s7], [sflag:$0x3] =	stream.linear.gather @!p0 [hbm4b:s6+s9], $0x200, $0x38;
	v63 =	vld [tilespmem:$0x0]  }
0x1be: {  	_ = 	snop  }
0x1bf: {  	[tilespmem:s19], [sflag:$0x5] =	stream.indirect.gather [hbm4b:s4+s18], $0x18, s16, s18, $0xb8;
	v63 =	vld [tilespmem:$0x0]  }
0x1c0: {  	s11 =	rddreg [dreg:$0x14]  }
0x1c1: {  	[tilespmem:s20], [sflag:$0x6] =	stream.indirect.gather [hbm4b:s4+s18], $0x18, s11, s18, $0xb8;
	v63 =	vld [tilespmem:$0x0]  }
0x1c2: {  	_ =	swait.ge [sflag:s21], $0x600  }
0x1c3: {  	[sflag:s21] =	ssyncset.done $0x0  }
0x1c4: {  	[sflag:s21] =	ssyncadd.s32 $0xFFFFFA00  }
0x1c5: {  	[spmem:s2] =	stream.indirect.scatter.add.f32 [tilespmem:s19], [sflag:$0x7], $0x18, s17, s18, $0xb8;
	v63 =	vld [tilespmem:$0x0]  }
0x1c6: {  	_ =	swait.ge [sflag:s22], $0x600  }
0x1c7: {  	[sflag:s22] =	ssyncset.done $0x0  }
0x1c8: {  	s25 =	rddreg [dreg:$0x15];
	[sflag:s22] =	ssyncadd.s32 $0xFFFFFA00  }
0x1c9: {  	[spmem:s2] =	stream.indirect.scatter.add.f32 [tilespmem:s20], [sflag:$0x8], $0x18, s25, s18, $0xb8;
	v63 =	vld [tilespmem:$0x0]  }
0x1ca: {  	_ =	swait.ge [sflag:s23], $0x600  }
0x1cb: {  	[sflag:s23] =	ssyncset.done $0x0  }
0x1cc: {  	s7 =	rddreg [dreg:$0x16];
	[sflag:s23] =	ssyncadd.s32 $0xFFFFFA00  }
0x1cd: {  	[tilespmem:s19], [sflag:$0x5] =	stream.indirect.gather [hbm4b:s4+s18], $0x18, s7, s18, $0xb8;
	v63 =	vld [tilespmem:$0x0]  }
0x1ce: {  	_ =	swait.ge [sflag:s24], $0x600  }
0x1cf: {  	[sflag:s24] =	ssyncset.done $0x0  }
0x1d0: {  	s8 =	rddreg [dreg:$0x17];
	[sflag:s24] =	ssyncadd.s32 $0xFFFFFA00  }
0x1d1: {  	[tilespmem:s20], [sflag:$0x6] =	stream.indirect.gather [hbm4b:s4+s18], $0x18, s8, s18, $0xb8;
	v63 =	vld [tilespmem:$0x0]  }
0x1d2: {  	_ =	swait.ge [sflag:s21], $0x600  }
0x1d3: {  	[sflag:s21] =	ssyncset.done $0x0  }
0x1d4: {  	s9 =	rddreg [dreg:$0x18];
	[sflag:s21] =	ssyncadd.s32 $0xFFFFFA00  }
0x1d5: {  	[spmem:s2] =	stream.indirect.scatter.add.f32 [tilespmem:s19], [sflag:$0x7], $0x18, s9, s18, $0xb8;
	v63 =	vld [tilespmem:$0x0]  }
0x1d6: {  	_ =	swait.ge [sflag:s22], $0x600  }
0x1d7: {  	[sflag:s22] =	ssyncset.done $0x0  }
0x1d8: {  	s11 =	rddreg [dreg:$0x19];
	[sflag:s22] =	ssyncadd.s32 $0xFFFFFA00  }
0x1d9: {  	[spmem:s2] =	stream.indirect.scatter.add.f32 [tilespmem:s20], [sflag:$0x8], $0x18, s11, s18, $0xb8;
	v63 =	vld [tilespmem:$0x0]  }
0x1da: {  	_ =	swait.ge [sflag:s23], $0x600  }
0x1db: {  	[sflag:s23] =	ssyncset.done $0x0  }
0x1dc: {  	s25 =	rddreg [dreg:$0x1a];
	[sflag:s23] =	ssyncadd.s32 $0xFFFFFA00  }
0x1dd: {  	[tilespmem:s19], [sflag:$0x5] =	stream.indirect.gather [hbm4b:s4+s18], $0x18, s25, s18, $0xb8;
	v63 =	vld [tilespmem:$0x0]  }
0x1de: {  	_ =	swait.ge [sflag:s24], $0x600  }
0x1df: {  	[sflag:s24] =	ssyncset.done $0x0  }
0x1e0: {  	s7 =	rddreg [dreg:$0x1b];
	[sflag:s24] =	ssyncadd.s32 $0xFFFFFA00  }
0x1e1: {  	[tilespmem:s20], [sflag:$0x6] =	stream.indirect.gather [hbm4b:s4+s18], $0x18, s7, s18, $0xb8;
	v63 =	vld [tilespmem:$0x0]  }
0x1e2: {  	_ =	swait.ge [sflag:s21], $0x600  }
0x1e3: {  	[sflag:s21] =	ssyncset.done $0x0  }
0x1e4: {  	s8 =	rddreg [dreg:$0x1c];
	[sflag:s21] =	ssyncadd.s32 $0xFFFFFA00  }
0x1e5: {  	[spmem:s2] =	stream.indirect.scatter.add.f32 [tilespmem:s19], [sflag:$0x7], $0x18, s8, s18, $0xb8;
	v63 =	vld [tilespmem:$0x0]  }
0x1e6: {  	_ =	swait.ge [sflag:s22], $0x600  }
0x1e7: {  	[sflag:s22] =	ssyncset.done $0x0  }
0x1e8: {  	[sflag:s22] =	ssyncadd.s32 $0xFFFFFA00  }
0x1e9: {  	[spmem:s2] =	stream.indirect.scatter.add.f32 [tilespmem:s20], [sflag:$0x8], $0x18, s29, s18, $0xb8;
	v63 =	vld [tilespmem:$0x0]  }
0x1ea: {  	_ =	swait.ge [sflag:s23], $0x600  }
0x1eb: {  	[sflag:s23] =	ssyncset.done $0x0  }
0x1ec: {  	[sflag:s23] =	ssyncadd.s32 $0xFFFFFA00  }
0x1ed: {  	[tilespmem:s19], [sflag:$0x5] =	stream.indirect.gather [hbm4b:s4+s18], $0x18, s30, s18, $0xb8;
	v63 =	vld [tilespmem:$0x0]  }
0x1ee: {  	_ =	swait.ge [sflag:s24], $0x600  }
0x1ef: {  	[sflag:s24] =	ssyncset.done $0x0  }
0x1f0: {  	[sflag:s24] =	ssyncadd.s32 $0xFFFFFA00  }
0x1f1: {  	[tilespmem:s20], [sflag:$0x6] =	stream.indirect.gather [hbm4b:s4+s18], $0x18, s31, s18, $0xb8;
	v63 =	vld [tilespmem:$0x0]  }
0x1f2: {  	_ =	swait.ge [sflag:s21], $0x600  }
0x1f3: {  	[sflag:s21] =	ssyncset.done $0x0  }
0x1f4: {  	[sflag:s21] =	ssyncadd.s32 $0xFFFFFA00  }
0x1f5: {  	[spmem:s2] =	stream.indirect.scatter.add.f32 [tilespmem:s19], [sflag:$0x7], $0x18, s0, s18, $0xb8;
	v63 =	vld [tilespmem:$0x0]  }
0x1f6: {  	_ =	swait.ge [sflag:s22], $0x600  }
0x1f7: {  	[sflag:s22] =	ssyncset.done $0x0  }
0x1f8: {  	[sflag:s22] =	ssyncadd.s32 $0xFFFFFA00  }
0x1f9: {  	[spmem:s2] =	stream.indirect.scatter.add.f32 [tilespmem:s20], [sflag:$0x8], $0x18, s1, s18, $0xb8;
	v63 =	vld [tilespmem:$0x0]  }
0x1fa: {  	_ =	swait.ge [sflag:s23], $0x600  }
0x1fb: {  	[sflag:s23] =	ssyncset.done $0x0  }
0x1fc: {  	[sflag:s23] =	ssyncadd.s32 $0xFFFFFA00  }
0x1fd: {  	_ =	swait.ge [sflag:s24], $0x600  }
0x1fe: {  	[sflag:s24] =	ssyncset.done $0x0  }
0x1ff: {  	[sflag:s24] =	ssyncadd.s32 $0xFFFFFA00  }
0x200: {  	[bflag:$0x0] =	sbarrier.arrive $0xFFFF  }
0x201: {  	s11 =	sld [smem:$0x7FD];
	_ =	sdelay $0x1  }
0x202: {  	s9 =	rddreg [dreg:$0x1f]  }
0x203: {  	[hbm:s9], [sflag:s10] =	dma.local [spmem:s11], $0x3D80  }
0x204: {  	_ =	swait.ge [sflag:s12], $0x3D80  }
0x205: {  	s25 =	sld [smem:$0x7FA];
	_ =	sdelay $0x1  }
0x206: {  	s5 =	sadd.s32 $0x1, s5  }
0x207: {  	p0 =	sne.s32 s5, s25  }
.Ltmp1:
0x208: {  	_ = 	snop;
	(pc) =	sbr.rel @p0 .LBB2_1-.Ltmp1, $3  }
0x209: {  	_ =	sdelay $0x1  }
0x20a: {  	[sflag:s12] =	ssyncset.done $0x0  }
0x20b: {  	[sflag:s12] =	ssyncadd.s32 $0xFFFFC280  }
0x20c: {  	_ =	sfence.sel $0x180000  }
0x20d: {  	[bflag:$0x0] =	sbarrier.arrive $0xFFFF  }
0x20e: {  	_ =	strace $0x9000004D  }
0x20f: {  	s0 =	stileid.u32;
	[bflag:$0x2] =	sbarrier.arrive $0xFFFF  }
0x210: {  	p0 =	sne.s32 s0, $0x0;
	s0 =	rddreg [dreg:$0x2]  }
0x211: {  	s0 =	sadd.s32 @!p0 $0x100000, s0  }
0x212: {  	[sflag:s0] =	ssyncadd.tile.s32 @!p0 $0x1;
	_ =	shalt  }
.Lfunc_end2:
_tile_overlayer_lowered:
.L_overlay_start_2:
0x213: {  	(tag) =	ssettag $0x2  }
0x214: {  	s0 =	rddreg [dreg:$0x0];
	s2 =	stileid.u32  }
0x215: {  	s1 =	rddreg [dreg:$0x1];
	p0 =	sne.s32 s2, $0x0  }
0x216: {  	s3 =	rddreg [dreg:$0x2];
	[bflag:$0x3] =	sbarrier.arrive $0xFFFF;
	s2 =	simm.s32 @!p0 $0x1C09  }
0x217: {  	[timem:s3], [sflag:s2] =	dma.local @!p0 [hbm:s0], s1  }
0x218: {  	s0 =	simm.s32 @!p0 $0x9  }
0x219: {  	_ =	swait.ge @!p0 [sflag:s0], s1  }
0x21a: {  	s1 =	ssub.s32 @!p0 $0x0, s1;
	[sflag:s0] =	ssyncset.done @!p0 $0x0  }
0x21b: {  	[sflag:s0] =	ssyncadd.s32 @!p0 s1  }
0x21c: {  	[bflag:$0x3] =	sbarrier.arrive $0xFFFF  }
0x21d: {  	_ =	shalt  }

// kernel: kernel.9.cloned.1.call-start
scs
__scs_entry_jumppad:
0x0: {  	(pc) =	sbr.rel $0x88, $3  }
0x1: {  	(tag) =	ssettag $0x0;
	lr =	simm.s32 $0x1  }
0x2: {  	[smem:$0x3F97] =	sst lr;
	_ =	strace $0xD0000000  }
0x3: {  	_ = 	snop  }
0x4: {  	_ = 	snop  }
0x5: {  	_ = 	snop  }
0x6: {  	_ = 	snop  }
0x7: {  	_ = 	snop  }
__scs_overlays_trampoline_lowered:
0x8: {  	[smem:$0x3FA6] =	sst s0  }
0x9: {  	[smem:$0x3FA7] =	sst s1  }
0xa: {  	[smem:$0x3FA8] =	sst s2  }
0xb: {  	[smem:$0x3FA9] =	sst s3  }
0xc: {  	[smem:$0x3FAA] =	sst s4  }
0xd: {  	[smem:$0x3FAB] =	sst s5  }
0xe: {  	[smem:$0x3FAC] =	sst s6  }
0xf: {  	[smem:$0x3FAD] =	sst s7  }
0x10: {  	[smem:$0x3FAE] =	sst s8  }
0x11: {  	[smem:$0x3FAF] =	sst s9;
	s0 =	simm.s32 @!p0 $0x0  }
0x12: {  	s1 =	sld [smem:$0x3F95];
	s0 =	simm.s32 @p0 $0x1  }
0x13: {  	[smem:$0x3FB0] =	sst s0;
	s0 =	simm.s32 @!p1 $0x0  }
0x14: {  	s2 =	sld [smem:$0x3F94];
	s0 =	simm.s32 @p1 $0x1  }
0x15: {  	[smem:$0x3FB1] =	sst s0;
	s0 =	simm.s32 @!p2 $0x0  }
0x16: {  	s3 =	sld [smem:$0x3FDB];
	s0 =	simm.s32 @p2 $0x1  }
0x17: {  	s4 =	simm.s32 $0x1BF5;
	[smem:$0x3FB3] =	sst s0  }
0x18: {  	s0 =	sld [smem:$0x3F96];
	_ =	swait.ge [sflag:s4], $0x0  }
0x19: {  	s7 =	sld [smem:$0x3F97]  }
0x1a: {  	s8 =	sadd.s32 $0xFFFFE003, lr  }
0x1b: {  	s9 =	sadd.s32 $0xFFFFFEF7, lr;
	s5 =	simm.s32 $0xFFFFFFFF;
	p2 =	slt.u32 s8, $0xFFFFF086  }
0x1c: {  	p1 =	slt.u32 s9, $0xF7A;
	s5 =	simm.s32 @!p2 $0x0  }
0x1d: {  	s5 =	simm.s32 @p1 $0x1;
	p0 =	seq.s32 s7, s2  }
0x1e: {  	s7 =	smul.u32 @!p0 $0xF7A, s2;
	p2 =	seq.s32 @!p0 s5, $0x0  }
0x1f: {  	s9 =	smul.u32 $0xF7A, s1;
	s8 =	simm.s32 @!p0 $0x1BF5;
	p2 =	por !p2, p0  }
0x20: {  	[sflag:s8] =	ssyncset.s32 @!p0 $0xFFFFF086;
	s6 =	sadd.s32 @!p0 s3, s7;
	s7 =	simm.s32 @!p0 $0x108  }
0x21: {  	s3 =	sadd.s32 s3, s9;
	s6 =	sadd.s32 @!p0 $0x88, s6;
	s7 =	simm.s32 @p2 $0x1082  }
0x22: {  	[simem:s7], [sflag:s8] =	dma.local @!p0 [hbm:s6], $0xF7A  }
0x23: {  	s9 =	sor.u32 $0xD0000000, s2;
	s6 =	simm.s32 $0x108;
	_ =	swait.ge @!p0 [sflag:s8], $0x0  }
0x24: {  	s3 =	sadd.s32 $0x88, s3;
	s6 =	simm.s32 @!p1 $0x1082;
	[sflag:s4] =	ssyncset.s32 $0xFFFFF086  }
0x25: {  	[simem:s6], [sflag:s4] =	dma.local [hbm:s3], $0xF7A  }
0x26: {  	[smem:$0x3F97] =	sst s1;
	(tag) =	ssettag s2;
	_ =	strace s9  }
0x27: {  	s1 =	sld [smem:$0x3FA7]  }
0x28: {  	s2 =	sld [smem:$0x3FA8]  }
0x29: {  	s4 =	sld [smem:$0x3FAA]  }
0x2a: {  	p0 =	seq.s32 s5, $0x0;
	s5 =	sld [smem:$0x3FAB]  }
0x2b: {  	s6 =	sld [smem:$0x3FAC]  }
0x2c: {  	s7 =	sld [smem:$0x3FAD]  }
0x2d: {  	s3 =	simm.s32 $0x108;
	s8 =	sld [smem:$0x3FAE]  }
0x2e: {  	s3 =	simm.s32 @!p0 $0x1082;
	s9 =	sld [smem:$0x3FAF]  }
0x2f: {  	lr =	sadd.s32 s0, s3;
	s0 =	sld [smem:$0x3FA6]  }
0x30: {  	s3 =	sld [smem:$0x3FA9]  }
0x31: {  	[smem:$0x3FB2] =	sst s10  }
0x32: {  	s10 =	sld [smem:$0x3FB0];
	_ =	sdelay $0x3  }
0x33: {  	p0 =	seq.s32 s10, $0x1;
	s10 =	sld [smem:$0x3FB2];
	_ =	sdelay $0x3  }
0x34: {  	[smem:$0x3FB2] =	sst s10  }
0x35: {  	s10 =	sld [smem:$0x3FB1];
	_ =	sdelay $0x3  }
0x36: {  	p1 =	seq.s32 s10, $0x1;
	s10 =	sld [smem:$0x3FB2];
	_ =	sdelay $0x3  }
0x37: {  	[smem:$0x3FB2] =	sst s10  }
0x38: {  	s10 =	sld [smem:$0x3FB3]  }
0x39: {  	_ = 	snop;
	(pc) =	sbr.ind lr, $3  }
0x3a: {  	_ = 	snop  }
0x3b: {  	_ = 	snop  }
0x3c: {  	p2 =	seq.s32 s10, $0x1;
	s10 =	sld [smem:$0x3FB2]  }
0x3d: {  	_ =	shalt  }
0x3e: {  	_ =	shalt  }
0x3f: {  	_ =	shalt  }
0x40: {  	_ =	shalt  }
0x41: {  	_ =	shalt  }
0x42: {  	_ =	shalt  }
0x43: {  	_ =	shalt  }
0x44: {  	_ =	shalt  }
0x45: {  	_ =	shalt  }
0x46: {  	_ =	shalt  }
0x47: {  	_ =	shalt  }
0x48: {  	_ =	shalt  }
0x49: {  	_ =	shalt  }
0x4a: {  	_ =	shalt  }
0x4b: {  	_ =	shalt  }
0x4c: {  	_ =	shalt  }
0x4d: {  	_ =	shalt  }
0x4e: {  	_ =	shalt  }
0x4f: {  	_ =	shalt  }
0x50: {  	_ =	shalt  }
0x51: {  	_ =	shalt  }
0x52: {  	_ =	shalt  }
0x53: {  	_ =	shalt  }
0x54: {  	_ =	shalt  }
0x55: {  	_ =	shalt  }
0x56: {  	_ =	shalt  }
0x57: {  	_ =	shalt  }
0x58: {  	_ =	shalt  }
0x59: {  	_ =	shalt  }
0x5a: {  	_ =	shalt  }
0x5b: {  	_ =	shalt  }
0x5c: {  	_ =	shalt  }
0x5d: {  	_ =	shalt  }
0x5e: {  	_ =	shalt  }
0x5f: {  	_ =	shalt  }
0x60: {  	_ =	shalt  }
0x61: {  	_ =	shalt  }
0x62: {  	_ =	shalt  }
0x63: {  	_ =	shalt  }
0x64: {  	_ =	shalt  }
0x65: {  	_ =	shalt  }
0x66: {  	_ =	shalt  }
0x67: {  	_ =	shalt  }
0x68: {  	_ =	shalt  }
0x69: {  	_ =	shalt  }
0x6a: {  	_ =	shalt  }
0x6b: {  	_ =	shalt  }
0x6c: {  	_ =	shalt  }
0x6d: {  	_ =	shalt  }
0x6e: {  	_ =	shalt  }
0x6f: {  	_ =	shalt  }
0x70: {  	_ =	shalt  }
0x71: {  	_ =	shalt  }
0x72: {  	_ =	shalt  }
0x73: {  	_ =	shalt  }
0x74: {  	_ =	shalt  }
0x75: {  	_ =	shalt  }
0x76: {  	_ =	shalt  }
0x77: {  	_ =	shalt  }
0x78: {  	_ =	shalt  }
0x79: {  	_ =	shalt  }
0x7a: {  	_ =	shalt  }
0x7b: {  	_ =	shalt  }
0x7c: {  	_ =	shalt  }
0x7d: {  	_ =	shalt  }
0x7e: {  	_ =	shalt  }
0x7f: {  	_ =	shalt  }
0x80: {  	_ =	shalt  }
0x81: {  	_ =	shalt  }
0x82: {  	_ =	shalt  }
0x83: {  	_ =	shalt  }
0x84: {  	_ =	shalt  }
0x85: {  	_ =	shalt  }
0x86: {  	_ =	shalt  }
0x87: {  	_ =	shalt  }
.Lfunc_end0:
.L_simem_size_0:
called_computation_lowered:
.L_overlay_start_0:
0x88: {  	s2 =	sld [smem:$0x3FD9]  }
0x89: {  	s3 =	sld [smem:$0x3FFE];
	_ =	sdelay $0x1  }
0x8a: {  	s1 =	srdreg.scid  }
0x8b: {  	s0 =	sand.u32 $0x1, s1  }
0x8c: {  	s16 =	sshll.u32 s0, $0xA;
	s2 =	sadd.s32 s3, s2  }
0x8d: {  	s2 =	sadd.s32 s2, s16  }
0x8e: {  	[smem:$0x3FBE] =	sst s2  }
0x8f: {  	_ = 	snop  }
0x90: {  	(tm) =	ssettm $0x1  }
0x91: {  	s17 =	sld [smem:$0x3FFB];
	_ =	sdelay $0x3  }
0x92: {  	_ =	strace s17  }
0x93: {  	s2 =	sld [smem:$0x3FFC];
	_ =	sdelay $0x3  }
0x94: {  	_ =	strace s2  }
0x95: {  	s2 =	sld [smem:$0x3FFD];
	_ =	sdelay $0x3  }
0x96: {  	_ =	strace s2  }
0x97: {  	_ =	strace $0x8FFFFFFF  }
0x98: {  	s18 =	sld [smem:$0x3FDB];
	_ =	sdelay $0x1  }
0x99: {  	s19 =	simm.s32 $_scs_section_size  }
0x9a: {  	s4 =	simm.s32 $_size__tile_overlayer_lowered;
	s5 =	simm.s32 $_tile_overlayer_lowered  }
0x9b: {  	s22 =	simm.s32 $0x1BFF;
	s21 =	sshll.u32 s5, $0x1;
	s2 =	sadd.s32 s19, s18  }
0x9c: {  	s6 =	simm.s32 $0x0;
	s20 =	sshll.u32 s4, $0x1;
	s4 =	sadd.s32 s21, s2  }
0x9d: {  	[timem:s6], [sflag:s22] =	dma.local [hbm:s4], s20  }
0x9e: {  	_ =	swait.ge [sflag:s22], s20  }
0x9f: {  	s3 =	ssub.s32 $0x0, s20;
	[sflag:s22] =	ssyncset.done $0x0  }
0xa0: {  	[sflag:s22] =	ssyncadd.s32 s3;
	_ =	sdelay $0x1  }
0xa1: {  	s23 =	simm.s32 $0x1B8B  }
0xa2: {  	_ =	swait.ge [sflag:s23], $0x1  }
0xa3: {  	[sflag:s23] =	ssyncset.done $0x0  }
0xa4: {  	s25 =	simm.s32 $0x1B8E;
	s24 =	sld [smem:$0x3FFE];
	[sflag:s23] =	ssyncadd.s32 $0xFFFFFFFF  }
0xa5: {  	s26 =	simm.s32 $execute0_lowered;
	[smem:$0x3FD2] =	sst s25  }
0xa6: {  	s4 =	sshll.u32 s26, $0x1;
	_ =	strace $0x80000046;
	[dreg:$0x1] =	wrdreg $0xFFFFFFFF  }
0xa7: {  	s28 =	simm.s32 $_size_execute0_lowered;
	s2 =	sadd.s32 s2, s4;
	[dreg:$0x0] =	wrdreg $0x0  }
0xa8: {  	s4 =	sshll.u32 s28, $0x1;
	[dreg:$0x2] =	wrdreg s2  }
0xa9: {  	[dreg:$0x3] =	wrdreg s4  }
0xaa: {  	[dreg:$0x4] =	wrdreg $0xC0  }
0xab: {  	_ =	task [dreg:s6], $0x5FFFF  }
0xac: {  	[dreg:$0x1] =	wrdreg $0xFFFFFFFF  }
0xad: {  	[dreg:$0x0] =	wrdreg $0x60  }
0xae: {  	[dreg:$0x2] =	wrdreg s24  }
0xaf: {  	[dreg:$0x3] =	wrdreg $0xE000  }
0xb0: {  	[dreg:$0x4] =	wrdreg $0x9  }
0xb1: {  	_ =	task.clear_ibuf [dreg:s6], $0x5FFFF;
	_ =	strace $0x90000046  }
0xb2: {  	s29 =	simm.s32 $0x9;
	_ =	strace $0x80000048  }
0xb3: {  	_ =	swait.ge [sflag:s29], $0x1  }
0xb4: {  	[sflag:s29] =	ssyncadd.s32 $0xFFFFFFFF  }
0xb5: {  	_ =	strace $0x90000048  }
0xb6: {  	_ =	sfence  }
0xb7: {  	s30 =	sld [smem:$0x0];
	_ =	sdelay $0x2  }
0xb8: {  	s31 =	sshll.u32 s1, $0xD;
	s1 =	sshrl.u32 s1, $0x2  }
0xb9: {  	s3 =	sand.u32 $0x4000, s31;
	s1 =	sadd.s32 s1, s30  }
0xba: {  	s0 =	sor.u32 s3, s0;
	s1 =	sshll.u32 s1, $0x11  }
0xbb: {  	s0 =	sor.u32 s1, s0  }
0xbc: {  	s0 =	sadd.s32 $0x8F2B, s0  }
0xbd: {  	[sflag:s0] =	ssyncadd.remote.s32 $0x1  }
0xbe: {  	_ =	sfence.sel $0xFFFF  }
0xbf: {  	[dreg:$0x0] =	wrdreg $0xFFFFFFFF;
	(pc) =	sbr.abs _section_cstart, $3  }
0xc0: {  	[dreg:$0x1] =	wrdreg $0xFFFFFFFF  }
0xc1: {  	_ =	task.clear_ibuf [dreg:s6], $0x2FFFF;
	_ =	strace $0x9FFFFFFF  }
0xc2: {  	(tm) =	ssettm $0x7FFFFFFF  }
0xc3: {  	_ =	shalt  }
tec
execute0_lowered:
.L_overlay_start_1:
0x0: {  	(tag) =	ssettag $0x1  }
0x1: {  	s0 =	rddreg [dreg:$0x0]  }
0x2: {  	s2 =	rddreg [dreg:$0x1]  }
0x3: {  	s1 =	srdreg.scid;
	s10 =	stileid.u32  }
0x4: {  	s3 =	simm.s32 $0x0;
	s14 =	simm.s32 $0x880;
	s15 =	simm.s32 $0x5  }
0x5: {  	s16 =	simm.s32 $0x400;
	s17 =	simm.s32 $0x1;
	s4 =	smul.u32 $0x1480, s10  }
0x6: {  	s28 =	simm.s32 $0x380;
	s29 =	simm.s32 $0x2;
	s9 =	smul.u32 $0x5200, s10  }
0x7: {  	s1 =	sand.u32 $0x1, s1;
	s6 =	sshll.u32 s10, $0x1;
	s10 =	smul.u32 $0xA4, s10  }
0x8: {  	s30 =	simm.s32 $0x480;
	s31 =	simm.s32 $0x500;
	s5 =	smul.u32 $0x14800, s1  }
0x9: {  	[smem:$0x7FF] =	sst s3;
	s7 =	sadd.s32 $0x54200, s0;
	s11 =	smul.u32 $0x52, s1  }
0xa: {  	s6 =	sor.u32 s1, s6;
	s8 =	ssub.s32 $0x2, s1;
	s1 =	smul.u32 $0x2900, s1  }
0xb: {  	_ =	strace $0x80000047;
	s6 =	smul.u32 $0x2900, s6;
	s18 =	sshrl.u32 s8, $0x1  }
0xc: {  	s22 =	sadd.s32 s9, s7;
	s9 =	simm.s32 $0x0;
	s5 =	sadd.s32 s4, s5  }
0xd: {  	s4 =	sadd.s32 s4, s2;
	s23 =	sadd.s32 s11, s10;
	s24 =	sadd.s32 s1, s22  }
0xe: {  	s22 =	simm.s32 $0x4;
	s1 =	simm.s32 $0x600;
	s5 =	sshrl.u32 s5, $0x3  }
0xf: {  	s19 =	sadd.s32 $0x520, s4;
	s20 =	sadd.s32 $0xA40, s4;
	s21 =	sadd.s32 $0xF60, s4  }
0x10: {  	s6 =	sadd.s32 s7, s6;
	s25 =	sshll.u32 s23, $0x7;
	[dreg:$0x3] =	wrdreg s19  }
0x11: {  	s12 =	sadd.s32 $0x180, s24;
	s23 =	simm.s32 $0x180;
	[dreg:$0x4] =	wrdreg s20  }
0x12: {  	s24 =	simm.s32 $0x200;
	s0 =	sadd.s32 s5, s0;
	[dreg:$0x5] =	wrdreg s21  }
0x13: {  	s5 =	ssub.s32 s8, s18;
	[dreg:$0x6] =	wrdreg s6;
	s6 =	sadd.s32 $0x80, s6  }
0x14: {  	s26 =	sadd.s32 s7, s25;
	s18 =	simm.s32 $0x80;
	s19 =	simm.s32 $0x800  }
.Ltmp0:
0x15: {  	s20 =	simm.s32 $0x3;
	s21 =	simm.s32 $0x100;
	(pc) =	sbr.rel .LBB2_1-.Ltmp0, $4  }
0x16: {  	s25 =	simm.s32 $0x280;
	s7 =	simm.s32 $0x780;
	[dreg:$0x7] =	wrdreg s6  }
0x17: {  	s0 =	sadd.s32 $0xA6200, s0;
	s5 =	smax.u32 s5, $0x1;
	s13 =	sadd.s32 $0x100, s26  }
0x18: {  	s26 =	simm.s32 $0x300;
	s6 =	simm.s32 $0x700;
	[dreg:$0x8] =	wrdreg s0  }
0x19: {  	v0 =	vimm.f32 $0.0e+00;
	v1 =	vimm.f32 $1.000000000e+00;
	[dreg:$0x9] =	wrdreg s5;
	s0 =	simm.s32 $0x580;
	s5 =	simm.s32 $0x680  }
.LBB2_4:
0x1a: {  	s8 =	stileid.u32  }
0x1b: {  	[bflag:$0x0] =	sbarrier.arrive $0xFFFF;
	s8 =	sshll.u32 s8, $0x6  }
0x1c: {  	s10 =	sshrl.u32 s4, $0x3;
	s11 =	rddreg [dreg:$0x8];
	s8 =	sor.u32 $0x1C05, s8  }
0x1d: {  	[hbm:s11], [sflag:s8] =	dma.local [spmem:s10], $0x290  }
0x1e: {  	_ =	swait.ge [sflag:s15], $0x290  }
0x1f: {  	s9 =	sadd.s32 $0x1, s9;
	s11 =	rddreg [dreg:$0x9]  }
0x20: {  	p0 =	sne.s32 s9, s11  }
.Ltmp1:
0x21: {  	_ = 	snop;
	(pc) =	sbr.rel @!p0 .LBB2_5-.Ltmp1, $3  }
0x22: {  	_ =	sdelay $0x1  }
0x23: {  	[sflag:s15] =	ssyncset.done $0x0  }
0x24: {  	[sflag:s15] =	ssyncadd.s32 $0xFFFFFD70  }
.LBB2_1:
0x25: {  	[tilespmem:$0x880] =	vst v0  }
0x26: {  	[tilespmem:$0x890] =	vst v0  }
0x27: {  	[tilespmem:$0x8A0] =	vst v0  }
0x28: {  	[tilespmem:$0x8B0] =	vst v0  }
0x29: {  	[tilespmem:$0x8C0] =	vst v0  }
0x2a: {  	[tilespmem:$0x8D0] =	vst v0  }
0x2b: {  	[tilespmem:$0x8E0] =	vst v0  }
0x2c: {  	[tilespmem:$0x8F0] =	vst v0  }
0x2d: {  	[tilespmem:$0x900] =	vst v0  }
0x2e: {  	[tilespmem:$0x910] =	vst v0  }
0x2f: {  	[tilespmem:$0x920] =	vst v0  }
0x30: {  	[tilespmem:$0x930] =	vst v0  }
0x31: {  	[tilespmem:$0x940] =	vst v0  }
0x32: {  	[tilespmem:$0x950] =	vst v0  }
0x33: {  	[tilespmem:$0x960] =	vst v0  }
0x34: {  	[tilespmem:$0x970] =	vst v0  }
0x35: {  	[tilespmem:$0x980] =	vst v0  }
0x36: {  	[tilespmem:$0x990] =	vst v0  }
0x37: {  	[tilespmem:$0x9A0] =	vst v0  }
0x38: {  	[tilespmem:$0x9B0] =	vst v0  }
0x39: {  	[tilespmem:$0x9C0] =	vst v0  }
0x3a: {  	[tilespmem:$0x9D0] =	vst v0  }
0x3b: {  	[tilespmem:$0x9E0] =	vst v0  }
0x3c: {  	[tilespmem:$0x9F0] =	vst v0  }
0x3d: {  	[tilespmem:$0xA00] =	vst v0  }
0x3e: {  	[tilespmem:$0xA10] =	vst v0  }
0x3f: {  	[tilespmem:$0xA20] =	vst v0  }
0x40: {  	[tilespmem:$0xA30] =	vst v0  }
0x41: {  	[tilespmem:$0xA40] =	vst v0  }
0x42: {  	[tilespmem:$0xA50] =	vst v0  }
0x43: {  	[tilespmem:$0xA60] =	vst v0  }
0x44: {  	[tilespmem:$0xA70] =	vst v0  }
0x45: {  	[tilespmem:$0xA80] =	vst v0  }
0x46: {  	[tilespmem:$0xA90] =	vst v0  }
0x47: {  	[tilespmem:$0xAA0] =	vst v0  }
0x48: {  	[tilespmem:$0xAB0] =	vst v0  }
0x49: {  	[tilespmem:$0xAC0] =	vst v0  }
0x4a: {  	[tilespmem:$0xAD0] =	vst v0  }
0x4b: {  	[tilespmem:$0xAE0] =	vst v0  }
0x4c: {  	[tilespmem:$0xAF0] =	vst v0  }
0x4d: {  	[tilespmem:$0xB00] =	vst v0  }
0x4e: {  	[tilespmem:$0xB10] =	vst v0  }
0x4f: {  	[tilespmem:$0xB20] =	vst v0  }
0x50: {  	[tilespmem:$0xB30] =	vst v0  }
0x51: {  	[tilespmem:$0xB40] =	vst v0  }
0x52: {  	[tilespmem:$0xB50] =	vst v0  }
0x53: {  	[tilespmem:$0xB60] =	vst v0  }
0x54: {  	[tilespmem:$0xB70] =	vst v0  }
0x55: {  	[tilespmem:$0xB80] =	vst v0  }
0x56: {  	[tilespmem:$0xB90] =	vst v0  }
0x57: {  	[tilespmem:$0xBA0] =	vst v0  }
0x58: {  	[tilespmem:$0xBB0] =	vst v0  }
0x59: {  	[tilespmem:$0xBC0] =	vst v0  }
0x5a: {  	[tilespmem:$0xBD0] =	vst v0  }
0x5b: {  	[tilespmem:$0xBE0] =	vst v0  }
0x5c: {  	[tilespmem:$0xBF0] =	vst v0  }
0x5d: {  	[tilespmem:$0xC00] =	vst v0  }
0x5e: {  	[tilespmem:$0xC10] =	vst v0  }
0x5f: {  	[tilespmem:$0xC20] =	vst v0  }
0x60: {  	[tilespmem:$0xC30] =	vst v0  }
0x61: {  	[tilespmem:$0xC40] =	vst v0  }
0x62: {  	[tilespmem:$0xC50] =	vst v0  }
0x63: {  	[tilespmem:$0xC60] =	vst v0  }
0x64: {  	[tilespmem:$0xC70] =	vst v0  }
0x65: {  	[tilespmem:$0xC80] =	vst v0  }
0x66: {  	[tilespmem:$0xC90] =	vst v0  }
0x67: {  	[tilespmem:$0xCA0] =	vst v0  }
0x68: {  	[tilespmem:$0xCB0] =	vst v0  }
0x69: {  	[tilespmem:$0xCC0] =	vst v0  }
0x6a: {  	[tilespmem:$0xCD0] =	vst v0  }
0x6b: {  	[tilespmem:$0xCE0] =	vst v0  }
0x6c: {  	[tilespmem:$0xCF0] =	vst v0  }
0x6d: {  	[tilespmem:$0xD00] =	vst v0  }
0x6e: {  	[tilespmem:$0xD10] =	vst v0  }
0x6f: {  	[tilespmem:$0xD20] =	vst v0  }
0x70: {  	[tilespmem:$0xD30] =	vst v0  }
0x71: {  	[tilespmem:$0xD40] =	vst v0  }
0x72: {  	[tilespmem:$0xD50] =	vst v0  }
0x73: {  	[tilespmem:$0xD60] =	vst v0  }
0x74: {  	[tilespmem:$0xD70] =	vst v0  }
0x75: {  	[tilespmem:$0xD80] =	vst v0  }
0x76: {  	[tilespmem:$0xD90] =	vst v0  }
0x77: {  	[tilespmem:$0x800] =	vst v1  }
0x78: {  	[tilespmem:$0x810] =	vst v1  }
0x79: {  	[tilespmem:$0x820] =	vst v1  }
0x7a: {  	[tilespmem:$0x830] =	vst v1  }
0x7b: {  	[tilespmem:$0x840] =	vst v1  }
0x7c: {  	[tilespmem:$0x850] =	vst v1  }
0x7d: {  	[tilespmem:$0x860] =	vst v1  }
0x7e: {  	[tilespmem:$0x870] =	vst v1  }
0x7f: {  	[spmem:s4] =	stream.linear.scatter [tilespmem:s14], [sflag:$0x5], $0x520, $0x38;
	[tilespmem:$0x2280] =	vst v63  }
0x80: {  	_ =	swait.ge [sflag:s15], $0x520  }
0x81: {  	[sflag:s15] =	ssyncset.done $0x0  }
0x82: {  	s8 =	rddreg [dreg:$0x3];
	[sflag:s15] =	ssyncadd.s32 $0xFFFFFAE0  }
0x83: {  	[spmem:s8] =	stream.linear.scatter [tilespmem:s14], [sflag:$0x5], $0x520, $0x38;
	[tilespmem:$0x2280] =	vst v63  }
0x84: {  	_ =	swait.ge [sflag:s15], $0x520  }
0x85: {  	[sflag:s15] =	ssyncset.done $0x0  }
0x86: {  	s10 =	rddreg [dreg:$0x4];
	[sflag:s15] =	ssyncadd.s32 $0xFFFFFAE0  }
0x87: {  	[spmem:s10] =	stream.linear.scatter [tilespmem:s14], [sflag:$0x5], $0x520, $0x38;
	[tilespmem:$0x2280] =	vst v63  }
0x88: {  	_ =	swait.ge [sflag:s15], $0x520  }
0x89: {  	[sflag:s15] =	ssyncset.done $0x0  }
0x8a: {  	s11 =	rddreg [dreg:$0x5];
	[sflag:s15] =	ssyncadd.s32 $0xFFFFFAE0  }
0x8b: {  	[spmem:s11] =	stream.linear.scatter [tilespmem:s14], [sflag:$0x5], $0x520, $0x38;
	[tilespmem:$0x2280] =	vst v63  }
0x8c: {  	_ =	swait.ge [sflag:s15], $0x520  }
0x8d: {  	[sflag:s15] =	ssyncset.done $0x0  }
0x8e: {  	[sflag:s15] =	ssyncadd.s32 $0xFFFFFAE0  }
0x8f: {  	[bflag:$0x0] =	sbarrier.arrive $0xFFFF  }
0x90: {  	s10 =	rddreg [dreg:$0x6]  }
0x91: {  	[tilespmem:s3], [sflag:$0x1] =	stream.linear.gather [hbm4b:s10+s3], $0x400, $0x38;
	[tilespmem:$0x2280] =	vst v63  }
0x92: {  	s11 =	rddreg [dreg:$0x7];
	s10 =	simm.s32 $0x0  }
0x93: {  	[tilespmem:s16], [sflag:$0x2] =	stream.linear.gather [hbm4b:s11+s3], $0x400, $0x38;
	[tilespmem:$0x2280] =	vst v63  }
.LBB2_2:
0x94: {  	_ =	swait.ge [sflag:s17], $0x400  }
0x95: {  	[sflag:s17] =	ssyncset.done $0x0  }
0x96: {  	[sflag:s17] =	ssyncadd.s32 $0xFFFFFC00  }
0x97: {  	[spmem:s2] =	stream.indirect.scatter.add.f32 [tilespmem:s19], [sflag:$0x3], $0x1, s3, s18, $0xb8;
	[tilespmem:$0x2280] =	vst v63  }
0x98: {  	_ = 	snop  }
0x99: {  	[spmem:s2] =	stream.indirect.scatter.add.f32 [tilespmem:s19], [sflag:$0x4], $0x1, s18, s18, $0xb8;
	[tilespmem:$0x2280] =	vst v63  }
0x9a: {  	_ =	swait.ge [sflag:s20], $0x80  }
0x9b: {  	[sflag:s20] =	ssyncset.done $0x0  }
0x9c: {  	[sflag:s20] =	ssyncadd.s32 $0xFFFFFF80  }
0x9d: {  	[spmem:s2] =	stream.indirect.scatter.add.f32 [tilespmem:s19], [sflag:$0x3], $0x1, s21, s18, $0xb8;
	[tilespmem:$0x2280] =	vst v63  }
0x9e: {  	_ =	swait.ge [sflag:s22], $0x80  }
0x9f: {  	[sflag:s22] =	ssyncset.done $0x0  }
0xa0: {  	[sflag:s22] =	ssyncadd.s32 $0xFFFFFF80  }
0xa1: {  	[spmem:s2] =	stream.indirect.scatter.add.f32 [tilespmem:s19], [sflag:$0x4], $0x1, s23, s18, $0xb8;
	[tilespmem:$0x2280] =	vst v63  }
0xa2: {  	_ =	swait.ge [sflag:s20], $0x80  }
0xa3: {  	[sflag:s20] =	ssyncset.done $0x0  }
0xa4: {  	[sflag:s20] =	ssyncadd.s32 $0xFFFFFF80  }
0xa5: {  	[spmem:s2] =	stream.indirect.scatter.add.f32 [tilespmem:s19], [sflag:$0x3], $0x1, s24, s18, $0xb8;
	[tilespmem:$0x2280] =	vst v63  }
0xa6: {  	_ =	swait.ge [sflag:s22], $0x80  }
0xa7: {  	[sflag:s22] =	ssyncset.done $0x0  }
0xa8: {  	[sflag:s22] =	ssyncadd.s32 $0xFFFFFF80  }
0xa9: {  	[spmem:s2] =	stream.indirect.scatter.add.f32 [tilespmem:s19], [sflag:$0x4], $0x1, s25, s18, $0xb8;
	[tilespmem:$0x2280] =	vst v63  }
0xaa: {  	_ =	swait.ge [sflag:s20], $0x80  }
0xab: {  	[sflag:s20] =	ssyncset.done $0x0  }
0xac: {  	[sflag:s20] =	ssyncadd.s32 $0xFFFFFF80  }
0xad: {  	[spmem:s2] =	stream.indirect.scatter.add.f32 [tilespmem:s19], [sflag:$0x3], $0x1, s26, s18, $0xb8;
	[tilespmem:$0x2280] =	vst v63  }
0xae: {  	_ =	swait.ge [sflag:s22], $0x80  }
0xaf: {  	[sflag:s22] =	ssyncset.done $0x0  }
0xb0: {  	[sflag:s22] =	ssyncadd.s32 $0xFFFFFF80  }
0xb1: {  	[spmem:s2] =	stream.indirect.scatter.add.f32 [tilespmem:s19], [sflag:$0x4], $0x1, s28, s18, $0xb8;
	[tilespmem:$0x2280] =	vst v63  }
0xb2: {  	_ =	swait.ge [sflag:s20], $0x80  }
0xb3: {  	[sflag:s20] =	ssyncset.done $0x0  }
0xb4: {  	[sflag:s20] =	ssyncadd.s32 $0xFFFFFF80  }
0xb5: {  	_ =	swait.ge [sflag:s22], $0x80  }
0xb6: {  	p0 =	seq.s32 s10, $0x2800;
	[sflag:s22] =	ssyncset.done $0x0  }
0xb7: {  	s8 =	sadd.s32 @!p0 s10, s13;
	s11 =	simm.s32 @!p0 $0x0;
	[sflag:s22] =	ssyncadd.s32 $0xFFFFFF80  }
0xb8: {  	[tilespmem:s11], [sflag:$0x1] =	stream.linear.gather @!p0 [hbm4b:s8+s11], $0x400, $0x38;
	[tilespmem:$0x2280] =	vst v63  }
0xb9: {  	_ =	swait.ge [sflag:s29], $0x400  }
0xba: {  	[sflag:s29] =	ssyncset.done $0x0  }
0xbb: {  	[sflag:s29] =	ssyncadd.s32 $0xFFFFFC00  }
0xbc: {  	[spmem:s2] =	stream.indirect.scatter.add.f32 [tilespmem:s19], [sflag:$0x3], $0x1, s16, s18, $0xb8;
	[tilespmem:$0x2280] =	vst v63  }
0xbd: {  	_ = 	snop  }
0xbe: {  	[spmem:s2] =	stream.indirect.scatter.add.f32 [tilespmem:s19], [sflag:$0x4], $0x1, s30, s18, $0xb8;
	[tilespmem:$0x2280] =	vst v63  }
0xbf: {  	_ =	swait.ge [sflag:s20], $0x80  }
0xc0: {  	[sflag:s20] =	ssyncset.done $0x0  }
0xc1: {  	[sflag:s20] =	ssyncadd.s32 $0xFFFFFF80  }
0xc2: {  	[spmem:s2] =	stream.indirect.scatter.add.f32 [tilespmem:s19], [sflag:$0x3], $0x1, s31, s18, $0xb8;
	[tilespmem:$0x2280] =	vst v63  }
0xc3: {  	_ =	swait.ge [sflag:s22], $0x80  }
0xc4: {  	[sflag:s22] =	ssyncset.done $0x0  }
0xc5: {  	[sflag:s22] =	ssyncadd.s32 $0xFFFFFF80  }
0xc6: {  	[spmem:s2] =	stream.indirect.scatter.add.f32 [tilespmem:s19], [sflag:$0x4], $0x1, s0, s18, $0xb8;
	[tilespmem:$0x2280] =	vst v63  }
0xc7: {  	_ =	swait.ge [sflag:s20], $0x80  }
0xc8: {  	[sflag:s20] =	ssyncset.done $0x0  }
0xc9: {  	[sflag:s20] =	ssyncadd.s32 $0xFFFFFF80  }
0xca: {  	[spmem:s2] =	stream.indirect.scatter.add.f32 [tilespmem:s19], [sflag:$0x3], $0x1, s1, s18, $0xb8;
	[tilespmem:$0x2280] =	vst v63  }
0xcb: {  	_ =	swait.ge [sflag:s22], $0x80  }
0xcc: {  	[sflag:s22] =	ssyncset.done $0x0  }
0xcd: {  	[sflag:s22] =	ssyncadd.s32 $0xFFFFFF80  }
0xce: {  	[spmem:s2] =	stream.indirect.scatter.add.f32 [tilespmem:s19], [sflag:$0x4], $0x1, s5, s18, $0xb8;
	[tilespmem:$0x2280] =	vst v63  }
0xcf: {  	_ =	swait.ge [sflag:s20], $0x80  }
0xd0: {  	[sflag:s20] =	ssyncset.done $0x0  }
0xd1: {  	[sflag:s20] =	ssyncadd.s32 $0xFFFFFF80  }
0xd2: {  	[spmem:s2] =	stream.indirect.scatter.add.f32 [tilespmem:s19], [sflag:$0x3], $0x1, s6, s18, $0xb8;
	[tilespmem:$0x2280] =	vst v63  }
0xd3: {  	_ =	swait.ge [sflag:s22], $0x80  }
0xd4: {  	[sflag:s22] =	ssyncset.done $0x0  }
0xd5: {  	[sflag:s22] =	ssyncadd.s32 $0xFFFFFF80  }
0xd6: {  	[spmem:s2] =	stream.indirect.scatter.add.f32 [tilespmem:s19], [sflag:$0x4], $0x1, s7, s18, $0xb8;
	[tilespmem:$0x2280] =	vst v63  }
0xd7: {  	_ =	swait.ge [sflag:s20], $0x80  }
.Ltmp2:
0xd8: {  	[sflag:s20] =	ssyncset.done $0x0;
	(pc) =	sbr.rel @p0 .LBB2_4-.Ltmp2, $4  }
0xd9: {  	[sflag:s20] =	ssyncadd.s32 $0xFFFFFF80  }
0xda: {  	_ =	swait.ge [sflag:s22], $0x80  }
0xdb: {  	[sflag:s22] =	ssyncset.done $0x0  }
0xdc: {  	[sflag:s22] =	ssyncadd.s32 $0xFFFFFF80  }
.Ltmp3:
0xdd: {  	(pc) =	sbr.rel .LBB2_2-.Ltmp3, $3  }
0xde: {  	_ =	sdelay $0x1  }
0xdf: {  	s8 =	sadd.s32 s10, s12;
	s10 =	sadd.s32 $0x100, s10  }
0xe0: {  	[tilespmem:s16], [sflag:$0x2] =	stream.linear.gather [hbm4b:s8+s3], $0x400, $0x38;
	[tilespmem:$0x2280] =	vst v63  }
.LBB2_5:
0xe1: {  	_ =	sfence.sel $0x180000  }
0xe2: {  	[bflag:$0x0] =	sbarrier.arrive $0xFFFF  }
0xe3: {  	_ =	strace $0x90000047  }
0xe4: {  	s0 =	stileid.u32;
	[bflag:$0x2] =	sbarrier.arrive $0xFFFF  }
0xe5: {  	p0 =	sne.s32 s0, $0x0;
	s0 =	rddreg [dreg:$0x2]  }
0xe6: {  	s0 =	sadd.s32 @!p0 $0x100000, s0  }
0xe7: {  	[sflag:s0] =	ssyncadd.tile.s32 @!p0 $0x1;
	_ =	shalt  }
.Lfunc_end2:
_tile_overlayer_lowered:
.L_overlay_start_2:
0xe8: {  	(tag) =	ssettag $0x2  }
0xe9: {  	s0 =	rddreg [dreg:$0x0];
	s2 =	stileid.u32  }
0xea: {  	s1 =	rddreg [dreg:$0x1];
	p0 =	sne.s32 s2, $0x0  }
0xeb: {  	s3 =	rddreg [dreg:$0x2];
	[bflag:$0x3] =	sbarrier.arrive $0xFFFF;
	s2 =	simm.s32 @!p0 $0x1C05  }
0xec: {  	[timem:s3], [sflag:s2] =	dma.local @!p0 [hbm:s0], s1  }
0xed: {  	s0 =	simm.s32 @!p0 $0x5  }
0xee: {  	_ =	swait.ge @!p0 [sflag:s0], s1  }
0xef: {  	s1 =	ssub.s32 @!p0 $0x0, s1;
	[sflag:s0] =	ssyncset.done @!p0 $0x0  }
0xf0: {  	[sflag:s0] =	ssyncadd.s32 @!p0 s1  }
0xf1: {  	[bflag:$0x3] =	sbarrier.arrive $0xFFFF  }
0xf2: {  	_ =	shalt  }

</sc_bundles>
